<compile_context>
chip_gen: v7x
topology: tpu7x:2x2x1
jax: 0.10.2.dev20260603
libtpu: 0.0.44.dev20260713+nightly
codegen_flags: <defaults>
</compile_context>

<pallas_src>
import functools

import jax
import jax.numpy as jnp
from jax import lax
from jax.experimental import pallas as pl
from jax.experimental.pallas import tpu as pltpu
from jax.experimental.pallas import tpu_sc as plsc

N = 10000
D = 128
HID = 16
HEADS = 8
NCLS = 40
F3 = 48
NPAD = 10240
HPAD = 8
E = 320000
ETOT = N + E
EPAD = 331776
NW = 32
CE = 128
EPT = EPAD // NW
NCH = EPT // CE
ZR = NPAD // 16

_SC_PARAMS = dict(
    compiler_params=pltpu.CompilerParams(needs_layout_passes=False,
                                         use_tc_tiling_on_sc=False))


def _mesh():
    return plsc.VectorSubcoreMesh(core_axis_name="c", subcore_axis_name="s")


def _tc_project(xin, inv, bias, W, M, combine):
    fin, fout = W.shape
    Bn = 512

    def body(p_ref, inv_ref, b_ref, w_ref, m_ref, h_ref, comb_ref):
        if combine:
            nh = inv_ref.shape[1]
            outc = fin // nh
            rep = (lax.broadcasted_iota(jnp.int32, (nh, fin), 1) // outc
                   == lax.broadcasted_iota(jnp.int32, (nh, fin), 0)
                   ).astype(jnp.float32)
            invexp = jnp.dot(inv_ref[...], rep,
                             preferred_element_type=jnp.float32)
            x = (p_ref[0] + p_ref[1]) * invexp + b_ref[...]
            x = jnp.where(x > 0.0, x, jnp.exp(x) - 1.0)
        else:
            x = p_ref[...]
        h = jnp.dot(x, w_ref[...], preferred_element_type=jnp.float32)
        h_ref[...] = h
        comb_ref[...] = jnp.dot(h, m_ref[...],
                                preferred_element_type=jnp.float32)

    if combine:
        first = pl.BlockSpec((2, Bn, fin), lambda i: (0, i, 0))
        nh = inv.shape[1]
    else:
        first = pl.BlockSpec((Bn, fin), lambda i: (i, 0))
        nh = 1
    return pl.pallas_call(
        body,
        grid=(NPAD // Bn,),
        in_specs=[first,
                  pl.BlockSpec((Bn, nh), lambda i: (i, 0)),
                  pl.BlockSpec((1, fin), lambda i: (0, 0)),
                  pl.BlockSpec((fin, fout), lambda i: (0, 0)),
                  pl.BlockSpec((fout, 16), lambda i: (0, 0))],
        out_specs=[pl.BlockSpec((Bn, fout), lambda i: (i, 0)),
                   pl.BlockSpec((Bn, 16), lambda i: (i, 0))],
        out_shape=[jax.ShapeDtypeStruct((NPAD, fout), jnp.float32),
                   jax.ShapeDtypeStruct((NPAD, 16), jnp.float32)],
    )(xin, inv, bias, W, M)


def _sc_logits(srcp, dstp, comb, zden, nheads):
    wide = nheads == 8
    if wide:
        ex_t = jax.ShapeDtypeStruct((EPAD, 16), jnp.float32)
        den_t = jax.ShapeDtypeStruct((2, NPAD, 16), jnp.float32)
        den_sp_t = pltpu.VMEM_SHARED((NPAD, 16), jnp.float32)
        ex_scr = pltpu.VMEM((CE, 16), jnp.float32)
    else:
        ex_t = jax.ShapeDtypeStruct((EPAD,), jnp.float32)
        den_t = jax.ShapeDtypeStruct((2, NPAD), jnp.float32)
        den_sp_t = pltpu.VMEM_SHARED((NPAD,), jnp.float32)
        ex_scr = pltpu.VMEM((CE,), jnp.float32)

    @functools.partial(
        pl.kernel, mesh=_mesh(), **_SC_PARAMS,
        out_type=[ex_t, den_t],
        scratch_types=[
            pltpu.VMEM((CE,), jnp.int32),
            pltpu.VMEM((CE,), jnp.int32),
            pltpu.VMEM((CE, 16), jnp.float32),
            pltpu.VMEM((CE, 16), jnp.float32),
            ex_scr,
            den_sp_t,
        ])
    def k(src_hbm, dst_hbm, comb_hbm, zden_hbm, ex_hbm, den_hbm,
          srcbuf, dstbuf, g1, g2, exv, den_sp):
        c = lax.axis_index("c")
        s = lax.axis_index("s")
        wid = c * 16 + s
        pltpu.sync_copy(zden_hbm, den_sp.at[pl.ds(s * ZR, ZR)])
        plsc.subcore_barrier()

        ebase = wid * EPT
        iot = lax.iota(jnp.int32, 16)
        hcl = jnp.minimum(iot, HEADS - 1)
        hmask = iot < HEADS

        def chunk(i, _):
            gb = ebase + i * CE
            pltpu.sync_copy(src_hbm.at[pl.ds(gb, CE)], srcbuf)
            pltpu.sync_copy(dst_hbm.at[pl.ds(gb, CE)], dstbuf)
            pltpu.sync_copy(comb_hbm.at[srcbuf], g1)
            pltpu.sync_copy(comb_hbm.at[dstbuf], g2)
            if wide:
                def edge(g, _):
                    ev = jnp.full((16,), 0, jnp.int32) + g
                    a = plsc.load_gather(g1, [ev, hcl])
                    b = plsc.load_gather(g2, [ev, hcl + 8])
                    al = a + b
                    al = jnp.maximum(al, al * 0.2)
                    exr = jnp.exp(al)
                    ok = hmask & ((gb + g) < ETOT)
                    exv[g, :] = jnp.where(ok, exr, 0.0)
                    return 0
                lax.fori_loop(0, CE, edge, 0, unroll=4)
            else:
                for g in range(CE // 16):
                    ev = g * 16 + iot
                    a = plsc.load_gather(g1, [ev, jnp.full((16,), 0,
                                                           jnp.int32)])
                    b = plsc.load_gather(g2, [ev, jnp.full((16,), 8,
                                                           jnp.int32)])
                    al = a + b
                    al = jnp.maximum(al, al * 0.2)
                    exr = jnp.exp(al)
                    ok = (gb + ev) < ETOT
                    exv[pl.ds(g * 16, 16)] = jnp.where(ok, exr, 0.0)
            pltpu.sync_copy(exv, ex_hbm.at[pl.ds(gb, CE)])
            pltpu.sync_copy(exv, den_sp.at[dstbuf], add=True)
            return 0
        lax.fori_loop(0, NCH, chunk, 0)

        plsc.subcore_barrier()
        pltpu.sync_copy(den_sp.at[pl.ds(s * ZR, ZR)],
                        den_hbm.at[c, pl.ds(s * ZR, ZR)])

    return k(srcp, dstp, comb, zden)


def _tc_inv(dparts, nheads):
    wide = nheads == 8
    cols = 16 if wide else 1
    rows = NPAD * cols // 128
    dp = dparts.reshape(2, rows, 128)

    def body(d_ref, o_ref):
        o_ref[...] = 1.0 / (d_ref[0] + d_ref[1] + 1e-16)

    out = pl.pallas_call(
        body, out_shape=jax.ShapeDtypeStruct((rows, 128), jnp.float32))(dp)
    out = out.reshape(NPAD, cols)
    return out[:, :HEADS] if wide else out


def _sc_messages(srcp, dstp, hmat, exmat, zout, nheads, fout):
    outc = fout // nheads
    wide = nheads == 8
    ex_scr = pltpu.VMEM((CE, 16), jnp.float32) if wide \
        else pltpu.VMEM((CE,), jnp.float32)

    @functools.partial(
        pl.kernel, mesh=_mesh(), **_SC_PARAMS,
        out_type=jax.ShapeDtypeStruct((2, NPAD, fout), jnp.float32),
        scratch_types=[
            pltpu.VMEM((CE,), jnp.int32),
            pltpu.VMEM((CE,), jnp.int32),
            pltpu.VMEM((CE, fout), jnp.float32),
            ex_scr,
            pltpu.VMEM_SHARED((NPAD, fout), jnp.float32),
        ])
    def k(src_hbm, dst_hbm, h_hbm, ex_hbm, zout_hbm, out_hbm,
          srcbuf, dstbuf, rows, exv, out_sp):
        c = lax.axis_index("c")
        s = lax.axis_index("s")
        wid = c * 16 + s
        pltpu.sync_copy(zout_hbm, out_sp.at[pl.ds(s * ZR, ZR)])
        plsc.subcore_barrier()

        ebase = wid * EPT

        def chunk(i, _):
            gb = ebase + i * CE
            pltpu.sync_copy(src_hbm.at[pl.ds(gb, CE)], srcbuf)
            pltpu.sync_copy(dst_hbm.at[pl.ds(gb, CE)], dstbuf)
            pltpu.sync_copy(h_hbm.at[srcbuf], rows)
            pltpu.sync_copy(ex_hbm.at[pl.ds(gb, CE)], exv)

            def srow(j, _):
                jv = jnp.full((16,), 0, jnp.int32) + j
                if wide:
                    for h in range(nheads):
                        av = plsc.load_gather(
                            exv, [jv, jnp.full((16,), h, jnp.int32)])
                        cs = pl.ds(h * outc, 16)
                        rows[j, cs] = rows[j, cs] * av
                else:
                    av = plsc.load_gather(exv, [jv])
                    for q in range(outc // 16):
                        cs = pl.ds(q * 16, 16)
                        rows[j, cs] = rows[j, cs] * av
                return 0
            lax.fori_loop(0, CE, srow, 0, unroll=4)
            pltpu.sync_copy(rows, out_sp.at[dstbuf], add=True)
            return 0
        lax.fori_loop(0, NCH, chunk, 0)

        plsc.subcore_barrier()
        pltpu.sync_copy(out_sp.at[pl.ds(s * ZR, ZR)],
                        out_hbm.at[c, pl.ds(s * ZR, ZR)])

    return k(srcp, dstp, hmat, exmat, zout)


def _tc_final(p3, inv3, b3):
    Bn = 512

    def body(p_ref, inv_ref, b_ref, o_ref):
        o = (p_ref[0] + p_ref[1]) * inv_ref[...]
        o = o[:, :NCLS] + b_ref[...]
        m = jnp.max(o, axis=1, keepdims=True)
        lse = jnp.log(jnp.sum(jnp.exp(o - m), axis=1, keepdims=True)) + m
        o_ref[...] = o - lse

    return pl.pallas_call(
        body,
        grid=(NPAD // Bn,),
        in_specs=[pl.BlockSpec((2, Bn, F3), lambda i: (0, i, 0)),
                  pl.BlockSpec((Bn, 1), lambda i: (i, 0)),
                  pl.BlockSpec((1, NCLS), lambda i: (0, 0))],
        out_specs=pl.BlockSpec((Bn, NCLS), lambda i: (i, 0)),
        out_shape=jax.ShapeDtypeStruct((N, NCLS), jnp.float32),
    )(p3, inv3, b3.reshape(1, NCLS))


def kernel(x, edge_index, W1, as1, ad1, b1, W2, as2, ad2, b2, W3, as3, ad3, b3):
    loops = jnp.arange(N, dtype=jnp.int32)
    padn = EPAD - ETOT
    srcp = jnp.concatenate([edge_index[0], loops,
                            jnp.zeros((padn,), jnp.int32)])
    dstp = jnp.concatenate([edge_index[1], loops,
                            jnp.full((padn,), N, jnp.int32)])

    eye8 = jnp.eye(HEADS, dtype=jnp.float32)
    A1s = (eye8[:, :, None] * as1[0][None, :, :]).reshape(HEADS, D)
    A1d = (eye8[:, :, None] * ad1[0][None, :, :]).reshape(HEADS, D)
    M1 = jnp.concatenate([A1s.T, A1d.T], axis=1)
    M2 = (jnp.zeros((D, 16), jnp.float32)
          .at[:, 0].set(as2[0, 0]).at[:, 8].set(ad2[0, 0]))
    M3 = (jnp.zeros((F3, 16), jnp.float32)
          .at[:NCLS, 0].set(as3[0, 0]).at[:NCLS, 8].set(ad3[0, 0]))
    W3p = jnp.zeros((D, F3), jnp.float32).at[:, :NCLS].set(W3)
    zb = jnp.zeros((1, D), jnp.float32)
    xp = jnp.zeros((NPAD, D), jnp.float32).at[:N].set(x)
    zden16 = jnp.zeros((ZR, 16), jnp.float32)
    zden1 = jnp.zeros((ZR,), jnp.float32)
    zout128 = jnp.zeros((ZR, D), jnp.float32)
    zout48 = jnp.zeros((ZR, F3), jnp.float32)
    dummy_inv = jnp.zeros((NPAD, 1), jnp.float32)

    h1, comb1 = _tc_project(xp, dummy_inv, zb, W1, M1, combine=False)
    ex1, dp1 = _sc_logits(srcp, dstp, comb1, zden16, HEADS)
    inv1 = _tc_inv(dp1, HEADS)
    p1 = _sc_messages(srcp, dstp, h1, ex1, zout128, HEADS, D)

    h2, comb2 = _tc_project(p1, inv1, b1.reshape(1, D), W2, M2,
                            combine=True)
    ex2, dp2 = _sc_logits(srcp, dstp, comb2, zden1, 1)
    inv2 = _tc_inv(dp2, 1)
    p2 = _sc_messages(srcp, dstp, h2, ex2, zout128, 1, D)

    h3, comb3 = _tc_project(p2, inv2, b2.reshape(1, D), W3p, M3,
                            combine=True)
    ex3, dp3 = _sc_logits(srcp, dstp, comb3, zden1, 1)
    inv3 = _tc_inv(dp3, 1)
    p3 = _sc_messages(srcp, dstp, h3, ex3, zout48, 1, F3)

    return _tc_final(p3, inv3, b3)

# --- scband reference (transcript-rebuilt; emitter-appended) ---
"""Pipeline reference for scband-gana-gat-27522150433357 (READ-ONLY COPY).

The authoritative reference and input builder live on the scoring server;
editing this copy changes nothing except your own understanding.
"""

import jax, jax.numpy as jnp
import numpy as np

N = 10000
E = 320000
D = 128
HID = 16
HEADS = 8
NCLS = 40

def _p(key, i, shape, scale=0.1):
    return jax.random.normal(jax.random.fold_in(key, i), shape, dtype=jnp.float32) * scale

def gat_conv(x, src, dst, W, a_src, a_dst, bias, heads, outc, concat):
    n = x.shape[0]
    h = (x @ W).reshape(n, heads, outc)
    alpha_s = (h * a_src).sum(-1)  # [N, H]
    alpha_d = (h * a_dst).sum(-1)  # [N, H]
    alpha = alpha_s[src] + alpha_d[dst]  # [E, H]
    alpha = jax.nn.leaky_relu(alpha, negative_slope=0.2)
    amax = jax.ops.segment_max(alpha, dst, num_segments=n)
    amax = jnp.where(jnp.isfinite(amax), amax, 0.0)
    ex = jnp.exp(alpha - amax[dst])
    denom = jax.ops.segment_sum(ex, dst, num_segments=n)
    attn = ex / (denom[dst] + 1e-16)  # [E, H]
    msg = h[src] * attn[:, :, None]  # [E, H, outc]
    out = jax.ops.segment_sum(msg, dst, num_segments=n)
    if concat:
        out = out.reshape(n, heads * outc)
    else:
        out = out.mean(axis=1)
    return out + bias

def setup_inputs(seed: int = 0):
    key = jax.random.key(seed)
    x = jax.random.normal(jax.random.fold_in(key, 0), (N, D), dtype=jnp.float32)
    edge_index = jax.random.randint(jax.random.fold_in(key, 1), (2, E), 0, N, dtype=jnp.int32)
    inp = {"x": x, "edge_index": edge_index}
    # layer 1: GATConv(128, 16, heads=8, concat=True) -> out 128
    inp["W1"] = _p(key, 2, (D, HEADS * HID))
    inp["as1"] = _p(key, 3, (1, HEADS, HID))
    inp["ad1"] = _p(key, 4, (1, HEADS, HID))
    inp["b1"] = jnp.zeros((HEADS * HID,), jnp.float32)
    # layer 2: GATConv(128, 128, heads=1, concat=True) -> out 128
    inp["W2"] = _p(key, 5, (HEADS * HID, HEADS * HID))
    inp["as2"] = _p(key, 6, (1, 1, HEADS * HID))
    inp["ad2"] = _p(key, 7, (1, 1, HEADS * HID))
    inp["b2"] = jnp.zeros((HEADS * HID,), jnp.float32)
    # layer 3: GATConv(128, 40, heads=1, concat=False) -> out 40
    inp["W3"] = _p(key, 8, (HEADS * HID, NCLS))
    inp["as3"] = _p(key, 9, (1, 1, NCLS))
    inp["ad3"] = _p(key, 10, (1, 1, NCLS))
    inp["b3"] = jnp.zeros((NCLS,), jnp.float32)
    return inp

def reference(x, edge_index, W1, as1, ad1, b1, W2, as2, ad2, b2, W3, as3, ad3, b3):
    # PyG GATConv adds self-loops by default
    loops = jnp.arange(N, dtype=edge_index.dtype)
    src = jnp.concatenate([edge_index[0], loops])
    dst = jnp.concatenate([edge_index[1], loops])
    # eval mode: dropout is identity
    x1 = gat_conv(x, src, dst, W1, as1, ad1, b1, HEADS, HID, True)
    x = jax.nn.elu(x1)
    x1 = gat_conv(x, src, dst, W2, as2, ad2, b2, 1, HEADS * HID, True)
    x = jax.nn.elu(x1)
    x1 = gat_conv(x, src, dst, W3, as3, ad3, b3, 1, NCLS, False)
    return jax.nn.log_softmax(x1, axis=1)

if __name__ == "__main__":
    import jax
    _d = setup_inputs()
    print(jax.jit(kernel)(*tuple(_d.values())))

</pallas_src>

<mosaic_0001>
#map = affine_map<(d0, d1) -> (0)>
#map1 = affine_map<(d0, d1) -> (0, 0)>
#map2 = affine_map<(d0, d1) -> (0, 0, 0)>
module attributes {stable_mosaic.version = 14 : i64} {
  func.func @k(%arg0: i32, %arg1: i32, %arg2: memref<331776xi32, #tpu.memory_space<hbm>>, %arg3: memref<331776xi32, #tpu.memory_space<hbm>>, %arg4: memref<10240x128xf32, #tpu.memory_space<hbm>>, %arg5: memref<331776x16xf32, #tpu.memory_space<hbm>>, %arg6: memref<640x128xf32, #tpu.memory_space<hbm>>, %arg7: memref<2x10240x128xf32, #tpu.memory_space<hbm>>, %arg8: memref<128xi32, #tpu.memory_space<vmem>>, %arg9: memref<128xi32, #tpu.memory_space<vmem>>, %arg10: memref<128x128xf32, #tpu.memory_space<vmem>>, %arg11: memref<128x16xf32, #tpu.memory_space<vmem>>, %arg12: memref<10240x128xf32, #tpu.memory_space<vmem_shared>>) attributes {dimension_semantics = [#tpu.dimension_semantics<core_parallel>, #tpu.dimension_semantics<subcore_parallel>], iteration_bounds = array<i64: 2, 16>, scalar_prefetch = 0 : i64, scratch_operands = 5 : i64, tpu.core_type = #tpu.core_type<sc_vector_subcore>, window_params = [{transform_indices = #map}, {transform_indices = #map}, {transform_indices = #map1}, {transform_indices = #map1}, {transform_indices = #map1}, {transform_indices = #map2}]} {
    %mul3A = arith.constant 16 : i32
    %mul3A_0 = arith.muli %arg0, %mul3A : i32
    %add3A = arith.addi %mul3A_0, %arg1 : i32
    %mul3A_1 = arith.constant 640 : i32
    %mul3A_2 = arith.muli %arg1, %mul3A_1 : i32
    "tpu.region"() ({
      %run_scoped3A = tpu.sem_alloc : memref<!tpu.dma_semaphore, #tpu.memory_space<semaphore_mem>>
      %dma_start3A = arith.constant 0 : i32
      %dma_start3A_16 = tpu.memref_slice %arg12[%mul3A_2, %dma_start3A] : memref<10240x128xf32, #tpu.memory_space<vmem_shared>> -> memref<640x128xf32, #tpu.memory_space<vmem_shared>>
      tpu.enqueue_dma source(%arg6 : memref<640x128xf32, #tpu.memory_space<hbm>>) target(%dma_start3A_16 : memref<640x128xf32, #tpu.memory_space<vmem_shared>>) target_semaphore(%run_scoped3A : memref<!tpu.dma_semaphore, #tpu.memory_space<semaphore_mem>>)
      %dma_wait3A = arith.constant 0 : i32
      %dma_wait3A_17 = tpu.memref_slice %arg12[%mul3A_2, %dma_wait3A] : memref<10240x128xf32, #tpu.memory_space<vmem_shared>> -> memref<640x128xf32, #tpu.memory_space<vmem_shared>>
      tpu.wait_dma2 semaphore(%run_scoped3A : memref<!tpu.dma_semaphore, #tpu.memory_space<semaphore_mem>>) src(%arg6 : memref<640x128xf32, #tpu.memory_space<hbm>>) dst(%dma_wait3A_17 : memref<640x128xf32, #tpu.memory_space<vmem_shared>>)
      tpu.yield
    }) : () -> ()
    %barrier3A = arith.constant 0 : index
    tpu.barrier barrier_id(%barrier3A)
    %mul3A_3 = arith.constant 10368 : i32
    %mul3A_4 = arith.muli %add3A, %mul3A_3 : i32
    %scan3A = arith.constant 0 : i32
    %scan3A_5 = arith.constant 0 : i32
    %scan3A_6 = arith.constant 81 : i32
    %scan3A_7 = arith.addi %scan3A_5, %scan3A_6 : i32
    %scan3A_8 = arith.constant 1 : i32
    %scan3A_9 = scf.for %scan3A_16 = %scan3A_5 to %scan3A_7 step %scan3A_8 iter_args(%scan3A_17 = %scan3A) -> (i32)  : i32 {
      %mul3A_18 = arith.constant 128 : i32
      %mul3A_19 = arith.muli %scan3A_16, %mul3A_18 : i32
      %add3A_20 = arith.addi %mul3A_4, %mul3A_19 : i32
      "tpu.region"() ({
        %run_scoped3A = tpu.sem_alloc : memref<!tpu.dma_semaphore, #tpu.memory_space<semaphore_mem>>
        %dma_start3A = tpu.memref_slice %arg2[%add3A_20] : memref<331776xi32, #tpu.memory_space<hbm>> -> memref<128xi32, #tpu.memory_space<hbm>>
        %dma_start3A_29 = tpu.memref_slice %arg2[%add3A_20] : memref<331776xi32, #tpu.memory_space<hbm>> -> memref<128xi32, #tpu.memory_space<hbm>>
        tpu.enqueue_dma source(%dma_start3A_29 : memref<128xi32, #tpu.memory_space<hbm>>) target(%arg8 : memref<128xi32, #tpu.memory_space<vmem>>) target_semaphore(%run_scoped3A : memref<!tpu.dma_semaphore, #tpu.memory_space<semaphore_mem>>)
        %dma_wait3A = tpu.memref_slice %arg2[%add3A_20] : memref<331776xi32, #tpu.memory_space<hbm>> -> memref<128xi32, #tpu.memory_space<hbm>>
        %dma_wait3A_30 = tpu.memref_slice %arg2[%add3A_20] : memref<331776xi32, #tpu.memory_space<hbm>> -> memref<128xi32, #tpu.memory_space<hbm>>
        tpu.wait_dma2 semaphore(%run_scoped3A : memref<!tpu.dma_semaphore, #tpu.memory_space<semaphore_mem>>) src(%dma_wait3A_30 : memref<128xi32, #tpu.memory_space<hbm>>) dst(%arg8 : memref<128xi32, #tpu.memory_space<vmem>>)
        tpu.yield
      }) : () -> ()
      "tpu.region"() ({
        %run_scoped3A = tpu.sem_alloc : memref<!tpu.dma_semaphore, #tpu.memory_space<semaphore_mem>>
        %dma_start3A = tpu.memref_slice %arg3[%add3A_20] : memref<331776xi32, #tpu.memory_space<hbm>> -> memref<128xi32, #tpu.memory_space<hbm>>
        %dma_start3A_29 = tpu.memref_slice %arg3[%add3A_20] : memref<331776xi32, #tpu.memory_space<hbm>> -> memref<128xi32, #tpu.memory_space<hbm>>
        tpu.enqueue_dma source(%dma_start3A_29 : memref<128xi32, #tpu.memory_space<hbm>>) target(%arg9 : memref<128xi32, #tpu.memory_space<vmem>>) target_semaphore(%run_scoped3A : memref<!tpu.dma_semaphore, #tpu.memory_space<semaphore_mem>>)
        %dma_wait3A = tpu.memref_slice %arg3[%add3A_20] : memref<331776xi32, #tpu.memory_space<hbm>> -> memref<128xi32, #tpu.memory_space<hbm>>
        %dma_wait3A_30 = tpu.memref_slice %arg3[%add3A_20] : memref<331776xi32, #tpu.memory_space<hbm>> -> memref<128xi32, #tpu.memory_space<hbm>>
        tpu.wait_dma2 semaphore(%run_scoped3A : memref<!tpu.dma_semaphore, #tpu.memory_space<semaphore_mem>>) src(%dma_wait3A_30 : memref<128xi32, #tpu.memory_space<hbm>>) dst(%arg9 : memref<128xi32, #tpu.memory_space<vmem>>)
        tpu.yield
      }) : () -> ()
      "tpu.region"() ({
        %run_scoped3A = tpu.sem_alloc : memref<!tpu.dma_semaphore, #tpu.memory_space<semaphore_mem>>
        %dma_start3A = arith.constant 0 : i32
        %dma_start3A_29 = arith.constant 0 : i32
        %dma_start3A_30 = tpu.memref_slice %arg4[%dma_start3A, %dma_start3A_29] : memref<10240x128xf32, #tpu.memory_space<hbm>> -> memref<10240x128xf32, #tpu.memory_space<hbm>>
        tpu.enqueue_indirect_dma source(%dma_start3A_30 : memref<10240x128xf32, #tpu.memory_space<hbm>>) target(%arg10 : memref<128x128xf32, #tpu.memory_space<vmem>>) offsets(%arg8 : memref<128xi32, #tpu.memory_space<vmem>>) semaphore(%run_scoped3A : memref<!tpu.dma_semaphore, #tpu.memory_space<semaphore_mem>>)
        %dma_wait3A = arith.constant 0 : i32
        %dma_wait3A_31 = arith.constant 0 : i32
        %dma_wait3A_32 = tpu.memref_slice %arg4[%dma_wait3A, %dma_wait3A_31] : memref<10240x128xf32, #tpu.memory_space<hbm>> -> memref<10240x128xf32, #tpu.memory_space<hbm>>
        tpu.wait_indirect_dma semaphore(%run_scoped3A : memref<!tpu.dma_semaphore, #tpu.memory_space<semaphore_mem>>) src(%dma_wait3A_32 : memref<10240x128xf32, #tpu.memory_space<hbm>>) dst(%arg10 : memref<128x128xf32, #tpu.memory_space<vmem>>)
        tpu.yield
      }) : () -> ()
      "tpu.region"() ({
        %run_scoped3A = tpu.sem_alloc : memref<!tpu.dma_semaphore, #tpu.memory_space<semaphore_mem>>
        %dma_start3A = arith.constant 0 : i32
        %dma_start3A_29 = tpu.memref_slice %arg5[%add3A_20, %dma_start3A] : memref<331776x16xf32, #tpu.memory_space<hbm>> -> memref<128x16xf32, #tpu.memory_space<hbm>>
        %dma_start3A_30 = arith.constant 0 : i32
        %dma_start3A_31 = tpu.memref_slice %arg5[%add3A_20, %dma_start3A_30] : memref<331776x16xf32, #tpu.memory_space<hbm>> -> memref<128x16xf32, #tpu.memory_space<hbm>>
        tpu.enqueue_dma source(%dma_start3A_31 : memref<128x16xf32, #tpu.memory_space<hbm>>) target(%arg11 : memref<128x16xf32, #tpu.memory_space<vmem>>) target_semaphore(%run_scoped3A : memref<!tpu.dma_semaphore, #tpu.memory_space<semaphore_mem>>)
        %dma_wait3A = arith.constant 0 : i32
        %dma_wait3A_32 = tpu.memref_slice %arg5[%add3A_20, %dma_wait3A] : memref<331776x16xf32, #tpu.memory_space<hbm>> -> memref<128x16xf32, #tpu.memory_space<hbm>>
        %dma_wait3A_33 = arith.constant 0 : i32
        %dma_wait3A_34 = tpu.memref_slice %arg5[%add3A_20, %dma_wait3A_33] : memref<331776x16xf32, #tpu.memory_space<hbm>> -> memref<128x16xf32, #tpu.memory_space<hbm>>
        tpu.wait_dma2 semaphore(%run_scoped3A : memref<!tpu.dma_semaphore, #tpu.memory_space<semaphore_mem>>) src(%dma_wait3A_34 : memref<128x16xf32, #tpu.memory_space<hbm>>) dst(%arg11 : memref<128x16xf32, #tpu.memory_space<vmem>>)
        tpu.yield
      }) : () -> ()
      %scan3A_21 = arith.constant 0 : i32
      %scan3A_22 = arith.constant 0 : i32
      %scan3A_23 = arith.constant 128 : i32
      %scan3A_24 = arith.addi %scan3A_22, %scan3A_23 : i32
      %scan3A_25 = arith.constant 4 : i32
      %scan3A_26 = scf.for %scan3A_29 = %scan3A_22 to %scan3A_24 step %scan3A_25 iter_args(%scan3A_30 = %scan3A_21) -> (i32)  : i32 {
        %broadcast_in_dim3A = arith.constant 0 : i32
        %broadcast_in_dim3A_31 = vector.broadcast %broadcast_in_dim3A : i32 to vector<16xi32>
        %add3A_32 = vector.broadcast %scan3A_29 : i32 to vector<16xi32>
        %add3A_33 = arith.addi %broadcast_in_dim3A_31, %add3A_32 : vector<16xi32>
        %broadcast_in_dim3A_34 = arith.constant 0 : i32
        %broadcast_in_dim3A_35 = vector.broadcast %broadcast_in_dim3A_34 : i32 to vector<16xi32>
        %gather3A = tpu.vector_load_idx %arg11[%add3A_33, %broadcast_in_dim3A_35] : memref<128x16xf32, #tpu.memory_space<vmem>>[vector<16xi32>, vector<16xi32>], vector<16xf32>,
        %get3A = arith.index_cast %scan3A_29 : i32 to index
        %get3A_36 = arith.constant 0 : index
        %get3A_37 = tpu.vector_load %arg10[%get3A, %get3A_36] {strides = array<i32>} : memref<128x128xf32, #tpu.memory_space<vmem>>, vector<16xf32>,
        %mul3A_38 = arith.mulf %get3A_37, %gather3A : vector<16xf32>
        %swap3A = arith.index_cast %scan3A_29 : i32 to index
        %swap3A_39 = arith.constant 0 : index
        %swap3A_40 = tpu.vector_load %arg10[%swap3A, %swap3A_39] {strides = array<i32>} : memref<128x128xf32, #tpu.memory_space<vmem>>, vector<16xf32>,
        tpu.vector_store %arg10[%swap3A, %swap3A_39], %mul3A_38 {strides = array<i32>} : memref<128x128xf32, #tpu.memory_space<vmem>>, vector<16xf32>,
        %broadcast_in_dim3A_41 = arith.constant 1 : i32
        %broadcast_in_dim3A_42 = vector.broadcast %broadcast_in_dim3A_41 : i32 to vector<16xi32>
        %gather3A_43 = tpu.vector_load_idx %arg11[%add3A_33, %broadcast_in_dim3A_42] : memref<128x16xf32, #tpu.memory_space<vmem>>[vector<16xi32>, vector<16xi32>], vector<16xf32>,
        %get3A_44 = arith.index_cast %scan3A_29 : i32 to index
        %get3A_45 = arith.constant 16 : index
        %get3A_46 = tpu.vector_load %arg10[%get3A_44, %get3A_45] {strides = array<i32>} : memref<128x128xf32, #tpu.memory_space<vmem>>, vector<16xf32>,
        %mul3A_47 = arith.mulf %get3A_46, %gather3A_43 : vector<16xf32>
        %swap3A_48 = arith.index_cast %scan3A_29 : i32 to index
        %swap3A_49 = arith.constant 16 : index
        %swap3A_50 = tpu.vector_load %arg10[%swap3A_48, %swap3A_49] {strides = array<i32>} : memref<128x128xf32, #tpu.memory_space<vmem>>, vector<16xf32>,
        tpu.vector_store %arg10[%swap3A_48, %swap3A_49], %mul3A_47 {strides = array<i32>} : memref<128x128xf32, #tpu.memory_space<vmem>>, vector<16xf32>,
        %broadcast_in_dim3A_51 = arith.constant 2 : i32
        %broadcast_in_dim3A_52 = vector.broadcast %broadcast_in_dim3A_51 : i32 to vector<16xi32>
        %gather3A_53 = tpu.vector_load_idx %arg11[%add3A_33, %broadcast_in_dim3A_52] : memref<128x16xf32, #tpu.memory_space<vmem>>[vector<16xi32>, vector<16xi32>], vector<16xf32>,
        %get3A_54 = arith.index_cast %scan3A_29 : i32 to index
        %get3A_55 = arith.constant 32 : index
        %get3A_56 = tpu.vector_load %arg10[%get3A_54, %get3A_55] {strides = array<i32>} : memref<128x128xf32, #tpu.memory_space<vmem>>, vector<16xf32>,
        %mul3A_57 = arith.mulf %get3A_56, %gather3A_53 : vector<16xf32>
        %swap3A_58 = arith.index_cast %scan3A_29 : i32 to index
        %swap3A_59 = arith.constant 32 : index
        %swap3A_60 = tpu.vector_load %arg10[%swap3A_58, %swap3A_59] {strides = array<i32>} : memref<128x128xf32, #tpu.memory_space<vmem>>, vector<16xf32>,
        tpu.vector_store %arg10[%swap3A_58, %swap3A_59], %mul3A_57 {strides = array<i32>} : memref<128x128xf32, #tpu.memory_space<vmem>>, vector<16xf32>,
        %broadcast_in_dim3A_61 = arith.constant 3 : i32
        %broadcast_in_dim3A_62 = vector.broadcast %broadcast_in_dim3A_61 : i32 to vector<16xi32>
        %gather3A_63 = tpu.vector_load_idx %arg11[%add3A_33, %broadcast_in_dim3A_62] : memref<128x16xf32, #tpu.memory_space<vmem>>[vector<16xi32>, vector<16xi32>], vector<16xf32>,
        %get3A_64 = arith.index_cast %scan3A_29 : i32 to index
        %get3A_65 = arith.constant 48 : index
        %get3A_66 = tpu.vector_load %arg10[%get3A_64, %get3A_65] {strides = array<i32>} : memref<128x128xf32, #tpu.memory_space<vmem>>, vector<16xf32>,
        %mul3A_67 = arith.mulf %get3A_66, %gather3A_63 : vector<16xf32>
        %swap3A_68 = arith.index_cast %scan3A_29 : i32 to index
        %swap3A_69 = arith.constant 48 : index
        %swap3A_70 = tpu.vector_load %arg10[%swap3A_68, %swap3A_69] {strides = array<i32>} : memref<128x128xf32, #tpu.memory_space<vmem>>, vector<16xf32>,
        tpu.vector_store %arg10[%swap3A_68, %swap3A_69], %mul3A_67 {strides = array<i32>} : memref<128x128xf32, #tpu.memory_space<vmem>>, vector<16xf32>,
        %broadcast_in_dim3A_71 = arith.constant 4 : i32
        %broadcast_in_dim3A_72 = vector.broadcast %broadcast_in_dim3A_71 : i32 to vector<16xi32>
        %gather3A_73 = tpu.vector_load_idx %arg11[%add3A_33, %broadcast_in_dim3A_72] : memref<128x16xf32, #tpu.memory_space<vmem>>[vector<16xi32>, vector<16xi32>], vector<16xf32>,
        %get3A_74 = arith.index_cast %scan3A_29 : i32 to index
        %get3A_75 = arith.constant 64 : index
        %get3A_76 = tpu.vector_load %arg10[%get3A_74, %get3A_75] {strides = array<i32>} : memref<128x128xf32, #tpu.memory_space<vmem>>, vector<16xf32>,
        %mul3A_77 = arith.mulf %get3A_76, %gather3A_73 : vector<16xf32>
        %swap3A_78 = arith.index_cast %scan3A_29 : i32 to index
        %swap3A_79 = arith.constant 64 : index
        %swap3A_80 = tpu.vector_load %arg10[%swap3A_78, %swap3A_79] {strides = array<i32>} : memref<128x128xf32, #tpu.memory_space<vmem>>, vector<16xf32>,
        tpu.vector_store %arg10[%swap3A_78, %swap3A_79], %mul3A_77 {strides = array<i32>} : memref<128x128xf32, #tpu.memory_space<vmem>>, vector<16xf32>,
        %broadcast_in_dim3A_81 = arith.constant 5 : i32
        %broadcast_in_dim3A_82 = vector.broadcast %broadcast_in_dim3A_81 : i32 to vector<16xi32>
        %gather3A_83 = tpu.vector_load_idx %arg11[%add3A_33, %broadcast_in_dim3A_82] : memref<128x16xf32, #tpu.memory_space<vmem>>[vector<16xi32>, vector<16xi32>], vector<16xf32>,
        %get3A_84 = arith.index_cast %scan3A_29 : i32 to index
        %get3A_85 = arith.constant 80 : index
        %get3A_86 = tpu.vector_load %arg10[%get3A_84, %get3A_85] {strides = array<i32>} : memref<128x128xf32, #tpu.memory_space<vmem>>, vector<16xf32>,
        %mul3A_87 = arith.mulf %get3A_86, %gather3A_83 : vector<16xf32>
        %swap3A_88 = arith.index_cast %scan3A_29 : i32 to index
        %swap3A_89 = arith.constant 80 : index
        %swap3A_90 = tpu.vector_load %arg10[%swap3A_88, %swap3A_89] {strides = array<i32>} : memref<128x128xf32, #tpu.memory_space<vmem>>, vector<16xf32>,
        tpu.vector_store %arg10[%swap3A_88, %swap3A_89], %mul3A_87 {strides = array<i32>} : memref<128x128xf32, #tpu.memory_space<vmem>>, vector<16xf32>,
        %broadcast_in_dim3A_91 = arith.constant 6 : i32
        %broadcast_in_dim3A_92 = vector.broadcast %broadcast_in_dim3A_91 : i32 to vector<16xi32>
        %gather3A_93 = tpu.vector_load_idx %arg11[%add3A_33, %broadcast_in_dim3A_92] : memref<128x16xf32, #tpu.memory_space<vmem>>[vector<16xi32>, vector<16xi32>], vector<16xf32>,
        %get3A_94 = arith.index_cast %scan3A_29 : i32 to index
        %get3A_95 = arith.constant 96 : index
        %get3A_96 = tpu.vector_load %arg10[%get3A_94, %get3A_95] {strides = array<i32>} : memref<128x128xf32, #tpu.memory_space<vmem>>, vector<16xf32>,
        %mul3A_97 = arith.mulf %get3A_96, %gather3A_93 : vector<16xf32>
        %swap3A_98 = arith.index_cast %scan3A_29 : i32 to index
        %swap3A_99 = arith.constant 96 : index
        %swap3A_100 = tpu.vector_load %arg10[%swap3A_98, %swap3A_99] {strides = array<i32>} : memref<128x128xf32, #tpu.memory_space<vmem>>, vector<16xf32>,
        tpu.vector_store %arg10[%swap3A_98, %swap3A_99], %mul3A_97 {strides = array<i32>} : memref<128x128xf32, #tpu.memory_space<vmem>>, vector<16xf32>,
        %broadcast_in_dim3A_101 = arith.constant 7 : i32
        %broadcast_in_dim3A_102 = vector.broadcast %broadcast_in_dim3A_101 : i32 to vector<16xi32>
        %gather3A_103 = tpu.vector_load_idx %arg11[%add3A_33, %broadcast_in_dim3A_102] : memref<128x16xf32, #tpu.memory_space<vmem>>[vector<16xi32>, vector<16xi32>], vector<16xf32>,
        %get3A_104 = arith.index_cast %scan3A_29 : i32 to index
        %get3A_105 = arith.constant 112 : index
        %get3A_106 = tpu.vector_load %arg10[%get3A_104, %get3A_105] {strides = array<i32>} : memref<128x128xf32, #tpu.memory_space<vmem>>, vector<16xf32>,
        %mul3A_107 = arith.mulf %get3A_106, %gather3A_103 : vector<16xf32>
        %swap3A_108 = arith.index_cast %scan3A_29 : i32 to index
        %swap3A_109 = arith.constant 112 : index
        %swap3A_110 = tpu.vector_load %arg10[%swap3A_108, %swap3A_109] {strides = array<i32>} : memref<128x128xf32, #tpu.memory_space<vmem>>, vector<16xf32>,
        tpu.vector_store %arg10[%swap3A_108, %swap3A_109], %mul3A_107 {strides = array<i32>} : memref<128x128xf32, #tpu.memory_space<vmem>>, vector<16xf32>,
        %scan3A_111 = arith.constant 0 : i32
        %scan3A_112 = arith.constant 1 : i32
        %scan3A_113 = arith.addi %scan3A_29, %scan3A_112 : i32
        %broadcast_in_dim3A_114 = arith.constant 0 : i32
        %broadcast_in_dim3A_115 = vector.broadcast %broadcast_in_dim3A_114 : i32 to vector<16xi32>
        %add3A_116 = vector.broadcast %scan3A_113 : i32 to vector<16xi32>
        %add3A_117 = arith.addi %broadcast_in_dim3A_115, %add3A_116 : vector<16xi32>
        %broadcast_in_dim3A_118 = arith.constant 0 : i32
        %broadcast_in_dim3A_119 = vector.broadcast %broadcast_in_dim3A_118 : i32 to vector<16xi32>
        %gather3A_120 = tpu.vector_load_idx %arg11[%add3A_117, %broadcast_in_dim3A_119] : memref<128x16xf32, #tpu.memory_space<vmem>>[vector<16xi32>, vector<16xi32>], vector<16xf32>,
        %get3A_121 = arith.index_cast %scan3A_113 : i32 to index
        %get3A_122 = arith.constant 0 : index
        %get3A_123 = tpu.vector_load %arg10[%get3A_121, %get3A_122] {strides = array<i32>} : memref<128x128xf32, #tpu.memory_space<vmem>>, vector<16xf32>,
        %mul3A_124 = arith.mulf %get3A_123, %gather3A_120 : vector<16xf32>
        %swap3A_125 = arith.index_cast %scan3A_113 : i32 to index
        %swap3A_126 = arith.constant 0 : index
        %swap3A_127 = tpu.vector_load %arg10[%swap3A_125, %swap3A_126] {strides = array<i32>} : memref<128x128xf32, #tpu.memory_space<vmem>>, vector<16xf32>,
        tpu.vector_store %arg10[%swap3A_125, %swap3A_126], %mul3A_124 {strides = array<i32>} : memref<128x128xf32, #tpu.memory_space<vmem>>, vector<16xf32>,
        %broadcast_in_dim3A_128 = arith.constant 1 : i32
        %broadcast_in_dim3A_129 = vector.broadcast %broadcast_in_dim3A_128 : i32 to vector<16xi32>
        %gather3A_130 = tpu.vector_load_idx %arg11[%add3A_117, %broadcast_in_dim3A_129] : memref<128x16xf32, #tpu.memory_space<vmem>>[vector<16xi32>, vector<16xi32>], vector<16xf32>,
        %get3A_131 = arith.index_cast %scan3A_113 : i32 to index
        %get3A_132 = arith.constant 16 : index
        %get3A_133 = tpu.vector_load %arg10[%get3A_131, %get3A_132] {strides = array<i32>} : memref<128x128xf32, #tpu.memory_space<vmem>>, vector<16xf32>,
        %mul3A_134 = arith.mulf %get3A_133, %gather3A_130 : vector<16xf32>
        %swap3A_135 = arith.index_cast %scan3A_113 : i32 to index
        %swap3A_136 = arith.constant 16 : index
        %swap3A_137 = tpu.vector_load %arg10[%swap3A_135, %swap3A_136] {strides = array<i32>} : memref<128x128xf32, #tpu.memory_space<vmem>>, vector<16xf32>,
        tpu.vector_store %arg10[%swap3A_135, %swap3A_136], %mul3A_134 {strides = array<i32>} : memref<128x128xf32, #tpu.memory_space<vmem>>, vector<16xf32>,
        %broadcast_in_dim3A_138 = arith.constant 2 : i32
        %broadcast_in_dim3A_139 = vector.broadcast %broadcast_in_dim3A_138 : i32 to vector<16xi32>
        %gather3A_140 = tpu.vector_load_idx %arg11[%add3A_117, %broadcast_in_dim3A_139] : memref<128x16xf32, #tpu.memory_space<vmem>>[vector<16xi32>, vector<16xi32>], vector<16xf32>,
        %get3A_141 = arith.index_cast %scan3A_113 : i32 to index
        %get3A_142 = arith.constant 32 : index
        %get3A_143 = tpu.vector_load %arg10[%get3A_141, %get3A_142] {strides = array<i32>} : memref<128x128xf32, #tpu.memory_space<vmem>>, vector<16xf32>,
        %mul3A_144 = arith.mulf %get3A_143, %gather3A_140 : vector<16xf32>
        %swap3A_145 = arith.index_cast %scan3A_113 : i32 to index
        %swap3A_146 = arith.constant 32 : index
        %swap3A_147 = tpu.vector_load %arg10[%swap3A_145, %swap3A_146] {strides = array<i32>} : memref<128x128xf32, #tpu.memory_space<vmem>>, vector<16xf32>,
        tpu.vector_store %arg10[%swap3A_145, %swap3A_146], %mul3A_144 {strides = array<i32>} : memref<128x128xf32, #tpu.memory_space<vmem>>, vector<16xf32>,
        %broadcast_in_dim3A_148 = arith.constant 3 : i32
        %broadcast_in_dim3A_149 = vector.broadcast %broadcast_in_dim3A_148 : i32 to vector<16xi32>
        %gather3A_150 = tpu.vector_load_idx %arg11[%add3A_117, %broadcast_in_dim3A_149] : memref<128x16xf32, #tpu.memory_space<vmem>>[vector<16xi32>, vector<16xi32>], vector<16xf32>,
        %get3A_151 = arith.index_cast %scan3A_113 : i32 to index
        %get3A_152 = arith.constant 48 : index
        %get3A_153 = tpu.vector_load %arg10[%get3A_151, %get3A_152] {strides = array<i32>} : memref<128x128xf32, #tpu.memory_space<vmem>>, vector<16xf32>,
        %mul3A_154 = arith.mulf %get3A_153, %gather3A_150 : vector<16xf32>
        %swap3A_155 = arith.index_cast %scan3A_113 : i32 to index
        %swap3A_156 = arith.constant 48 : index
        %swap3A_157 = tpu.vector_load %arg10[%swap3A_155, %swap3A_156] {strides = array<i32>} : memref<128x128xf32, #tpu.memory_space<vmem>>, vector<16xf32>,
        tpu.vector_store %arg10[%swap3A_155, %swap3A_156], %mul3A_154 {strides = array<i32>} : memref<128x128xf32, #tpu.memory_space<vmem>>, vector<16xf32>,
        %broadcast_in_dim3A_158 = arith.constant 4 : i32
        %broadcast_in_dim3A_159 = vector.broadcast %broadcast_in_dim3A_158 : i32 to vector<16xi32>
        %gather3A_160 = tpu.vector_load_idx %arg11[%add3A_117, %broadcast_in_dim3A_159] : memref<128x16xf32, #tpu.memory_space<vmem>>[vector<16xi32>, vector<16xi32>], vector<16xf32>,
        %get3A_161 = arith.index_cast %scan3A_113 : i32 to index
        %get3A_162 = arith.constant 64 : index
        %get3A_163 = tpu.vector_load %arg10[%get3A_161, %get3A_162] {strides = array<i32>} : memref<128x128xf32, #tpu.memory_space<vmem>>, vector<16xf32>,
        %mul3A_164 = arith.mulf %get3A_163, %gather3A_160 : vector<16xf32>
        %swap3A_165 = arith.index_cast %scan3A_113 : i32 to index
        %swap3A_166 = arith.constant 64 : index
        %swap3A_167 = tpu.vector_load %arg10[%swap3A_165, %swap3A_166] {strides = array<i32>} : memref<128x128xf32, #tpu.memory_space<vmem>>, vector<16xf32>,
        tpu.vector_store %arg10[%swap3A_165, %swap3A_166], %mul3A_164 {strides = array<i32>} : memref<128x128xf32, #tpu.memory_space<vmem>>, vector<16xf32>,
        %broadcast_in_dim3A_168 = arith.constant 5 : i32
        %broadcast_in_dim3A_169 = vector.broadcast %broadcast_in_dim3A_168 : i32 to vector<16xi32>
        %gather3A_170 = tpu.vector_load_idx %arg11[%add3A_117, %broadcast_in_dim3A_169] : memref<128x16xf32, #tpu.memory_space<vmem>>[vector<16xi32>, vector<16xi32>], vector<16xf32>,
        %get3A_171 = arith.index_cast %scan3A_113 : i32 to index
        %get3A_172 = arith.constant 80 : index
        %get3A_173 = tpu.vector_load %arg10[%get3A_171, %get3A_172] {strides = array<i32>} : memref<128x128xf32, #tpu.memory_space<vmem>>, vector<16xf32>,
        %mul3A_174 = arith.mulf %get3A_173, %gather3A_170 : vector<16xf32>
        %swap3A_175 = arith.index_cast %scan3A_113 : i32 to index
        %swap3A_176 = arith.constant 80 : index
        %swap3A_177 = tpu.vector_load %arg10[%swap3A_175, %swap3A_176] {strides = array<i32>} : memref<128x128xf32, #tpu.memory_space<vmem>>, vector<16xf32>,
        tpu.vector_store %arg10[%swap3A_175, %swap3A_176], %mul3A_174 {strides = array<i32>} : memref<128x128xf32, #tpu.memory_space<vmem>>, vector<16xf32>,
        %broadcast_in_dim3A_178 = arith.constant 6 : i32
        %broadcast_in_dim3A_179 = vector.broadcast %broadcast_in_dim3A_178 : i32 to vector<16xi32>
        %gather3A_180 = tpu.vector_load_idx %arg11[%add3A_117, %broadcast_in_dim3A_179] : memref<128x16xf32, #tpu.memory_space<vmem>>[vector<16xi32>, vector<16xi32>], vector<16xf32>,
        %get3A_181 = arith.index_cast %scan3A_113 : i32 to index
        %get3A_182 = arith.constant 96 : index
        %get3A_183 = tpu.vector_load %arg10[%get3A_181, %get3A_182] {strides = array<i32>} : memref<128x128xf32, #tpu.memory_space<vmem>>, vector<16xf32>,
        %mul3A_184 = arith.mulf %get3A_183, %gather3A_180 : vector<16xf32>
        %swap3A_185 = arith.index_cast %scan3A_113 : i32 to index
        %swap3A_186 = arith.constant 96 : index
        %swap3A_187 = tpu.vector_load %arg10[%swap3A_185, %swap3A_186] {strides = array<i32>} : memref<128x128xf32, #tpu.memory_space<vmem>>, vector<16xf32>,
        tpu.vector_store %arg10[%swap3A_185, %swap3A_186], %mul3A_184 {strides = array<i32>} : memref<128x128xf32, #tpu.memory_space<vmem>>, vector<16xf32>,
        %broadcast_in_dim3A_188 = arith.constant 7 : i32
        %broadcast_in_dim3A_189 = vector.broadcast %broadcast_in_dim3A_188 : i32 to vector<16xi32>
        %gather3A_190 = tpu.vector_load_idx %arg11[%add3A_117, %broadcast_in_dim3A_189] : memref<128x16xf32, #tpu.memory_space<vmem>>[vector<16xi32>, vector<16xi32>], vector<16xf32>,
        %get3A_191 = arith.index_cast %scan3A_113 : i32 to index
        %get3A_192 = arith.constant 112 : index
        %get3A_193 = tpu.vector_load %arg10[%get3A_191, %get3A_192] {strides = array<i32>} : memref<128x128xf32, #tpu.memory_space<vmem>>, vector<16xf32>,
        %mul3A_194 = arith.mulf %get3A_193, %gather3A_190 : vector<16xf32>
        %swap3A_195 = arith.index_cast %scan3A_113 : i32 to index
        %swap3A_196 = arith.constant 112 : index
        %swap3A_197 = tpu.vector_load %arg10[%swap3A_195, %swap3A_196] {strides = array<i32>} : memref<128x128xf32, #tpu.memory_space<vmem>>, vector<16xf32>,
        tpu.vector_store %arg10[%swap3A_195, %swap3A_196], %mul3A_194 {strides = array<i32>} : memref<128x128xf32, #tpu.memory_space<vmem>>, vector<16xf32>,
        %scan3A_198 = arith.constant 0 : i32
        %scan3A_199 = arith.constant 2 : i32
        %scan3A_200 = arith.addi %scan3A_29, %scan3A_199 : i32
        %broadcast_in_dim3A_201 = arith.constant 0 : i32
        %broadcast_in_dim3A_202 = vector.broadcast %broadcast_in_dim3A_201 : i32 to vector<16xi32>
        %add3A_203 = vector.broadcast %scan3A_200 : i32 to vector<16xi32>
        %add3A_204 = arith.addi %broadcast_in_dim3A_202, %add3A_203 : vector<16xi32>
        %broadcast_in_dim3A_205 = arith.constant 0 : i32
        %broadcast_in_dim3A_206 = vector.broadcast %broadcast_in_dim3A_205 : i32 to vector<16xi32>
        %gather3A_207 = tpu.vector_load_idx %arg11[%add3A_204, %broadcast_in_dim3A_206] : memref<128x16xf32, #tpu.memory_space<vmem>>[vector<16xi32>, vector<16xi32>], vector<16xf32>,
        %get3A_208 = arith.index_cast %scan3A_200 : i32 to index
        %get3A_209 = arith.constant 0 : index
        %get3A_210 = tpu.vector_load %arg10[%get3A_208, %get3A_209] {strides = array<i32>} : memref<128x128xf32, #tpu.memory_space<vmem>>, vector<16xf32>,
        %mul3A_211 = arith.mulf %get3A_210, %gather3A_207 : vector<16xf32>
        %swap3A_212 = arith.index_cast %scan3A_200 : i32 to index
        %swap3A_213 = arith.constant 0 : index
        %swap3A_214 = tpu.vector_load %arg10[%swap3A_212, %swap3A_213] {strides = array<i32>} : memref<128x128xf32, #tpu.memory_space<vmem>>, vector<16xf32>,
        tpu.vector_store %arg10[%swap3A_212, %swap3A_213], %mul3A_211 {strides = array<i32>} : memref<128x128xf32, #tpu.memory_space<vmem>>, vector<16xf32>,
        %broadcast_in_dim3A_215 = arith.constant 1 : i32
        %broadcast_in_dim3A_216 = vector.broadcast %broadcast_in_dim3A_215 : i32 to vector<16xi32>
        %gather3A_217 = tpu.vector_load_idx %arg11[%add3A_204, %broadcast_in_dim3A_216] : memref<128x16xf32, #tpu.memory_space<vmem>>[vector<16xi32>, vector<16xi32>], vector<16xf32>,
        %get3A_218 = arith.index_cast %scan3A_200 : i32 to index
        %get3A_219 = arith.constant 16 : index
        %get3A_220 = tpu.vector_load %arg10[%get3A_218, %get3A_219] {strides = array<i32>} : memref<128x128xf32, #tpu.memory_space<vmem>>, vector<16xf32>,
        %mul3A_221 = arith.mulf %get3A_220, %gather3A_217 : vector<16xf32>
        %swap3A_222 = arith.index_cast %scan3A_200 : i32 to index
        %swap3A_223 = arith.constant 16 : index
        %swap3A_224 = tpu.vector_load %arg10[%swap3A_222, %swap3A_223] {strides = array<i32>} : memref<128x128xf32, #tpu.memory_space<vmem>>, vector<16xf32>,
        tpu.vector_store %arg10[%swap3A_222, %swap3A_223], %mul3A_221 {strides = array<i32>} : memref<128x128xf32, #tpu.memory_space<vmem>>, vector<16xf32>,
        %broadcast_in_dim3A_225 = arith.constant 2 : i32
        %broadcast_in_dim3A_226 = vector.broadcast %broadcast_in_dim3A_225 : i32 to vector<16xi32>
        %gather3A_227 = tpu.vector_load_idx %arg11[%add3A_204, %broadcast_in_dim3A_226] : memref<128x16xf32, #tpu.memory_space<vmem>>[vector<16xi32>, vector<16xi32>], vector<16xf32>,
        %get3A_228 = arith.index_cast %scan3A_200 : i32 to index
        %get3A_229 = arith.constant 32 : index
        %get3A_230 = tpu.vector_load %arg10[%get3A_228, %get3A_229] {strides = array<i32>} : memref<128x128xf32, #tpu.memory_space<vmem>>, vector<16xf32>,
        %mul3A_231 = arith.mulf %get3A_230, %gather3A_227 : vector<16xf32>
        %swap3A_232 = arith.index_cast %scan3A_200 : i32 to index
        %swap3A_233 = arith.constant 32 : index
        %swap3A_234 = tpu.vector_load %arg10[%swap3A_232, %swap3A_233] {strides = array<i32>} : memref<128x128xf32, #tpu.memory_space<vmem>>, vector<16xf32>,
        tpu.vector_store %arg10[%swap3A_232, %swap3A_233], %mul3A_231 {strides = array<i32>} : memref<128x128xf32, #tpu.memory_space<vmem>>, vector<16xf32>,
        %broadcast_in_dim3A_235 = arith.constant 3 : i32
        %broadcast_in_dim3A_236 = vector.broadcast %broadcast_in_dim3A_235 : i32 to vector<16xi32>
        %gather3A_237 = tpu.vector_load_idx %arg11[%add3A_204, %broadcast_in_dim3A_236] : memref<128x16xf32, #tpu.memory_space<vmem>>[vector<16xi32>, vector<16xi32>], vector<16xf32>,
        %get3A_238 = arith.index_cast %scan3A_200 : i32 to index
        %get3A_239 = arith.constant 48 : index
        %get3A_240 = tpu.vector_load %arg10[%get3A_238, %get3A_239] {strides = array<i32>} : memref<128x128xf32, #tpu.memory_space<vmem>>, vector<16xf32>,
        %mul3A_241 = arith.mulf %get3A_240, %gather3A_237 : vector<16xf32>
        %swap3A_242 = arith.index_cast %scan3A_200 : i32 to index
        %swap3A_243 = arith.constant 48 : index
        %swap3A_244 = tpu.vector_load %arg10[%swap3A_242, %swap3A_243] {strides = array<i32>} : memref<128x128xf32, #tpu.memory_space<vmem>>, vector<16xf32>,
        tpu.vector_store %arg10[%swap3A_242, %swap3A_243], %mul3A_241 {strides = array<i32>} : memref<128x128xf32, #tpu.memory_space<vmem>>, vector<16xf32>,
        %broadcast_in_dim3A_245 = arith.constant 4 : i32
        %broadcast_in_dim3A_246 = vector.broadcast %broadcast_in_dim3A_245 : i32 to vector<16xi32>
        %gather3A_247 = tpu.vector_load_idx %arg11[%add3A_204, %broadcast_in_dim3A_246] : memref<128x16xf32, #tpu.memory_space<vmem>>[vector<16xi32>, vector<16xi32>], vector<16xf32>,
        %get3A_248 = arith.index_cast %scan3A_200 : i32 to index
        %get3A_249 = arith.constant 64 : index
        %get3A_250 = tpu.vector_load %arg10[%get3A_248, %get3A_249] {strides = array<i32>} : memref<128x128xf32, #tpu.memory_space<vmem>>, vector<16xf32>,
        %mul3A_251 = arith.mulf %get3A_250, %gather3A_247 : vector<16xf32>
        %swap3A_252 = arith.index_cast %scan3A_200 : i32 to index
        %swap3A_253 = arith.constant 64 : index
        %swap3A_254 = tpu.vector_load %arg10[%swap3A_252, %swap3A_253] {strides = array<i32>} : memref<128x128xf32, #tpu.memory_space<vmem>>, vector<16xf32>,
        tpu.vector_store %arg10[%swap3A_252, %swap3A_253], %mul3A_251 {strides = array<i32>} : memref<128x128xf32, #tpu.memory_space<vmem>>, vector<16xf32>,
        %broadcast_in_dim3A_255 = arith.constant 5 : i32
        %broadcast_in_dim3A_256 = vector.broadcast %broadcast_in_dim3A_255 : i32 to vector<16xi32>
        %gather3A_257 = tpu.vector_load_idx %arg11[%add3A_204, %broadcast_in_dim3A_256] : memref<128x16xf32, #tpu.memory_space<vmem>>[vector<16xi32>, vector<16xi32>], vector<16xf32>,
        %get3A_258 = arith.index_cast %scan3A_200 : i32 to index
        %get3A_259 = arith.constant 80 : index
        %get3A_260 = tpu.vector_load %arg10[%get3A_258, %get3A_259] {strides = array<i32>} : memref<128x128xf32, #tpu.memory_space<vmem>>, vector<16xf32>,
        %mul3A_261 = arith.mulf %get3A_260, %gather3A_257 : vector<16xf32>
        %swap3A_262 = arith.index_cast %scan3A_200 : i32 to index
        %swap3A_263 = arith.constant 80 : index
        %swap3A_264 = tpu.vector_load %arg10[%swap3A_262, %swap3A_263] {strides = array<i32>} : memref<128x128xf32, #tpu.memory_space<vmem>>, vector<16xf32>,
        tpu.vector_store %arg10[%swap3A_262, %swap3A_263], %mul3A_261 {strides = array<i32>} : memref<128x128xf32, #tpu.memory_space<vmem>>, vector<16xf32>,
        %broadcast_in_dim3A_265 = arith.constant 6 : i32
        %broadcast_in_dim3A_266 = vector.broadcast %broadcast_in_dim3A_265 : i32 to vector<16xi32>
        %gather3A_267 = tpu.vector_load_idx %arg11[%add3A_204, %broadcast_in_dim3A_266] : memref<128x16xf32, #tpu.memory_space<vmem>>[vector<16xi32>, vector<16xi32>], vector<16xf32>,
        %get3A_268 = arith.index_cast %scan3A_200 : i32 to index
        %get3A_269 = arith.constant 96 : index
        %get3A_270 = tpu.vector_load %arg10[%get3A_268, %get3A_269] {strides = array<i32>} : memref<128x128xf32, #tpu.memory_space<vmem>>, vector<16xf32>,
        %mul3A_271 = arith.mulf %get3A_270, %gather3A_267 : vector<16xf32>
        %swap3A_272 = arith.index_cast %scan3A_200 : i32 to index
        %swap3A_273 = arith.constant 96 : index
        %swap3A_274 = tpu.vector_load %arg10[%swap3A_272, %swap3A_273] {strides = array<i32>} : memref<128x128xf32, #tpu.memory_space<vmem>>, vector<16xf32>,
        tpu.vector_store %arg10[%swap3A_272, %swap3A_273], %mul3A_271 {strides = array<i32>} : memref<128x128xf32, #tpu.memory_space<vmem>>, vector<16xf32>,
        %broadcast_in_dim3A_275 = arith.constant 7 : i32
        %broadcast_in_dim3A_276 = vector.broadcast %broadcast_in_dim3A_275 : i32 to vector<16xi32>
        %gather3A_277 = tpu.vector_load_idx %arg11[%add3A_204, %broadcast_in_dim3A_276] : memref<128x16xf32, #tpu.memory_space<vmem>>[vector<16xi32>, vector<16xi32>], vector<16xf32>,
        %get3A_278 = arith.index_cast %scan3A_200 : i32 to index
        %get3A_279 = arith.constant 112 : index
        %get3A_280 = tpu.vector_load %arg10[%get3A_278, %get3A_279] {strides = array<i32>} : memref<128x128xf32, #tpu.memory_space<vmem>>, vector<16xf32>,
        %mul3A_281 = arith.mulf %get3A_280, %gather3A_277 : vector<16xf32>
        %swap3A_282 = arith.index_cast %scan3A_200 : i32 to index
        %swap3A_283 = arith.constant 112 : index
        %swap3A_284 = tpu.vector_load %arg10[%swap3A_282, %swap3A_283] {strides = array<i32>} : memref<128x128xf32, #tpu.memory_space<vmem>>, vector<16xf32>,
        tpu.vector_store %arg10[%swap3A_282, %swap3A_283], %mul3A_281 {strides = array<i32>} : memref<128x128xf32, #tpu.memory_space<vmem>>, vector<16xf32>,
        %scan3A_285 = arith.constant 0 : i32
        %scan3A_286 = arith.constant 3 : i32
        %scan3A_287 = arith.addi %scan3A_29, %scan3A_286 : i32
        %broadcast_in_dim3A_288 = arith.constant 0 : i32
        %broadcast_in_dim3A_289 = vector.broadcast %broadcast_in_dim3A_288 : i32 to vector<16xi32>
        %add3A_290 = vector.broadcast %scan3A_287 : i32 to vector<16xi32>
        %add3A_291 = arith.addi %broadcast_in_dim3A_289, %add3A_290 : vector<16xi32>
        %broadcast_in_dim3A_292 = arith.constant 0 : i32
        %broadcast_in_dim3A_293 = vector.broadcast %broadcast_in_dim3A_292 : i32 to vector<16xi32>
        %gather3A_294 = tpu.vector_load_idx %arg11[%add3A_291, %broadcast_in_dim3A_293] : memref<128x16xf32, #tpu.memory_space<vmem>>[vector<16xi32>, vector<16xi32>], vector<16xf32>,
        %get3A_295 = arith.index_cast %scan3A_287 : i32 to index
        %get3A_296 = arith.constant 0 : index
        %get3A_297 = tpu.vector_load %arg10[%get3A_295, %get3A_296] {strides = array<i32>} : memref<128x128xf32, #tpu.memory_space<vmem>>, vector<16xf32>,
        %mul3A_298 = arith.mulf %get3A_297, %gather3A_294 : vector<16xf32>
        %swap3A_299 = arith.index_cast %scan3A_287 : i32 to index
        %swap3A_300 = arith.constant 0 : index
        %swap3A_301 = tpu.vector_load %arg10[%swap3A_299, %swap3A_300] {strides = array<i32>} : memref<128x128xf32, #tpu.memory_space<vmem>>, vector<16xf32>,
        tpu.vector_store %arg10[%swap3A_299, %swap3A_300], %mul3A_298 {strides = array<i32>} : memref<128x128xf32, #tpu.memory_space<vmem>>, vector<16xf32>,
        %broadcast_in_dim3A_302 = arith.constant 1 : i32
        %broadcast_in_dim3A_303 = vector.broadcast %broadcast_in_dim3A_302 : i32 to vector<16xi32>
        %gather3A_304 = tpu.vector_load_idx %arg11[%add3A_291, %broadcast_in_dim3A_303] : memref<128x16xf32, #tpu.memory_space<vmem>>[vector<16xi32>, vector<16xi32>], vector<16xf32>,
        %get3A_305 = arith.index_cast %scan3A_287 : i32 to index
        %get3A_306 = arith.constant 16 : index
        %get3A_307 = tpu.vector_load %arg10[%get3A_305, %get3A_306] {strides = array<i32>} : memref<128x128xf32, #tpu.memory_space<vmem>>, vector<16xf32>,
        %mul3A_308 = arith.mulf %get3A_307, %gather3A_304 : vector<16xf32>
        %swap3A_309 = arith.index_cast %scan3A_287 : i32 to index
        %swap3A_310 = arith.constant 16 : index
        %swap3A_311 = tpu.vector_load %arg10[%swap3A_309, %swap3A_310] {strides = array<i32>} : memref<128x128xf32, #tpu.memory_space<vmem>>, vector<16xf32>,
        tpu.vector_store %arg10[%swap3A_309, %swap3A_310], %mul3A_308 {strides = array<i32>} : memref<128x128xf32, #tpu.memory_space<vmem>>, vector<16xf32>,
        %broadcast_in_dim3A_312 = arith.constant 2 : i32
        %broadcast_in_dim3A_313 = vector.broadcast %broadcast_in_dim3A_312 : i32 to vector<16xi32>
        %gather3A_314 = tpu.vector_load_idx %arg11[%add3A_291, %broadcast_in_dim3A_313] : memref<128x16xf32, #tpu.memory_space<vmem>>[vector<16xi32>, vector<16xi32>], vector<16xf32>,
        %get3A_315 = arith.index_cast %scan3A_287 : i32 to index
        %get3A_316 = arith.constant 32 : index
        %get3A_317 = tpu.vector_load %arg10[%get3A_315, %get3A_316] {strides = array<i32>} : memref<128x128xf32, #tpu.memory_space<vmem>>, vector<16xf32>,
        %mul3A_318 = arith.mulf %get3A_317, %gather3A_314 : vector<16xf32>
        %swap3A_319 = arith.index_cast %scan3A_287 : i32 to index
        %swap3A_320 = arith.constant 32 : index
        %swap3A_321 = tpu.vector_load %arg10[%swap3A_319, %swap3A_320] {strides = array<i32>} : memref<128x128xf32, #tpu.memory_space<vmem>>, vector<16xf32>,
        tpu.vector_store %arg10[%swap3A_319, %swap3A_320], %mul3A_318 {strides = array<i32>} : memref<128x128xf32, #tpu.memory_space<vmem>>, vector<16xf32>,
        %broadcast_in_dim3A_322 = arith.constant 3 : i32
        %broadcast_in_dim3A_323 = vector.broadcast %broadcast_in_dim3A_322 : i32 to vector<16xi32>
        %gather3A_324 = tpu.vector_load_idx %arg11[%add3A_291, %broadcast_in_dim3A_323] : memref<128x16xf32, #tpu.memory_space<vmem>>[vector<16xi32>, vector<16xi32>], vector<16xf32>,
        %get3A_325 = arith.index_cast %scan3A_287 : i32 to index
        %get3A_326 = arith.constant 48 : index
        %get3A_327 = tpu.vector_load %arg10[%get3A_325, %get3A_326] {strides = array<i32>} : memref<128x128xf32, #tpu.memory_space<vmem>>, vector<16xf32>,
        %mul3A_328 = arith.mulf %get3A_327, %gather3A_324 : vector<16xf32>
        %swap3A_329 = arith.index_cast %scan3A_287 : i32 to index
        %swap3A_330 = arith.constant 48 : index
        %swap3A_331 = tpu.vector_load %arg10[%swap3A_329, %swap3A_330] {strides = array<i32>} : memref<128x128xf32, #tpu.memory_space<vmem>>, vector<16xf32>,
        tpu.vector_store %arg10[%swap3A_329, %swap3A_330], %mul3A_328 {strides = array<i32>} : memref<128x128xf32, #tpu.memory_space<vmem>>, vector<16xf32>,
        %broadcast_in_dim3A_332 = arith.constant 4 : i32
        %broadcast_in_dim3A_333 = vector.broadcast %broadcast_in_dim3A_332 : i32 to vector<16xi32>
        %gather3A_334 = tpu.vector_load_idx %arg11[%add3A_291, %broadcast_in_dim3A_333] : memref<128x16xf32, #tpu.memory_space<vmem>>[vector<16xi32>, vector<16xi32>], vector<16xf32>,
        %get3A_335 = arith.index_cast %scan3A_287 : i32 to index
        %get3A_336 = arith.constant 64 : index
        %get3A_337 = tpu.vector_load %arg10[%get3A_335, %get3A_336] {strides = array<i32>} : memref<128x128xf32, #tpu.memory_space<vmem>>, vector<16xf32>,
        %mul3A_338 = arith.mulf %get3A_337, %gather3A_334 : vector<16xf32>
        %swap3A_339 = arith.index_cast %scan3A_287 : i32 to index
        %swap3A_340 = arith.constant 64 : index
        %swap3A_341 = tpu.vector_load %arg10[%swap3A_339, %swap3A_340] {strides = array<i32>} : memref<128x128xf32, #tpu.memory_space<vmem>>, vector<16xf32>,
        tpu.vector_store %arg10[%swap3A_339, %swap3A_340], %mul3A_338 {strides = array<i32>} : memref<128x128xf32, #tpu.memory_space<vmem>>, vector<16xf32>,
        %broadcast_in_dim3A_342 = arith.constant 5 : i32
        %broadcast_in_dim3A_343 = vector.broadcast %broadcast_in_dim3A_342 : i32 to vector<16xi32>
        %gather3A_344 = tpu.vector_load_idx %arg11[%add3A_291, %broadcast_in_dim3A_343] : memref<128x16xf32, #tpu.memory_space<vmem>>[vector<16xi32>, vector<16xi32>], vector<16xf32>,
        %get3A_345 = arith.index_cast %scan3A_287 : i32 to index
        %get3A_346 = arith.constant 80 : index
        %get3A_347 = tpu.vector_load %arg10[%get3A_345, %get3A_346] {strides = array<i32>} : memref<128x128xf32, #tpu.memory_space<vmem>>, vector<16xf32>,
        %mul3A_348 = arith.mulf %get3A_347, %gather3A_344 : vector<16xf32>
        %swap3A_349 = arith.index_cast %scan3A_287 : i32 to index
        %swap3A_350 = arith.constant 80 : index
        %swap3A_351 = tpu.vector_load %arg10[%swap3A_349, %swap3A_350] {strides = array<i32>} : memref<128x128xf32, #tpu.memory_space<vmem>>, vector<16xf32>,
        tpu.vector_store %arg10[%swap3A_349, %swap3A_350], %mul3A_348 {strides = array<i32>} : memref<128x128xf32, #tpu.memory_space<vmem>>, vector<16xf32>,
        %broadcast_in_dim3A_352 = arith.constant 6 : i32
        %broadcast_in_dim3A_353 = vector.broadcast %broadcast_in_dim3A_352 : i32 to vector<16xi32>
        %gather3A_354 = tpu.vector_load_idx %arg11[%add3A_291, %broadcast_in_dim3A_353] : memref<128x16xf32, #tpu.memory_space<vmem>>[vector<16xi32>, vector<16xi32>], vector<16xf32>,
        %get3A_355 = arith.index_cast %scan3A_287 : i32 to index
        %get3A_356 = arith.constant 96 : index
        %get3A_357 = tpu.vector_load %arg10[%get3A_355, %get3A_356] {strides = array<i32>} : memref<128x128xf32, #tpu.memory_space<vmem>>, vector<16xf32>,
        %mul3A_358 = arith.mulf %get3A_357, %gather3A_354 : vector<16xf32>
        %swap3A_359 = arith.index_cast %scan3A_287 : i32 to index
        %swap3A_360 = arith.constant 96 : index
        %swap3A_361 = tpu.vector_load %arg10[%swap3A_359, %swap3A_360] {strides = array<i32>} : memref<128x128xf32, #tpu.memory_space<vmem>>, vector<16xf32>,
        tpu.vector_store %arg10[%swap3A_359, %swap3A_360], %mul3A_358 {strides = array<i32>} : memref<128x128xf32, #tpu.memory_space<vmem>>, vector<16xf32>,
        %broadcast_in_dim3A_362 = arith.constant 7 : i32
        %broadcast_in_dim3A_363 = vector.broadcast %broadcast_in_dim3A_362 : i32 to vector<16xi32>
        %gather3A_364 = tpu.vector_load_idx %arg11[%add3A_291, %broadcast_in_dim3A_363] : memref<128x16xf32, #tpu.memory_space<vmem>>[vector<16xi32>, vector<16xi32>], vector<16xf32>,
        %get3A_365 = arith.index_cast %scan3A_287 : i32 to index
        %get3A_366 = arith.constant 112 : index
        %get3A_367 = tpu.vector_load %arg10[%get3A_365, %get3A_366] {strides = array<i32>} : memref<128x128xf32, #tpu.memory_space<vmem>>, vector<16xf32>,
        %mul3A_368 = arith.mulf %get3A_367, %gather3A_364 : vector<16xf32>
        %swap3A_369 = arith.index_cast %scan3A_287 : i32 to index
        %swap3A_370 = arith.constant 112 : index
        %swap3A_371 = tpu.vector_load %arg10[%swap3A_369, %swap3A_370] {strides = array<i32>} : memref<128x128xf32, #tpu.memory_space<vmem>>, vector<16xf32>,
        tpu.vector_store %arg10[%swap3A_369, %swap3A_370], %mul3A_368 {strides = array<i32>} : memref<128x128xf32, #tpu.memory_space<vmem>>, vector<16xf32>,
        %scan3A_372 = arith.constant 0 : i32
        scf.yield %scan3A_372 : i32
      }
      %scan3A_27 = arith.constant 128 : i32
      "tpu.region"() ({
        %run_scoped3A = tpu.sem_alloc : memref<!tpu.dma_semaphore, #tpu.memory_space<semaphore_mem>>
        %dma_start3A = arith.constant 0 : i32
        %dma_start3A_29 = arith.constant 0 : i32
        %dma_start3A_30 = tpu.memref_slice %arg12[%dma_start3A, %dma_start3A_29] : memref<10240x128xf32, #tpu.memory_space<vmem_shared>> -> memref<10240x128xf32, #tpu.memory_space<vmem_shared>>
        tpu.enqueue_indirect_dma source(%arg10 : memref<128x128xf32, #tpu.memory_space<vmem>>) target(%dma_start3A_30 : memref<10240x128xf32, #tpu.memory_space<vmem_shared>>) offsets(%arg9 : memref<128xi32, #tpu.memory_space<vmem>>) semaphore(%run_scoped3A : memref<!tpu.dma_semaphore, #tpu.memory_space<semaphore_mem>>) {add = true}
        %dma_wait3A = arith.constant 0 : i32
        %dma_wait3A_31 = arith.constant 0 : i32
        %dma_wait3A_32 = tpu.memref_slice %arg12[%dma_wait3A, %dma_wait3A_31] : memref<10240x128xf32, #tpu.memory_space<vmem_shared>> -> memref<10240x128xf32, #tpu.memory_space<vmem_shared>>
        tpu.wait_indirect_dma semaphore(%run_scoped3A : memref<!tpu.dma_semaphore, #tpu.memory_space<semaphore_mem>>) src(%arg10 : memref<128x128xf32, #tpu.memory_space<vmem>>) dst(%dma_wait3A_32 : memref<10240x128xf32, #tpu.memory_space<vmem_shared>>)
        tpu.yield
      }) : () -> ()
      %scan3A_28 = arith.constant 0 : i32
      scf.yield %scan3A_28 : i32
    }
    %scan3A_10 = arith.constant 81 : i32
    %barrier3A_11 = arith.constant 0 : index
    tpu.barrier barrier_id(%barrier3A_11)
    %mul3A_12 = arith.constant 640 : i32
    %mul3A_13 = arith.muli %arg1, %mul3A_12 : i32
    %mul3A_14 = arith.constant 640 : i32
    %mul3A_15 = arith.muli %arg1, %mul3A_14 : i32
    "tpu.region"() ({
      %run_scoped3A = tpu.sem_alloc : memref<!tpu.dma_semaphore, #tpu.memory_space<semaphore_mem>>
      %dma_start3A = arith.constant 0 : i32
      %dma_start3A_16 = tpu.memref_slice %arg7[%arg0, %mul3A_15, %dma_start3A] : memref<2x10240x128xf32, #tpu.memory_space<hbm>> -> memref<1x640x128xf32, #tpu.memory_space<hbm>>
      %dma_start3A_17 = tpu.memref_squeeze %dma_start3A_16 : memref<1x640x128xf32, #tpu.memory_space<hbm>> -> memref<640x128xf32, #tpu.memory_space<hbm>>
      %dma_start3A_18 = arith.constant 0 : i32
      %dma_start3A_19 = tpu.memref_slice %arg12[%mul3A_13, %dma_start3A_18] : memref<10240x128xf32, #tpu.memory_space<vmem_shared>> -> memref<640x128xf32, #tpu.memory_space<vmem_shared>>
      tpu.enqueue_dma source(%dma_start3A_19 : memref<640x128xf32, #tpu.memory_space<vmem_shared>>) target(%dma_start3A_17 : memref<640x128xf32, #tpu.memory_space<hbm>>) target_semaphore(%run_scoped3A : memref<!tpu.dma_semaphore, #tpu.memory_space<semaphore_mem>>)
      %dma_wait3A = arith.constant 0 : i32
      %dma_wait3A_20 = tpu.memref_slice %arg7[%arg0, %mul3A_15, %dma_wait3A] : memref<2x10240x128xf32, #tpu.memory_space<hbm>> -> memref<1x640x128xf32, #tpu.memory_space<hbm>>
      %dma_wait3A_21 = tpu.memref_squeeze %dma_wait3A_20 : memref<1x640x128xf32, #tpu.memory_space<hbm>> -> memref<640x128xf32, #tpu.memory_space<hbm>>
      %dma_wait3A_22 = arith.constant 0 : i32
      %dma_wait3A_23 = tpu.memref_slice %arg12[%mul3A_13, %dma_wait3A_22] : memref<10240x128xf32, #tpu.memory_space<vmem_shared>> -> memref<640x128xf32, #tpu.memory_space<vmem_shared>>
      tpu.wait_dma2 semaphore(%run_scoped3A : memref<!tpu.dma_semaphore, #tpu.memory_space<semaphore_mem>>) src(%dma_wait3A_23 : memref<640x128xf32, #tpu.memory_space<vmem_shared>>) dst(%dma_wait3A_21 : memref<640x128xf32, #tpu.memory_space<hbm>>)
      tpu.yield
    }) : () -> ()
    return
  }
}

#map = affine_map<(d0, d1) -> (0)>
#map1 = affine_map<(d0, d1) -> (0, 0)>
#map2 = affine_map<(d0, d1) -> (0, 0, 0)>
module attributes {stable_mosaic.version = 14 : i64} {
  func.func @k(%arg0: i32, %arg1: i32, %arg2: memref<331776xi32, #tpu.memory_space<hbm>>, %arg3: memref<331776xi32, #tpu.memory_space<hbm>>, %arg4: memref<10240x128xf32, #tpu.memory_space<hbm>>, %arg5: memref<331776xf32, #tpu.memory_space<hbm>>, %arg6: memref<640x128xf32, #tpu.memory_space<hbm>>, %arg7: memref<2x10240x128xf32, #tpu.memory_space<hbm>>, %arg8: memref<128xi32, #tpu.memory_space<vmem>>, %arg9: memref<128xi32, #tpu.memory_space<vmem>>, %arg10: memref<128x128xf32, #tpu.memory_space<vmem>>, %arg11: memref<128xf32, #tpu.memory_space<vmem>>, %arg12: memref<10240x128xf32, #tpu.memory_space<vmem_shared>>) attributes {dimension_semantics = [#tpu.dimension_semantics<core_parallel>, #tpu.dimension_semantics<subcore_parallel>], iteration_bounds = array<i64: 2, 16>, scalar_prefetch = 0 : i64, scratch_operands = 5 : i64, tpu.core_type = #tpu.core_type<sc_vector_subcore>, window_params = [{transform_indices = #map}, {transform_indices = #map}, {transform_indices = #map1}, {transform_indices = #map}, {transform_indices = #map1}, {transform_indices = #map2}]} {
    %mul3A = arith.constant 16 : i32
    %mul3A_0 = arith.muli %arg0, %mul3A : i32
    %add3A = arith.addi %mul3A_0, %arg1 : i32
    %mul3A_1 = arith.constant 640 : i32
    %mul3A_2 = arith.muli %arg1, %mul3A_1 : i32
    "tpu.region"() ({
      %run_scoped3A = tpu.sem_alloc : memref<!tpu.dma_semaphore, #tpu.memory_space<semaphore_mem>>
      %dma_start3A = arith.constant 0 : i32
      %dma_start3A_16 = tpu.memref_slice %arg12[%mul3A_2, %dma_start3A] : memref<10240x128xf32, #tpu.memory_space<vmem_shared>> -> memref<640x128xf32, #tpu.memory_space<vmem_shared>>
      tpu.enqueue_dma source(%arg6 : memref<640x128xf32, #tpu.memory_space<hbm>>) target(%dma_start3A_16 : memref<640x128xf32, #tpu.memory_space<vmem_shared>>) target_semaphore(%run_scoped3A : memref<!tpu.dma_semaphore, #tpu.memory_space<semaphore_mem>>)
      %dma_wait3A = arith.constant 0 : i32
      %dma_wait3A_17 = tpu.memref_slice %arg12[%mul3A_2, %dma_wait3A] : memref<10240x128xf32, #tpu.memory_space<vmem_shared>> -> memref<640x128xf32, #tpu.memory_space<vmem_shared>>
      tpu.wait_dma2 semaphore(%run_scoped3A : memref<!tpu.dma_semaphore, #tpu.memory_space<semaphore_mem>>) src(%arg6 : memref<640x128xf32, #tpu.memory_space<hbm>>) dst(%dma_wait3A_17 : memref<640x128xf32, #tpu.memory_space<vmem_shared>>)
      tpu.yield
    }) : () -> ()
    %barrier3A = arith.constant 0 : index
    tpu.barrier barrier_id(%barrier3A)
    %mul3A_3 = arith.constant 10368 : i32
    %mul3A_4 = arith.muli %add3A, %mul3A_3 : i32
    %scan3A = arith.constant 0 : i32
    %scan3A_5 = arith.constant 0 : i32
    %scan3A_6 = arith.constant 81 : i32
    %scan3A_7 = arith.addi %scan3A_5, %scan3A_6 : i32
    %scan3A_8 = arith.constant 1 : i32
    %scan3A_9 = scf.for %scan3A_16 = %scan3A_5 to %scan3A_7 step %scan3A_8 iter_args(%scan3A_17 = %scan3A) -> (i32)  : i32 {
      %mul3A_18 = arith.constant 128 : i32
      %mul3A_19 = arith.muli %scan3A_16, %mul3A_18 : i32
      %add3A_20 = arith.addi %mul3A_4, %mul3A_19 : i32
      "tpu.region"() ({
        %run_scoped3A = tpu.sem_alloc : memref<!tpu.dma_semaphore, #tpu.memory_space<semaphore_mem>>
        %dma_start3A = tpu.memref_slice %arg2[%add3A_20] : memref<331776xi32, #tpu.memory_space<hbm>> -> memref<128xi32, #tpu.memory_space<hbm>>
        %dma_start3A_29 = tpu.memref_slice %arg2[%add3A_20] : memref<331776xi32, #tpu.memory_space<hbm>> -> memref<128xi32, #tpu.memory_space<hbm>>
        tpu.enqueue_dma source(%dma_start3A_29 : memref<128xi32, #tpu.memory_space<hbm>>) target(%arg8 : memref<128xi32, #tpu.memory_space<vmem>>) target_semaphore(%run_scoped3A : memref<!tpu.dma_semaphore, #tpu.memory_space<semaphore_mem>>)
        %dma_wait3A = tpu.memref_slice %arg2[%add3A_20] : memref<331776xi32, #tpu.memory_space<hbm>> -> memref<128xi32, #tpu.memory_space<hbm>>
        %dma_wait3A_30 = tpu.memref_slice %arg2[%add3A_20] : memref<331776xi32, #tpu.memory_space<hbm>> -> memref<128xi32, #tpu.memory_space<hbm>>
        tpu.wait_dma2 semaphore(%run_scoped3A : memref<!tpu.dma_semaphore, #tpu.memory_space<semaphore_mem>>) src(%dma_wait3A_30 : memref<128xi32, #tpu.memory_space<hbm>>) dst(%arg8 : memref<128xi32, #tpu.memory_space<vmem>>)
        tpu.yield
      }) : () -> ()
      "tpu.region"() ({
        %run_scoped3A = tpu.sem_alloc : memref<!tpu.dma_semaphore, #tpu.memory_space<semaphore_mem>>
        %dma_start3A = tpu.memref_slice %arg3[%add3A_20] : memref<331776xi32, #tpu.memory_space<hbm>> -> memref<128xi32, #tpu.memory_space<hbm>>
        %dma_start3A_29 = tpu.memref_slice %arg3[%add3A_20] : memref<331776xi32, #tpu.memory_space<hbm>> -> memref<128xi32, #tpu.memory_space<hbm>>
        tpu.enqueue_dma source(%dma_start3A_29 : memref<128xi32, #tpu.memory_space<hbm>>) target(%arg9 : memref<128xi32, #tpu.memory_space<vmem>>) target_semaphore(%run_scoped3A : memref<!tpu.dma_semaphore, #tpu.memory_space<semaphore_mem>>)
        %dma_wait3A = tpu.memref_slice %arg3[%add3A_20] : memref<331776xi32, #tpu.memory_space<hbm>> -> memref<128xi32, #tpu.memory_space<hbm>>
        %dma_wait3A_30 = tpu.memref_slice %arg3[%add3A_20] : memref<331776xi32, #tpu.memory_space<hbm>> -> memref<128xi32, #tpu.memory_space<hbm>>
        tpu.wait_dma2 semaphore(%run_scoped3A : memref<!tpu.dma_semaphore, #tpu.memory_space<semaphore_mem>>) src(%dma_wait3A_30 : memref<128xi32, #tpu.memory_space<hbm>>) dst(%arg9 : memref<128xi32, #tpu.memory_space<vmem>>)
        tpu.yield
      }) : () -> ()
      "tpu.region"() ({
        %run_scoped3A = tpu.sem_alloc : memref<!tpu.dma_semaphore, #tpu.memory_space<semaphore_mem>>
        %dma_start3A = arith.constant 0 : i32
        %dma_start3A_29 = arith.constant 0 : i32
        %dma_start3A_30 = tpu.memref_slice %arg4[%dma_start3A, %dma_start3A_29] : memref<10240x128xf32, #tpu.memory_space<hbm>> -> memref<10240x128xf32, #tpu.memory_space<hbm>>
        tpu.enqueue_indirect_dma source(%dma_start3A_30 : memref<10240x128xf32, #tpu.memory_space<hbm>>) target(%arg10 : memref<128x128xf32, #tpu.memory_space<vmem>>) offsets(%arg8 : memref<128xi32, #tpu.memory_space<vmem>>) semaphore(%run_scoped3A : memref<!tpu.dma_semaphore, #tpu.memory_space<semaphore_mem>>)
        %dma_wait3A = arith.constant 0 : i32
        %dma_wait3A_31 = arith.constant 0 : i32
        %dma_wait3A_32 = tpu.memref_slice %arg4[%dma_wait3A, %dma_wait3A_31] : memref<10240x128xf32, #tpu.memory_space<hbm>> -> memref<10240x128xf32, #tpu.memory_space<hbm>>
        tpu.wait_indirect_dma semaphore(%run_scoped3A : memref<!tpu.dma_semaphore, #tpu.memory_space<semaphore_mem>>) src(%dma_wait3A_32 : memref<10240x128xf32, #tpu.memory_space<hbm>>) dst(%arg10 : memref<128x128xf32, #tpu.memory_space<vmem>>)
        tpu.yield
      }) : () -> ()
      "tpu.region"() ({
        %run_scoped3A = tpu.sem_alloc : memref<!tpu.dma_semaphore, #tpu.memory_space<semaphore_mem>>
        %dma_start3A = tpu.memref_slice %arg5[%add3A_20] : memref<331776xf32, #tpu.memory_space<hbm>> -> memref<128xf32, #tpu.memory_space<hbm>>
        %dma_start3A_29 = tpu.memref_slice %arg5[%add3A_20] : memref<331776xf32, #tpu.memory_space<hbm>> -> memref<128xf32, #tpu.memory_space<hbm>>
        tpu.enqueue_dma source(%dma_start3A_29 : memref<128xf32, #tpu.memory_space<hbm>>) target(%arg11 : memref<128xf32, #tpu.memory_space<vmem>>) target_semaphore(%run_scoped3A : memref<!tpu.dma_semaphore, #tpu.memory_space<semaphore_mem>>)
        %dma_wait3A = tpu.memref_slice %arg5[%add3A_20] : memref<331776xf32, #tpu.memory_space<hbm>> -> memref<128xf32, #tpu.memory_space<hbm>>
        %dma_wait3A_30 = tpu.memref_slice %arg5[%add3A_20] : memref<331776xf32, #tpu.memory_space<hbm>> -> memref<128xf32, #tpu.memory_space<hbm>>
        tpu.wait_dma2 semaphore(%run_scoped3A : memref<!tpu.dma_semaphore, #tpu.memory_space<semaphore_mem>>) src(%dma_wait3A_30 : memref<128xf32, #tpu.memory_space<hbm>>) dst(%arg11 : memref<128xf32, #tpu.memory_space<vmem>>)
        tpu.yield
      }) : () -> ()
      %scan3A_21 = arith.constant 0 : i32
      %scan3A_22 = arith.constant 0 : i32
      %scan3A_23 = arith.constant 128 : i32
      %scan3A_24 = arith.addi %scan3A_22, %scan3A_23 : i32
      %scan3A_25 = arith.constant 4 : i32
      %scan3A_26 = scf.for %scan3A_29 = %scan3A_22 to %scan3A_24 step %scan3A_25 iter_args(%scan3A_30 = %scan3A_21) -> (i32)  : i32 {
        %broadcast_in_dim3A = arith.constant 0 : i32
        %broadcast_in_dim3A_31 = vector.broadcast %broadcast_in_dim3A : i32 to vector<16xi32>
        %add3A_32 = vector.broadcast %scan3A_29 : i32 to vector<16xi32>
        %add3A_33 = arith.addi %broadcast_in_dim3A_31, %add3A_32 : vector<16xi32>
        %gather3A = tpu.vector_load_idx %arg11[%add3A_33] : memref<128xf32, #tpu.memory_space<vmem>>[vector<16xi32>], vector<16xf32>,
        %get3A = arith.index_cast %scan3A_29 : i32 to index
        %get3A_34 = arith.constant 0 : index
        %get3A_35 = tpu.vector_load %arg10[%get3A, %get3A_34] {strides = array<i32>} : memref<128x128xf32, #tpu.memory_space<vmem>>, vector<16xf32>,
        %mul3A_36 = arith.mulf %get3A_35, %gather3A : vector<16xf32>
        %swap3A = arith.index_cast %scan3A_29 : i32 to index
        %swap3A_37 = arith.constant 0 : index
        %swap3A_38 = tpu.vector_load %arg10[%swap3A, %swap3A_37] {strides = array<i32>} : memref<128x128xf32, #tpu.memory_space<vmem>>, vector<16xf32>,
        tpu.vector_store %arg10[%swap3A, %swap3A_37], %mul3A_36 {strides = array<i32>} : memref<128x128xf32, #tpu.memory_space<vmem>>, vector<16xf32>,
        %get3A_39 = arith.index_cast %scan3A_29 : i32 to index
        %get3A_40 = arith.constant 16 : index
        %get3A_41 = tpu.vector_load %arg10[%get3A_39, %get3A_40] {strides = array<i32>} : memref<128x128xf32, #tpu.memory_space<vmem>>, vector<16xf32>,
        %mul3A_42 = arith.mulf %get3A_41, %gather3A : vector<16xf32>
        %swap3A_43 = arith.index_cast %scan3A_29 : i32 to index
        %swap3A_44 = arith.constant 16 : index
        %swap3A_45 = tpu.vector_load %arg10[%swap3A_43, %swap3A_44] {strides = array<i32>} : memref<128x128xf32, #tpu.memory_space<vmem>>, vector<16xf32>,
        tpu.vector_store %arg10[%swap3A_43, %swap3A_44], %mul3A_42 {strides = array<i32>} : memref<128x128xf32, #tpu.memory_space<vmem>>, vector<16xf32>,
        %get3A_46 = arith.index_cast %scan3A_29 : i32 to index
        %get3A_47 = arith.constant 32 : index
        %get3A_48 = tpu.vector_load %arg10[%get3A_46, %get3A_47] {strides = array<i32>} : memref<128x128xf32, #tpu.memory_space<vmem>>, vector<16xf32>,
        %mul3A_49 = arith.mulf %get3A_48, %gather3A : vector<16xf32>
        %swap3A_50 = arith.index_cast %scan3A_29 : i32 to index
        %swap3A_51 = arith.constant 32 : index
        %swap3A_52 = tpu.vector_load %arg10[%swap3A_50, %swap3A_51] {strides = array<i32>} : memref<128x128xf32, #tpu.memory_space<vmem>>, vector<16xf32>,
        tpu.vector_store %arg10[%swap3A_50, %swap3A_51], %mul3A_49 {strides = array<i32>} : memref<128x128xf32, #tpu.memory_space<vmem>>, vector<16xf32>,
        %get3A_53 = arith.index_cast %scan3A_29 : i32 to index
        %get3A_54 = arith.constant 48 : index
        %get3A_55 = tpu.vector_load %arg10[%get3A_53, %get3A_54] {strides = array<i32>} : memref<128x128xf32, #tpu.memory_space<vmem>>, vector<16xf32>,
        %mul3A_56 = arith.mulf %get3A_55, %gather3A : vector<16xf32>
        %swap3A_57 = arith.index_cast %scan3A_29 : i32 to index
        %swap3A_58 = arith.constant 48 : index
        %swap3A_59 = tpu.vector_load %arg10[%swap3A_57, %swap3A_58] {strides = array<i32>} : memref<128x128xf32, #tpu.memory_space<vmem>>, vector<16xf32>,
        tpu.vector_store %arg10[%swap3A_57, %swap3A_58], %mul3A_56 {strides = array<i32>} : memref<128x128xf32, #tpu.memory_space<vmem>>, vector<16xf32>,
        %get3A_60 = arith.index_cast %scan3A_29 : i32 to index
        %get3A_61 = arith.constant 64 : index
        %get3A_62 = tpu.vector_load %arg10[%get3A_60, %get3A_61] {strides = array<i32>} : memref<128x128xf32, #tpu.memory_space<vmem>>, vector<16xf32>,
        %mul3A_63 = arith.mulf %get3A_62, %gather3A : vector<16xf32>
        %swap3A_64 = arith.index_cast %scan3A_29 : i32 to index
        %swap3A_65 = arith.constant 64 : index
        %swap3A_66 = tpu.vector_load %arg10[%swap3A_64, %swap3A_65] {strides = array<i32>} : memref<128x128xf32, #tpu.memory_space<vmem>>, vector<16xf32>,
        tpu.vector_store %arg10[%swap3A_64, %swap3A_65], %mul3A_63 {strides = array<i32>} : memref<128x128xf32, #tpu.memory_space<vmem>>, vector<16xf32>,
        %get3A_67 = arith.index_cast %scan3A_29 : i32 to index
        %get3A_68 = arith.constant 80 : index
        %get3A_69 = tpu.vector_load %arg10[%get3A_67, %get3A_68] {strides = array<i32>} : memref<128x128xf32, #tpu.memory_space<vmem>>, vector<16xf32>,
        %mul3A_70 = arith.mulf %get3A_69, %gather3A : vector<16xf32>
        %swap3A_71 = arith.index_cast %scan3A_29 : i32 to index
        %swap3A_72 = arith.constant 80 : index
        %swap3A_73 = tpu.vector_load %arg10[%swap3A_71, %swap3A_72] {strides = array<i32>} : memref<128x128xf32, #tpu.memory_space<vmem>>, vector<16xf32>,
        tpu.vector_store %arg10[%swap3A_71, %swap3A_72], %mul3A_70 {strides = array<i32>} : memref<128x128xf32, #tpu.memory_space<vmem>>, vector<16xf32>,
        %get3A_74 = arith.index_cast %scan3A_29 : i32 to index
        %get3A_75 = arith.constant 96 : index
        %get3A_76 = tpu.vector_load %arg10[%get3A_74, %get3A_75] {strides = array<i32>} : memref<128x128xf32, #tpu.memory_space<vmem>>, vector<16xf32>,
        %mul3A_77 = arith.mulf %get3A_76, %gather3A : vector<16xf32>
        %swap3A_78 = arith.index_cast %scan3A_29 : i32 to index
        %swap3A_79 = arith.constant 96 : index
        %swap3A_80 = tpu.vector_load %arg10[%swap3A_78, %swap3A_79] {strides = array<i32>} : memref<128x128xf32, #tpu.memory_space<vmem>>, vector<16xf32>,
        tpu.vector_store %arg10[%swap3A_78, %swap3A_79], %mul3A_77 {strides = array<i32>} : memref<128x128xf32, #tpu.memory_space<vmem>>, vector<16xf32>,
        %get3A_81 = arith.index_cast %scan3A_29 : i32 to index
        %get3A_82 = arith.constant 112 : index
        %get3A_83 = tpu.vector_load %arg10[%get3A_81, %get3A_82] {strides = array<i32>} : memref<128x128xf32, #tpu.memory_space<vmem>>, vector<16xf32>,
        %mul3A_84 = arith.mulf %get3A_83, %gather3A : vector<16xf32>
        %swap3A_85 = arith.index_cast %scan3A_29 : i32 to index
        %swap3A_86 = arith.constant 112 : index
        %swap3A_87 = tpu.vector_load %arg10[%swap3A_85, %swap3A_86] {strides = array<i32>} : memref<128x128xf32, #tpu.memory_space<vmem>>, vector<16xf32>,
        tpu.vector_store %arg10[%swap3A_85, %swap3A_86], %mul3A_84 {strides = array<i32>} : memref<128x128xf32, #tpu.memory_space<vmem>>, vector<16xf32>,
        %scan3A_88 = arith.constant 0 : i32
        %scan3A_89 = arith.constant 1 : i32
        %scan3A_90 = arith.addi %scan3A_29, %scan3A_89 : i32
        %broadcast_in_dim3A_91 = arith.constant 0 : i32
        %broadcast_in_dim3A_92 = vector.broadcast %broadcast_in_dim3A_91 : i32 to vector<16xi32>
        %add3A_93 = vector.broadcast %scan3A_90 : i32 to vector<16xi32>
        %add3A_94 = arith.addi %broadcast_in_dim3A_92, %add3A_93 : vector<16xi32>
        %gather3A_95 = tpu.vector_load_idx %arg11[%add3A_94] : memref<128xf32, #tpu.memory_space<vmem>>[vector<16xi32>], vector<16xf32>,
        %get3A_96 = arith.index_cast %scan3A_90 : i32 to index
        %get3A_97 = arith.constant 0 : index
        %get3A_98 = tpu.vector_load %arg10[%get3A_96, %get3A_97] {strides = array<i32>} : memref<128x128xf32, #tpu.memory_space<vmem>>, vector<16xf32>,
        %mul3A_99 = arith.mulf %get3A_98, %gather3A_95 : vector<16xf32>
        %swap3A_100 = arith.index_cast %scan3A_90 : i32 to index
        %swap3A_101 = arith.constant 0 : index
        %swap3A_102 = tpu.vector_load %arg10[%swap3A_100, %swap3A_101] {strides = array<i32>} : memref<128x128xf32, #tpu.memory_space<vmem>>, vector<16xf32>,
        tpu.vector_store %arg10[%swap3A_100, %swap3A_101], %mul3A_99 {strides = array<i32>} : memref<128x128xf32, #tpu.memory_space<vmem>>, vector<16xf32>,
        %get3A_103 = arith.index_cast %scan3A_90 : i32 to index
        %get3A_104 = arith.constant 16 : index
        %get3A_105 = tpu.vector_load %arg10[%get3A_103, %get3A_104] {strides = array<i32>} : memref<128x128xf32, #tpu.memory_space<vmem>>, vector<16xf32>,
        %mul3A_106 = arith.mulf %get3A_105, %gather3A_95 : vector<16xf32>
        %swap3A_107 = arith.index_cast %scan3A_90 : i32 to index
        %swap3A_108 = arith.constant 16 : index
        %swap3A_109 = tpu.vector_load %arg10[%swap3A_107, %swap3A_108] {strides = array<i32>} : memref<128x128xf32, #tpu.memory_space<vmem>>, vector<16xf32>,
        tpu.vector_store %arg10[%swap3A_107, %swap3A_108], %mul3A_106 {strides = array<i32>} : memref<128x128xf32, #tpu.memory_space<vmem>>, vector<16xf32>,
        %get3A_110 = arith.index_cast %scan3A_90 : i32 to index
        %get3A_111 = arith.constant 32 : index
        %get3A_112 = tpu.vector_load %arg10[%get3A_110, %get3A_111] {strides = array<i32>} : memref<128x128xf32, #tpu.memory_space<vmem>>, vector<16xf32>,
        %mul3A_113 = arith.mulf %get3A_112, %gather3A_95 : vector<16xf32>
        %swap3A_114 = arith.index_cast %scan3A_90 : i32 to index
        %swap3A_115 = arith.constant 32 : index
        %swap3A_116 = tpu.vector_load %arg10[%swap3A_114, %swap3A_115] {strides = array<i32>} : memref<128x128xf32, #tpu.memory_space<vmem>>, vector<16xf32>,
        tpu.vector_store %arg10[%swap3A_114, %swap3A_115], %mul3A_113 {strides = array<i32>} : memref<128x128xf32, #tpu.memory_space<vmem>>, vector<16xf32>,
        %get3A_117 = arith.index_cast %scan3A_90 : i32 to index
        %get3A_118 = arith.constant 48 : index
        %get3A_119 = tpu.vector_load %arg10[%get3A_117, %get3A_118] {strides = array<i32>} : memref<128x128xf32, #tpu.memory_space<vmem>>, vector<16xf32>,
        %mul3A_120 = arith.mulf %get3A_119, %gather3A_95 : vector<16xf32>
        %swap3A_121 = arith.index_cast %scan3A_90 : i32 to index
        %swap3A_122 = arith.constant 48 : index
        %swap3A_123 = tpu.vector_load %arg10[%swap3A_121, %swap3A_122] {strides = array<i32>} : memref<128x128xf32, #tpu.memory_space<vmem>>, vector<16xf32>,
        tpu.vector_store %arg10[%swap3A_121, %swap3A_122], %mul3A_120 {strides = array<i32>} : memref<128x128xf32, #tpu.memory_space<vmem>>, vector<16xf32>,
        %get3A_124 = arith.index_cast %scan3A_90 : i32 to index
        %get3A_125 = arith.constant 64 : index
        %get3A_126 = tpu.vector_load %arg10[%get3A_124, %get3A_125] {strides = array<i32>} : memref<128x128xf32, #tpu.memory_space<vmem>>, vector<16xf32>,
        %mul3A_127 = arith.mulf %get3A_126, %gather3A_95 : vector<16xf32>
        %swap3A_128 = arith.index_cast %scan3A_90 : i32 to index
        %swap3A_129 = arith.constant 64 : index
        %swap3A_130 = tpu.vector_load %arg10[%swap3A_128, %swap3A_129] {strides = array<i32>} : memref<128x128xf32, #tpu.memory_space<vmem>>, vector<16xf32>,
        tpu.vector_store %arg10[%swap3A_128, %swap3A_129], %mul3A_127 {strides = array<i32>} : memref<128x128xf32, #tpu.memory_space<vmem>>, vector<16xf32>,
        %get3A_131 = arith.index_cast %scan3A_90 : i32 to index
        %get3A_132 = arith.constant 80 : index
        %get3A_133 = tpu.vector_load %arg10[%get3A_131, %get3A_132] {strides = array<i32>} : memref<128x128xf32, #tpu.memory_space<vmem>>, vector<16xf32>,
        %mul3A_134 = arith.mulf %get3A_133, %gather3A_95 : vector<16xf32>
        %swap3A_135 = arith.index_cast %scan3A_90 : i32 to index
        %swap3A_136 = arith.constant 80 : index
        %swap3A_137 = tpu.vector_load %arg10[%swap3A_135, %swap3A_136] {strides = array<i32>} : memref<128x128xf32, #tpu.memory_space<vmem>>, vector<16xf32>,
        tpu.vector_store %arg10[%swap3A_135, %swap3A_136], %mul3A_134 {strides = array<i32>} : memref<128x128xf32, #tpu.memory_space<vmem>>, vector<16xf32>,
        %get3A_138 = arith.index_cast %scan3A_90 : i32 to index
        %get3A_139 = arith.constant 96 : index
        %get3A_140 = tpu.vector_load %arg10[%get3A_138, %get3A_139] {strides = array<i32>} : memref<128x128xf32, #tpu.memory_space<vmem>>, vector<16xf32>,
        %mul3A_141 = arith.mulf %get3A_140, %gather3A_95 : vector<16xf32>
        %swap3A_142 = arith.index_cast %scan3A_90 : i32 to index
        %swap3A_143 = arith.constant 96 : index
        %swap3A_144 = tpu.vector_load %arg10[%swap3A_142, %swap3A_143] {strides = array<i32>} : memref<128x128xf32, #tpu.memory_space<vmem>>, vector<16xf32>,
        tpu.vector_store %arg10[%swap3A_142, %swap3A_143], %mul3A_141 {strides = array<i32>} : memref<128x128xf32, #tpu.memory_space<vmem>>, vector<16xf32>,
        %get3A_145 = arith.index_cast %scan3A_90 : i32 to index
        %get3A_146 = arith.constant 112 : index
        %get3A_147 = tpu.vector_load %arg10[%get3A_145, %get3A_146] {strides = array<i32>} : memref<128x128xf32, #tpu.memory_space<vmem>>, vector<16xf32>,
        %mul3A_148 = arith.mulf %get3A_147, %gather3A_95 : vector<16xf32>
        %swap3A_149 = arith.index_cast %scan3A_90 : i32 to index
        %swap3A_150 = arith.constant 112 : index
        %swap3A_151 = tpu.vector_load %arg10[%swap3A_149, %swap3A_150] {strides = array<i32>} : memref<128x128xf32, #tpu.memory_space<vmem>>, vector<16xf32>,
        tpu.vector_store %arg10[%swap3A_149, %swap3A_150], %mul3A_148 {strides = array<i32>} : memref<128x128xf32, #tpu.memory_space<vmem>>, vector<16xf32>,
        %scan3A_152 = arith.constant 0 : i32
        %scan3A_153 = arith.constant 2 : i32
        %scan3A_154 = arith.addi %scan3A_29, %scan3A_153 : i32
        %broadcast_in_dim3A_155 = arith.constant 0 : i32
        %broadcast_in_dim3A_156 = vector.broadcast %broadcast_in_dim3A_155 : i32 to vector<16xi32>
        %add3A_157 = vector.broadcast %scan3A_154 : i32 to vector<16xi32>
        %add3A_158 = arith.addi %broadcast_in_dim3A_156, %add3A_157 : vector<16xi32>
        %gather3A_159 = tpu.vector_load_idx %arg11[%add3A_158] : memref<128xf32, #tpu.memory_space<vmem>>[vector<16xi32>], vector<16xf32>,
        %get3A_160 = arith.index_cast %scan3A_154 : i32 to index
        %get3A_161 = arith.constant 0 : index
        %get3A_162 = tpu.vector_load %arg10[%get3A_160, %get3A_161] {strides = array<i32>} : memref<128x128xf32, #tpu.memory_space<vmem>>, vector<16xf32>,
        %mul3A_163 = arith.mulf %get3A_162, %gather3A_159 : vector<16xf32>
        %swap3A_164 = arith.index_cast %scan3A_154 : i32 to index
        %swap3A_165 = arith.constant 0 : index
        %swap3A_166 = tpu.vector_load %arg10[%swap3A_164, %swap3A_165] {strides = array<i32>} : memref<128x128xf32, #tpu.memory_space<vmem>>, vector<16xf32>,
        tpu.vector_store %arg10[%swap3A_164, %swap3A_165], %mul3A_163 {strides = array<i32>} : memref<128x128xf32, #tpu.memory_space<vmem>>, vector<16xf32>,
        %get3A_167 = arith.index_cast %scan3A_154 : i32 to index
        %get3A_168 = arith.constant 16 : index
        %get3A_169 = tpu.vector_load %arg10[%get3A_167, %get3A_168] {strides = array<i32>} : memref<128x128xf32, #tpu.memory_space<vmem>>, vector<16xf32>,
        %mul3A_170 = arith.mulf %get3A_169, %gather3A_159 : vector<16xf32>
        %swap3A_171 = arith.index_cast %scan3A_154 : i32 to index
        %swap3A_172 = arith.constant 16 : index
        %swap3A_173 = tpu.vector_load %arg10[%swap3A_171, %swap3A_172] {strides = array<i32>} : memref<128x128xf32, #tpu.memory_space<vmem>>, vector<16xf32>,
        tpu.vector_store %arg10[%swap3A_171, %swap3A_172], %mul3A_170 {strides = array<i32>} : memref<128x128xf32, #tpu.memory_space<vmem>>, vector<16xf32>,
        %get3A_174 = arith.index_cast %scan3A_154 : i32 to index
        %get3A_175 = arith.constant 32 : index
        %get3A_176 = tpu.vector_load %arg10[%get3A_174, %get3A_175] {strides = array<i32>} : memref<128x128xf32, #tpu.memory_space<vmem>>, vector<16xf32>,
        %mul3A_177 = arith.mulf %get3A_176, %gather3A_159 : vector<16xf32>
        %swap3A_178 = arith.index_cast %scan3A_154 : i32 to index
        %swap3A_179 = arith.constant 32 : index
        %swap3A_180 = tpu.vector_load %arg10[%swap3A_178, %swap3A_179] {strides = array<i32>} : memref<128x128xf32, #tpu.memory_space<vmem>>, vector<16xf32>,
        tpu.vector_store %arg10[%swap3A_178, %swap3A_179], %mul3A_177 {strides = array<i32>} : memref<128x128xf32, #tpu.memory_space<vmem>>, vector<16xf32>,
        %get3A_181 = arith.index_cast %scan3A_154 : i32 to index
        %get3A_182 = arith.constant 48 : index
        %get3A_183 = tpu.vector_load %arg10[%get3A_181, %get3A_182] {strides = array<i32>} : memref<128x128xf32, #tpu.memory_space<vmem>>, vector<16xf32>,
        %mul3A_184 = arith.mulf %get3A_183, %gather3A_159 : vector<16xf32>
        %swap3A_185 = arith.index_cast %scan3A_154 : i32 to index
        %swap3A_186 = arith.constant 48 : index
        %swap3A_187 = tpu.vector_load %arg10[%swap3A_185, %swap3A_186] {strides = array<i32>} : memref<128x128xf32, #tpu.memory_space<vmem>>, vector<16xf32>,
        tpu.vector_store %arg10[%swap3A_185, %swap3A_186], %mul3A_184 {strides = array<i32>} : memref<128x128xf32, #tpu.memory_space<vmem>>, vector<16xf32>,
        %get3A_188 = arith.index_cast %scan3A_154 : i32 to index
        %get3A_189 = arith.constant 64 : index
        %get3A_190 = tpu.vector_load %arg10[%get3A_188, %get3A_189] {strides = array<i32>} : memref<128x128xf32, #tpu.memory_space<vmem>>, vector<16xf32>,
        %mul3A_191 = arith.mulf %get3A_190, %gather3A_159 : vector<16xf32>
        %swap3A_192 = arith.index_cast %scan3A_154 : i32 to index
        %swap3A_193 = arith.constant 64 : index
        %swap3A_194 = tpu.vector_load %arg10[%swap3A_192, %swap3A_193] {strides = array<i32>} : memref<128x128xf32, #tpu.memory_space<vmem>>, vector<16xf32>,
        tpu.vector_store %arg10[%swap3A_192, %swap3A_193], %mul3A_191 {strides = array<i32>} : memref<128x128xf32, #tpu.memory_space<vmem>>, vector<16xf32>,
        %get3A_195 = arith.index_cast %scan3A_154 : i32 to index
        %get3A_196 = arith.constant 80 : index
        %get3A_197 = tpu.vector_load %arg10[%get3A_195, %get3A_196] {strides = array<i32>} : memref<128x128xf32, #tpu.memory_space<vmem>>, vector<16xf32>,
        %mul3A_198 = arith.mulf %get3A_197, %gather3A_159 : vector<16xf32>
        %swap3A_199 = arith.index_cast %scan3A_154 : i32 to index
        %swap3A_200 = arith.constant 80 : index
        %swap3A_201 = tpu.vector_load %arg10[%swap3A_199, %swap3A_200] {strides = array<i32>} : memref<128x128xf32, #tpu.memory_space<vmem>>, vector<16xf32>,
        tpu.vector_store %arg10[%swap3A_199, %swap3A_200], %mul3A_198 {strides = array<i32>} : memref<128x128xf32, #tpu.memory_space<vmem>>, vector<16xf32>,
        %get3A_202 = arith.index_cast %scan3A_154 : i32 to index
        %get3A_203 = arith.constant 96 : index
        %get3A_204 = tpu.vector_load %arg10[%get3A_202, %get3A_203] {strides = array<i32>} : memref<128x128xf32, #tpu.memory_space<vmem>>, vector<16xf32>,
        %mul3A_205 = arith.mulf %get3A_204, %gather3A_159 : vector<16xf32>
        %swap3A_206 = arith.index_cast %scan3A_154 : i32 to index
        %swap3A_207 = arith.constant 96 : index
        %swap3A_208 = tpu.vector_load %arg10[%swap3A_206, %swap3A_207] {strides = array<i32>} : memref<128x128xf32, #tpu.memory_space<vmem>>, vector<16xf32>,
        tpu.vector_store %arg10[%swap3A_206, %swap3A_207], %mul3A_205 {strides = array<i32>} : memref<128x128xf32, #tpu.memory_space<vmem>>, vector<16xf32>,
        %get3A_209 = arith.index_cast %scan3A_154 : i32 to index
        %get3A_210 = arith.constant 112 : index
        %get3A_211 = tpu.vector_load %arg10[%get3A_209, %get3A_210] {strides = array<i32>} : memref<128x128xf32, #tpu.memory_space<vmem>>, vector<16xf32>,
        %mul3A_212 = arith.mulf %get3A_211, %gather3A_159 : vector<16xf32>
        %swap3A_213 = arith.index_cast %scan3A_154 : i32 to index
        %swap3A_214 = arith.constant 112 : index
        %swap3A_215 = tpu.vector_load %arg10[%swap3A_213, %swap3A_214] {strides = array<i32>} : memref<128x128xf32, #tpu.memory_space<vmem>>, vector<16xf32>,
        tpu.vector_store %arg10[%swap3A_213, %swap3A_214], %mul3A_212 {strides = array<i32>} : memref<128x128xf32, #tpu.memory_space<vmem>>, vector<16xf32>,
        %scan3A_216 = arith.constant 0 : i32
        %scan3A_217 = arith.constant 3 : i32
        %scan3A_218 = arith.addi %scan3A_29, %scan3A_217 : i32
        %broadcast_in_dim3A_219 = arith.constant 0 : i32
        %broadcast_in_dim3A_220 = vector.broadcast %broadcast_in_dim3A_219 : i32 to vector<16xi32>
        %add3A_221 = vector.broadcast %scan3A_218 : i32 to vector<16xi32>
        %add3A_222 = arith.addi %broadcast_in_dim3A_220, %add3A_221 : vector<16xi32>
        %gather3A_223 = tpu.vector_load_idx %arg11[%add3A_222] : memref<128xf32, #tpu.memory_space<vmem>>[vector<16xi32>], vector<16xf32>,
        %get3A_224 = arith.index_cast %scan3A_218 : i32 to index
        %get3A_225 = arith.constant 0 : index
        %get3A_226 = tpu.vector_load %arg10[%get3A_224, %get3A_225] {strides = array<i32>} : memref<128x128xf32, #tpu.memory_space<vmem>>, vector<16xf32>,
        %mul3A_227 = arith.mulf %get3A_226, %gather3A_223 : vector<16xf32>
        %swap3A_228 = arith.index_cast %scan3A_218 : i32 to index
        %swap3A_229 = arith.constant 0 : index
        %swap3A_230 = tpu.vector_load %arg10[%swap3A_228, %swap3A_229] {strides = array<i32>} : memref<128x128xf32, #tpu.memory_space<vmem>>, vector<16xf32>,
        tpu.vector_store %arg10[%swap3A_228, %swap3A_229], %mul3A_227 {strides = array<i32>} : memref<128x128xf32, #tpu.memory_space<vmem>>, vector<16xf32>,
        %get3A_231 = arith.index_cast %scan3A_218 : i32 to index
        %get3A_232 = arith.constant 16 : index
        %get3A_233 = tpu.vector_load %arg10[%get3A_231, %get3A_232] {strides = array<i32>} : memref<128x128xf32, #tpu.memory_space<vmem>>, vector<16xf32>,
        %mul3A_234 = arith.mulf %get3A_233, %gather3A_223 : vector<16xf32>
        %swap3A_235 = arith.index_cast %scan3A_218 : i32 to index
        %swap3A_236 = arith.constant 16 : index
        %swap3A_237 = tpu.vector_load %arg10[%swap3A_235, %swap3A_236] {strides = array<i32>} : memref<128x128xf32, #tpu.memory_space<vmem>>, vector<16xf32>,
        tpu.vector_store %arg10[%swap3A_235, %swap3A_236], %mul3A_234 {strides = array<i32>} : memref<128x128xf32, #tpu.memory_space<vmem>>, vector<16xf32>,
        %get3A_238 = arith.index_cast %scan3A_218 : i32 to index
        %get3A_239 = arith.constant 32 : index
        %get3A_240 = tpu.vector_load %arg10[%get3A_238, %get3A_239] {strides = array<i32>} : memref<128x128xf32, #tpu.memory_space<vmem>>, vector<16xf32>,
        %mul3A_241 = arith.mulf %get3A_240, %gather3A_223 : vector<16xf32>
        %swap3A_242 = arith.index_cast %scan3A_218 : i32 to index
        %swap3A_243 = arith.constant 32 : index
        %swap3A_244 = tpu.vector_load %arg10[%swap3A_242, %swap3A_243] {strides = array<i32>} : memref<128x128xf32, #tpu.memory_space<vmem>>, vector<16xf32>,
        tpu.vector_store %arg10[%swap3A_242, %swap3A_243], %mul3A_241 {strides = array<i32>} : memref<128x128xf32, #tpu.memory_space<vmem>>, vector<16xf32>,
        %get3A_245 = arith.index_cast %scan3A_218 : i32 to index
        %get3A_246 = arith.constant 48 : index
        %get3A_247 = tpu.vector_load %arg10[%get3A_245, %get3A_246] {strides = array<i32>} : memref<128x128xf32, #tpu.memory_space<vmem>>, vector<16xf32>,
        %mul3A_248 = arith.mulf %get3A_247, %gather3A_223 : vector<16xf32>
        %swap3A_249 = arith.index_cast %scan3A_218 : i32 to index
        %swap3A_250 = arith.constant 48 : index
        %swap3A_251 = tpu.vector_load %arg10[%swap3A_249, %swap3A_250] {strides = array<i32>} : memref<128x128xf32, #tpu.memory_space<vmem>>, vector<16xf32>,
        tpu.vector_store %arg10[%swap3A_249, %swap3A_250], %mul3A_248 {strides = array<i32>} : memref<128x128xf32, #tpu.memory_space<vmem>>, vector<16xf32>,
        %get3A_252 = arith.index_cast %scan3A_218 : i32 to index
        %get3A_253 = arith.constant 64 : index
        %get3A_254 = tpu.vector_load %arg10[%get3A_252, %get3A_253] {strides = array<i32>} : memref<128x128xf32, #tpu.memory_space<vmem>>, vector<16xf32>,
        %mul3A_255 = arith.mulf %get3A_254, %gather3A_223 : vector<16xf32>
        %swap3A_256 = arith.index_cast %scan3A_218 : i32 to index
        %swap3A_257 = arith.constant 64 : index
        %swap3A_258 = tpu.vector_load %arg10[%swap3A_256, %swap3A_257] {strides = array<i32>} : memref<128x128xf32, #tpu.memory_space<vmem>>, vector<16xf32>,
        tpu.vector_store %arg10[%swap3A_256, %swap3A_257], %mul3A_255 {strides = array<i32>} : memref<128x128xf32, #tpu.memory_space<vmem>>, vector<16xf32>,
        %get3A_259 = arith.index_cast %scan3A_218 : i32 to index
        %get3A_260 = arith.constant 80 : index
        %get3A_261 = tpu.vector_load %arg10[%get3A_259, %get3A_260] {strides = array<i32>} : memref<128x128xf32, #tpu.memory_space<vmem>>, vector<16xf32>,
        %mul3A_262 = arith.mulf %get3A_261, %gather3A_223 : vector<16xf32>
        %swap3A_263 = arith.index_cast %scan3A_218 : i32 to index
        %swap3A_264 = arith.constant 80 : index
        %swap3A_265 = tpu.vector_load %arg10[%swap3A_263, %swap3A_264] {strides = array<i32>} : memref<128x128xf32, #tpu.memory_space<vmem>>, vector<16xf32>,
        tpu.vector_store %arg10[%swap3A_263, %swap3A_264], %mul3A_262 {strides = array<i32>} : memref<128x128xf32, #tpu.memory_space<vmem>>, vector<16xf32>,
        %get3A_266 = arith.index_cast %scan3A_218 : i32 to index
        %get3A_267 = arith.constant 96 : index
        %get3A_268 = tpu.vector_load %arg10[%get3A_266, %get3A_267] {strides = array<i32>} : memref<128x128xf32, #tpu.memory_space<vmem>>, vector<16xf32>,
        %mul3A_269 = arith.mulf %get3A_268, %gather3A_223 : vector<16xf32>
        %swap3A_270 = arith.index_cast %scan3A_218 : i32 to index
        %swap3A_271 = arith.constant 96 : index
        %swap3A_272 = tpu.vector_load %arg10[%swap3A_270, %swap3A_271] {strides = array<i32>} : memref<128x128xf32, #tpu.memory_space<vmem>>, vector<16xf32>,
        tpu.vector_store %arg10[%swap3A_270, %swap3A_271], %mul3A_269 {strides = array<i32>} : memref<128x128xf32, #tpu.memory_space<vmem>>, vector<16xf32>,
        %get3A_273 = arith.index_cast %scan3A_218 : i32 to index
        %get3A_274 = arith.constant 112 : index
        %get3A_275 = tpu.vector_load %arg10[%get3A_273, %get3A_274] {strides = array<i32>} : memref<128x128xf32, #tpu.memory_space<vmem>>, vector<16xf32>,
        %mul3A_276 = arith.mulf %get3A_275, %gather3A_223 : vector<16xf32>
        %swap3A_277 = arith.index_cast %scan3A_218 : i32 to index
        %swap3A_278 = arith.constant 112 : index
        %swap3A_279 = tpu.vector_load %arg10[%swap3A_277, %swap3A_278] {strides = array<i32>} : memref<128x128xf32, #tpu.memory_space<vmem>>, vector<16xf32>,
        tpu.vector_store %arg10[%swap3A_277, %swap3A_278], %mul3A_276 {strides = array<i32>} : memref<128x128xf32, #tpu.memory_space<vmem>>, vector<16xf32>,
        %scan3A_280 = arith.constant 0 : i32
        scf.yield %scan3A_280 : i32
      }
      %scan3A_27 = arith.constant 128 : i32
      "tpu.region"() ({
        %run_scoped3A = tpu.sem_alloc : memref<!tpu.dma_semaphore, #tpu.memory_space<semaphore_mem>>
        %dma_start3A = arith.constant 0 : i32
        %dma_start3A_29 = arith.constant 0 : i32
        %dma_start3A_30 = tpu.memref_slice %arg12[%dma_start3A, %dma_start3A_29] : memref<10240x128xf32, #tpu.memory_space<vmem_shared>> -> memref<10240x128xf32, #tpu.memory_space<vmem_shared>>
        tpu.enqueue_indirect_dma source(%arg10 : memref<128x128xf32, #tpu.memory_space<vmem>>) target(%dma_start3A_30 : memref<10240x128xf32, #tpu.memory_space<vmem_shared>>) offsets(%arg9 : memref<128xi32, #tpu.memory_space<vmem>>) semaphore(%run_scoped3A : memref<!tpu.dma_semaphore, #tpu.memory_space<semaphore_mem>>) {add = true}
        %dma_wait3A = arith.constant 0 : i32
        %dma_wait3A_31 = arith.constant 0 : i32
        %dma_wait3A_32 = tpu.memref_slice %arg12[%dma_wait3A, %dma_wait3A_31] : memref<10240x128xf32, #tpu.memory_space<vmem_shared>> -> memref<10240x128xf32, #tpu.memory_space<vmem_shared>>
        tpu.wait_indirect_dma semaphore(%run_scoped3A : memref<!tpu.dma_semaphore, #tpu.memory_space<semaphore_mem>>) src(%arg10 : memref<128x128xf32, #tpu.memory_space<vmem>>) dst(%dma_wait3A_32 : memref<10240x128xf32, #tpu.memory_space<vmem_shared>>)
        tpu.yield
      }) : () -> ()
      %scan3A_28 = arith.constant 0 : i32
      scf.yield %scan3A_28 : i32
    }
    %scan3A_10 = arith.constant 81 : i32
    %barrier3A_11 = arith.constant 0 : index
    tpu.barrier barrier_id(%barrier3A_11)
    %mul3A_12 = arith.constant 640 : i32
    %mul3A_13 = arith.muli %arg1, %mul3A_12 : i32
    %mul3A_14 = arith.constant 640 : i32
    %mul3A_15 = arith.muli %arg1, %mul3A_14 : i32
    "tpu.region"() ({
      %run_scoped3A = tpu.sem_alloc : memref<!tpu.dma_semaphore, #tpu.memory_space<semaphore_mem>>
      %dma_start3A = arith.constant 0 : i32
      %dma_start3A_16 = tpu.memref_slice %arg7[%arg0, %mul3A_15, %dma_start3A] : memref<2x10240x128xf32, #tpu.memory_space<hbm>> -> memref<1x640x128xf32, #tpu.memory_space<hbm>>
      %dma_start3A_17 = tpu.memref_squeeze %dma_start3A_16 : memref<1x640x128xf32, #tpu.memory_space<hbm>> -> memref<640x128xf32, #tpu.memory_space<hbm>>
      %dma_start3A_18 = arith.constant 0 : i32
      %dma_start3A_19 = tpu.memref_slice %arg12[%mul3A_13, %dma_start3A_18] : memref<10240x128xf32, #tpu.memory_space<vmem_shared>> -> memref<640x128xf32, #tpu.memory_space<vmem_shared>>
      tpu.enqueue_dma source(%dma_start3A_19 : memref<640x128xf32, #tpu.memory_space<vmem_shared>>) target(%dma_start3A_17 : memref<640x128xf32, #tpu.memory_space<hbm>>) target_semaphore(%run_scoped3A : memref<!tpu.dma_semaphore, #tpu.memory_space<semaphore_mem>>)
      %dma_wait3A = arith.constant 0 : i32
      %dma_wait3A_20 = tpu.memref_slice %arg7[%arg0, %mul3A_15, %dma_wait3A] : memref<2x10240x128xf32, #tpu.memory_space<hbm>> -> memref<1x640x128xf32, #tpu.memory_space<hbm>>
      %dma_wait3A_21 = tpu.memref_squeeze %dma_wait3A_20 : memref<1x640x128xf32, #tpu.memory_space<hbm>> -> memref<640x128xf32, #tpu.memory_space<hbm>>
      %dma_wait3A_22 = arith.constant 0 : i32
      %dma_wait3A_23 = tpu.memref_slice %arg12[%mul3A_13, %dma_wait3A_22] : memref<10240x128xf32, #tpu.memory_space<vmem_shared>> -> memref<640x128xf32, #tpu.memory_space<vmem_shared>>
      tpu.wait_dma2 semaphore(%run_scoped3A : memref<!tpu.dma_semaphore, #tpu.memory_space<semaphore_mem>>) src(%dma_wait3A_23 : memref<640x128xf32, #tpu.memory_space<vmem_shared>>) dst(%dma_wait3A_21 : memref<640x128xf32, #tpu.memory_space<hbm>>)
      tpu.yield
    }) : () -> ()
    return
  }
}

#map = affine_map<(d0, d1) -> (0)>
#map1 = affine_map<(d0, d1) -> (0, 0)>
#map2 = affine_map<(d0, d1) -> (0, 0, 0)>
module attributes {stable_mosaic.version = 14 : i64} {
  func.func @k(%arg0: i32, %arg1: i32, %arg2: memref<331776xi32, #tpu.memory_space<hbm>>, %arg3: memref<331776xi32, #tpu.memory_space<hbm>>, %arg4: memref<10240x16xf32, #tpu.memory_space<hbm>>, %arg5: memref<640x16xf32, #tpu.memory_space<hbm>>, %arg6: memref<331776x16xf32, #tpu.memory_space<hbm>>, %arg7: memref<2x10240x16xf32, #tpu.memory_space<hbm>>, %arg8: memref<128xi32, #tpu.memory_space<vmem>>, %arg9: memref<128xi32, #tpu.memory_space<vmem>>, %arg10: memref<128x16xf32, #tpu.memory_space<vmem>>, %arg11: memref<128x16xf32, #tpu.memory_space<vmem>>, %arg12: memref<128x16xf32, #tpu.memory_space<vmem>>, %arg13: memref<10240x16xf32, #tpu.memory_space<vmem_shared>>) attributes {dimension_semantics = [#tpu.dimension_semantics<core_parallel>, #tpu.dimension_semantics<subcore_parallel>], iteration_bounds = array<i64: 2, 16>, scalar_prefetch = 0 : i64, scratch_operands = 6 : i64, tpu.core_type = #tpu.core_type<sc_vector_subcore>, window_params = [{transform_indices = #map}, {transform_indices = #map}, {transform_indices = #map1}, {transform_indices = #map1}, {transform_indices = #map1}, {transform_indices = #map2}]} {
    %mul3A = arith.constant 16 : i32
    %mul3A_0 = arith.muli %arg0, %mul3A : i32
    %add3A = arith.addi %mul3A_0, %arg1 : i32
    %mul3A_1 = arith.constant 640 : i32
    %mul3A_2 = arith.muli %arg1, %mul3A_1 : i32
    "tpu.region"() ({
      %run_scoped3A = tpu.sem_alloc : memref<!tpu.dma_semaphore, #tpu.memory_space<semaphore_mem>>
      %dma_start3A = arith.constant 0 : i32
      %dma_start3A_20 = tpu.memref_slice %arg13[%mul3A_2, %dma_start3A] : memref<10240x16xf32, #tpu.memory_space<vmem_shared>> -> memref<640x16xf32, #tpu.memory_space<vmem_shared>>
      tpu.enqueue_dma source(%arg5 : memref<640x16xf32, #tpu.memory_space<hbm>>) target(%dma_start3A_20 : memref<640x16xf32, #tpu.memory_space<vmem_shared>>) target_semaphore(%run_scoped3A : memref<!tpu.dma_semaphore, #tpu.memory_space<semaphore_mem>>)
      %dma_wait3A = arith.constant 0 : i32
      %dma_wait3A_21 = tpu.memref_slice %arg13[%mul3A_2, %dma_wait3A] : memref<10240x16xf32, #tpu.memory_space<vmem_shared>> -> memref<640x16xf32, #tpu.memory_space<vmem_shared>>
      tpu.wait_dma2 semaphore(%run_scoped3A : memref<!tpu.dma_semaphore, #tpu.memory_space<semaphore_mem>>) src(%arg5 : memref<640x16xf32, #tpu.memory_space<hbm>>) dst(%dma_wait3A_21 : memref<640x16xf32, #tpu.memory_space<vmem_shared>>)
      tpu.yield
    }) : () -> ()
    %barrier3A = arith.constant 0 : index
    tpu.barrier barrier_id(%barrier3A)
    %mul3A_3 = arith.constant 10368 : i32
    %mul3A_4 = arith.muli %add3A, %mul3A_3 : i32
    %iota3A = tpu.iota {dimensions = array<i32: 0>} : vector<16xi32>
    %min3A = arith.constant 7 : i32
    %min3A_5 = vector.broadcast %min3A : i32 to vector<16xi32>
    %min3A_6 = arith.minsi %iota3A, %min3A_5 : vector<16xi32>
    %lt3A = arith.constant 8 : i32
    %lt3A_7 = vector.broadcast %lt3A : i32 to vector<16xi32>
    %lt3A_8 = arith.cmpi slt, %iota3A, %lt3A_7 : vector<16xi32>
    %scan3A = arith.constant 0 : i32
    %scan3A_9 = arith.constant 0 : i32
    %scan3A_10 = arith.constant 81 : i32
    %scan3A_11 = arith.addi %scan3A_9, %scan3A_10 : i32
    %scan3A_12 = arith.constant 1 : i32
    %scan3A_13 = scf.for %scan3A_20 = %scan3A_9 to %scan3A_11 step %scan3A_12 iter_args(%scan3A_21 = %scan3A) -> (i32)  : i32 {
      %mul3A_22 = arith.constant 128 : i32
      %mul3A_23 = arith.muli %scan3A_20, %mul3A_22 : i32
      %add3A_24 = arith.addi %mul3A_4, %mul3A_23 : i32
      "tpu.region"() ({
        %run_scoped3A = tpu.sem_alloc : memref<!tpu.dma_semaphore, #tpu.memory_space<semaphore_mem>>
        %dma_start3A = tpu.memref_slice %arg2[%add3A_24] : memref<331776xi32, #tpu.memory_space<hbm>> -> memref<128xi32, #tpu.memory_space<hbm>>
        %dma_start3A_33 = tpu.memref_slice %arg2[%add3A_24] : memref<331776xi32, #tpu.memory_space<hbm>> -> memref<128xi32, #tpu.memory_space<hbm>>
        tpu.enqueue_dma source(%dma_start3A_33 : memref<128xi32, #tpu.memory_space<hbm>>) target(%arg8 : memref<128xi32, #tpu.memory_space<vmem>>) target_semaphore(%run_scoped3A : memref<!tpu.dma_semaphore, #tpu.memory_space<semaphore_mem>>)
        %dma_wait3A = tpu.memref_slice %arg2[%add3A_24] : memref<331776xi32, #tpu.memory_space<hbm>> -> memref<128xi32, #tpu.memory_space<hbm>>
        %dma_wait3A_34 = tpu.memref_slice %arg2[%add3A_24] : memref<331776xi32, #tpu.memory_space<hbm>> -> memref<128xi32, #tpu.memory_space<hbm>>
        tpu.wait_dma2 semaphore(%run_scoped3A : memref<!tpu.dma_semaphore, #tpu.memory_space<semaphore_mem>>) src(%dma_wait3A_34 : memref<128xi32, #tpu.memory_space<hbm>>) dst(%arg8 : memref<128xi32, #tpu.memory_space<vmem>>)
        tpu.yield
      }) : () -> ()
      "tpu.region"() ({
        %run_scoped3A = tpu.sem_alloc : memref<!tpu.dma_semaphore, #tpu.memory_space<semaphore_mem>>
        %dma_start3A = tpu.memref_slice %arg3[%add3A_24] : memref<331776xi32, #tpu.memory_space<hbm>> -> memref<128xi32, #tpu.memory_space<hbm>>
        %dma_start3A_33 = tpu.memref_slice %arg3[%add3A_24] : memref<331776xi32, #tpu.memory_space<hbm>> -> memref<128xi32, #tpu.memory_space<hbm>>
        tpu.enqueue_dma source(%dma_start3A_33 : memref<128xi32, #tpu.memory_space<hbm>>) target(%arg9 : memref<128xi32, #tpu.memory_space<vmem>>) target_semaphore(%run_scoped3A : memref<!tpu.dma_semaphore, #tpu.memory_space<semaphore_mem>>)
        %dma_wait3A = tpu.memref_slice %arg3[%add3A_24] : memref<331776xi32, #tpu.memory_space<hbm>> -> memref<128xi32, #tpu.memory_space<hbm>>
        %dma_wait3A_34 = tpu.memref_slice %arg3[%add3A_24] : memref<331776xi32, #tpu.memory_space<hbm>> -> memref<128xi32, #tpu.memory_space<hbm>>
        tpu.wait_dma2 semaphore(%run_scoped3A : memref<!tpu.dma_semaphore, #tpu.memory_space<semaphore_mem>>) src(%dma_wait3A_34 : memref<128xi32, #tpu.memory_space<hbm>>) dst(%arg9 : memref<128xi32, #tpu.memory_space<vmem>>)
        tpu.yield
      }) : () -> ()
      "tpu.region"() ({
        %run_scoped3A = tpu.sem_alloc : memref<!tpu.dma_semaphore, #tpu.memory_space<semaphore_mem>>
        %dma_start3A = arith.constant 0 : i32
        %dma_start3A_33 = arith.constant 0 : i32
        %dma_start3A_34 = tpu.memref_slice %arg4[%dma_start3A, %dma_start3A_33] : memref<10240x16xf32, #tpu.memory_space<hbm>> -> memref<10240x16xf32, #tpu.memory_space<hbm>>
        tpu.enqueue_indirect_dma source(%dma_start3A_34 : memref<10240x16xf32, #tpu.memory_space<hbm>>) target(%arg10 : memref<128x16xf32, #tpu.memory_space<vmem>>) offsets(%arg8 : memref<128xi32, #tpu.memory_space<vmem>>) semaphore(%run_scoped3A : memref<!tpu.dma_semaphore, #tpu.memory_space<semaphore_mem>>)
        %dma_wait3A = arith.constant 0 : i32
        %dma_wait3A_35 = arith.constant 0 : i32
        %dma_wait3A_36 = tpu.memref_slice %arg4[%dma_wait3A, %dma_wait3A_35] : memref<10240x16xf32, #tpu.memory_space<hbm>> -> memref<10240x16xf32, #tpu.memory_space<hbm>>
        tpu.wait_indirect_dma semaphore(%run_scoped3A : memref<!tpu.dma_semaphore, #tpu.memory_space<semaphore_mem>>) src(%dma_wait3A_36 : memref<10240x16xf32, #tpu.memory_space<hbm>>) dst(%arg10 : memref<128x16xf32, #tpu.memory_space<vmem>>)
        tpu.yield
      }) : () -> ()
      "tpu.region"() ({
        %run_scoped3A = tpu.sem_alloc : memref<!tpu.dma_semaphore, #tpu.memory_space<semaphore_mem>>
        %dma_start3A = arith.constant 0 : i32
        %dma_start3A_33 = arith.constant 0 : i32
        %dma_start3A_34 = tpu.memref_slice %arg4[%dma_start3A, %dma_start3A_33] : memref<10240x16xf32, #tpu.memory_space<hbm>> -> memref<10240x16xf32, #tpu.memory_space<hbm>>
        tpu.enqueue_indirect_dma source(%dma_start3A_34 : memref<10240x16xf32, #tpu.memory_space<hbm>>) target(%arg11 : memref<128x16xf32, #tpu.memory_space<vmem>>) offsets(%arg9 : memref<128xi32, #tpu.memory_space<vmem>>) semaphore(%run_scoped3A : memref<!tpu.dma_semaphore, #tpu.memory_space<semaphore_mem>>)
        %dma_wait3A = arith.constant 0 : i32
        %dma_wait3A_35 = arith.constant 0 : i32
        %dma_wait3A_36 = tpu.memref_slice %arg4[%dma_wait3A, %dma_wait3A_35] : memref<10240x16xf32, #tpu.memory_space<hbm>> -> memref<10240x16xf32, #tpu.memory_space<hbm>>
        tpu.wait_indirect_dma semaphore(%run_scoped3A : memref<!tpu.dma_semaphore, #tpu.memory_space<semaphore_mem>>) src(%dma_wait3A_36 : memref<10240x16xf32, #tpu.memory_space<hbm>>) dst(%arg11 : memref<128x16xf32, #tpu.memory_space<vmem>>)
        tpu.yield
      }) : () -> ()
      %scan3A_25 = arith.constant 0 : i32
      %scan3A_26 = arith.constant 0 : i32
      %scan3A_27 = arith.constant 128 : i32
      %scan3A_28 = arith.addi %scan3A_26, %scan3A_27 : i32
      %scan3A_29 = arith.constant 4 : i32
      %scan3A_30 = scf.for %scan3A_33 = %scan3A_26 to %scan3A_28 step %scan3A_29 iter_args(%scan3A_34 = %scan3A_25) -> (i32)  : i32 {
        %broadcast_in_dim3A = arith.constant 0 : i32
        %broadcast_in_dim3A_35 = vector.broadcast %broadcast_in_dim3A : i32 to vector<16xi32>
        %add3A_36 = vector.broadcast %scan3A_33 : i32 to vector<16xi32>
        %add3A_37 = arith.addi %broadcast_in_dim3A_35, %add3A_36 : vector<16xi32>
        %gather3A = tpu.vector_load_idx %arg10[%add3A_37, %min3A_6] : memref<128x16xf32, #tpu.memory_space<vmem>>[vector<16xi32>, vector<16xi32>], vector<16xf32>,
        %add3A_38 = arith.constant 8 : i32
        %add3A_39 = vector.broadcast %add3A_38 : i32 to vector<16xi32>
        %add3A_40 = arith.addi %min3A_6, %add3A_39 : vector<16xi32>
        %gather3A_41 = tpu.vector_load_idx %arg11[%add3A_37, %add3A_40] : memref<128x16xf32, #tpu.memory_space<vmem>>[vector<16xi32>, vector<16xi32>], vector<16xf32>,
        %add3A_42 = arith.addf %gather3A, %gather3A_41 : vector<16xf32>
        %mul3A_43 = arith.constant 2.000000e-01 : f32
        %mul3A_44 = vector.broadcast %mul3A_43 : f32 to vector<16xf32>
        %mul3A_45 = arith.mulf %add3A_42, %mul3A_44 : vector<16xf32>
        %max3A = arith.maximumf %add3A_42, %mul3A_45 : vector<16xf32>
        %exp3A = math.exp %max3A : vector<16xf32>
        %add3A_46 = arith.addi %add3A_24, %scan3A_33 : i32
        %lt3A_47 = arith.constant 330000 : i32
        %lt3A_48 = arith.cmpi slt, %add3A_46, %lt3A_47 : i32
        %and3A = vector.broadcast %lt3A_48 : i1 to vector<16xi1>
        %and3A_49 = arith.andi %lt3A_8, %and3A : vector<16xi1>
        %jit3A = arith.constant 0.000000e+00 : f32
        %broadcast_in_dim3A_50 = vector.broadcast %jit3A : f32 to vector<16xf32>
        %select_n3A = arith.select %and3A_49, %exp3A, %broadcast_in_dim3A_50 : vector<16xi1>, vector<16xf32>
        %swap3A = arith.index_cast %scan3A_33 : i32 to index
        %swap3A_51 = arith.constant 0 : index
        %swap3A_52 = tpu.vector_load %arg12[%swap3A, %swap3A_51] {strides = array<i32>} : memref<128x16xf32, #tpu.memory_space<vmem>>, vector<16xf32>,
        tpu.vector_store %arg12[%swap3A, %swap3A_51], %select_n3A {strides = array<i32>} : memref<128x16xf32, #tpu.memory_space<vmem>>, vector<16xf32>,
        %scan3A_53 = arith.constant 0 : i32
        %scan3A_54 = arith.constant 1 : i32
        %scan3A_55 = arith.addi %scan3A_33, %scan3A_54 : i32
        %broadcast_in_dim3A_56 = arith.constant 0 : i32
        %broadcast_in_dim3A_57 = vector.broadcast %broadcast_in_dim3A_56 : i32 to vector<16xi32>
        %add3A_58 = vector.broadcast %scan3A_55 : i32 to vector<16xi32>
        %add3A_59 = arith.addi %broadcast_in_dim3A_57, %add3A_58 : vector<16xi32>
        %gather3A_60 = tpu.vector_load_idx %arg10[%add3A_59, %min3A_6] : memref<128x16xf32, #tpu.memory_space<vmem>>[vector<16xi32>, vector<16xi32>], vector<16xf32>,
        %add3A_61 = arith.constant 8 : i32
        %add3A_62 = vector.broadcast %add3A_61 : i32 to vector<16xi32>
        %add3A_63 = arith.addi %min3A_6, %add3A_62 : vector<16xi32>
        %gather3A_64 = tpu.vector_load_idx %arg11[%add3A_59, %add3A_63] : memref<128x16xf32, #tpu.memory_space<vmem>>[vector<16xi32>, vector<16xi32>], vector<16xf32>,
        %add3A_65 = arith.addf %gather3A_60, %gather3A_64 : vector<16xf32>
        %mul3A_66 = arith.constant 2.000000e-01 : f32
        %mul3A_67 = vector.broadcast %mul3A_66 : f32 to vector<16xf32>
        %mul3A_68 = arith.mulf %add3A_65, %mul3A_67 : vector<16xf32>
        %max3A_69 = arith.maximumf %add3A_65, %mul3A_68 : vector<16xf32>
        %exp3A_70 = math.exp %max3A_69 : vector<16xf32>
        %add3A_71 = arith.addi %add3A_24, %scan3A_55 : i32
        %lt3A_72 = arith.constant 330000 : i32
        %lt3A_73 = arith.cmpi slt, %add3A_71, %lt3A_72 : i32
        %and3A_74 = vector.broadcast %lt3A_73 : i1 to vector<16xi1>
        %and3A_75 = arith.andi %lt3A_8, %and3A_74 : vector<16xi1>
        %jit3A_76 = arith.constant 0.000000e+00 : f32
        %broadcast_in_dim3A_77 = vector.broadcast %jit3A_76 : f32 to vector<16xf32>
        %select_n3A_78 = arith.select %and3A_75, %exp3A_70, %broadcast_in_dim3A_77 : vector<16xi1>, vector<16xf32>
        %swap3A_79 = arith.index_cast %scan3A_55 : i32 to index
        %swap3A_80 = arith.constant 0 : index
        %swap3A_81 = tpu.vector_load %arg12[%swap3A_79, %swap3A_80] {strides = array<i32>} : memref<128x16xf32, #tpu.memory_space<vmem>>, vector<16xf32>,
        tpu.vector_store %arg12[%swap3A_79, %swap3A_80], %select_n3A_78 {strides = array<i32>} : memref<128x16xf32, #tpu.memory_space<vmem>>, vector<16xf32>,
        %scan3A_82 = arith.constant 0 : i32
        %scan3A_83 = arith.constant 2 : i32
        %scan3A_84 = arith.addi %scan3A_33, %scan3A_83 : i32
        %broadcast_in_dim3A_85 = arith.constant 0 : i32
        %broadcast_in_dim3A_86 = vector.broadcast %broadcast_in_dim3A_85 : i32 to vector<16xi32>
        %add3A_87 = vector.broadcast %scan3A_84 : i32 to vector<16xi32>
        %add3A_88 = arith.addi %broadcast_in_dim3A_86, %add3A_87 : vector<16xi32>
        %gather3A_89 = tpu.vector_load_idx %arg10[%add3A_88, %min3A_6] : memref<128x16xf32, #tpu.memory_space<vmem>>[vector<16xi32>, vector<16xi32>], vector<16xf32>,
        %add3A_90 = arith.constant 8 : i32
        %add3A_91 = vector.broadcast %add3A_90 : i32 to vector<16xi32>
        %add3A_92 = arith.addi %min3A_6, %add3A_91 : vector<16xi32>
        %gather3A_93 = tpu.vector_load_idx %arg11[%add3A_88, %add3A_92] : memref<128x16xf32, #tpu.memory_space<vmem>>[vector<16xi32>, vector<16xi32>], vector<16xf32>,
        %add3A_94 = arith.addf %gather3A_89, %gather3A_93 : vector<16xf32>
        %mul3A_95 = arith.constant 2.000000e-01 : f32
        %mul3A_96 = vector.broadcast %mul3A_95 : f32 to vector<16xf32>
        %mul3A_97 = arith.mulf %add3A_94, %mul3A_96 : vector<16xf32>
        %max3A_98 = arith.maximumf %add3A_94, %mul3A_97 : vector<16xf32>
        %exp3A_99 = math.exp %max3A_98 : vector<16xf32>
        %add3A_100 = arith.addi %add3A_24, %scan3A_84 : i32
        %lt3A_101 = arith.constant 330000 : i32
        %lt3A_102 = arith.cmpi slt, %add3A_100, %lt3A_101 : i32
        %and3A_103 = vector.broadcast %lt3A_102 : i1 to vector<16xi1>
        %and3A_104 = arith.andi %lt3A_8, %and3A_103 : vector<16xi1>
        %jit3A_105 = arith.constant 0.000000e+00 : f32
        %broadcast_in_dim3A_106 = vector.broadcast %jit3A_105 : f32 to vector<16xf32>
        %select_n3A_107 = arith.select %and3A_104, %exp3A_99, %broadcast_in_dim3A_106 : vector<16xi1>, vector<16xf32>
        %swap3A_108 = arith.index_cast %scan3A_84 : i32 to index
        %swap3A_109 = arith.constant 0 : index
        %swap3A_110 = tpu.vector_load %arg12[%swap3A_108, %swap3A_109] {strides = array<i32>} : memref<128x16xf32, #tpu.memory_space<vmem>>, vector<16xf32>,
        tpu.vector_store %arg12[%swap3A_108, %swap3A_109], %select_n3A_107 {strides = array<i32>} : memref<128x16xf32, #tpu.memory_space<vmem>>, vector<16xf32>,
        %scan3A_111 = arith.constant 0 : i32
        %scan3A_112 = arith.constant 3 : i32
        %scan3A_113 = arith.addi %scan3A_33, %scan3A_112 : i32
        %broadcast_in_dim3A_114 = arith.constant 0 : i32
        %broadcast_in_dim3A_115 = vector.broadcast %broadcast_in_dim3A_114 : i32 to vector<16xi32>
        %add3A_116 = vector.broadcast %scan3A_113 : i32 to vector<16xi32>
        %add3A_117 = arith.addi %broadcast_in_dim3A_115, %add3A_116 : vector<16xi32>
        %gather3A_118 = tpu.vector_load_idx %arg10[%add3A_117, %min3A_6] : memref<128x16xf32, #tpu.memory_space<vmem>>[vector<16xi32>, vector<16xi32>], vector<16xf32>,
        %add3A_119 = arith.constant 8 : i32
        %add3A_120 = vector.broadcast %add3A_119 : i32 to vector<16xi32>
        %add3A_121 = arith.addi %min3A_6, %add3A_120 : vector<16xi32>
        %gather3A_122 = tpu.vector_load_idx %arg11[%add3A_117, %add3A_121] : memref<128x16xf32, #tpu.memory_space<vmem>>[vector<16xi32>, vector<16xi32>], vector<16xf32>,
        %add3A_123 = arith.addf %gather3A_118, %gather3A_122 : vector<16xf32>
        %mul3A_124 = arith.constant 2.000000e-01 : f32
        %mul3A_125 = vector.broadcast %mul3A_124 : f32 to vector<16xf32>
        %mul3A_126 = arith.mulf %add3A_123, %mul3A_125 : vector<16xf32>
        %max3A_127 = arith.maximumf %add3A_123, %mul3A_126 : vector<16xf32>
        %exp3A_128 = math.exp %max3A_127 : vector<16xf32>
        %add3A_129 = arith.addi %add3A_24, %scan3A_113 : i32
        %lt3A_130 = arith.constant 330000 : i32
        %lt3A_131 = arith.cmpi slt, %add3A_129, %lt3A_130 : i32
        %and3A_132 = vector.broadcast %lt3A_131 : i1 to vector<16xi1>
        %and3A_133 = arith.andi %lt3A_8, %and3A_132 : vector<16xi1>
        %jit3A_134 = arith.constant 0.000000e+00 : f32
        %broadcast_in_dim3A_135 = vector.broadcast %jit3A_134 : f32 to vector<16xf32>
        %select_n3A_136 = arith.select %and3A_133, %exp3A_128, %broadcast_in_dim3A_135 : vector<16xi1>, vector<16xf32>
        %swap3A_137 = arith.index_cast %scan3A_113 : i32 to index
        %swap3A_138 = arith.constant 0 : index
        %swap3A_139 = tpu.vector_load %arg12[%swap3A_137, %swap3A_138] {strides = array<i32>} : memref<128x16xf32, #tpu.memory_space<vmem>>, vector<16xf32>,
        tpu.vector_store %arg12[%swap3A_137, %swap3A_138], %select_n3A_136 {strides = array<i32>} : memref<128x16xf32, #tpu.memory_space<vmem>>, vector<16xf32>,
        %scan3A_140 = arith.constant 0 : i32
        scf.yield %scan3A_140 : i32
      }
      %scan3A_31 = arith.constant 128 : i32
      "tpu.region"() ({
        %run_scoped3A = tpu.sem_alloc : memref<!tpu.dma_semaphore, #tpu.memory_space<semaphore_mem>>
        %dma_start3A = arith.constant 0 : i32
        %dma_start3A_33 = tpu.memref_slice %arg6[%add3A_24, %dma_start3A] : memref<331776x16xf32, #tpu.memory_space<hbm>> -> memref<128x16xf32, #tpu.memory_space<hbm>>
        %dma_start3A_34 = arith.constant 0 : i32
        %dma_start3A_35 = tpu.memref_slice %arg6[%add3A_24, %dma_start3A_34] : memref<331776x16xf32, #tpu.memory_space<hbm>> -> memref<128x16xf32, #tpu.memory_space<hbm>>
        tpu.enqueue_dma source(%arg12 : memref<128x16xf32, #tpu.memory_space<vmem>>) target(%dma_start3A_35 : memref<128x16xf32, #tpu.memory_space<hbm>>) target_semaphore(%run_scoped3A : memref<!tpu.dma_semaphore, #tpu.memory_space<semaphore_mem>>)
        %dma_wait3A = arith.constant 0 : i32
        %dma_wait3A_36 = tpu.memref_slice %arg6[%add3A_24, %dma_wait3A] : memref<331776x16xf32, #tpu.memory_space<hbm>> -> memref<128x16xf32, #tpu.memory_space<hbm>>
        %dma_wait3A_37 = arith.constant 0 : i32
        %dma_wait3A_38 = tpu.memref_slice %arg6[%add3A_24, %dma_wait3A_37] : memref<331776x16xf32, #tpu.memory_space<hbm>> -> memref<128x16xf32, #tpu.memory_space<hbm>>
        tpu.wait_dma2 semaphore(%run_scoped3A : memref<!tpu.dma_semaphore, #tpu.memory_space<semaphore_mem>>) src(%arg12 : memref<128x16xf32, #tpu.memory_space<vmem>>) dst(%dma_wait3A_38 : memref<128x16xf32, #tpu.memory_space<hbm>>)
        tpu.yield
      }) : () -> ()
      "tpu.region"() ({
        %run_scoped3A = tpu.sem_alloc : memref<!tpu.dma_semaphore, #tpu.memory_space<semaphore_mem>>
        %dma_start3A = arith.constant 0 : i32
        %dma_start3A_33 = arith.constant 0 : i32
        %dma_start3A_34 = tpu.memref_slice %arg13[%dma_start3A, %dma_start3A_33] : memref<10240x16xf32, #tpu.memory_space<vmem_shared>> -> memref<10240x16xf32, #tpu.memory_space<vmem_shared>>
        tpu.enqueue_indirect_dma source(%arg12 : memref<128x16xf32, #tpu.memory_space<vmem>>) target(%dma_start3A_34 : memref<10240x16xf32, #tpu.memory_space<vmem_shared>>) offsets(%arg9 : memref<128xi32, #tpu.memory_space<vmem>>) semaphore(%run_scoped3A : memref<!tpu.dma_semaphore, #tpu.memory_space<semaphore_mem>>) {add = true}
        %dma_wait3A = arith.constant 0 : i32
        %dma_wait3A_35 = arith.constant 0 : i32
        %dma_wait3A_36 = tpu.memref_slice %arg13[%dma_wait3A, %dma_wait3A_35] : memref<10240x16xf32, #tpu.memory_space<vmem_shared>> -> memref<10240x16xf32, #tpu.memory_space<vmem_shared>>
        tpu.wait_indirect_dma semaphore(%run_scoped3A : memref<!tpu.dma_semaphore, #tpu.memory_space<semaphore_mem>>) src(%arg12 : memref<128x16xf32, #tpu.memory_space<vmem>>) dst(%dma_wait3A_36 : memref<10240x16xf32, #tpu.memory_space<vmem_shared>>)
        tpu.yield
      }) : () -> ()
      %scan3A_32 = arith.constant 0 : i32
      scf.yield %scan3A_32 : i32
    }
    %scan3A_14 = arith.constant 81 : i32
    %barrier3A_15 = arith.constant 0 : index
    tpu.barrier barrier_id(%barrier3A_15)
    %mul3A_16 = arith.constant 640 : i32
    %mul3A_17 = arith.muli %arg1, %mul3A_16 : i32
    %mul3A_18 = arith.constant 640 : i32
    %mul3A_19 = arith.muli %arg1, %mul3A_18 : i32
    "tpu.region"() ({
      %run_scoped3A = tpu.sem_alloc : memref<!tpu.dma_semaphore, #tpu.memory_space<semaphore_mem>>
      %dma_start3A = arith.constant 0 : i32
      %dma_start3A_20 = tpu.memref_slice %arg7[%arg0, %mul3A_19, %dma_start3A] : memref<2x10240x16xf32, #tpu.memory_space<hbm>> -> memref<1x640x16xf32, #tpu.memory_space<hbm>>
      %dma_start3A_21 = tpu.memref_squeeze %dma_start3A_20 : memref<1x640x16xf32, #tpu.memory_space<hbm>> -> memref<640x16xf32, #tpu.memory_space<hbm>>
      %dma_start3A_22 = arith.constant 0 : i32
      %dma_start3A_23 = tpu.memref_slice %arg13[%mul3A_17, %dma_start3A_22] : memref<10240x16xf32, #tpu.memory_space<vmem_shared>> -> memref<640x16xf32, #tpu.memory_space<vmem_shared>>
      tpu.enqueue_dma source(%dma_start3A_23 : memref<640x16xf32, #tpu.memory_space<vmem_shared>>) target(%dma_start3A_21 : memref<640x16xf32, #tpu.memory_space<hbm>>) target_semaphore(%run_scoped3A : memref<!tpu.dma_semaphore, #tpu.memory_space<semaphore_mem>>)
      %dma_wait3A = arith.constant 0 : i32
      %dma_wait3A_24 = tpu.memref_slice %arg7[%arg0, %mul3A_19, %dma_wait3A] : memref<2x10240x16xf32, #tpu.memory_space<hbm>> -> memref<1x640x16xf32, #tpu.memory_space<hbm>>
      %dma_wait3A_25 = tpu.memref_squeeze %dma_wait3A_24 : memref<1x640x16xf32, #tpu.memory_space<hbm>> -> memref<640x16xf32, #tpu.memory_space<hbm>>
      %dma_wait3A_26 = arith.constant 0 : i32
      %dma_wait3A_27 = tpu.memref_slice %arg13[%mul3A_17, %dma_wait3A_26] : memref<10240x16xf32, #tpu.memory_space<vmem_shared>> -> memref<640x16xf32, #tpu.memory_space<vmem_shared>>
      tpu.wait_dma2 semaphore(%run_scoped3A : memref<!tpu.dma_semaphore, #tpu.memory_space<semaphore_mem>>) src(%dma_wait3A_27 : memref<640x16xf32, #tpu.memory_space<vmem_shared>>) dst(%dma_wait3A_25 : memref<640x16xf32, #tpu.memory_space<hbm>>)
      tpu.yield
    }) : () -> ()
    return
  }
}

#map = affine_map<(d0, d1) -> (0)>
#map1 = affine_map<(d0, d1) -> (0, 0)>
module attributes {stable_mosaic.version = 14 : i64} {
  func.func @k(%arg0: i32, %arg1: i32, %arg2: memref<331776xi32, #tpu.memory_space<hbm>>, %arg3: memref<331776xi32, #tpu.memory_space<hbm>>, %arg4: memref<10240x16xf32, #tpu.memory_space<hbm>>, %arg5: memref<640xf32, #tpu.memory_space<hbm>>, %arg6: memref<331776xf32, #tpu.memory_space<hbm>>, %arg7: memref<2x10240xf32, #tpu.memory_space<hbm>>, %arg8: memref<128xi32, #tpu.memory_space<vmem>>, %arg9: memref<128xi32, #tpu.memory_space<vmem>>, %arg10: memref<128x16xf32, #tpu.memory_space<vmem>>, %arg11: memref<128x16xf32, #tpu.memory_space<vmem>>, %arg12: memref<128xf32, #tpu.memory_space<vmem>>, %arg13: memref<10240xf32, #tpu.memory_space<vmem_shared>>) attributes {dimension_semantics = [#tpu.dimension_semantics<core_parallel>, #tpu.dimension_semantics<subcore_parallel>], iteration_bounds = array<i64: 2, 16>, scalar_prefetch = 0 : i64, scratch_operands = 6 : i64, tpu.core_type = #tpu.core_type<sc_vector_subcore>, window_params = [{transform_indices = #map}, {transform_indices = #map}, {transform_indices = #map1}, {transform_indices = #map}, {transform_indices = #map}, {transform_indices = #map1}]} {
    %mul3A = arith.constant 16 : i32
    %mul3A_0 = arith.muli %arg0, %mul3A : i32
    %add3A = arith.addi %mul3A_0, %arg1 : i32
    %mul3A_1 = arith.constant 640 : i32
    %mul3A_2 = arith.muli %arg1, %mul3A_1 : i32
    "tpu.region"() ({
      %run_scoped3A = tpu.sem_alloc : memref<!tpu.dma_semaphore, #tpu.memory_space<semaphore_mem>>
      %dma_start3A = tpu.memref_slice %arg13[%mul3A_2] : memref<10240xf32, #tpu.memory_space<vmem_shared>> -> memref<640xf32, #tpu.memory_space<vmem_shared>>
      tpu.enqueue_dma source(%arg5 : memref<640xf32, #tpu.memory_space<hbm>>) target(%dma_start3A : memref<640xf32, #tpu.memory_space<vmem_shared>>) target_semaphore(%run_scoped3A : memref<!tpu.dma_semaphore, #tpu.memory_space<semaphore_mem>>)
      %dma_wait3A = tpu.memref_slice %arg13[%mul3A_2] : memref<10240xf32, #tpu.memory_space<vmem_shared>> -> memref<640xf32, #tpu.memory_space<vmem_shared>>
      tpu.wait_dma2 semaphore(%run_scoped3A : memref<!tpu.dma_semaphore, #tpu.memory_space<semaphore_mem>>) src(%arg5 : memref<640xf32, #tpu.memory_space<hbm>>) dst(%dma_wait3A : memref<640xf32, #tpu.memory_space<vmem_shared>>)
      tpu.yield
    }) : () -> ()
    %barrier3A = arith.constant 0 : index
    tpu.barrier barrier_id(%barrier3A)
    %mul3A_3 = arith.constant 10368 : i32
    %mul3A_4 = arith.muli %add3A, %mul3A_3 : i32
    %iota3A = tpu.iota {dimensions = array<i32: 0>} : vector<16xi32>
    %min3A = arith.constant 7 : i32
    %min3A_5 = vector.broadcast %min3A : i32 to vector<16xi32>
    %min3A_6 = arith.minsi %iota3A, %min3A_5 : vector<16xi32>
    %lt3A = arith.constant 8 : i32
    %lt3A_7 = vector.broadcast %lt3A : i32 to vector<16xi32>
    %lt3A_8 = arith.cmpi slt, %iota3A, %lt3A_7 : vector<16xi32>
    %scan3A = arith.constant 0 : i32
    %scan3A_9 = arith.constant 0 : i32
    %scan3A_10 = arith.constant 81 : i32
    %scan3A_11 = arith.addi %scan3A_9, %scan3A_10 : i32
    %scan3A_12 = arith.constant 1 : i32
    %scan3A_13 = scf.for %scan3A_20 = %scan3A_9 to %scan3A_11 step %scan3A_12 iter_args(%scan3A_21 = %scan3A) -> (i32)  : i32 {
      %mul3A_22 = arith.constant 128 : i32
      %mul3A_23 = arith.muli %scan3A_20, %mul3A_22 : i32
      %add3A_24 = arith.addi %mul3A_4, %mul3A_23 : i32
      "tpu.region"() ({
        %run_scoped3A = tpu.sem_alloc : memref<!tpu.dma_semaphore, #tpu.memory_space<semaphore_mem>>
        %dma_start3A = tpu.memref_slice %arg2[%add3A_24] : memref<331776xi32, #tpu.memory_space<hbm>> -> memref<128xi32, #tpu.memory_space<hbm>>
        %dma_start3A_219 = tpu.memref_slice %arg2[%add3A_24] : memref<331776xi32, #tpu.memory_space<hbm>> -> memref<128xi32, #tpu.memory_space<hbm>>
        tpu.enqueue_dma source(%dma_start3A_219 : memref<128xi32, #tpu.memory_space<hbm>>) target(%arg8 : memref<128xi32, #tpu.memory_space<vmem>>) target_semaphore(%run_scoped3A : memref<!tpu.dma_semaphore, #tpu.memory_space<semaphore_mem>>)
        %dma_wait3A = tpu.memref_slice %arg2[%add3A_24] : memref<331776xi32, #tpu.memory_space<hbm>> -> memref<128xi32, #tpu.memory_space<hbm>>
        %dma_wait3A_220 = tpu.memref_slice %arg2[%add3A_24] : memref<331776xi32, #tpu.memory_space<hbm>> -> memref<128xi32, #tpu.memory_space<hbm>>
        tpu.wait_dma2 semaphore(%run_scoped3A : memref<!tpu.dma_semaphore, #tpu.memory_space<semaphore_mem>>) src(%dma_wait3A_220 : memref<128xi32, #tpu.memory_space<hbm>>) dst(%arg8 : memref<128xi32, #tpu.memory_space<vmem>>)
        tpu.yield
      }) : () -> ()
      "tpu.region"() ({
        %run_scoped3A = tpu.sem_alloc : memref<!tpu.dma_semaphore, #tpu.memory_space<semaphore_mem>>
        %dma_start3A = tpu.memref_slice %arg3[%add3A_24] : memref<331776xi32, #tpu.memory_space<hbm>> -> memref<128xi32, #tpu.memory_space<hbm>>
        %dma_start3A_219 = tpu.memref_slice %arg3[%add3A_24] : memref<331776xi32, #tpu.memory_space<hbm>> -> memref<128xi32, #tpu.memory_space<hbm>>
        tpu.enqueue_dma source(%dma_start3A_219 : memref<128xi32, #tpu.memory_space<hbm>>) target(%arg9 : memref<128xi32, #tpu.memory_space<vmem>>) target_semaphore(%run_scoped3A : memref<!tpu.dma_semaphore, #tpu.memory_space<semaphore_mem>>)
        %dma_wait3A = tpu.memref_slice %arg3[%add3A_24] : memref<331776xi32, #tpu.memory_space<hbm>> -> memref<128xi32, #tpu.memory_space<hbm>>
        %dma_wait3A_220 = tpu.memref_slice %arg3[%add3A_24] : memref<331776xi32, #tpu.memory_space<hbm>> -> memref<128xi32, #tpu.memory_space<hbm>>
        tpu.wait_dma2 semaphore(%run_scoped3A : memref<!tpu.dma_semaphore, #tpu.memory_space<semaphore_mem>>) src(%dma_wait3A_220 : memref<128xi32, #tpu.memory_space<hbm>>) dst(%arg9 : memref<128xi32, #tpu.memory_space<vmem>>)
        tpu.yield
      }) : () -> ()
      "tpu.region"() ({
        %run_scoped3A = tpu.sem_alloc : memref<!tpu.dma_semaphore, #tpu.memory_space<semaphore_mem>>
        %dma_start3A = arith.constant 0 : i32
        %dma_start3A_219 = arith.constant 0 : i32
        %dma_start3A_220 = tpu.memref_slice %arg4[%dma_start3A, %dma_start3A_219] : memref<10240x16xf32, #tpu.memory_space<hbm>> -> memref<10240x16xf32, #tpu.memory_space<hbm>>
        tpu.enqueue_indirect_dma source(%dma_start3A_220 : memref<10240x16xf32, #tpu.memory_space<hbm>>) target(%arg10 : memref<128x16xf32, #tpu.memory_space<vmem>>) offsets(%arg8 : memref<128xi32, #tpu.memory_space<vmem>>) semaphore(%run_scoped3A : memref<!tpu.dma_semaphore, #tpu.memory_space<semaphore_mem>>)
        %dma_wait3A = arith.constant 0 : i32
        %dma_wait3A_221 = arith.constant 0 : i32
        %dma_wait3A_222 = tpu.memref_slice %arg4[%dma_wait3A, %dma_wait3A_221] : memref<10240x16xf32, #tpu.memory_space<hbm>> -> memref<10240x16xf32, #tpu.memory_space<hbm>>
        tpu.wait_indirect_dma semaphore(%run_scoped3A : memref<!tpu.dma_semaphore, #tpu.memory_space<semaphore_mem>>) src(%dma_wait3A_222 : memref<10240x16xf32, #tpu.memory_space<hbm>>) dst(%arg10 : memref<128x16xf32, #tpu.memory_space<vmem>>)
        tpu.yield
      }) : () -> ()
      "tpu.region"() ({
        %run_scoped3A = tpu.sem_alloc : memref<!tpu.dma_semaphore, #tpu.memory_space<semaphore_mem>>
        %dma_start3A = arith.constant 0 : i32
        %dma_start3A_219 = arith.constant 0 : i32
        %dma_start3A_220 = tpu.memref_slice %arg4[%dma_start3A, %dma_start3A_219] : memref<10240x16xf32, #tpu.memory_space<hbm>> -> memref<10240x16xf32, #tpu.memory_space<hbm>>
        tpu.enqueue_indirect_dma source(%dma_start3A_220 : memref<10240x16xf32, #tpu.memory_space<hbm>>) target(%arg11 : memref<128x16xf32, #tpu.memory_space<vmem>>) offsets(%arg9 : memref<128xi32, #tpu.memory_space<vmem>>) semaphore(%run_scoped3A : memref<!tpu.dma_semaphore, #tpu.memory_space<semaphore_mem>>)
        %dma_wait3A = arith.constant 0 : i32
        %dma_wait3A_221 = arith.constant 0 : i32
        %dma_wait3A_222 = tpu.memref_slice %arg4[%dma_wait3A, %dma_wait3A_221] : memref<10240x16xf32, #tpu.memory_space<hbm>> -> memref<10240x16xf32, #tpu.memory_space<hbm>>
        tpu.wait_indirect_dma semaphore(%run_scoped3A : memref<!tpu.dma_semaphore, #tpu.memory_space<semaphore_mem>>) src(%dma_wait3A_222 : memref<10240x16xf32, #tpu.memory_space<hbm>>) dst(%arg11 : memref<128x16xf32, #tpu.memory_space<vmem>>)
        tpu.yield
      }) : () -> ()
      %add3A_25 = arith.constant 0 : i32
      %add3A_26 = vector.broadcast %add3A_25 : i32 to vector<16xi32>
      %add3A_27 = arith.addi %add3A_26, %iota3A : vector<16xi32>
      %broadcast_in_dim3A = arith.constant 0 : i32
      %broadcast_in_dim3A_28 = vector.broadcast %broadcast_in_dim3A : i32 to vector<16xi32>
      %gather3A = tpu.vector_load_idx %arg10[%add3A_27, %broadcast_in_dim3A_28] : memref<128x16xf32, #tpu.memory_space<vmem>>[vector<16xi32>, vector<16xi32>], vector<16xf32>,
      %broadcast_in_dim3A_29 = arith.constant 8 : i32
      %broadcast_in_dim3A_30 = vector.broadcast %broadcast_in_dim3A_29 : i32 to vector<16xi32>
      %gather3A_31 = tpu.vector_load_idx %arg11[%add3A_27, %broadcast_in_dim3A_30] : memref<128x16xf32, #tpu.memory_space<vmem>>[vector<16xi32>, vector<16xi32>], vector<16xf32>,
      %add3A_32 = arith.addf %gather3A, %gather3A_31 : vector<16xf32>
      %mul3A_33 = arith.constant 2.000000e-01 : f32
      %mul3A_34 = vector.broadcast %mul3A_33 : f32 to vector<16xf32>
      %mul3A_35 = arith.mulf %add3A_32, %mul3A_34 : vector<16xf32>
      %max3A = arith.maximumf %add3A_32, %mul3A_35 : vector<16xf32>
      %exp3A = math.exp %max3A : vector<16xf32>
      %add3A_36 = vector.broadcast %add3A_24 : i32 to vector<16xi32>
      %add3A_37 = arith.addi %add3A_36, %add3A_27 : vector<16xi32>
      %lt3A_38 = arith.constant 330000 : i32
      %lt3A_39 = vector.broadcast %lt3A_38 : i32 to vector<16xi32>
      %lt3A_40 = arith.cmpi slt, %add3A_37, %lt3A_39 : vector<16xi32>
      %jit3A = arith.constant 0.000000e+00 : f32
      %broadcast_in_dim3A_41 = vector.broadcast %jit3A : f32 to vector<16xf32>
      %select_n3A = arith.select %lt3A_40, %exp3A, %broadcast_in_dim3A_41 : vector<16xi1>, vector<16xf32>
      %swap3A = arith.constant 0 : index
      %swap3A_42 = tpu.vector_load %arg12[%swap3A] {strides = array<i32>} : memref<128xf32, #tpu.memory_space<vmem>>, vector<16xf32>,
      tpu.vector_store %arg12[%swap3A], %select_n3A {strides = array<i32>} : memref<128xf32, #tpu.memory_space<vmem>>, vector<16xf32>,
      %add3A_43 = arith.constant 16 : i32
      %add3A_44 = vector.broadcast %add3A_43 : i32 to vector<16xi32>
      %add3A_45 = arith.addi %add3A_44, %iota3A : vector<16xi32>
      %broadcast_in_dim3A_46 = arith.constant 0 : i32
      %broadcast_in_dim3A_47 = vector.broadcast %broadcast_in_dim3A_46 : i32 to vector<16xi32>
      %gather3A_48 = tpu.vector_load_idx %arg10[%add3A_45, %broadcast_in_dim3A_47] : memref<128x16xf32, #tpu.memory_space<vmem>>[vector<16xi32>, vector<16xi32>], vector<16xf32>,
      %broadcast_in_dim3A_49 = arith.constant 8 : i32
      %broadcast_in_dim3A_50 = vector.broadcast %broadcast_in_dim3A_49 : i32 to vector<16xi32>
      %gather3A_51 = tpu.vector_load_idx %arg11[%add3A_45, %broadcast_in_dim3A_50] : memref<128x16xf32, #tpu.memory_space<vmem>>[vector<16xi32>, vector<16xi32>], vector<16xf32>,
      %add3A_52 = arith.addf %gather3A_48, %gather3A_51 : vector<16xf32>
      %mul3A_53 = arith.constant 2.000000e-01 : f32
      %mul3A_54 = vector.broadcast %mul3A_53 : f32 to vector<16xf32>
      %mul3A_55 = arith.mulf %add3A_52, %mul3A_54 : vector<16xf32>
      %max3A_56 = arith.maximumf %add3A_52, %mul3A_55 : vector<16xf32>
      %exp3A_57 = math.exp %max3A_56 : vector<16xf32>
      %add3A_58 = vector.broadcast %add3A_24 : i32 to vector<16xi32>
      %add3A_59 = arith.addi %add3A_58, %add3A_45 : vector<16xi32>
      %lt3A_60 = arith.constant 330000 : i32
      %lt3A_61 = vector.broadcast %lt3A_60 : i32 to vector<16xi32>
      %lt3A_62 = arith.cmpi slt, %add3A_59, %lt3A_61 : vector<16xi32>
      %jit3A_63 = arith.constant 0.000000e+00 : f32
      %broadcast_in_dim3A_64 = vector.broadcast %jit3A_63 : f32 to vector<16xf32>
      %select_n3A_65 = arith.select %lt3A_62, %exp3A_57, %broadcast_in_dim3A_64 : vector<16xi1>, vector<16xf32>
      %swap3A_66 = arith.constant 16 : index
      %swap3A_67 = tpu.vector_load %arg12[%swap3A_66] {strides = array<i32>} : memref<128xf32, #tpu.memory_space<vmem>>, vector<16xf32>,
      tpu.vector_store %arg12[%swap3A_66], %select_n3A_65 {strides = array<i32>} : memref<128xf32, #tpu.memory_space<vmem>>, vector<16xf32>,
      %add3A_68 = arith.constant 32 : i32
      %add3A_69 = vector.broadcast %add3A_68 : i32 to vector<16xi32>
      %add3A_70 = arith.addi %add3A_69, %iota3A : vector<16xi32>
      %broadcast_in_dim3A_71 = arith.constant 0 : i32
      %broadcast_in_dim3A_72 = vector.broadcast %broadcast_in_dim3A_71 : i32 to vector<16xi32>
      %gather3A_73 = tpu.vector_load_idx %arg10[%add3A_70, %broadcast_in_dim3A_72] : memref<128x16xf32, #tpu.memory_space<vmem>>[vector<16xi32>, vector<16xi32>], vector<16xf32>,
      %broadcast_in_dim3A_74 = arith.constant 8 : i32
      %broadcast_in_dim3A_75 = vector.broadcast %broadcast_in_dim3A_74 : i32 to vector<16xi32>
      %gather3A_76 = tpu.vector_load_idx %arg11[%add3A_70, %broadcast_in_dim3A_75] : memref<128x16xf32, #tpu.memory_space<vmem>>[vector<16xi32>, vector<16xi32>], vector<16xf32>,
      %add3A_77 = arith.addf %gather3A_73, %gather3A_76 : vector<16xf32>
      %mul3A_78 = arith.constant 2.000000e-01 : f32
      %mul3A_79 = vector.broadcast %mul3A_78 : f32 to vector<16xf32>
      %mul3A_80 = arith.mulf %add3A_77, %mul3A_79 : vector<16xf32>
      %max3A_81 = arith.maximumf %add3A_77, %mul3A_80 : vector<16xf32>
      %exp3A_82 = math.exp %max3A_81 : vector<16xf32>
      %add3A_83 = vector.broadcast %add3A_24 : i32 to vector<16xi32>
      %add3A_84 = arith.addi %add3A_83, %add3A_70 : vector<16xi32>
      %lt3A_85 = arith.constant 330000 : i32
      %lt3A_86 = vector.broadcast %lt3A_85 : i32 to vector<16xi32>
      %lt3A_87 = arith.cmpi slt, %add3A_84, %lt3A_86 : vector<16xi32>
      %jit3A_88 = arith.constant 0.000000e+00 : f32
      %broadcast_in_dim3A_89 = vector.broadcast %jit3A_88 : f32 to vector<16xf32>
      %select_n3A_90 = arith.select %lt3A_87, %exp3A_82, %broadcast_in_dim3A_89 : vector<16xi1>, vector<16xf32>
      %swap3A_91 = arith.constant 32 : index
      %swap3A_92 = tpu.vector_load %arg12[%swap3A_91] {strides = array<i32>} : memref<128xf32, #tpu.memory_space<vmem>>, vector<16xf32>,
      tpu.vector_store %arg12[%swap3A_91], %select_n3A_90 {strides = array<i32>} : memref<128xf32, #tpu.memory_space<vmem>>, vector<16xf32>,
      %add3A_93 = arith.constant 48 : i32
      %add3A_94 = vector.broadcast %add3A_93 : i32 to vector<16xi32>
      %add3A_95 = arith.addi %add3A_94, %iota3A : vector<16xi32>
      %broadcast_in_dim3A_96 = arith.constant 0 : i32
      %broadcast_in_dim3A_97 = vector.broadcast %broadcast_in_dim3A_96 : i32 to vector<16xi32>
      %gather3A_98 = tpu.vector_load_idx %arg10[%add3A_95, %broadcast_in_dim3A_97] : memref<128x16xf32, #tpu.memory_space<vmem>>[vector<16xi32>, vector<16xi32>], vector<16xf32>,
      %broadcast_in_dim3A_99 = arith.constant 8 : i32
      %broadcast_in_dim3A_100 = vector.broadcast %broadcast_in_dim3A_99 : i32 to vector<16xi32>
      %gather3A_101 = tpu.vector_load_idx %arg11[%add3A_95, %broadcast_in_dim3A_100] : memref<128x16xf32, #tpu.memory_space<vmem>>[vector<16xi32>, vector<16xi32>], vector<16xf32>,
      %add3A_102 = arith.addf %gather3A_98, %gather3A_101 : vector<16xf32>
      %mul3A_103 = arith.constant 2.000000e-01 : f32
      %mul3A_104 = vector.broadcast %mul3A_103 : f32 to vector<16xf32>
      %mul3A_105 = arith.mulf %add3A_102, %mul3A_104 : vector<16xf32>
      %max3A_106 = arith.maximumf %add3A_102, %mul3A_105 : vector<16xf32>
      %exp3A_107 = math.exp %max3A_106 : vector<16xf32>
      %add3A_108 = vector.broadcast %add3A_24 : i32 to vector<16xi32>
      %add3A_109 = arith.addi %add3A_108, %add3A_95 : vector<16xi32>
      %lt3A_110 = arith.constant 330000 : i32
      %lt3A_111 = vector.broadcast %lt3A_110 : i32 to vector<16xi32>
      %lt3A_112 = arith.cmpi slt, %add3A_109, %lt3A_111 : vector<16xi32>
      %jit3A_113 = arith.constant 0.000000e+00 : f32
      %broadcast_in_dim3A_114 = vector.broadcast %jit3A_113 : f32 to vector<16xf32>
      %select_n3A_115 = arith.select %lt3A_112, %exp3A_107, %broadcast_in_dim3A_114 : vector<16xi1>, vector<16xf32>
      %swap3A_116 = arith.constant 48 : index
      %swap3A_117 = tpu.vector_load %arg12[%swap3A_116] {strides = array<i32>} : memref<128xf32, #tpu.memory_space<vmem>>, vector<16xf32>,
      tpu.vector_store %arg12[%swap3A_116], %select_n3A_115 {strides = array<i32>} : memref<128xf32, #tpu.memory_space<vmem>>, vector<16xf32>,
      %add3A_118 = arith.constant 64 : i32
      %add3A_119 = vector.broadcast %add3A_118 : i32 to vector<16xi32>
      %add3A_120 = arith.addi %add3A_119, %iota3A : vector<16xi32>
      %broadcast_in_dim3A_121 = arith.constant 0 : i32
      %broadcast_in_dim3A_122 = vector.broadcast %broadcast_in_dim3A_121 : i32 to vector<16xi32>
      %gather3A_123 = tpu.vector_load_idx %arg10[%add3A_120, %broadcast_in_dim3A_122] : memref<128x16xf32, #tpu.memory_space<vmem>>[vector<16xi32>, vector<16xi32>], vector<16xf32>,
      %broadcast_in_dim3A_124 = arith.constant 8 : i32
      %broadcast_in_dim3A_125 = vector.broadcast %broadcast_in_dim3A_124 : i32 to vector<16xi32>
      %gather3A_126 = tpu.vector_load_idx %arg11[%add3A_120, %broadcast_in_dim3A_125] : memref<128x16xf32, #tpu.memory_space<vmem>>[vector<16xi32>, vector<16xi32>], vector<16xf32>,
      %add3A_127 = arith.addf %gather3A_123, %gather3A_126 : vector<16xf32>
      %mul3A_128 = arith.constant 2.000000e-01 : f32
      %mul3A_129 = vector.broadcast %mul3A_128 : f32 to vector<16xf32>
      %mul3A_130 = arith.mulf %add3A_127, %mul3A_129 : vector<16xf32>
      %max3A_131 = arith.maximumf %add3A_127, %mul3A_130 : vector<16xf32>
      %exp3A_132 = math.exp %max3A_131 : vector<16xf32>
      %add3A_133 = vector.broadcast %add3A_24 : i32 to vector<16xi32>
      %add3A_134 = arith.addi %add3A_133, %add3A_120 : vector<16xi32>
      %lt3A_135 = arith.constant 330000 : i32
      %lt3A_136 = vector.broadcast %lt3A_135 : i32 to vector<16xi32>
      %lt3A_137 = arith.cmpi slt, %add3A_134, %lt3A_136 : vector<16xi32>
      %jit3A_138 = arith.constant 0.000000e+00 : f32
      %broadcast_in_dim3A_139 = vector.broadcast %jit3A_138 : f32 to vector<16xf32>
      %select_n3A_140 = arith.select %lt3A_137, %exp3A_132, %broadcast_in_dim3A_139 : vector<16xi1>, vector<16xf32>
      %swap3A_141 = arith.constant 64 : index
      %swap3A_142 = tpu.vector_load %arg12[%swap3A_141] {strides = array<i32>} : memref<128xf32, #tpu.memory_space<vmem>>, vector<16xf32>,
      tpu.vector_store %arg12[%swap3A_141], %select_n3A_140 {strides = array<i32>} : memref<128xf32, #tpu.memory_space<vmem>>, vector<16xf32>,
      %add3A_143 = arith.constant 80 : i32
      %add3A_144 = vector.broadcast %add3A_143 : i32 to vector<16xi32>
      %add3A_145 = arith.addi %add3A_144, %iota3A : vector<16xi32>
      %broadcast_in_dim3A_146 = arith.constant 0 : i32
      %broadcast_in_dim3A_147 = vector.broadcast %broadcast_in_dim3A_146 : i32 to vector<16xi32>
      %gather3A_148 = tpu.vector_load_idx %arg10[%add3A_145, %broadcast_in_dim3A_147] : memref<128x16xf32, #tpu.memory_space<vmem>>[vector<16xi32>, vector<16xi32>], vector<16xf32>,
      %broadcast_in_dim3A_149 = arith.constant 8 : i32
      %broadcast_in_dim3A_150 = vector.broadcast %broadcast_in_dim3A_149 : i32 to vector<16xi32>
      %gather3A_151 = tpu.vector_load_idx %arg11[%add3A_145, %broadcast_in_dim3A_150] : memref<128x16xf32, #tpu.memory_space<vmem>>[vector<16xi32>, vector<16xi32>], vector<16xf32>,
      %add3A_152 = arith.addf %gather3A_148, %gather3A_151 : vector<16xf32>
      %mul3A_153 = arith.constant 2.000000e-01 : f32
      %mul3A_154 = vector.broadcast %mul3A_153 : f32 to vector<16xf32>
      %mul3A_155 = arith.mulf %add3A_152, %mul3A_154 : vector<16xf32>
      %max3A_156 = arith.maximumf %add3A_152, %mul3A_155 : vector<16xf32>
      %exp3A_157 = math.exp %max3A_156 : vector<16xf32>
      %add3A_158 = vector.broadcast %add3A_24 : i32 to vector<16xi32>
      %add3A_159 = arith.addi %add3A_158, %add3A_145 : vector<16xi32>
      %lt3A_160 = arith.constant 330000 : i32
      %lt3A_161 = vector.broadcast %lt3A_160 : i32 to vector<16xi32>
      %lt3A_162 = arith.cmpi slt, %add3A_159, %lt3A_161 : vector<16xi32>
      %jit3A_163 = arith.constant 0.000000e+00 : f32
      %broadcast_in_dim3A_164 = vector.broadcast %jit3A_163 : f32 to vector<16xf32>
      %select_n3A_165 = arith.select %lt3A_162, %exp3A_157, %broadcast_in_dim3A_164 : vector<16xi1>, vector<16xf32>
      %swap3A_166 = arith.constant 80 : index
      %swap3A_167 = tpu.vector_load %arg12[%swap3A_166] {strides = array<i32>} : memref<128xf32, #tpu.memory_space<vmem>>, vector<16xf32>,
      tpu.vector_store %arg12[%swap3A_166], %select_n3A_165 {strides = array<i32>} : memref<128xf32, #tpu.memory_space<vmem>>, vector<16xf32>,
      %add3A_168 = arith.constant 96 : i32
      %add3A_169 = vector.broadcast %add3A_168 : i32 to vector<16xi32>
      %add3A_170 = arith.addi %add3A_169, %iota3A : vector<16xi32>
      %broadcast_in_dim3A_171 = arith.constant 0 : i32
      %broadcast_in_dim3A_172 = vector.broadcast %broadcast_in_dim3A_171 : i32 to vector<16xi32>
      %gather3A_173 = tpu.vector_load_idx %arg10[%add3A_170, %broadcast_in_dim3A_172] : memref<128x16xf32, #tpu.memory_space<vmem>>[vector<16xi32>, vector<16xi32>], vector<16xf32>,
      %broadcast_in_dim3A_174 = arith.constant 8 : i32
      %broadcast_in_dim3A_175 = vector.broadcast %broadcast_in_dim3A_174 : i32 to vector<16xi32>
      %gather3A_176 = tpu.vector_load_idx %arg11[%add3A_170, %broadcast_in_dim3A_175] : memref<128x16xf32, #tpu.memory_space<vmem>>[vector<16xi32>, vector<16xi32>], vector<16xf32>,
      %add3A_177 = arith.addf %gather3A_173, %gather3A_176 : vector<16xf32>
      %mul3A_178 = arith.constant 2.000000e-01 : f32
      %mul3A_179 = vector.broadcast %mul3A_178 : f32 to vector<16xf32>
      %mul3A_180 = arith.mulf %add3A_177, %mul3A_179 : vector<16xf32>
      %max3A_181 = arith.maximumf %add3A_177, %mul3A_180 : vector<16xf32>
      %exp3A_182 = math.exp %max3A_181 : vector<16xf32>
      %add3A_183 = vector.broadcast %add3A_24 : i32 to vector<16xi32>
      %add3A_184 = arith.addi %add3A_183, %add3A_170 : vector<16xi32>
      %lt3A_185 = arith.constant 330000 : i32
      %lt3A_186 = vector.broadcast %lt3A_185 : i32 to vector<16xi32>
      %lt3A_187 = arith.cmpi slt, %add3A_184, %lt3A_186 : vector<16xi32>
      %jit3A_188 = arith.constant 0.000000e+00 : f32
      %broadcast_in_dim3A_189 = vector.broadcast %jit3A_188 : f32 to vector<16xf32>
      %select_n3A_190 = arith.select %lt3A_187, %exp3A_182, %broadcast_in_dim3A_189 : vector<16xi1>, vector<16xf32>
      %swap3A_191 = arith.constant 96 : index
      %swap3A_192 = tpu.vector_load %arg12[%swap3A_191] {strides = array<i32>} : memref<128xf32, #tpu.memory_space<vmem>>, vector<16xf32>,
      tpu.vector_store %arg12[%swap3A_191], %select_n3A_190 {strides = array<i32>} : memref<128xf32, #tpu.memory_space<vmem>>, vector<16xf32>,
      %add3A_193 = arith.constant 112 : i32
      %add3A_194 = vector.broadcast %add3A_193 : i32 to vector<16xi32>
      %add3A_195 = arith.addi %add3A_194, %iota3A : vector<16xi32>
      %broadcast_in_dim3A_196 = arith.constant 0 : i32
      %broadcast_in_dim3A_197 = vector.broadcast %broadcast_in_dim3A_196 : i32 to vector<16xi32>
      %gather3A_198 = tpu.vector_load_idx %arg10[%add3A_195, %broadcast_in_dim3A_197] : memref<128x16xf32, #tpu.memory_space<vmem>>[vector<16xi32>, vector<16xi32>], vector<16xf32>,
      %broadcast_in_dim3A_199 = arith.constant 8 : i32
      %broadcast_in_dim3A_200 = vector.broadcast %broadcast_in_dim3A_199 : i32 to vector<16xi32>
      %gather3A_201 = tpu.vector_load_idx %arg11[%add3A_195, %broadcast_in_dim3A_200] : memref<128x16xf32, #tpu.memory_space<vmem>>[vector<16xi32>, vector<16xi32>], vector<16xf32>,
      %add3A_202 = arith.addf %gather3A_198, %gather3A_201 : vector<16xf32>
      %mul3A_203 = arith.constant 2.000000e-01 : f32
      %mul3A_204 = vector.broadcast %mul3A_203 : f32 to vector<16xf32>
      %mul3A_205 = arith.mulf %add3A_202, %mul3A_204 : vector<16xf32>
      %max3A_206 = arith.maximumf %add3A_202, %mul3A_205 : vector<16xf32>
      %exp3A_207 = math.exp %max3A_206 : vector<16xf32>
      %add3A_208 = vector.broadcast %add3A_24 : i32 to vector<16xi32>
      %add3A_209 = arith.addi %add3A_208, %add3A_195 : vector<16xi32>
      %lt3A_210 = arith.constant 330000 : i32
      %lt3A_211 = vector.broadcast %lt3A_210 : i32 to vector<16xi32>
      %lt3A_212 = arith.cmpi slt, %add3A_209, %lt3A_211 : vector<16xi32>
      %jit3A_213 = arith.constant 0.000000e+00 : f32
      %broadcast_in_dim3A_214 = vector.broadcast %jit3A_213 : f32 to vector<16xf32>
      %select_n3A_215 = arith.select %lt3A_212, %exp3A_207, %broadcast_in_dim3A_214 : vector<16xi1>, vector<16xf32>
      %swap3A_216 = arith.constant 112 : index
      %swap3A_217 = tpu.vector_load %arg12[%swap3A_216] {strides = array<i32>} : memref<128xf32, #tpu.memory_space<vmem>>, vector<16xf32>,
      tpu.vector_store %arg12[%swap3A_216], %select_n3A_215 {strides = array<i32>} : memref<128xf32, #tpu.memory_space<vmem>>, vector<16xf32>,
      "tpu.region"() ({
        %run_scoped3A = tpu.sem_alloc : memref<!tpu.dma_semaphore, #tpu.memory_space<semaphore_mem>>
        %dma_start3A = tpu.memref_slice %arg6[%add3A_24] : memref<331776xf32, #tpu.memory_space<hbm>> -> memref<128xf32, #tpu.memory_space<hbm>>
        %dma_start3A_219 = tpu.memref_slice %arg6[%add3A_24] : memref<331776xf32, #tpu.memory_space<hbm>> -> memref<128xf32, #tpu.memory_space<hbm>>
        tpu.enqueue_dma source(%arg12 : memref<128xf32, #tpu.memory_space<vmem>>) target(%dma_start3A_219 : memref<128xf32, #tpu.memory_space<hbm>>) target_semaphore(%run_scoped3A : memref<!tpu.dma_semaphore, #tpu.memory_space<semaphore_mem>>)
        %dma_wait3A = tpu.memref_slice %arg6[%add3A_24] : memref<331776xf32, #tpu.memory_space<hbm>> -> memref<128xf32, #tpu.memory_space<hbm>>
        %dma_wait3A_220 = tpu.memref_slice %arg6[%add3A_24] : memref<331776xf32, #tpu.memory_space<hbm>> -> memref<128xf32, #tpu.memory_space<hbm>>
        tpu.wait_dma2 semaphore(%run_scoped3A : memref<!tpu.dma_semaphore, #tpu.memory_space<semaphore_mem>>) src(%arg12 : memref<128xf32, #tpu.memory_space<vmem>>) dst(%dma_wait3A_220 : memref<128xf32, #tpu.memory_space<hbm>>)
        tpu.yield
      }) : () -> ()
      "tpu.region"() ({
        %run_scoped3A = tpu.sem_alloc : memref<!tpu.dma_semaphore, #tpu.memory_space<semaphore_mem>>
        %dma_start3A = arith.constant 0 : i32
        %dma_start3A_219 = tpu.memref_slice %arg13[%dma_start3A] : memref<10240xf32, #tpu.memory_space<vmem_shared>> -> memref<10240xf32, #tpu.memory_space<vmem_shared>>
        tpu.enqueue_indirect_dma source(%arg12 : memref<128xf32, #tpu.memory_space<vmem>>) target(%dma_start3A_219 : memref<10240xf32, #tpu.memory_space<vmem_shared>>) offsets(%arg9 : memref<128xi32, #tpu.memory_space<vmem>>) semaphore(%run_scoped3A : memref<!tpu.dma_semaphore, #tpu.memory_space<semaphore_mem>>) {add = true}
        %dma_wait3A = arith.constant 0 : i32
        %dma_wait3A_220 = tpu.memref_slice %arg13[%dma_wait3A] : memref<10240xf32, #tpu.memory_space<vmem_shared>> -> memref<10240xf32, #tpu.memory_space<vmem_shared>>
        tpu.wait_indirect_dma semaphore(%run_scoped3A : memref<!tpu.dma_semaphore, #tpu.memory_space<semaphore_mem>>) src(%arg12 : memref<128xf32, #tpu.memory_space<vmem>>) dst(%dma_wait3A_220 : memref<10240xf32, #tpu.memory_space<vmem_shared>>)
        tpu.yield
      }) : () -> ()
      %scan3A_218 = arith.constant 0 : i32
      scf.yield %scan3A_218 : i32
    }
    %scan3A_14 = arith.constant 81 : i32
    %barrier3A_15 = arith.constant 0 : index
    tpu.barrier barrier_id(%barrier3A_15)
    %mul3A_16 = arith.constant 640 : i32
    %mul3A_17 = arith.muli %arg1, %mul3A_16 : i32
    %mul3A_18 = arith.constant 640 : i32
    %mul3A_19 = arith.muli %arg1, %mul3A_18 : i32
    "tpu.region"() ({
      %run_scoped3A = tpu.sem_alloc : memref<!tpu.dma_semaphore, #tpu.memory_space<semaphore_mem>>
      %dma_start3A = tpu.memref_slice %arg7[%arg0, %mul3A_19] : memref<2x10240xf32, #tpu.memory_space<hbm>> -> memref<1x640xf32, #tpu.memory_space<hbm>>
      %dma_start3A_20 = tpu.memref_squeeze %dma_start3A : memref<1x640xf32, #tpu.memory_space<hbm>> -> memref<640xf32, #tpu.memory_space<hbm>>
      %dma_start3A_21 = tpu.memref_slice %arg13[%mul3A_17] : memref<10240xf32, #tpu.memory_space<vmem_shared>> -> memref<640xf32, #tpu.memory_space<vmem_shared>>
      tpu.enqueue_dma source(%dma_start3A_21 : memref<640xf32, #tpu.memory_space<vmem_shared>>) target(%dma_start3A_20 : memref<640xf32, #tpu.memory_space<hbm>>) target_semaphore(%run_scoped3A : memref<!tpu.dma_semaphore, #tpu.memory_space<semaphore_mem>>)
      %dma_wait3A = tpu.memref_slice %arg7[%arg0, %mul3A_19] : memref<2x10240xf32, #tpu.memory_space<hbm>> -> memref<1x640xf32, #tpu.memory_space<hbm>>
      %dma_wait3A_22 = tpu.memref_squeeze %dma_wait3A : memref<1x640xf32, #tpu.memory_space<hbm>> -> memref<640xf32, #tpu.memory_space<hbm>>
      %dma_wait3A_23 = tpu.memref_slice %arg13[%mul3A_17] : memref<10240xf32, #tpu.memory_space<vmem_shared>> -> memref<640xf32, #tpu.memory_space<vmem_shared>>
      tpu.wait_dma2 semaphore(%run_scoped3A : memref<!tpu.dma_semaphore, #tpu.memory_space<semaphore_mem>>) src(%dma_wait3A_23 : memref<640xf32, #tpu.memory_space<vmem_shared>>) dst(%dma_wait3A_22 : memref<640xf32, #tpu.memory_space<hbm>>)
      tpu.yield
    }) : () -> ()
    return
  }
}

#map = affine_map<(d0, d1) -> (0)>
#map1 = affine_map<(d0, d1) -> (0, 0)>
module attributes {stable_mosaic.version = 14 : i64} {
  func.func @k(%arg0: i32, %arg1: i32, %arg2: memref<331776xi32, #tpu.memory_space<hbm>>, %arg3: memref<331776xi32, #tpu.memory_space<hbm>>, %arg4: memref<10240x16xf32, #tpu.memory_space<hbm>>, %arg5: memref<640xf32, #tpu.memory_space<hbm>>, %arg6: memref<331776xf32, #tpu.memory_space<hbm>>, %arg7: memref<2x10240xf32, #tpu.memory_space<hbm>>, %arg8: memref<128xi32, #tpu.memory_space<vmem>>, %arg9: memref<128xi32, #tpu.memory_space<vmem>>, %arg10: memref<128x16xf32, #tpu.memory_space<vmem>>, %arg11: memref<128x16xf32, #tpu.memory_space<vmem>>, %arg12: memref<128xf32, #tpu.memory_space<vmem>>, %arg13: memref<10240xf32, #tpu.memory_space<vmem_shared>>) attributes {dimension_semantics = [#tpu.dimension_semantics<core_parallel>, #tpu.dimension_semantics<subcore_parallel>], iteration_bounds = array<i64: 2, 16>, scalar_prefetch = 0 : i64, scratch_operands = 6 : i64, tpu.core_type = #tpu.core_type<sc_vector_subcore>, window_params = [{transform_indices = #map}, {transform_indices = #map}, {transform_indices = #map1}, {transform_indices = #map}, {transform_indices = #map}, {transform_indices = #map1}]} {
    %mul3A = arith.constant 16 : i32
    %mul3A_0 = arith.muli %arg0, %mul3A : i32
    %add3A = arith.addi %mul3A_0, %arg1 : i32
    %mul3A_1 = arith.constant 640 : i32
    %mul3A_2 = arith.muli %arg1, %mul3A_1 : i32
    "tpu.region"() ({
      %run_scoped3A = tpu.sem_alloc : memref<!tpu.dma_semaphore, #tpu.memory_space<semaphore_mem>>
      %dma_start3A = tpu.memref_slice %arg13[%mul3A_2] : memref<10240xf32, #tpu.memory_space<vmem_shared>> -> memref<640xf32, #tpu.memory_space<vmem_shared>>
      tpu.enqueue_dma source(%arg5 : memref<640xf32, #tpu.memory_space<hbm>>) target(%dma_start3A : memref<640xf32, #tpu.memory_space<vmem_shared>>) target_semaphore(%run_scoped3A : memref<!tpu.dma_semaphore, #tpu.memory_space<semaphore_mem>>)
      %dma_wait3A = tpu.memref_slice %arg13[%mul3A_2] : memref<10240xf32, #tpu.memory_space<vmem_shared>> -> memref<640xf32, #tpu.memory_space<vmem_shared>>
      tpu.wait_dma2 semaphore(%run_scoped3A : memref<!tpu.dma_semaphore, #tpu.memory_space<semaphore_mem>>) src(%arg5 : memref<640xf32, #tpu.memory_space<hbm>>) dst(%dma_wait3A : memref<640xf32, #tpu.memory_space<vmem_shared>>)
      tpu.yield
    }) : () -> ()
    %barrier3A = arith.constant 0 : index
    tpu.barrier barrier_id(%barrier3A)
    %mul3A_3 = arith.constant 10368 : i32
    %mul3A_4 = arith.muli %add3A, %mul3A_3 : i32
    %iota3A = tpu.iota {dimensions = array<i32: 0>} : vector<16xi32>
    %min3A = arith.constant 7 : i32
    %min3A_5 = vector.broadcast %min3A : i32 to vector<16xi32>
    %min3A_6 = arith.minsi %iota3A, %min3A_5 : vector<16xi32>
    %lt3A = arith.constant 8 : i32
    %lt3A_7 = vector.broadcast %lt3A : i32 to vector<16xi32>
    %lt3A_8 = arith.cmpi slt, %iota3A, %lt3A_7 : vector<16xi32>
    %scan3A = arith.constant 0 : i32
    %scan3A_9 = arith.constant 0 : i32
    %scan3A_10 = arith.constant 81 : i32
    %scan3A_11 = arith.addi %scan3A_9, %scan3A_10 : i32
    %scan3A_12 = arith.constant 1 : i32
    %scan3A_13 = scf.for %scan3A_20 = %scan3A_9 to %scan3A_11 step %scan3A_12 iter_args(%scan3A_21 = %scan3A) -> (i32)  : i32 {
      %mul3A_22 = arith.constant 128 : i32
      %mul3A_23 = arith.muli %scan3A_20, %mul3A_22 : i32
      %add3A_24 = arith.addi %mul3A_4, %mul3A_23 : i32
      "tpu.region"() ({
        %run_scoped3A = tpu.sem_alloc : memref<!tpu.dma_semaphore, #tpu.memory_space<semaphore_mem>>
        %dma_start3A = tpu.memref_slice %arg2[%add3A_24] : memref<331776xi32, #tpu.memory_space<hbm>> -> memref<128xi32, #tpu.memory_space<hbm>>
        %dma_start3A_219 = tpu.memref_slice %arg2[%add3A_24] : memref<331776xi32, #tpu.memory_space<hbm>> -> memref<128xi32, #tpu.memory_space<hbm>>
        tpu.enqueue_dma source(%dma_start3A_219 : memref<128xi32, #tpu.memory_space<hbm>>) target(%arg8 : memref<128xi32, #tpu.memory_space<vmem>>) target_semaphore(%run_scoped3A : memref<!tpu.dma_semaphore, #tpu.memory_space<semaphore_mem>>)
        %dma_wait3A = tpu.memref_slice %arg2[%add3A_24] : memref<331776xi32, #tpu.memory_space<hbm>> -> memref<128xi32, #tpu.memory_space<hbm>>
        %dma_wait3A_220 = tpu.memref_slice %arg2[%add3A_24] : memref<331776xi32, #tpu.memory_space<hbm>> -> memref<128xi32, #tpu.memory_space<hbm>>
        tpu.wait_dma2 semaphore(%run_scoped3A : memref<!tpu.dma_semaphore, #tpu.memory_space<semaphore_mem>>) src(%dma_wait3A_220 : memref<128xi32, #tpu.memory_space<hbm>>) dst(%arg8 : memref<128xi32, #tpu.memory_space<vmem>>)
        tpu.yield
      }) : () -> ()
      "tpu.region"() ({
        %run_scoped3A = tpu.sem_alloc : memref<!tpu.dma_semaphore, #tpu.memory_space<semaphore_mem>>
        %dma_start3A = tpu.memref_slice %arg3[%add3A_24] : memref<331776xi32, #tpu.memory_space<hbm>> -> memref<128xi32, #tpu.memory_space<hbm>>
        %dma_start3A_219 = tpu.memref_slice %arg3[%add3A_24] : memref<331776xi32, #tpu.memory_space<hbm>> -> memref<128xi32, #tpu.memory_space<hbm>>
        tpu.enqueue_dma source(%dma_start3A_219 : memref<128xi32, #tpu.memory_space<hbm>>) target(%arg9 : memref<128xi32, #tpu.memory_space<vmem>>) target_semaphore(%run_scoped3A : memref<!tpu.dma_semaphore, #tpu.memory_space<semaphore_mem>>)
        %dma_wait3A = tpu.memref_slice %arg3[%add3A_24] : memref<331776xi32, #tpu.memory_space<hbm>> -> memref<128xi32, #tpu.memory_space<hbm>>
        %dma_wait3A_220 = tpu.memref_slice %arg3[%add3A_24] : memref<331776xi32, #tpu.memory_space<hbm>> -> memref<128xi32, #tpu.memory_space<hbm>>
        tpu.wait_dma2 semaphore(%run_scoped3A : memref<!tpu.dma_semaphore, #tpu.memory_space<semaphore_mem>>) src(%dma_wait3A_220 : memref<128xi32, #tpu.memory_space<hbm>>) dst(%arg9 : memref<128xi32, #tpu.memory_space<vmem>>)
        tpu.yield
      }) : () -> ()
      "tpu.region"() ({
        %run_scoped3A = tpu.sem_alloc : memref<!tpu.dma_semaphore, #tpu.memory_space<semaphore_mem>>
        %dma_start3A = arith.constant 0 : i32
        %dma_start3A_219 = arith.constant 0 : i32
        %dma_start3A_220 = tpu.memref_slice %arg4[%dma_start3A, %dma_start3A_219] : memref<10240x16xf32, #tpu.memory_space<hbm>> -> memref<10240x16xf32, #tpu.memory_space<hbm>>
        tpu.enqueue_indirect_dma source(%dma_start3A_220 : memref<10240x16xf32, #tpu.memory_space<hbm>>) target(%arg10 : memref<128x16xf32, #tpu.memory_space<vmem>>) offsets(%arg8 : memref<128xi32, #tpu.memory_space<vmem>>) semaphore(%run_scoped3A : memref<!tpu.dma_semaphore, #tpu.memory_space<semaphore_mem>>)
        %dma_wait3A = arith.constant 0 : i32
        %dma_wait3A_221 = arith.constant 0 : i32
        %dma_wait3A_222 = tpu.memref_slice %arg4[%dma_wait3A, %dma_wait3A_221] : memref<10240x16xf32, #tpu.memory_space<hbm>> -> memref<10240x16xf32, #tpu.memory_space<hbm>>
        tpu.wait_indirect_dma semaphore(%run_scoped3A : memref<!tpu.dma_semaphore, #tpu.memory_space<semaphore_mem>>) src(%dma_wait3A_222 : memref<10240x16xf32, #tpu.memory_space<hbm>>) dst(%arg10 : memref<128x16xf32, #tpu.memory_space<vmem>>)
        tpu.yield
      }) : () -> ()
      "tpu.region"() ({
        %run_scoped3A = tpu.sem_alloc : memref<!tpu.dma_semaphore, #tpu.memory_space<semaphore_mem>>
        %dma_start3A = arith.constant 0 : i32
        %dma_start3A_219 = arith.constant 0 : i32
        %dma_start3A_220 = tpu.memref_slice %arg4[%dma_start3A, %dma_start3A_219] : memref<10240x16xf32, #tpu.memory_space<hbm>> -> memref<10240x16xf32, #tpu.memory_space<hbm>>
        tpu.enqueue_indirect_dma source(%dma_start3A_220 : memref<10240x16xf32, #tpu.memory_space<hbm>>) target(%arg11 : memref<128x16xf32, #tpu.memory_space<vmem>>) offsets(%arg9 : memref<128xi32, #tpu.memory_space<vmem>>) semaphore(%run_scoped3A : memref<!tpu.dma_semaphore, #tpu.memory_space<semaphore_mem>>)
        %dma_wait3A = arith.constant 0 : i32
        %dma_wait3A_221 = arith.constant 0 : i32
        %dma_wait3A_222 = tpu.memref_slice %arg4[%dma_wait3A, %dma_wait3A_221] : memref<10240x16xf32, #tpu.memory_space<hbm>> -> memref<10240x16xf32, #tpu.memory_space<hbm>>
        tpu.wait_indirect_dma semaphore(%run_scoped3A : memref<!tpu.dma_semaphore, #tpu.memory_space<semaphore_mem>>) src(%dma_wait3A_222 : memref<10240x16xf32, #tpu.memory_space<hbm>>) dst(%arg11 : memref<128x16xf32, #tpu.memory_space<vmem>>)
        tpu.yield
      }) : () -> ()
      %add3A_25 = arith.constant 0 : i32
      %add3A_26 = vector.broadcast %add3A_25 : i32 to vector<16xi32>
      %add3A_27 = arith.addi %add3A_26, %iota3A : vector<16xi32>
      %broadcast_in_dim3A = arith.constant 0 : i32
      %broadcast_in_dim3A_28 = vector.broadcast %broadcast_in_dim3A : i32 to vector<16xi32>
      %gather3A = tpu.vector_load_idx %arg10[%add3A_27, %broadcast_in_dim3A_28] : memref<128x16xf32, #tpu.memory_space<vmem>>[vector<16xi32>, vector<16xi32>], vector<16xf32>,
      %broadcast_in_dim3A_29 = arith.constant 8 : i32
      %broadcast_in_dim3A_30 = vector.broadcast %broadcast_in_dim3A_29 : i32 to vector<16xi32>
      %gather3A_31 = tpu.vector_load_idx %arg11[%add3A_27, %broadcast_in_dim3A_30] : memref<128x16xf32, #tpu.memory_space<vmem>>[vector<16xi32>, vector<16xi32>], vector<16xf32>,
      %add3A_32 = arith.addf %gather3A, %gather3A_31 : vector<16xf32>
      %mul3A_33 = arith.constant 2.000000e-01 : f32
      %mul3A_34 = vector.broadcast %mul3A_33 : f32 to vector<16xf32>
      %mul3A_35 = arith.mulf %add3A_32, %mul3A_34 : vector<16xf32>
      %max3A = arith.maximumf %add3A_32, %mul3A_35 : vector<16xf32>
      %exp3A = math.exp %max3A : vector<16xf32>
      %add3A_36 = vector.broadcast %add3A_24 : i32 to vector<16xi32>
      %add3A_37 = arith.addi %add3A_36, %add3A_27 : vector<16xi32>
      %lt3A_38 = arith.constant 330000 : i32
      %lt3A_39 = vector.broadcast %lt3A_38 : i32 to vector<16xi32>
      %lt3A_40 = arith.cmpi slt, %add3A_37, %lt3A_39 : vector<16xi32>
      %jit3A = arith.constant 0.000000e+00 : f32
      %broadcast_in_dim3A_41 = vector.broadcast %jit3A : f32 to vector<16xf32>
      %select_n3A = arith.select %lt3A_40, %exp3A, %broadcast_in_dim3A_41 : vector<16xi1>, vector<16xf32>
      %swap3A = arith.constant 0 : index
      %swap3A_42 = tpu.vector_load %arg12[%swap3A] {strides = array<i32>} : memref<128xf32, #tpu.memory_space<vmem>>, vector<16xf32>,
      tpu.vector_store %arg12[%swap3A], %select_n3A {strides = array<i32>} : memref<128xf32, #tpu.memory_space<vmem>>, vector<16xf32>,
      %add3A_43 = arith.constant 16 : i32
      %add3A_44 = vector.broadcast %add3A_43 : i32 to vector<16xi32>
      %add3A_45 = arith.addi %add3A_44, %iota3A : vector<16xi32>
      %broadcast_in_dim3A_46 = arith.constant 0 : i32
      %broadcast_in_dim3A_47 = vector.broadcast %broadcast_in_dim3A_46 : i32 to vector<16xi32>
      %gather3A_48 = tpu.vector_load_idx %arg10[%add3A_45, %broadcast_in_dim3A_47] : memref<128x16xf32, #tpu.memory_space<vmem>>[vector<16xi32>, vector<16xi32>], vector<16xf32>,
      %broadcast_in_dim3A_49 = arith.constant 8 : i32
      %broadcast_in_dim3A_50 = vector.broadcast %broadcast_in_dim3A_49 : i32 to vector<16xi32>
      %gather3A_51 = tpu.vector_load_idx %arg11[%add3A_45, %broadcast_in_dim3A_50] : memref<128x16xf32, #tpu.memory_space<vmem>>[vector<16xi32>, vector<16xi32>], vector<16xf32>,
      %add3A_52 = arith.addf %gather3A_48, %gather3A_51 : vector<16xf32>
      %mul3A_53 = arith.constant 2.000000e-01 : f32
      %mul3A_54 = vector.broadcast %mul3A_53 : f32 to vector<16xf32>
      %mul3A_55 = arith.mulf %add3A_52, %mul3A_54 : vector<16xf32>
      %max3A_56 = arith.maximumf %add3A_52, %mul3A_55 : vector<16xf32>
      %exp3A_57 = math.exp %max3A_56 : vector<16xf32>
      %add3A_58 = vector.broadcast %add3A_24 : i32 to vector<16xi32>
      %add3A_59 = arith.addi %add3A_58, %add3A_45 : vector<16xi32>
      %lt3A_60 = arith.constant 330000 : i32
      %lt3A_61 = vector.broadcast %lt3A_60 : i32 to vector<16xi32>
      %lt3A_62 = arith.cmpi slt, %add3A_59, %lt3A_61 : vector<16xi32>
      %jit3A_63 = arith.constant 0.000000e+00 : f32
      %broadcast_in_dim3A_64 = vector.broadcast %jit3A_63 : f32 to vector<16xf32>
      %select_n3A_65 = arith.select %lt3A_62, %exp3A_57, %broadcast_in_dim3A_64 : vector<16xi1>, vector<16xf32>
      %swap3A_66 = arith.constant 16 : index
      %swap3A_67 = tpu.vector_load %arg12[%swap3A_66] {strides = array<i32>} : memref<128xf32, #tpu.memory_space<vmem>>, vector<16xf32>,
      tpu.vector_store %arg12[%swap3A_66], %select_n3A_65 {strides = array<i32>} : memref<128xf32, #tpu.memory_space<vmem>>, vector<16xf32>,
      %add3A_68 = arith.constant 32 : i32
      %add3A_69 = vector.broadcast %add3A_68 : i32 to vector<16xi32>
      %add3A_70 = arith.addi %add3A_69, %iota3A : vector<16xi32>
      %broadcast_in_dim3A_71 = arith.constant 0 : i32
      %broadcast_in_dim3A_72 = vector.broadcast %broadcast_in_dim3A_71 : i32 to vector<16xi32>
      %gather3A_73 = tpu.vector_load_idx %arg10[%add3A_70, %broadcast_in_dim3A_72] : memref<128x16xf32, #tpu.memory_space<vmem>>[vector<16xi32>, vector<16xi32>], vector<16xf32>,
      %broadcast_in_dim3A_74 = arith.constant 8 : i32
      %broadcast_in_dim3A_75 = vector.broadcast %broadcast_in_dim3A_74 : i32 to vector<16xi32>
      %gather3A_76 = tpu.vector_load_idx %arg11[%add3A_70, %broadcast_in_dim3A_75] : memref<128x16xf32, #tpu.memory_space<vmem>>[vector<16xi32>, vector<16xi32>], vector<16xf32>,
      %add3A_77 = arith.addf %gather3A_73, %gather3A_76 : vector<16xf32>
      %mul3A_78 = arith.constant 2.000000e-01 : f32
      %mul3A_79 = vector.broadcast %mul3A_78 : f32 to vector<16xf32>
      %mul3A_80 = arith.mulf %add3A_77, %mul3A_79 : vector<16xf32>
      %max3A_81 = arith.maximumf %add3A_77, %mul3A_80 : vector<16xf32>
      %exp3A_82 = math.exp %max3A_81 : vector<16xf32>
      %add3A_83 = vector.broadcast %add3A_24 : i32 to vector<16xi32>
      %add3A_84 = arith.addi %add3A_83, %add3A_70 : vector<16xi32>
      %lt3A_85 = arith.constant 330000 : i32
      %lt3A_86 = vector.broadcast %lt3A_85 : i32 to vector<16xi32>
      %lt3A_87 = arith.cmpi slt, %add3A_84, %lt3A_86 : vector<16xi32>
      %jit3A_88 = arith.constant 0.000000e+00 : f32
      %broadcast_in_dim3A_89 = vector.broadcast %jit3A_88 : f32 to vector<16xf32>
      %select_n3A_90 = arith.select %lt3A_87, %exp3A_82, %broadcast_in_dim3A_89 : vector<16xi1>, vector<16xf32>
      %swap3A_91 = arith.constant 32 : index
      %swap3A_92 = tpu.vector_load %arg12[%swap3A_91] {strides = array<i32>} : memref<128xf32, #tpu.memory_space<vmem>>, vector<16xf32>,
      tpu.vector_store %arg12[%swap3A_91], %select_n3A_90 {strides = array<i32>} : memref<128xf32, #tpu.memory_space<vmem>>, vector<16xf32>,
      %add3A_93 = arith.constant 48 : i32
      %add3A_94 = vector.broadcast %add3A_93 : i32 to vector<16xi32>
      %add3A_95 = arith.addi %add3A_94, %iota3A : vector<16xi32>
      %broadcast_in_dim3A_96 = arith.constant 0 : i32
      %broadcast_in_dim3A_97 = vector.broadcast %broadcast_in_dim3A_96 : i32 to vector<16xi32>
      %gather3A_98 = tpu.vector_load_idx %arg10[%add3A_95, %broadcast_in_dim3A_97] : memref<128x16xf32, #tpu.memory_space<vmem>>[vector<16xi32>, vector<16xi32>], vector<16xf32>,
      %broadcast_in_dim3A_99 = arith.constant 8 : i32
      %broadcast_in_dim3A_100 = vector.broadcast %broadcast_in_dim3A_99 : i32 to vector<16xi32>
      %gather3A_101 = tpu.vector_load_idx %arg11[%add3A_95, %broadcast_in_dim3A_100] : memref<128x16xf32, #tpu.memory_space<vmem>>[vector<16xi32>, vector<16xi32>], vector<16xf32>,
      %add3A_102 = arith.addf %gather3A_98, %gather3A_101 : vector<16xf32>
      %mul3A_103 = arith.constant 2.000000e-01 : f32
      %mul3A_104 = vector.broadcast %mul3A_103 : f32 to vector<16xf32>
      %mul3A_105 = arith.mulf %add3A_102, %mul3A_104 : vector<16xf32>
      %max3A_106 = arith.maximumf %add3A_102, %mul3A_105 : vector<16xf32>
      %exp3A_107 = math.exp %max3A_106 : vector<16xf32>
      %add3A_108 = vector.broadcast %add3A_24 : i32 to vector<16xi32>
      %add3A_109 = arith.addi %add3A_108, %add3A_95 : vector<16xi32>
      %lt3A_110 = arith.constant 330000 : i32
      %lt3A_111 = vector.broadcast %lt3A_110 : i32 to vector<16xi32>
      %lt3A_112 = arith.cmpi slt, %add3A_109, %lt3A_111 : vector<16xi32>
      %jit3A_113 = arith.constant 0.000000e+00 : f32
      %broadcast_in_dim3A_114 = vector.broadcast %jit3A_113 : f32 to vector<16xf32>
      %select_n3A_115 = arith.select %lt3A_112, %exp3A_107, %broadcast_in_dim3A_114 : vector<16xi1>, vector<16xf32>
      %swap3A_116 = arith.constant 48 : index
      %swap3A_117 = tpu.vector_load %arg12[%swap3A_116] {strides = array<i32>} : memref<128xf32, #tpu.memory_space<vmem>>, vector<16xf32>,
      tpu.vector_store %arg12[%swap3A_116], %select_n3A_115 {strides = array<i32>} : memref<128xf32, #tpu.memory_space<vmem>>, vector<16xf32>,
      %add3A_118 = arith.constant 64 : i32
      %add3A_119 = vector.broadcast %add3A_118 : i32 to vector<16xi32>
      %add3A_120 = arith.addi %add3A_119, %iota3A : vector<16xi32>
      %broadcast_in_dim3A_121 = arith.constant 0 : i32
      %broadcast_in_dim3A_122 = vector.broadcast %broadcast_in_dim3A_121 : i32 to vector<16xi32>
      %gather3A_123 = tpu.vector_load_idx %arg10[%add3A_120, %broadcast_in_dim3A_122] : memref<128x16xf32, #tpu.memory_space<vmem>>[vector<16xi32>, vector<16xi32>], vector<16xf32>,
      %broadcast_in_dim3A_124 = arith.constant 8 : i32
      %broadcast_in_dim3A_125 = vector.broadcast %broadcast_in_dim3A_124 : i32 to vector<16xi32>
      %gather3A_126 = tpu.vector_load_idx %arg11[%add3A_120, %broadcast_in_dim3A_125] : memref<128x16xf32, #tpu.memory_space<vmem>>[vector<16xi32>, vector<16xi32>], vector<16xf32>,
      %add3A_127 = arith.addf %gather3A_123, %gather3A_126 : vector<16xf32>
      %mul3A_128 = arith.constant 2.000000e-01 : f32
      %mul3A_129 = vector.broadcast %mul3A_128 : f32 to vector<16xf32>
      %mul3A_130 = arith.mulf %add3A_127, %mul3A_129 : vector<16xf32>
      %max3A_131 = arith.maximumf %add3A_127, %mul3A_130 : vector<16xf32>
      %exp3A_132 = math.exp %max3A_131 : vector<16xf32>
      %add3A_133 = vector.broadcast %add3A_24 : i32 to vector<16xi32>
      %add3A_134 = arith.addi %add3A_133, %add3A_120 : vector<16xi32>
      %lt3A_135 = arith.constant 330000 : i32
      %lt3A_136 = vector.broadcast %lt3A_135 : i32 to vector<16xi32>
      %lt3A_137 = arith.cmpi slt, %add3A_134, %lt3A_136 : vector<16xi32>
      %jit3A_138 = arith.constant 0.000000e+00 : f32
      %broadcast_in_dim3A_139 = vector.broadcast %jit3A_138 : f32 to vector<16xf32>
      %select_n3A_140 = arith.select %lt3A_137, %exp3A_132, %broadcast_in_dim3A_139 : vector<16xi1>, vector<16xf32>
      %swap3A_141 = arith.constant 64 : index
      %swap3A_142 = tpu.vector_load %arg12[%swap3A_141] {strides = array<i32>} : memref<128xf32, #tpu.memory_space<vmem>>, vector<16xf32>,
      tpu.vector_store %arg12[%swap3A_141], %select_n3A_140 {strides = array<i32>} : memref<128xf32, #tpu.memory_space<vmem>>, vector<16xf32>,
      %add3A_143 = arith.constant 80 : i32
      %add3A_144 = vector.broadcast %add3A_143 : i32 to vector<16xi32>
      %add3A_145 = arith.addi %add3A_144, %iota3A : vector<16xi32>
      %broadcast_in_dim3A_146 = arith.constant 0 : i32
      %broadcast_in_dim3A_147 = vector.broadcast %broadcast_in_dim3A_146 : i32 to vector<16xi32>
      %gather3A_148 = tpu.vector_load_idx %arg10[%add3A_145, %broadcast_in_dim3A_147] : memref<128x16xf32, #tpu.memory_space<vmem>>[vector<16xi32>, vector<16xi32>], vector<16xf32>,
      %broadcast_in_dim3A_149 = arith.constant 8 : i32
      %broadcast_in_dim3A_150 = vector.broadcast %broadcast_in_dim3A_149 : i32 to vector<16xi32>
      %gather3A_151 = tpu.vector_load_idx %arg11[%add3A_145, %broadcast_in_dim3A_150] : memref<128x16xf32, #tpu.memory_space<vmem>>[vector<16xi32>, vector<16xi32>], vector<16xf32>,
      %add3A_152 = arith.addf %gather3A_148, %gather3A_151 : vector<16xf32>
      %mul3A_153 = arith.constant 2.000000e-01 : f32
      %mul3A_154 = vector.broadcast %mul3A_153 : f32 to vector<16xf32>
      %mul3A_155 = arith.mulf %add3A_152, %mul3A_154 : vector<16xf32>
      %max3A_156 = arith.maximumf %add3A_152, %mul3A_155 : vector<16xf32>
      %exp3A_157 = math.exp %max3A_156 : vector<16xf32>
      %add3A_158 = vector.broadcast %add3A_24 : i32 to vector<16xi32>
      %add3A_159 = arith.addi %add3A_158, %add3A_145 : vector<16xi32>
      %lt3A_160 = arith.constant 330000 : i32
      %lt3A_161 = vector.broadcast %lt3A_160 : i32 to vector<16xi32>
      %lt3A_162 = arith.cmpi slt, %add3A_159, %lt3A_161 : vector<16xi32>
      %jit3A_163 = arith.constant 0.000000e+00 : f32
      %broadcast_in_dim3A_164 = vector.broadcast %jit3A_163 : f32 to vector<16xf32>
      %select_n3A_165 = arith.select %lt3A_162, %exp3A_157, %broadcast_in_dim3A_164 : vector<16xi1>, vector<16xf32>
      %swap3A_166 = arith.constant 80 : index
      %swap3A_167 = tpu.vector_load %arg12[%swap3A_166] {strides = array<i32>} : memref<128xf32, #tpu.memory_space<vmem>>, vector<16xf32>,
      tpu.vector_store %arg12[%swap3A_166], %select_n3A_165 {strides = array<i32>} : memref<128xf32, #tpu.memory_space<vmem>>, vector<16xf32>,
      %add3A_168 = arith.constant 96 : i32
      %add3A_169 = vector.broadcast %add3A_168 : i32 to vector<16xi32>
      %add3A_170 = arith.addi %add3A_169, %iota3A : vector<16xi32>
      %broadcast_in_dim3A_171 = arith.constant 0 : i32
      %broadcast_in_dim3A_172 = vector.broadcast %broadcast_in_dim3A_171 : i32 to vector<16xi32>
      %gather3A_173 = tpu.vector_load_idx %arg10[%add3A_170, %broadcast_in_dim3A_172] : memref<128x16xf32, #tpu.memory_space<vmem>>[vector<16xi32>, vector<16xi32>], vector<16xf32>,
      %broadcast_in_dim3A_174 = arith.constant 8 : i32
      %broadcast_in_dim3A_175 = vector.broadcast %broadcast_in_dim3A_174 : i32 to vector<16xi32>
      %gather3A_176 = tpu.vector_load_idx %arg11[%add3A_170, %broadcast_in_dim3A_175] : memref<128x16xf32, #tpu.memory_space<vmem>>[vector<16xi32>, vector<16xi32>], vector<16xf32>,
      %add3A_177 = arith.addf %gather3A_173, %gather3A_176 : vector<16xf32>
      %mul3A_178 = arith.constant 2.000000e-01 : f32
      %mul3A_179 = vector.broadcast %mul3A_178 : f32 to vector<16xf32>
      %mul3A_180 = arith.mulf %add3A_177, %mul3A_179 : vector<16xf32>
      %max3A_181 = arith.maximumf %add3A_177, %mul3A_180 : vector<16xf32>
      %exp3A_182 = math.exp %max3A_181 : vector<16xf32>
      %add3A_183 = vector.broadcast %add3A_24 : i32 to vector<16xi32>
      %add3A_184 = arith.addi %add3A_183, %add3A_170 : vector<16xi32>
      %lt3A_185 = arith.constant 330000 : i32
      %lt3A_186 = vector.broadcast %lt3A_185 : i32 to vector<16xi32>
      %lt3A_187 = arith.cmpi slt, %add3A_184, %lt3A_186 : vector<16xi32>
      %jit3A_188 = arith.constant 0.000000e+00 : f32
      %broadcast_in_dim3A_189 = vector.broadcast %jit3A_188 : f32 to vector<16xf32>
      %select_n3A_190 = arith.select %lt3A_187, %exp3A_182, %broadcast_in_dim3A_189 : vector<16xi1>, vector<16xf32>
      %swap3A_191 = arith.constant 96 : index
      %swap3A_192 = tpu.vector_load %arg12[%swap3A_191] {strides = array<i32>} : memref<128xf32, #tpu.memory_space<vmem>>, vector<16xf32>,
      tpu.vector_store %arg12[%swap3A_191], %select_n3A_190 {strides = array<i32>} : memref<128xf32, #tpu.memory_space<vmem>>, vector<16xf32>,
      %add3A_193 = arith.constant 112 : i32
      %add3A_194 = vector.broadcast %add3A_193 : i32 to vector<16xi32>
      %add3A_195 = arith.addi %add3A_194, %iota3A : vector<16xi32>
      %broadcast_in_dim3A_196 = arith.constant 0 : i32
      %broadcast_in_dim3A_197 = vector.broadcast %broadcast_in_dim3A_196 : i32 to vector<16xi32>
      %gather3A_198 = tpu.vector_load_idx %arg10[%add3A_195, %broadcast_in_dim3A_197] : memref<128x16xf32, #tpu.memory_space<vmem>>[vector<16xi32>, vector<16xi32>], vector<16xf32>,
      %broadcast_in_dim3A_199 = arith.constant 8 : i32
      %broadcast_in_dim3A_200 = vector.broadcast %broadcast_in_dim3A_199 : i32 to vector<16xi32>
      %gather3A_201 = tpu.vector_load_idx %arg11[%add3A_195, %broadcast_in_dim3A_200] : memref<128x16xf32, #tpu.memory_space<vmem>>[vector<16xi32>, vector<16xi32>], vector<16xf32>,
      %add3A_202 = arith.addf %gather3A_198, %gather3A_201 : vector<16xf32>
      %mul3A_203 = arith.constant 2.000000e-01 : f32
      %mul3A_204 = vector.broadcast %mul3A_203 : f32 to vector<16xf32>
      %mul3A_205 = arith.mulf %add3A_202, %mul3A_204 : vector<16xf32>
      %max3A_206 = arith.maximumf %add3A_202, %mul3A_205 : vector<16xf32>
      %exp3A_207 = math.exp %max3A_206 : vector<16xf32>
      %add3A_208 = vector.broadcast %add3A_24 : i32 to vector<16xi32>
      %add3A_209 = arith.addi %add3A_208, %add3A_195 : vector<16xi32>
      %lt3A_210 = arith.constant 330000 : i32
      %lt3A_211 = vector.broadcast %lt3A_210 : i32 to vector<16xi32>
      %lt3A_212 = arith.cmpi slt, %add3A_209, %lt3A_211 : vector<16xi32>
      %jit3A_213 = arith.constant 0.000000e+00 : f32
      %broadcast_in_dim3A_214 = vector.broadcast %jit3A_213 : f32 to vector<16xf32>
      %select_n3A_215 = arith.select %lt3A_212, %exp3A_207, %broadcast_in_dim3A_214 : vector<16xi1>, vector<16xf32>
      %swap3A_216 = arith.constant 112 : index
      %swap3A_217 = tpu.vector_load %arg12[%swap3A_216] {strides = array<i32>} : memref<128xf32, #tpu.memory_space<vmem>>, vector<16xf32>,
      tpu.vector_store %arg12[%swap3A_216], %select_n3A_215 {strides = array<i32>} : memref<128xf32, #tpu.memory_space<vmem>>, vector<16xf32>,
      "tpu.region"() ({
        %run_scoped3A = tpu.sem_alloc : memref<!tpu.dma_semaphore, #tpu.memory_space<semaphore_mem>>
        %dma_start3A = tpu.memref_slice %arg6[%add3A_24] : memref<331776xf32, #tpu.memory_space<hbm>> -> memref<128xf32, #tpu.memory_space<hbm>>
        %dma_start3A_219 = tpu.memref_slice %arg6[%add3A_24] : memref<331776xf32, #tpu.memory_space<hbm>> -> memref<128xf32, #tpu.memory_space<hbm>>
        tpu.enqueue_dma source(%arg12 : memref<128xf32, #tpu.memory_space<vmem>>) target(%dma_start3A_219 : memref<128xf32, #tpu.memory_space<hbm>>) target_semaphore(%run_scoped3A : memref<!tpu.dma_semaphore, #tpu.memory_space<semaphore_mem>>)
        %dma_wait3A = tpu.memref_slice %arg6[%add3A_24] : memref<331776xf32, #tpu.memory_space<hbm>> -> memref<128xf32, #tpu.memory_space<hbm>>
        %dma_wait3A_220 = tpu.memref_slice %arg6[%add3A_24] : memref<331776xf32, #tpu.memory_space<hbm>> -> memref<128xf32, #tpu.memory_space<hbm>>
        tpu.wait_dma2 semaphore(%run_scoped3A : memref<!tpu.dma_semaphore, #tpu.memory_space<semaphore_mem>>) src(%arg12 : memref<128xf32, #tpu.memory_space<vmem>>) dst(%dma_wait3A_220 : memref<128xf32, #tpu.memory_space<hbm>>)
        tpu.yield
      }) : () -> ()
      "tpu.region"() ({
        %run_scoped3A = tpu.sem_alloc : memref<!tpu.dma_semaphore, #tpu.memory_space<semaphore_mem>>
        %dma_start3A = arith.constant 0 : i32
        %dma_start3A_219 = tpu.memref_slice %arg13[%dma_start3A] : memref<10240xf32, #tpu.memory_space<vmem_shared>> -> memref<10240xf32, #tpu.memory_space<vmem_shared>>
        tpu.enqueue_indirect_dma source(%arg12 : memref<128xf32, #tpu.memory_space<vmem>>) target(%dma_start3A_219 : memref<10240xf32, #tpu.memory_space<vmem_shared>>) offsets(%arg9 : memref<128xi32, #tpu.memory_space<vmem>>) semaphore(%run_scoped3A : memref<!tpu.dma_semaphore, #tpu.memory_space<semaphore_mem>>) {add = true}
        %dma_wait3A = arith.constant 0 : i32
        %dma_wait3A_220 = tpu.memref_slice %arg13[%dma_wait3A] : memref<10240xf32, #tpu.memory_space<vmem_shared>> -> memref<10240xf32, #tpu.memory_space<vmem_shared>>
        tpu.wait_indirect_dma semaphore(%run_scoped3A : memref<!tpu.dma_semaphore, #tpu.memory_space<semaphore_mem>>) src(%arg12 : memref<128xf32, #tpu.memory_space<vmem>>) dst(%dma_wait3A_220 : memref<10240xf32, #tpu.memory_space<vmem_shared>>)
        tpu.yield
      }) : () -> ()
      %scan3A_218 = arith.constant 0 : i32
      scf.yield %scan3A_218 : i32
    }
    %scan3A_14 = arith.constant 81 : i32
    %barrier3A_15 = arith.constant 0 : index
    tpu.barrier barrier_id(%barrier3A_15)
    %mul3A_16 = arith.constant 640 : i32
    %mul3A_17 = arith.muli %arg1, %mul3A_16 : i32
    %mul3A_18 = arith.constant 640 : i32
    %mul3A_19 = arith.muli %arg1, %mul3A_18 : i32
    "tpu.region"() ({
      %run_scoped3A = tpu.sem_alloc : memref<!tpu.dma_semaphore, #tpu.memory_space<semaphore_mem>>
      %dma_start3A = tpu.memref_slice %arg7[%arg0, %mul3A_19] : memref<2x10240xf32, #tpu.memory_space<hbm>> -> memref<1x640xf32, #tpu.memory_space<hbm>>
      %dma_start3A_20 = tpu.memref_squeeze %dma_start3A : memref<1x640xf32, #tpu.memory_space<hbm>> -> memref<640xf32, #tpu.memory_space<hbm>>
      %dma_start3A_21 = tpu.memref_slice %arg13[%mul3A_17] : memref<10240xf32, #tpu.memory_space<vmem_shared>> -> memref<640xf32, #tpu.memory_space<vmem_shared>>
      tpu.enqueue_dma source(%dma_start3A_21 : memref<640xf32, #tpu.memory_space<vmem_shared>>) target(%dma_start3A_20 : memref<640xf32, #tpu.memory_space<hbm>>) target_semaphore(%run_scoped3A : memref<!tpu.dma_semaphore, #tpu.memory_space<semaphore_mem>>)
      %dma_wait3A = tpu.memref_slice %arg7[%arg0, %mul3A_19] : memref<2x10240xf32, #tpu.memory_space<hbm>> -> memref<1x640xf32, #tpu.memory_space<hbm>>
      %dma_wait3A_22 = tpu.memref_squeeze %dma_wait3A : memref<1x640xf32, #tpu.memory_space<hbm>> -> memref<640xf32, #tpu.memory_space<hbm>>
      %dma_wait3A_23 = tpu.memref_slice %arg13[%mul3A_17] : memref<10240xf32, #tpu.memory_space<vmem_shared>> -> memref<640xf32, #tpu.memory_space<vmem_shared>>
      tpu.wait_dma2 semaphore(%run_scoped3A : memref<!tpu.dma_semaphore, #tpu.memory_space<semaphore_mem>>) src(%dma_wait3A_23 : memref<640xf32, #tpu.memory_space<vmem_shared>>) dst(%dma_wait3A_22 : memref<640xf32, #tpu.memory_space<hbm>>)
      tpu.yield
    }) : () -> ()
    return
  }
}

#map = affine_map<(d0, d1) -> (0)>
#map1 = affine_map<(d0, d1) -> (0, 0)>
#map2 = affine_map<(d0, d1) -> (0, 0, 0)>
module attributes {stable_mosaic.version = 14 : i64} {
  func.func @k(%arg0: i32, %arg1: i32, %arg2: memref<331776xi32, #tpu.memory_space<hbm>>, %arg3: memref<331776xi32, #tpu.memory_space<hbm>>, %arg4: memref<10240x48xf32, #tpu.memory_space<hbm>>, %arg5: memref<331776xf32, #tpu.memory_space<hbm>>, %arg6: memref<640x48xf32, #tpu.memory_space<hbm>>, %arg7: memref<2x10240x48xf32, #tpu.memory_space<hbm>>, %arg8: memref<128xi32, #tpu.memory_space<vmem>>, %arg9: memref<128xi32, #tpu.memory_space<vmem>>, %arg10: memref<128x48xf32, #tpu.memory_space<vmem>>, %arg11: memref<128xf32, #tpu.memory_space<vmem>>, %arg12: memref<10240x48xf32, #tpu.memory_space<vmem_shared>>) attributes {dimension_semantics = [#tpu.dimension_semantics<core_parallel>, #tpu.dimension_semantics<subcore_parallel>], iteration_bounds = array<i64: 2, 16>, scalar_prefetch = 0 : i64, scratch_operands = 5 : i64, tpu.core_type = #tpu.core_type<sc_vector_subcore>, window_params = [{transform_indices = #map}, {transform_indices = #map}, {transform_indices = #map1}, {transform_indices = #map}, {transform_indices = #map1}, {transform_indices = #map2}]} {
    %mul3A = arith.constant 16 : i32
    %mul3A_0 = arith.muli %arg0, %mul3A : i32
    %add3A = arith.addi %mul3A_0, %arg1 : i32
    %mul3A_1 = arith.constant 640 : i32
    %mul3A_2 = arith.muli %arg1, %mul3A_1 : i32
    "tpu.region"() ({
      %run_scoped3A = tpu.sem_alloc : memref<!tpu.dma_semaphore, #tpu.memory_space<semaphore_mem>>
      %dma_start3A = arith.constant 0 : i32
      %dma_start3A_16 = tpu.memref_slice %arg12[%mul3A_2, %dma_start3A] : memref<10240x48xf32, #tpu.memory_space<vmem_shared>> -> memref<640x48xf32, #tpu.memory_space<vmem_shared>>
      tpu.enqueue_dma source(%arg6 : memref<640x48xf32, #tpu.memory_space<hbm>>) target(%dma_start3A_16 : memref<640x48xf32, #tpu.memory_space<vmem_shared>>) target_semaphore(%run_scoped3A : memref<!tpu.dma_semaphore, #tpu.memory_space<semaphore_mem>>)
      %dma_wait3A = arith.constant 0 : i32
      %dma_wait3A_17 = tpu.memref_slice %arg12[%mul3A_2, %dma_wait3A] : memref<10240x48xf32, #tpu.memory_space<vmem_shared>> -> memref<640x48xf32, #tpu.memory_space<vmem_shared>>
      tpu.wait_dma2 semaphore(%run_scoped3A : memref<!tpu.dma_semaphore, #tpu.memory_space<semaphore_mem>>) src(%arg6 : memref<640x48xf32, #tpu.memory_space<hbm>>) dst(%dma_wait3A_17 : memref<640x48xf32, #tpu.memory_space<vmem_shared>>)
      tpu.yield
    }) : () -> ()
    %barrier3A = arith.constant 0 : index
    tpu.barrier barrier_id(%barrier3A)
    %mul3A_3 = arith.constant 10368 : i32
    %mul3A_4 = arith.muli %add3A, %mul3A_3 : i32
    %scan3A = arith.constant 0 : i32
    %scan3A_5 = arith.constant 0 : i32
    %scan3A_6 = arith.constant 81 : i32
    %scan3A_7 = arith.addi %scan3A_5, %scan3A_6 : i32
    %scan3A_8 = arith.constant 1 : i32
    %scan3A_9 = scf.for %scan3A_16 = %scan3A_5 to %scan3A_7 step %scan3A_8 iter_args(%scan3A_17 = %scan3A) -> (i32)  : i32 {
      %mul3A_18 = arith.constant 128 : i32
      %mul3A_19 = arith.muli %scan3A_16, %mul3A_18 : i32
      %add3A_20 = arith.addi %mul3A_4, %mul3A_19 : i32
      "tpu.region"() ({
        %run_scoped3A = tpu.sem_alloc : memref<!tpu.dma_semaphore, #tpu.memory_space<semaphore_mem>>
        %dma_start3A = tpu.memref_slice %arg2[%add3A_20] : memref<331776xi32, #tpu.memory_space<hbm>> -> memref<128xi32, #tpu.memory_space<hbm>>
        %dma_start3A_29 = tpu.memref_slice %arg2[%add3A_20] : memref<331776xi32, #tpu.memory_space<hbm>> -> memref<128xi32, #tpu.memory_space<hbm>>
        tpu.enqueue_dma source(%dma_start3A_29 : memref<128xi32, #tpu.memory_space<hbm>>) target(%arg8 : memref<128xi32, #tpu.memory_space<vmem>>) target_semaphore(%run_scoped3A : memref<!tpu.dma_semaphore, #tpu.memory_space<semaphore_mem>>)
        %dma_wait3A = tpu.memref_slice %arg2[%add3A_20] : memref<331776xi32, #tpu.memory_space<hbm>> -> memref<128xi32, #tpu.memory_space<hbm>>
        %dma_wait3A_30 = tpu.memref_slice %arg2[%add3A_20] : memref<331776xi32, #tpu.memory_space<hbm>> -> memref<128xi32, #tpu.memory_space<hbm>>
        tpu.wait_dma2 semaphore(%run_scoped3A : memref<!tpu.dma_semaphore, #tpu.memory_space<semaphore_mem>>) src(%dma_wait3A_30 : memref<128xi32, #tpu.memory_space<hbm>>) dst(%arg8 : memref<128xi32, #tpu.memory_space<vmem>>)
        tpu.yield
      }) : () -> ()
      "tpu.region"() ({
        %run_scoped3A = tpu.sem_alloc : memref<!tpu.dma_semaphore, #tpu.memory_space<semaphore_mem>>
        %dma_start3A = tpu.memref_slice %arg3[%add3A_20] : memref<331776xi32, #tpu.memory_space<hbm>> -> memref<128xi32, #tpu.memory_space<hbm>>
        %dma_start3A_29 = tpu.memref_slice %arg3[%add3A_20] : memref<331776xi32, #tpu.memory_space<hbm>> -> memref<128xi32, #tpu.memory_space<hbm>>
        tpu.enqueue_dma source(%dma_start3A_29 : memref<128xi32, #tpu.memory_space<hbm>>) target(%arg9 : memref<128xi32, #tpu.memory_space<vmem>>) target_semaphore(%run_scoped3A : memref<!tpu.dma_semaphore, #tpu.memory_space<semaphore_mem>>)
        %dma_wait3A = tpu.memref_slice %arg3[%add3A_20] : memref<331776xi32, #tpu.memory_space<hbm>> -> memref<128xi32, #tpu.memory_space<hbm>>
        %dma_wait3A_30 = tpu.memref_slice %arg3[%add3A_20] : memref<331776xi32, #tpu.memory_space<hbm>> -> memref<128xi32, #tpu.memory_space<hbm>>
        tpu.wait_dma2 semaphore(%run_scoped3A : memref<!tpu.dma_semaphore, #tpu.memory_space<semaphore_mem>>) src(%dma_wait3A_30 : memref<128xi32, #tpu.memory_space<hbm>>) dst(%arg9 : memref<128xi32, #tpu.memory_space<vmem>>)
        tpu.yield
      }) : () -> ()
      "tpu.region"() ({
        %run_scoped3A = tpu.sem_alloc : memref<!tpu.dma_semaphore, #tpu.memory_space<semaphore_mem>>
        %dma_start3A = arith.constant 0 : i32
        %dma_start3A_29 = arith.constant 0 : i32
        %dma_start3A_30 = tpu.memref_slice %arg4[%dma_start3A, %dma_start3A_29] : memref<10240x48xf32, #tpu.memory_space<hbm>> -> memref<10240x48xf32, #tpu.memory_space<hbm>>
        tpu.enqueue_indirect_dma source(%dma_start3A_30 : memref<10240x48xf32, #tpu.memory_space<hbm>>) target(%arg10 : memref<128x48xf32, #tpu.memory_space<vmem>>) offsets(%arg8 : memref<128xi32, #tpu.memory_space<vmem>>) semaphore(%run_scoped3A : memref<!tpu.dma_semaphore, #tpu.memory_space<semaphore_mem>>)
        %dma_wait3A = arith.constant 0 : i32
        %dma_wait3A_31 = arith.constant 0 : i32
        %dma_wait3A_32 = tpu.memref_slice %arg4[%dma_wait3A, %dma_wait3A_31] : memref<10240x48xf32, #tpu.memory_space<hbm>> -> memref<10240x48xf32, #tpu.memory_space<hbm>>
        tpu.wait_indirect_dma semaphore(%run_scoped3A : memref<!tpu.dma_semaphore, #tpu.memory_space<semaphore_mem>>) src(%dma_wait3A_32 : memref<10240x48xf32, #tpu.memory_space<hbm>>) dst(%arg10 : memref<128x48xf32, #tpu.memory_space<vmem>>)
        tpu.yield
      }) : () -> ()
      "tpu.region"() ({
        %run_scoped3A = tpu.sem_alloc : memref<!tpu.dma_semaphore, #tpu.memory_space<semaphore_mem>>
        %dma_start3A = tpu.memref_slice %arg5[%add3A_20] : memref<331776xf32, #tpu.memory_space<hbm>> -> memref<128xf32, #tpu.memory_space<hbm>>
        %dma_start3A_29 = tpu.memref_slice %arg5[%add3A_20] : memref<331776xf32, #tpu.memory_space<hbm>> -> memref<128xf32, #tpu.memory_space<hbm>>
        tpu.enqueue_dma source(%dma_start3A_29 : memref<128xf32, #tpu.memory_space<hbm>>) target(%arg11 : memref<128xf32, #tpu.memory_space<vmem>>) target_semaphore(%run_scoped3A : memref<!tpu.dma_semaphore, #tpu.memory_space<semaphore_mem>>)
        %dma_wait3A = tpu.memref_slice %arg5[%add3A_20] : memref<331776xf32, #tpu.memory_space<hbm>> -> memref<128xf32, #tpu.memory_space<hbm>>
        %dma_wait3A_30 = tpu.memref_slice %arg5[%add3A_20] : memref<331776xf32, #tpu.memory_space<hbm>> -> memref<128xf32, #tpu.memory_space<hbm>>
        tpu.wait_dma2 semaphore(%run_scoped3A : memref<!tpu.dma_semaphore, #tpu.memory_space<semaphore_mem>>) src(%dma_wait3A_30 : memref<128xf32, #tpu.memory_space<hbm>>) dst(%arg11 : memref<128xf32, #tpu.memory_space<vmem>>)
        tpu.yield
      }) : () -> ()
      %scan3A_21 = arith.constant 0 : i32
      %scan3A_22 = arith.constant 0 : i32
      %scan3A_23 = arith.constant 128 : i32
      %scan3A_24 = arith.addi %scan3A_22, %scan3A_23 : i32
      %scan3A_25 = arith.constant 4 : i32
      %scan3A_26 = scf.for %scan3A_29 = %scan3A_22 to %scan3A_24 step %scan3A_25 iter_args(%scan3A_30 = %scan3A_21) -> (i32)  : i32 {
        %broadcast_in_dim3A = arith.constant 0 : i32
        %broadcast_in_dim3A_31 = vector.broadcast %broadcast_in_dim3A : i32 to vector<16xi32>
        %add3A_32 = vector.broadcast %scan3A_29 : i32 to vector<16xi32>
        %add3A_33 = arith.addi %broadcast_in_dim3A_31, %add3A_32 : vector<16xi32>
        %gather3A = tpu.vector_load_idx %arg11[%add3A_33] : memref<128xf32, #tpu.memory_space<vmem>>[vector<16xi32>], vector<16xf32>,
        %get3A = arith.index_cast %scan3A_29 : i32 to index
        %get3A_34 = arith.constant 0 : index
        %get3A_35 = tpu.vector_load %arg10[%get3A, %get3A_34] {strides = array<i32>} : memref<128x48xf32, #tpu.memory_space<vmem>>, vector<16xf32>,
        %mul3A_36 = arith.mulf %get3A_35, %gather3A : vector<16xf32>
        %swap3A = arith.index_cast %scan3A_29 : i32 to index
        %swap3A_37 = arith.constant 0 : index
        %swap3A_38 = tpu.vector_load %arg10[%swap3A, %swap3A_37] {strides = array<i32>} : memref<128x48xf32, #tpu.memory_space<vmem>>, vector<16xf32>,
        tpu.vector_store %arg10[%swap3A, %swap3A_37], %mul3A_36 {strides = array<i32>} : memref<128x48xf32, #tpu.memory_space<vmem>>, vector<16xf32>,
        %get3A_39 = arith.index_cast %scan3A_29 : i32 to index
        %get3A_40 = arith.constant 16 : index
        %get3A_41 = tpu.vector_load %arg10[%get3A_39, %get3A_40] {strides = array<i32>} : memref<128x48xf32, #tpu.memory_space<vmem>>, vector<16xf32>,
        %mul3A_42 = arith.mulf %get3A_41, %gather3A : vector<16xf32>
        %swap3A_43 = arith.index_cast %scan3A_29 : i32 to index
        %swap3A_44 = arith.constant 16 : index
        %swap3A_45 = tpu.vector_load %arg10[%swap3A_43, %swap3A_44] {strides = array<i32>} : memref<128x48xf32, #tpu.memory_space<vmem>>, vector<16xf32>,
        tpu.vector_store %arg10[%swap3A_43, %swap3A_44], %mul3A_42 {strides = array<i32>} : memref<128x48xf32, #tpu.memory_space<vmem>>, vector<16xf32>,
        %get3A_46 = arith.index_cast %scan3A_29 : i32 to index
        %get3A_47 = arith.constant 32 : index
        %get3A_48 = tpu.vector_load %arg10[%get3A_46, %get3A_47] {strides = array<i32>} : memref<128x48xf32, #tpu.memory_space<vmem>>, vector<16xf32>,
        %mul3A_49 = arith.mulf %get3A_48, %gather3A : vector<16xf32>
        %swap3A_50 = arith.index_cast %scan3A_29 : i32 to index
        %swap3A_51 = arith.constant 32 : index
        %swap3A_52 = tpu.vector_load %arg10[%swap3A_50, %swap3A_51] {strides = array<i32>} : memref<128x48xf32, #tpu.memory_space<vmem>>, vector<16xf32>,
        tpu.vector_store %arg10[%swap3A_50, %swap3A_51], %mul3A_49 {strides = array<i32>} : memref<128x48xf32, #tpu.memory_space<vmem>>, vector<16xf32>,
        %scan3A_53 = arith.constant 0 : i32
        %scan3A_54 = arith.constant 1 : i32
        %scan3A_55 = arith.addi %scan3A_29, %scan3A_54 : i32
        %broadcast_in_dim3A_56 = arith.constant 0 : i32
        %broadcast_in_dim3A_57 = vector.broadcast %broadcast_in_dim3A_56 : i32 to vector<16xi32>
        %add3A_58 = vector.broadcast %scan3A_55 : i32 to vector<16xi32>
        %add3A_59 = arith.addi %broadcast_in_dim3A_57, %add3A_58 : vector<16xi32>
        %gather3A_60 = tpu.vector_load_idx %arg11[%add3A_59] : memref<128xf32, #tpu.memory_space<vmem>>[vector<16xi32>], vector<16xf32>,
        %get3A_61 = arith.index_cast %scan3A_55 : i32 to index
        %get3A_62 = arith.constant 0 : index
        %get3A_63 = tpu.vector_load %arg10[%get3A_61, %get3A_62] {strides = array<i32>} : memref<128x48xf32, #tpu.memory_space<vmem>>, vector<16xf32>,
        %mul3A_64 = arith.mulf %get3A_63, %gather3A_60 : vector<16xf32>
        %swap3A_65 = arith.index_cast %scan3A_55 : i32 to index
        %swap3A_66 = arith.constant 0 : index
        %swap3A_67 = tpu.vector_load %arg10[%swap3A_65, %swap3A_66] {strides = array<i32>} : memref<128x48xf32, #tpu.memory_space<vmem>>, vector<16xf32>,
        tpu.vector_store %arg10[%swap3A_65, %swap3A_66], %mul3A_64 {strides = array<i32>} : memref<128x48xf32, #tpu.memory_space<vmem>>, vector<16xf32>,
        %get3A_68 = arith.index_cast %scan3A_55 : i32 to index
        %get3A_69 = arith.constant 16 : index
        %get3A_70 = tpu.vector_load %arg10[%get3A_68, %get3A_69] {strides = array<i32>} : memref<128x48xf32, #tpu.memory_space<vmem>>, vector<16xf32>,
        %mul3A_71 = arith.mulf %get3A_70, %gather3A_60 : vector<16xf32>
        %swap3A_72 = arith.index_cast %scan3A_55 : i32 to index
        %swap3A_73 = arith.constant 16 : index
        %swap3A_74 = tpu.vector_load %arg10[%swap3A_72, %swap3A_73] {strides = array<i32>} : memref<128x48xf32, #tpu.memory_space<vmem>>, vector<16xf32>,
        tpu.vector_store %arg10[%swap3A_72, %swap3A_73], %mul3A_71 {strides = array<i32>} : memref<128x48xf32, #tpu.memory_space<vmem>>, vector<16xf32>,
        %get3A_75 = arith.index_cast %scan3A_55 : i32 to index
        %get3A_76 = arith.constant 32 : index
        %get3A_77 = tpu.vector_load %arg10[%get3A_75, %get3A_76] {strides = array<i32>} : memref<128x48xf32, #tpu.memory_space<vmem>>, vector<16xf32>,
        %mul3A_78 = arith.mulf %get3A_77, %gather3A_60 : vector<16xf32>
        %swap3A_79 = arith.index_cast %scan3A_55 : i32 to index
        %swap3A_80 = arith.constant 32 : index
        %swap3A_81 = tpu.vector_load %arg10[%swap3A_79, %swap3A_80] {strides = array<i32>} : memref<128x48xf32, #tpu.memory_space<vmem>>, vector<16xf32>,
        tpu.vector_store %arg10[%swap3A_79, %swap3A_80], %mul3A_78 {strides = array<i32>} : memref<128x48xf32, #tpu.memory_space<vmem>>, vector<16xf32>,
        %scan3A_82 = arith.constant 0 : i32
        %scan3A_83 = arith.constant 2 : i32
        %scan3A_84 = arith.addi %scan3A_29, %scan3A_83 : i32
        %broadcast_in_dim3A_85 = arith.constant 0 : i32
        %broadcast_in_dim3A_86 = vector.broadcast %broadcast_in_dim3A_85 : i32 to vector<16xi32>
        %add3A_87 = vector.broadcast %scan3A_84 : i32 to vector<16xi32>
        %add3A_88 = arith.addi %broadcast_in_dim3A_86, %add3A_87 : vector<16xi32>
        %gather3A_89 = tpu.vector_load_idx %arg11[%add3A_88] : memref<128xf32, #tpu.memory_space<vmem>>[vector<16xi32>], vector<16xf32>,
        %get3A_90 = arith.index_cast %scan3A_84 : i32 to index
        %get3A_91 = arith.constant 0 : index
        %get3A_92 = tpu.vector_load %arg10[%get3A_90, %get3A_91] {strides = array<i32>} : memref<128x48xf32, #tpu.memory_space<vmem>>, vector<16xf32>,
        %mul3A_93 = arith.mulf %get3A_92, %gather3A_89 : vector<16xf32>
        %swap3A_94 = arith.index_cast %scan3A_84 : i32 to index
        %swap3A_95 = arith.constant 0 : index
        %swap3A_96 = tpu.vector_load %arg10[%swap3A_94, %swap3A_95] {strides = array<i32>} : memref<128x48xf32, #tpu.memory_space<vmem>>, vector<16xf32>,
        tpu.vector_store %arg10[%swap3A_94, %swap3A_95], %mul3A_93 {strides = array<i32>} : memref<128x48xf32, #tpu.memory_space<vmem>>, vector<16xf32>,
        %get3A_97 = arith.index_cast %scan3A_84 : i32 to index
        %get3A_98 = arith.constant 16 : index
        %get3A_99 = tpu.vector_load %arg10[%get3A_97, %get3A_98] {strides = array<i32>} : memref<128x48xf32, #tpu.memory_space<vmem>>, vector<16xf32>,
        %mul3A_100 = arith.mulf %get3A_99, %gather3A_89 : vector<16xf32>
        %swap3A_101 = arith.index_cast %scan3A_84 : i32 to index
        %swap3A_102 = arith.constant 16 : index
        %swap3A_103 = tpu.vector_load %arg10[%swap3A_101, %swap3A_102] {strides = array<i32>} : memref<128x48xf32, #tpu.memory_space<vmem>>, vector<16xf32>,
        tpu.vector_store %arg10[%swap3A_101, %swap3A_102], %mul3A_100 {strides = array<i32>} : memref<128x48xf32, #tpu.memory_space<vmem>>, vector<16xf32>,
        %get3A_104 = arith.index_cast %scan3A_84 : i32 to index
        %get3A_105 = arith.constant 32 : index
        %get3A_106 = tpu.vector_load %arg10[%get3A_104, %get3A_105] {strides = array<i32>} : memref<128x48xf32, #tpu.memory_space<vmem>>, vector<16xf32>,
        %mul3A_107 = arith.mulf %get3A_106, %gather3A_89 : vector<16xf32>
        %swap3A_108 = arith.index_cast %scan3A_84 : i32 to index
        %swap3A_109 = arith.constant 32 : index
        %swap3A_110 = tpu.vector_load %arg10[%swap3A_108, %swap3A_109] {strides = array<i32>} : memref<128x48xf32, #tpu.memory_space<vmem>>, vector<16xf32>,
        tpu.vector_store %arg10[%swap3A_108, %swap3A_109], %mul3A_107 {strides = array<i32>} : memref<128x48xf32, #tpu.memory_space<vmem>>, vector<16xf32>,
        %scan3A_111 = arith.constant 0 : i32
        %scan3A_112 = arith.constant 3 : i32
        %scan3A_113 = arith.addi %scan3A_29, %scan3A_112 : i32
        %broadcast_in_dim3A_114 = arith.constant 0 : i32
        %broadcast_in_dim3A_115 = vector.broadcast %broadcast_in_dim3A_114 : i32 to vector<16xi32>
        %add3A_116 = vector.broadcast %scan3A_113 : i32 to vector<16xi32>
        %add3A_117 = arith.addi %broadcast_in_dim3A_115, %add3A_116 : vector<16xi32>
        %gather3A_118 = tpu.vector_load_idx %arg11[%add3A_117] : memref<128xf32, #tpu.memory_space<vmem>>[vector<16xi32>], vector<16xf32>,
        %get3A_119 = arith.index_cast %scan3A_113 : i32 to index
        %get3A_120 = arith.constant 0 : index
        %get3A_121 = tpu.vector_load %arg10[%get3A_119, %get3A_120] {strides = array<i32>} : memref<128x48xf32, #tpu.memory_space<vmem>>, vector<16xf32>,
        %mul3A_122 = arith.mulf %get3A_121, %gather3A_118 : vector<16xf32>
        %swap3A_123 = arith.index_cast %scan3A_113 : i32 to index
        %swap3A_124 = arith.constant 0 : index
        %swap3A_125 = tpu.vector_load %arg10[%swap3A_123, %swap3A_124] {strides = array<i32>} : memref<128x48xf32, #tpu.memory_space<vmem>>, vector<16xf32>,
        tpu.vector_store %arg10[%swap3A_123, %swap3A_124], %mul3A_122 {strides = array<i32>} : memref<128x48xf32, #tpu.memory_space<vmem>>, vector<16xf32>,
        %get3A_126 = arith.index_cast %scan3A_113 : i32 to index
        %get3A_127 = arith.constant 16 : index
        %get3A_128 = tpu.vector_load %arg10[%get3A_126, %get3A_127] {strides = array<i32>} : memref<128x48xf32, #tpu.memory_space<vmem>>, vector<16xf32>,
        %mul3A_129 = arith.mulf %get3A_128, %gather3A_118 : vector<16xf32>
        %swap3A_130 = arith.index_cast %scan3A_113 : i32 to index
        %swap3A_131 = arith.constant 16 : index
        %swap3A_132 = tpu.vector_load %arg10[%swap3A_130, %swap3A_131] {strides = array<i32>} : memref<128x48xf32, #tpu.memory_space<vmem>>, vector<16xf32>,
        tpu.vector_store %arg10[%swap3A_130, %swap3A_131], %mul3A_129 {strides = array<i32>} : memref<128x48xf32, #tpu.memory_space<vmem>>, vector<16xf32>,
        %get3A_133 = arith.index_cast %scan3A_113 : i32 to index
        %get3A_134 = arith.constant 32 : index
        %get3A_135 = tpu.vector_load %arg10[%get3A_133, %get3A_134] {strides = array<i32>} : memref<128x48xf32, #tpu.memory_space<vmem>>, vector<16xf32>,
        %mul3A_136 = arith.mulf %get3A_135, %gather3A_118 : vector<16xf32>
        %swap3A_137 = arith.index_cast %scan3A_113 : i32 to index
        %swap3A_138 = arith.constant 32 : index
        %swap3A_139 = tpu.vector_load %arg10[%swap3A_137, %swap3A_138] {strides = array<i32>} : memref<128x48xf32, #tpu.memory_space<vmem>>, vector<16xf32>,
        tpu.vector_store %arg10[%swap3A_137, %swap3A_138], %mul3A_136 {strides = array<i32>} : memref<128x48xf32, #tpu.memory_space<vmem>>, vector<16xf32>,
        %scan3A_140 = arith.constant 0 : i32
        scf.yield %scan3A_140 : i32
      }
      %scan3A_27 = arith.constant 128 : i32
      "tpu.region"() ({
        %run_scoped3A = tpu.sem_alloc : memref<!tpu.dma_semaphore, #tpu.memory_space<semaphore_mem>>
        %dma_start3A = arith.constant 0 : i32
        %dma_start3A_29 = arith.constant 0 : i32
        %dma_start3A_30 = tpu.memref_slice %arg12[%dma_start3A, %dma_start3A_29] : memref<10240x48xf32, #tpu.memory_space<vmem_shared>> -> memref<10240x48xf32, #tpu.memory_space<vmem_shared>>
        tpu.enqueue_indirect_dma source(%arg10 : memref<128x48xf32, #tpu.memory_space<vmem>>) target(%dma_start3A_30 : memref<10240x48xf32, #tpu.memory_space<vmem_shared>>) offsets(%arg9 : memref<128xi32, #tpu.memory_space<vmem>>) semaphore(%run_scoped3A : memref<!tpu.dma_semaphore, #tpu.memory_space<semaphore_mem>>) {add = true}
        %dma_wait3A = arith.constant 0 : i32
        %dma_wait3A_31 = arith.constant 0 : i32
        %dma_wait3A_32 = tpu.memref_slice %arg12[%dma_wait3A, %dma_wait3A_31] : memref<10240x48xf32, #tpu.memory_space<vmem_shared>> -> memref<10240x48xf32, #tpu.memory_space<vmem_shared>>
        tpu.wait_indirect_dma semaphore(%run_scoped3A : memref<!tpu.dma_semaphore, #tpu.memory_space<semaphore_mem>>) src(%arg10 : memref<128x48xf32, #tpu.memory_space<vmem>>) dst(%dma_wait3A_32 : memref<10240x48xf32, #tpu.memory_space<vmem_shared>>)
        tpu.yield
      }) : () -> ()
      %scan3A_28 = arith.constant 0 : i32
      scf.yield %scan3A_28 : i32
    }
    %scan3A_10 = arith.constant 81 : i32
    %barrier3A_11 = arith.constant 0 : index
    tpu.barrier barrier_id(%barrier3A_11)
    %mul3A_12 = arith.constant 640 : i32
    %mul3A_13 = arith.muli %arg1, %mul3A_12 : i32
    %mul3A_14 = arith.constant 640 : i32
    %mul3A_15 = arith.muli %arg1, %mul3A_14 : i32
    "tpu.region"() ({
      %run_scoped3A = tpu.sem_alloc : memref<!tpu.dma_semaphore, #tpu.memory_space<semaphore_mem>>
      %dma_start3A = arith.constant 0 : i32
      %dma_start3A_16 = tpu.memref_slice %arg7[%arg0, %mul3A_15, %dma_start3A] : memref<2x10240x48xf32, #tpu.memory_space<hbm>> -> memref<1x640x48xf32, #tpu.memory_space<hbm>>
      %dma_start3A_17 = tpu.memref_squeeze %dma_start3A_16 : memref<1x640x48xf32, #tpu.memory_space<hbm>> -> memref<640x48xf32, #tpu.memory_space<hbm>>
      %dma_start3A_18 = arith.constant 0 : i32
      %dma_start3A_19 = tpu.memref_slice %arg12[%mul3A_13, %dma_start3A_18] : memref<10240x48xf32, #tpu.memory_space<vmem_shared>> -> memref<640x48xf32, #tpu.memory_space<vmem_shared>>
      tpu.enqueue_dma source(%dma_start3A_19 : memref<640x48xf32, #tpu.memory_space<vmem_shared>>) target(%dma_start3A_17 : memref<640x48xf32, #tpu.memory_space<hbm>>) target_semaphore(%run_scoped3A : memref<!tpu.dma_semaphore, #tpu.memory_space<semaphore_mem>>)
      %dma_wait3A = arith.constant 0 : i32
      %dma_wait3A_20 = tpu.memref_slice %arg7[%arg0, %mul3A_15, %dma_wait3A] : memref<2x10240x48xf32, #tpu.memory_space<hbm>> -> memref<1x640x48xf32, #tpu.memory_space<hbm>>
      %dma_wait3A_21 = tpu.memref_squeeze %dma_wait3A_20 : memref<1x640x48xf32, #tpu.memory_space<hbm>> -> memref<640x48xf32, #tpu.memory_space<hbm>>
      %dma_wait3A_22 = arith.constant 0 : i32
      %dma_wait3A_23 = tpu.memref_slice %arg12[%mul3A_13, %dma_wait3A_22] : memref<10240x48xf32, #tpu.memory_space<vmem_shared>> -> memref<640x48xf32, #tpu.memory_space<vmem_shared>>
      tpu.wait_dma2 semaphore(%run_scoped3A : memref<!tpu.dma_semaphore, #tpu.memory_space<semaphore_mem>>) src(%dma_wait3A_23 : memref<640x48xf32, #tpu.memory_space<vmem_shared>>) dst(%dma_wait3A_21 : memref<640x48xf32, #tpu.memory_space<hbm>>)
      tpu.yield
    }) : () -> ()
    return
  }
}

module attributes {stable_mosaic.version = 14 : i64} {
  func.func @body(%arg0: i32, %arg1: memref<512x128xf32, #tpu.memory_space<vmem>>, %arg2: memref<512x1xf32, #tpu.memory_space<vmem>>, %arg3: memref<1x128xf32, #tpu.memory_space<vmem>>, %arg4: memref<128x128xf32, #tpu.memory_space<vmem>>, %arg5: memref<128x16xf32, #tpu.memory_space<vmem>>, %arg6: memref<512x128xf32, #tpu.memory_space<vmem>>, %arg7: memref<512x16xf32, #tpu.memory_space<vmem>>) attributes {dimension_semantics = [#tpu.dimension_semantics<arbitrary>], iteration_bounds = array<i64: 20>, scalar_prefetch = 0 : i64, scratch_operands = 0 : i64, tpu.core_type = #tpu.core_type<tc>, window_params = [{transform_indices = @transform_0, window_bounds = array<i64: 512, 128>}, {transform_indices = @transform_1, window_bounds = array<i64: 512, 1>}, {pipeline_mode = #tpu.pipeline_mode<synchronous>, transform_indices = @transform_2, window_bounds = array<i64: 1, 128>}, {pipeline_mode = #tpu.pipeline_mode<synchronous>, transform_indices = @transform_3, window_bounds = array<i64: 128, 128>}, {pipeline_mode = #tpu.pipeline_mode<synchronous>, transform_indices = @transform_4, window_bounds = array<i64: 128, 16>}, {transform_indices = @transform_5, window_bounds = array<i64: 512, 128>}, {transform_indices = @transform_6, window_bounds = array<i64: 512, 16>}]} {
    %get3A = arith.constant 0 : index
    %get3A_0 = arith.constant 0 : index
    %get3A_1 = vector.load %arg1[%get3A, %get3A_0] : memref<512x128xf32, #tpu.memory_space<vmem>>, vector<512x128xf32>
    %get3A_2 = arith.constant 0 : index
    %get3A_3 = arith.constant 0 : index
    %get3A_4 = vector.load %arg4[%get3A_2, %get3A_3] : memref<128x128xf32, #tpu.memory_space<vmem>>, vector<128x128xf32>
    %dot_general3A = arith.constant dense<0.000000e+00> : vector<512x128xf32>
    %dot_general3A_5 = tpu.matmul %get3A_1, %get3A_4, %dot_general3A {dimension_numbers = #tpu.dot_dimension_numbers<[1], [0], [0], [1], [0, 0, 1, 1], [], []>, transpose_lhs_hint = false} : vector<512x128xf32>, vector<128x128xf32>, vector<512x128xf32> -> vector<512x128xf32>
    %swap3A = arith.constant 0 : index
    %swap3A_6 = arith.constant 0 : index
    %swap3A_7 = vector.load %arg6[%swap3A, %swap3A_6] : memref<512x128xf32, #tpu.memory_space<vmem>>, vector<512x128xf32>
    tpu.vector_store %arg6[%swap3A, %swap3A_6], %dot_general3A_5 {strides = array<i32>} : memref<512x128xf32, #tpu.memory_space<vmem>>, vector<512x128xf32>,
    %get3A_8 = arith.constant 0 : index
    %get3A_9 = arith.constant 0 : index
    %get3A_10 = vector.load %arg5[%get3A_8, %get3A_9] : memref<128x16xf32, #tpu.memory_space<vmem>>, vector<128x16xf32>
    %dot_general3A_11 = arith.constant dense<0.000000e+00> : vector<512x16xf32>
    %dot_general3A_12 = tpu.matmul %dot_general3A_5, %get3A_10, %dot_general3A_11 {dimension_numbers = #tpu.dot_dimension_numbers<[1], [0], [0], [1], [0, 0, 1, 1], [], []>, transpose_lhs_hint = false} : vector<512x128xf32>, vector<128x16xf32>, vector<512x16xf32> -> vector<512x16xf32>
    %swap3A_13 = arith.constant 0 : index
    %swap3A_14 = arith.constant 0 : index
    %swap3A_15 = vector.load %arg7[%swap3A_13, %swap3A_14] : memref<512x16xf32, #tpu.memory_space<vmem>>, vector<512x16xf32>
    tpu.vector_store %arg7[%swap3A_13, %swap3A_14], %dot_general3A_12 {strides = array<i32>} : memref<512x16xf32, #tpu.memory_space<vmem>>, vector<512x16xf32>,
    return
  }
  func.func @transform_0(%arg0: i32) -> (i32, i32) {
    %c0_i32 = arith.constant 0 : i32
    %c0_i32_0 = arith.constant 0 : i32
    return %arg0, %c0_i32 : i32, i32
  }
  func.func @transform_1(%arg0: i32) -> (i32, i32) {
    %c0_i32 = arith.constant 0 : i32
    %c0_i32_0 = arith.constant 0 : i32
    return %arg0, %c0_i32 : i32, i32
  }
  func.func @transform_2(%arg0: i32) -> (i32, i32) {
    %c0_i32 = arith.constant 0 : i32
    %c0_i32_0 = arith.constant 0 : i32
    %c0_i32_1 = arith.constant 0 : i32
    return %c0_i32, %c0_i32_0 : i32, i32
  }
  func.func @transform_3(%arg0: i32) -> (i32, i32) {
    %c0_i32 = arith.constant 0 : i32
    %c0_i32_0 = arith.constant 0 : i32
    %c0_i32_1 = arith.constant 0 : i32
    return %c0_i32, %c0_i32_0 : i32, i32
  }
  func.func @transform_4(%arg0: i32) -> (i32, i32) {
    %c0_i32 = arith.constant 0 : i32
    %c0_i32_0 = arith.constant 0 : i32
    %c0_i32_1 = arith.constant 0 : i32
    return %c0_i32, %c0_i32_0 : i32, i32
  }
  func.func @transform_5(%arg0: i32) -> (i32, i32) {
    %c0_i32 = arith.constant 0 : i32
    %c0_i32_0 = arith.constant 0 : i32
    return %arg0, %c0_i32 : i32, i32
  }
  func.func @transform_6(%arg0: i32) -> (i32, i32) {
    %c0_i32 = arith.constant 0 : i32
    %c0_i32_0 = arith.constant 0 : i32
    return %arg0, %c0_i32 : i32, i32
  }
}

module attributes {stable_mosaic.version = 14 : i64} {
  func.func @body(%arg0: memref<2x1280x128xf32, #tpu.memory_space<vmem>>, %arg1: memref<1280x128xf32, #tpu.memory_space<vmem>>) attributes {dimension_semantics = [], scalar_prefetch = 0 : i64, scratch_operands = 0 : i64, tpu.core_type = #tpu.core_type<tc>} {
    %get3A = arith.constant 0 : index
    %get3A_0 = arith.constant 0 : index
    %get3A_1 = arith.constant 0 : index
    %get3A_2 = vector.load %arg0[%get3A, %get3A_0, %get3A_1] : memref<2x1280x128xf32, #tpu.memory_space<vmem>>, vector<1x1280x128xf32>
    %get3A_3 = vector.shape_cast %get3A_2 : vector<1x1280x128xf32> to vector<1280x128xf32>
    %get3A_4 = arith.constant 1 : index
    %get3A_5 = arith.constant 0 : index
    %get3A_6 = arith.constant 0 : index
    %get3A_7 = vector.load %arg0[%get3A_4, %get3A_5, %get3A_6] : memref<2x1280x128xf32, #tpu.memory_space<vmem>>, vector<1x1280x128xf32>
    %get3A_8 = vector.shape_cast %get3A_7 : vector<1x1280x128xf32> to vector<1280x128xf32>
    %add3A = arith.addf %get3A_3, %get3A_8 : vector<1280x128xf32>
    %add3A_9 = arith.constant 1.000000e-16 : f32
    %add3A_10 = vector.broadcast %add3A_9 : f32 to vector<1280x128xf32>
    %add3A_11 = arith.addf %add3A, %add3A_10 : vector<1280x128xf32>
    %div3A = arith.constant 1.000000e+00 : f32
    %div3A_12 = vector.broadcast %div3A : f32 to vector<1280x128xf32>
    %div3A_13 = arith.divf %div3A_12, %add3A_11 : vector<1280x128xf32>
    %swap3A = arith.constant 0 : index
    %swap3A_14 = arith.constant 0 : index
    %swap3A_15 = vector.load %arg1[%swap3A, %swap3A_14] : memref<1280x128xf32, #tpu.memory_space<vmem>>, vector<1280x128xf32>
    tpu.vector_store %arg1[%swap3A, %swap3A_14], %div3A_13 {strides = array<i32>} : memref<1280x128xf32, #tpu.memory_space<vmem>>, vector<1280x128xf32>,
    return
  }
}

module attributes {stable_mosaic.version = 14 : i64} {
  func.func @body(%arg0: i32, %arg1: memref<2x512x128xf32, #tpu.memory_space<vmem>>, %arg2: memref<512x8xf32, #tpu.memory_space<vmem>>, %arg3: memref<1x128xf32, #tpu.memory_space<vmem>>, %arg4: memref<128x128xf32, #tpu.memory_space<vmem>>, %arg5: memref<128x16xf32, #tpu.memory_space<vmem>>, %arg6: memref<512x128xf32, #tpu.memory_space<vmem>>, %arg7: memref<512x16xf32, #tpu.memory_space<vmem>>) attributes {dimension_semantics = [#tpu.dimension_semantics<arbitrary>], iteration_bounds = array<i64: 20>, scalar_prefetch = 0 : i64, scratch_operands = 0 : i64, tpu.core_type = #tpu.core_type<tc>, window_params = [{transform_indices = @transform_0, window_bounds = array<i64: 2, 512, 128>}, {transform_indices = @transform_1, window_bounds = array<i64: 512, 8>}, {pipeline_mode = #tpu.pipeline_mode<synchronous>, transform_indices = @transform_2, window_bounds = array<i64: 1, 128>}, {pipeline_mode = #tpu.pipeline_mode<synchronous>, transform_indices = @transform_3, window_bounds = array<i64: 128, 128>}, {pipeline_mode = #tpu.pipeline_mode<synchronous>, transform_indices = @transform_4, window_bounds = array<i64: 128, 16>}, {transform_indices = @transform_5, window_bounds = array<i64: 512, 128>}, {transform_indices = @transform_6, window_bounds = array<i64: 512, 16>}]} {
    %iota3A = tpu.iota {dimensions = array<i32: 1>} : vector<8x128xi32>
    %jit3A = arith.constant 16 : i32
    %div3A = vector.broadcast %jit3A : i32 to vector<8x128xi32>
    %div3A_0 = arith.divsi %iota3A, %div3A : vector<8x128xi32>
    %sign3A = arith.constant 0 : i32
    %sign3A_1 = vector.broadcast %sign3A : i32 to vector<8x128xi32>
    %sign3A_2 = arith.cmpi sgt, %iota3A, %sign3A_1 : vector<8x128xi32>
    %sign3A_3 = arith.extui %sign3A_2 : vector<8x128xi1> to vector<8x128xi32>
    %sign3A_4 = arith.constant 0 : i32
    %sign3A_5 = vector.broadcast %sign3A_4 : i32 to vector<8x128xi32>
    %sign3A_6 = arith.cmpi slt, %iota3A, %sign3A_5 : vector<8x128xi32>
    %sign3A_7 = arith.extui %sign3A_6 : vector<8x128xi1> to vector<8x128xi32>
    %sign3A_8 = arith.subi %sign3A_3, %sign3A_7 : vector<8x128xi32>
    %sign3A_9 = arith.constant 0 : i32
    %sign3A_10 = arith.cmpi sgt, %jit3A, %sign3A_9 : i32
    %sign3A_11 = arith.extui %sign3A_10 : i1 to i32
    %sign3A_12 = arith.constant 0 : i32
    %sign3A_13 = arith.cmpi slt, %jit3A, %sign3A_12 : i32
    %sign3A_14 = arith.extui %sign3A_13 : i1 to i32
    %sign3A_15 = arith.subi %sign3A_11, %sign3A_14 : i32
    %ne3A = vector.broadcast %sign3A_15 : i32 to vector<8x128xi32>
    %ne3A_16 = arith.cmpi ne, %sign3A_8, %ne3A : vector<8x128xi32>
    %rem3A = vector.broadcast %jit3A : i32 to vector<8x128xi32>
    %rem3A_17 = arith.remsi %iota3A, %rem3A : vector<8x128xi32>
    %ne3A_18 = arith.constant 0 : i32
    %ne3A_19 = vector.broadcast %ne3A_18 : i32 to vector<8x128xi32>
    %ne3A_20 = arith.cmpi ne, %rem3A_17, %ne3A_19 : vector<8x128xi32>
    %and3A = arith.andi %ne3A_16, %ne3A_20 : vector<8x128xi1>
    %sub3A = arith.constant 1 : i32
    %sub3A_21 = vector.broadcast %sub3A : i32 to vector<8x128xi32>
    %sub3A_22 = arith.subi %div3A_0, %sub3A_21 : vector<8x128xi32>
    %select_n3A = arith.select %and3A, %sub3A_22, %div3A_0 : vector<8x128xi1>, vector<8x128xi32>
    %iota3A_23 = tpu.iota {dimensions = array<i32: 0>} : vector<8x128xi32>
    %eq3A = arith.cmpi eq, %select_n3A, %iota3A_23 : vector<8x128xi32>
    %convert_element_type3A = arith.extui %eq3A : vector<8x128xi1> to vector<8x128xi32>
    %convert_element_type3A_24 = arith.sitofp %convert_element_type3A : vector<8x128xi32> to vector<8x128xf32>
    %get3A = arith.constant 0 : index
    %get3A_25 = arith.constant 0 : index
    %get3A_26 = vector.load %arg2[%get3A, %get3A_25] : memref<512x8xf32, #tpu.memory_space<vmem>>, vector<512x8xf32>
    %dot_general3A = arith.constant dense<0.000000e+00> : vector<512x128xf32>
    %dot_general3A_27 = tpu.matmul %get3A_26, %convert_element_type3A_24, %dot_general3A {dimension_numbers = #tpu.dot_dimension_numbers<[1], [0], [0], [1], [0, 0, 1, 1], [], []>, transpose_lhs_hint = false} : vector<512x8xf32>, vector<8x128xf32>, vector<512x128xf32> -> vector<512x128xf32>
    %get3A_28 = arith.constant 0 : index
    %get3A_29 = arith.constant 0 : index
    %get3A_30 = arith.constant 0 : index
    %get3A_31 = vector.load %arg1[%get3A_28, %get3A_29, %get3A_30] : memref<2x512x128xf32, #tpu.memory_space<vmem>>, vector<1x512x128xf32>
    %get3A_32 = vector.shape_cast %get3A_31 : vector<1x512x128xf32> to vector<512x128xf32>
    %get3A_33 = arith.constant 1 : index
    %get3A_34 = arith.constant 0 : index
    %get3A_35 = arith.constant 0 : index
    %get3A_36 = vector.load %arg1[%get3A_33, %get3A_34, %get3A_35] : memref<2x512x128xf32, #tpu.memory_space<vmem>>, vector<1x512x128xf32>
    %get3A_37 = vector.shape_cast %get3A_36 : vector<1x512x128xf32> to vector<512x128xf32>
    %add3A = arith.addf %get3A_32, %get3A_37 : vector<512x128xf32>
    %mul3A = arith.mulf %add3A, %dot_general3A_27 : vector<512x128xf32>
    %get3A_38 = arith.constant 0 : index
    %get3A_39 = arith.constant 0 : index
    %get3A_40 = vector.load %arg3[%get3A_38, %get3A_39] : memref<1x128xf32, #tpu.memory_space<vmem>>, vector<1x128xf32>
    %add3A_41 = vector.broadcast %get3A_40 : vector<1x128xf32> to vector<512x128xf32>
    %add3A_42 = arith.addf %mul3A, %add3A_41 : vector<512x128xf32>
    %gt3A = arith.constant 0.000000e+00 : f32
    %gt3A_43 = vector.broadcast %gt3A : f32 to vector<512x128xf32>
    %gt3A_44 = arith.cmpf ogt, %add3A_42, %gt3A_43 : vector<512x128xf32>
    %exp3A = math.exp %add3A_42 : vector<512x128xf32>
    %sub3A_45 = arith.constant 1.000000e+00 : f32
    %sub3A_46 = vector.broadcast %sub3A_45 : f32 to vector<512x128xf32>
    %sub3A_47 = arith.subf %exp3A, %sub3A_46 : vector<512x128xf32>
    %select_n3A_48 = arith.select %gt3A_44, %add3A_42, %sub3A_47 : vector<512x128xi1>, vector<512x128xf32>
    %get3A_49 = arith.constant 0 : index
    %get3A_50 = arith.constant 0 : index
    %get3A_51 = vector.load %arg4[%get3A_49, %get3A_50] : memref<128x128xf32, #tpu.memory_space<vmem>>, vector<128x128xf32>
    %dot_general3A_52 = arith.constant dense<0.000000e+00> : vector<512x128xf32>
    %dot_general3A_53 = tpu.matmul %select_n3A_48, %get3A_51, %dot_general3A_52 {dimension_numbers = #tpu.dot_dimension_numbers<[1], [0], [0], [1], [0, 0, 1, 1], [], []>, transpose_lhs_hint = false} : vector<512x128xf32>, vector<128x128xf32>, vector<512x128xf32> -> vector<512x128xf32>
    %swap3A = arith.constant 0 : index
    %swap3A_54 = arith.constant 0 : index
    %swap3A_55 = vector.load %arg6[%swap3A, %swap3A_54] : memref<512x128xf32, #tpu.memory_space<vmem>>, vector<512x128xf32>
    tpu.vector_store %arg6[%swap3A, %swap3A_54], %dot_general3A_53 {strides = array<i32>} : memref<512x128xf32, #tpu.memory_space<vmem>>, vector<512x128xf32>,
    %get3A_56 = arith.constant 0 : index
    %get3A_57 = arith.constant 0 : index
    %get3A_58 = vector.load %arg5[%get3A_56, %get3A_57] : memref<128x16xf32, #tpu.memory_space<vmem>>, vector<128x16xf32>
    %dot_general3A_59 = arith.constant dense<0.000000e+00> : vector<512x16xf32>
    %dot_general3A_60 = tpu.matmul %dot_general3A_53, %get3A_58, %dot_general3A_59 {dimension_numbers = #tpu.dot_dimension_numbers<[1], [0], [0], [1], [0, 0, 1, 1], [], []>, transpose_lhs_hint = false} : vector<512x128xf32>, vector<128x16xf32>, vector<512x16xf32> -> vector<512x16xf32>
    %swap3A_61 = arith.constant 0 : index
    %swap3A_62 = arith.constant 0 : index
    %swap3A_63 = vector.load %arg7[%swap3A_61, %swap3A_62] : memref<512x16xf32, #tpu.memory_space<vmem>>, vector<512x16xf32>
    tpu.vector_store %arg7[%swap3A_61, %swap3A_62], %dot_general3A_60 {strides = array<i32>} : memref<512x16xf32, #tpu.memory_space<vmem>>, vector<512x16xf32>,
    return
  }
  func.func @transform_0(%arg0: i32) -> (i32, i32, i32) {
    %c0_i32 = arith.constant 0 : i32
    %c0_i32_0 = arith.constant 0 : i32
    %c0_i32_1 = arith.constant 0 : i32
    return %c0_i32, %arg0, %c0_i32_0 : i32, i32, i32
  }
  func.func @transform_1(%arg0: i32) -> (i32, i32) {
    %c0_i32 = arith.constant 0 : i32
    %c0_i32_0 = arith.constant 0 : i32
    return %arg0, %c0_i32 : i32, i32
  }
  func.func @transform_2(%arg0: i32) -> (i32, i32) {
    %c0_i32 = arith.constant 0 : i32
    %c0_i32_0 = arith.constant 0 : i32
    %c0_i32_1 = arith.constant 0 : i32
    return %c0_i32, %c0_i32_0 : i32, i32
  }
  func.func @transform_3(%arg0: i32) -> (i32, i32) {
    %c0_i32 = arith.constant 0 : i32
    %c0_i32_0 = arith.constant 0 : i32
    %c0_i32_1 = arith.constant 0 : i32
    return %c0_i32, %c0_i32_0 : i32, i32
  }
  func.func @transform_4(%arg0: i32) -> (i32, i32) {
    %c0_i32 = arith.constant 0 : i32
    %c0_i32_0 = arith.constant 0 : i32
    %c0_i32_1 = arith.constant 0 : i32
    return %c0_i32, %c0_i32_0 : i32, i32
  }
  func.func @transform_5(%arg0: i32) -> (i32, i32) {
    %c0_i32 = arith.constant 0 : i32
    %c0_i32_0 = arith.constant 0 : i32
    return %arg0, %c0_i32 : i32, i32
  }
  func.func @transform_6(%arg0: i32) -> (i32, i32) {
    %c0_i32 = arith.constant 0 : i32
    %c0_i32_0 = arith.constant 0 : i32
    return %arg0, %c0_i32 : i32, i32
  }
}

module attributes {stable_mosaic.version = 14 : i64} {
  func.func @body(%arg0: memref<2x80x128xf32, #tpu.memory_space<vmem>>, %arg1: memref<80x128xf32, #tpu.memory_space<vmem>>) attributes {dimension_semantics = [], scalar_prefetch = 0 : i64, scratch_operands = 0 : i64, tpu.core_type = #tpu.core_type<tc>} {
    %get3A = arith.constant 0 : index
    %get3A_0 = arith.constant 0 : index
    %get3A_1 = arith.constant 0 : index
    %get3A_2 = vector.load %arg0[%get3A, %get3A_0, %get3A_1] : memref<2x80x128xf32, #tpu.memory_space<vmem>>, vector<1x80x128xf32>
    %get3A_3 = vector.shape_cast %get3A_2 : vector<1x80x128xf32> to vector<80x128xf32>
    %get3A_4 = arith.constant 1 : index
    %get3A_5 = arith.constant 0 : index
    %get3A_6 = arith.constant 0 : index
    %get3A_7 = vector.load %arg0[%get3A_4, %get3A_5, %get3A_6] : memref<2x80x128xf32, #tpu.memory_space<vmem>>, vector<1x80x128xf32>
    %get3A_8 = vector.shape_cast %get3A_7 : vector<1x80x128xf32> to vector<80x128xf32>
    %add3A = arith.addf %get3A_3, %get3A_8 : vector<80x128xf32>
    %add3A_9 = arith.constant 1.000000e-16 : f32
    %add3A_10 = vector.broadcast %add3A_9 : f32 to vector<80x128xf32>
    %add3A_11 = arith.addf %add3A, %add3A_10 : vector<80x128xf32>
    %div3A = arith.constant 1.000000e+00 : f32
    %div3A_12 = vector.broadcast %div3A : f32 to vector<80x128xf32>
    %div3A_13 = arith.divf %div3A_12, %add3A_11 : vector<80x128xf32>
    %swap3A = arith.constant 0 : index
    %swap3A_14 = arith.constant 0 : index
    %swap3A_15 = vector.load %arg1[%swap3A, %swap3A_14] : memref<80x128xf32, #tpu.memory_space<vmem>>, vector<80x128xf32>
    tpu.vector_store %arg1[%swap3A, %swap3A_14], %div3A_13 {strides = array<i32>} : memref<80x128xf32, #tpu.memory_space<vmem>>, vector<80x128xf32>,
    return
  }
}

module attributes {stable_mosaic.version = 14 : i64} {
  func.func @body(%arg0: i32, %arg1: memref<2x512x128xf32, #tpu.memory_space<vmem>>, %arg2: memref<512x1xf32, #tpu.memory_space<vmem>>, %arg3: memref<1x128xf32, #tpu.memory_space<vmem>>, %arg4: memref<128x48xf32, #tpu.memory_space<vmem>>, %arg5: memref<48x16xf32, #tpu.memory_space<vmem>>, %arg6: memref<512x48xf32, #tpu.memory_space<vmem>>, %arg7: memref<512x16xf32, #tpu.memory_space<vmem>>) attributes {dimension_semantics = [#tpu.dimension_semantics<arbitrary>], iteration_bounds = array<i64: 20>, scalar_prefetch = 0 : i64, scratch_operands = 0 : i64, tpu.core_type = #tpu.core_type<tc>, window_params = [{transform_indices = @transform_0, window_bounds = array<i64: 2, 512, 128>}, {transform_indices = @transform_1, window_bounds = array<i64: 512, 1>}, {pipeline_mode = #tpu.pipeline_mode<synchronous>, transform_indices = @transform_2, window_bounds = array<i64: 1, 128>}, {pipeline_mode = #tpu.pipeline_mode<synchronous>, transform_indices = @transform_3, window_bounds = array<i64: 128, 48>}, {pipeline_mode = #tpu.pipeline_mode<synchronous>, transform_indices = @transform_4, window_bounds = array<i64: 48, 16>}, {transform_indices = @transform_5, window_bounds = array<i64: 512, 48>}, {transform_indices = @transform_6, window_bounds = array<i64: 512, 16>}]} {
    %iota3A = tpu.iota {dimensions = array<i32: 1>} : vector<1x128xi32>
    %jit3A = arith.constant 128 : i32
    %div3A = vector.broadcast %jit3A : i32 to vector<1x128xi32>
    %div3A_0 = arith.divsi %iota3A, %div3A : vector<1x128xi32>
    %sign3A = arith.constant 0 : i32
    %sign3A_1 = vector.broadcast %sign3A : i32 to vector<1x128xi32>
    %sign3A_2 = arith.cmpi sgt, %iota3A, %sign3A_1 : vector<1x128xi32>
    %sign3A_3 = arith.extui %sign3A_2 : vector<1x128xi1> to vector<1x128xi32>
    %sign3A_4 = arith.constant 0 : i32
    %sign3A_5 = vector.broadcast %sign3A_4 : i32 to vector<1x128xi32>
    %sign3A_6 = arith.cmpi slt, %iota3A, %sign3A_5 : vector<1x128xi32>
    %sign3A_7 = arith.extui %sign3A_6 : vector<1x128xi1> to vector<1x128xi32>
    %sign3A_8 = arith.subi %sign3A_3, %sign3A_7 : vector<1x128xi32>
    %sign3A_9 = arith.constant 0 : i32
    %sign3A_10 = arith.cmpi sgt, %jit3A, %sign3A_9 : i32
    %sign3A_11 = arith.extui %sign3A_10 : i1 to i32
    %sign3A_12 = arith.constant 0 : i32
    %sign3A_13 = arith.cmpi slt, %jit3A, %sign3A_12 : i32
    %sign3A_14 = arith.extui %sign3A_13 : i1 to i32
    %sign3A_15 = arith.subi %sign3A_11, %sign3A_14 : i32
    %ne3A = vector.broadcast %sign3A_15 : i32 to vector<1x128xi32>
    %ne3A_16 = arith.cmpi ne, %sign3A_8, %ne3A : vector<1x128xi32>
    %rem3A = vector.broadcast %jit3A : i32 to vector<1x128xi32>
    %rem3A_17 = arith.remsi %iota3A, %rem3A : vector<1x128xi32>
    %ne3A_18 = arith.constant 0 : i32
    %ne3A_19 = vector.broadcast %ne3A_18 : i32 to vector<1x128xi32>
    %ne3A_20 = arith.cmpi ne, %rem3A_17, %ne3A_19 : vector<1x128xi32>
    %and3A = arith.andi %ne3A_16, %ne3A_20 : vector<1x128xi1>
    %sub3A = arith.constant 1 : i32
    %sub3A_21 = vector.broadcast %sub3A : i32 to vector<1x128xi32>
    %sub3A_22 = arith.subi %div3A_0, %sub3A_21 : vector<1x128xi32>
    %select_n3A = arith.select %and3A, %sub3A_22, %div3A_0 : vector<1x128xi1>, vector<1x128xi32>
    %iota3A_23 = tpu.iota {dimensions = array<i32: 0>} : vector<1x128xi32>
    %eq3A = arith.cmpi eq, %select_n3A, %iota3A_23 : vector<1x128xi32>
    %convert_element_type3A = arith.extui %eq3A : vector<1x128xi1> to vector<1x128xi32>
    %convert_element_type3A_24 = arith.sitofp %convert_element_type3A : vector<1x128xi32> to vector<1x128xf32>
    %get3A = arith.constant 0 : index
    %get3A_25 = arith.constant 0 : index
    %get3A_26 = vector.load %arg2[%get3A, %get3A_25] : memref<512x1xf32, #tpu.memory_space<vmem>>, vector<512x1xf32>
    %dot_general3A = arith.constant dense<0.000000e+00> : vector<512x128xf32>
    %dot_general3A_27 = tpu.matmul %get3A_26, %convert_element_type3A_24, %dot_general3A {dimension_numbers = #tpu.dot_dimension_numbers<[1], [0], [0], [1], [0, 0, 1, 1], [], []>, transpose_lhs_hint = false} : vector<512x1xf32>, vector<1x128xf32>, vector<512x128xf32> -> vector<512x128xf32>
    %get3A_28 = arith.constant 0 : index
    %get3A_29 = arith.constant 0 : index
    %get3A_30 = arith.constant 0 : index
    %get3A_31 = vector.load %arg1[%get3A_28, %get3A_29, %get3A_30] : memref<2x512x128xf32, #tpu.memory_space<vmem>>, vector<1x512x128xf32>
    %get3A_32 = vector.shape_cast %get3A_31 : vector<1x512x128xf32> to vector<512x128xf32>
    %get3A_33 = arith.constant 1 : index
    %get3A_34 = arith.constant 0 : index
    %get3A_35 = arith.constant 0 : index
    %get3A_36 = vector.load %arg1[%get3A_33, %get3A_34, %get3A_35] : memref<2x512x128xf32, #tpu.memory_space<vmem>>, vector<1x512x128xf32>
    %get3A_37 = vector.shape_cast %get3A_36 : vector<1x512x128xf32> to vector<512x128xf32>
    %add3A = arith.addf %get3A_32, %get3A_37 : vector<512x128xf32>
    %mul3A = arith.mulf %add3A, %dot_general3A_27 : vector<512x128xf32>
    %get3A_38 = arith.constant 0 : index
    %get3A_39 = arith.constant 0 : index
    %get3A_40 = vector.load %arg3[%get3A_38, %get3A_39] : memref<1x128xf32, #tpu.memory_space<vmem>>, vector<1x128xf32>
    %add3A_41 = vector.broadcast %get3A_40 : vector<1x128xf32> to vector<512x128xf32>
    %add3A_42 = arith.addf %mul3A, %add3A_41 : vector<512x128xf32>
    %gt3A = arith.constant 0.000000e+00 : f32
    %gt3A_43 = vector.broadcast %gt3A : f32 to vector<512x128xf32>
    %gt3A_44 = arith.cmpf ogt, %add3A_42, %gt3A_43 : vector<512x128xf32>
    %exp3A = math.exp %add3A_42 : vector<512x128xf32>
    %sub3A_45 = arith.constant 1.000000e+00 : f32
    %sub3A_46 = vector.broadcast %sub3A_45 : f32 to vector<512x128xf32>
    %sub3A_47 = arith.subf %exp3A, %sub3A_46 : vector<512x128xf32>
    %select_n3A_48 = arith.select %gt3A_44, %add3A_42, %sub3A_47 : vector<512x128xi1>, vector<512x128xf32>
    %get3A_49 = arith.constant 0 : index
    %get3A_50 = arith.constant 0 : index
    %get3A_51 = vector.load %arg4[%get3A_49, %get3A_50] : memref<128x48xf32, #tpu.memory_space<vmem>>, vector<128x48xf32>
    %dot_general3A_52 = arith.constant dense<0.000000e+00> : vector<512x48xf32>
    %dot_general3A_53 = tpu.matmul %select_n3A_48, %get3A_51, %dot_general3A_52 {dimension_numbers = #tpu.dot_dimension_numbers<[1], [0], [0], [1], [0, 0, 1, 1], [], []>, transpose_lhs_hint = false} : vector<512x128xf32>, vector<128x48xf32>, vector<512x48xf32> -> vector<512x48xf32>
    %swap3A = arith.constant 0 : index
    %swap3A_54 = arith.constant 0 : index
    %swap3A_55 = vector.load %arg6[%swap3A, %swap3A_54] : memref<512x48xf32, #tpu.memory_space<vmem>>, vector<512x48xf32>
    tpu.vector_store %arg6[%swap3A, %swap3A_54], %dot_general3A_53 {strides = array<i32>} : memref<512x48xf32, #tpu.memory_space<vmem>>, vector<512x48xf32>,
    %get3A_56 = arith.constant 0 : index
    %get3A_57 = arith.constant 0 : index
    %get3A_58 = vector.load %arg5[%get3A_56, %get3A_57] : memref<48x16xf32, #tpu.memory_space<vmem>>, vector<48x16xf32>
    %dot_general3A_59 = arith.constant dense<0.000000e+00> : vector<512x16xf32>
    %dot_general3A_60 = tpu.matmul %dot_general3A_53, %get3A_58, %dot_general3A_59 {dimension_numbers = #tpu.dot_dimension_numbers<[1], [0], [0], [1], [0, 0, 1, 1], [], []>, transpose_lhs_hint = false} : vector<512x48xf32>, vector<48x16xf32>, vector<512x16xf32> -> vector<512x16xf32>
    %swap3A_61 = arith.constant 0 : index
    %swap3A_62 = arith.constant 0 : index
    %swap3A_63 = vector.load %arg7[%swap3A_61, %swap3A_62] : memref<512x16xf32, #tpu.memory_space<vmem>>, vector<512x16xf32>
    tpu.vector_store %arg7[%swap3A_61, %swap3A_62], %dot_general3A_60 {strides = array<i32>} : memref<512x16xf32, #tpu.memory_space<vmem>>, vector<512x16xf32>,
    return
  }
  func.func @transform_0(%arg0: i32) -> (i32, i32, i32) {
    %c0_i32 = arith.constant 0 : i32
    %c0_i32_0 = arith.constant 0 : i32
    %c0_i32_1 = arith.constant 0 : i32
    return %c0_i32, %arg0, %c0_i32_0 : i32, i32, i32
  }
  func.func @transform_1(%arg0: i32) -> (i32, i32) {
    %c0_i32 = arith.constant 0 : i32
    %c0_i32_0 = arith.constant 0 : i32
    return %arg0, %c0_i32 : i32, i32
  }
  func.func @transform_2(%arg0: i32) -> (i32, i32) {
    %c0_i32 = arith.constant 0 : i32
    %c0_i32_0 = arith.constant 0 : i32
    %c0_i32_1 = arith.constant 0 : i32
    return %c0_i32, %c0_i32_0 : i32, i32
  }
  func.func @transform_3(%arg0: i32) -> (i32, i32) {
    %c0_i32 = arith.constant 0 : i32
    %c0_i32_0 = arith.constant 0 : i32
    %c0_i32_1 = arith.constant 0 : i32
    return %c0_i32, %c0_i32_0 : i32, i32
  }
  func.func @transform_4(%arg0: i32) -> (i32, i32) {
    %c0_i32 = arith.constant 0 : i32
    %c0_i32_0 = arith.constant 0 : i32
    %c0_i32_1 = arith.constant 0 : i32
    return %c0_i32, %c0_i32_0 : i32, i32
  }
  func.func @transform_5(%arg0: i32) -> (i32, i32) {
    %c0_i32 = arith.constant 0 : i32
    %c0_i32_0 = arith.constant 0 : i32
    return %arg0, %c0_i32 : i32, i32
  }
  func.func @transform_6(%arg0: i32) -> (i32, i32) {
    %c0_i32 = arith.constant 0 : i32
    %c0_i32_0 = arith.constant 0 : i32
    return %arg0, %c0_i32 : i32, i32
  }
}

module attributes {stable_mosaic.version = 14 : i64} {
  func.func @body(%arg0: i32, %arg1: memref<2x512x48xf32, #tpu.memory_space<vmem>>, %arg2: memref<512x1xf32, #tpu.memory_space<vmem>>, %arg3: memref<1x40xf32, #tpu.memory_space<vmem>>, %arg4: memref<512x40xf32, #tpu.memory_space<vmem>>) attributes {dimension_semantics = [#tpu.dimension_semantics<arbitrary>], iteration_bounds = array<i64: 20>, scalar_prefetch = 0 : i64, scratch_operands = 0 : i64, tpu.core_type = #tpu.core_type<tc>, window_params = [{transform_indices = @transform_0, window_bounds = array<i64: 2, 512, 48>}, {transform_indices = @transform_1, window_bounds = array<i64: 512, 1>}, {pipeline_mode = #tpu.pipeline_mode<synchronous>, transform_indices = @transform_2, window_bounds = array<i64: 1, 40>}, {transform_indices = @transform_3, window_bounds = array<i64: 512, 40>}]} {
    %get3A = arith.constant 0 : index
    %get3A_0 = arith.constant 0 : index
    %get3A_1 = arith.constant 0 : index
    %get3A_2 = vector.load %arg1[%get3A, %get3A_0, %get3A_1] : memref<2x512x48xf32, #tpu.memory_space<vmem>>, vector<1x512x48xf32>
    %get3A_3 = vector.shape_cast %get3A_2 : vector<1x512x48xf32> to vector<512x48xf32>
    %get3A_4 = arith.constant 1 : index
    %get3A_5 = arith.constant 0 : index
    %get3A_6 = arith.constant 0 : index
    %get3A_7 = vector.load %arg1[%get3A_4, %get3A_5, %get3A_6] : memref<2x512x48xf32, #tpu.memory_space<vmem>>, vector<1x512x48xf32>
    %get3A_8 = vector.shape_cast %get3A_7 : vector<1x512x48xf32> to vector<512x48xf32>
    %add3A = arith.addf %get3A_3, %get3A_8 : vector<512x48xf32>
    %get3A_9 = arith.constant 0 : index
    %get3A_10 = arith.constant 0 : index
    %get3A_11 = vector.load %arg2[%get3A_9, %get3A_10] : memref<512x1xf32, #tpu.memory_space<vmem>>, vector<512x1xf32>
    %mul3A = vector.broadcast %get3A_11 : vector<512x1xf32> to vector<512x48xf32>
    %mul3A_12 = arith.mulf %add3A, %mul3A : vector<512x48xf32>
    %slice3A = vector.extract_strided_slice %mul3A_12 {offsets = [0, 0], sizes = [512, 40], strides = [1, 1]} : vector<512x48xf32> to vector<512x40xf32>
    %get3A_13 = arith.constant 0 : index
    %get3A_14 = arith.constant 0 : index
    %get3A_15 = vector.load %arg3[%get3A_13, %get3A_14] : memref<1x40xf32, #tpu.memory_space<vmem>>, vector<1x40xf32>
    %add3A_16 = vector.broadcast %get3A_15 : vector<1x40xf32> to vector<512x40xf32>
    %add3A_17 = arith.addf %slice3A, %add3A_16 : vector<512x40xf32>
    %reduce_max3A = arith.constant dense<0xFF800000> : vector<512xf32>
    %reduce_max3A_18 = vector.multi_reduction <maximumf>, %add3A_17, %reduce_max3A [1] : vector<512x40xf32> to vector<512xf32>
    %broadcast_in_dim3A = vector.shape_cast %reduce_max3A_18 : vector<512xf32> to vector<512x1xf32>
    %sub3A = vector.broadcast %broadcast_in_dim3A : vector<512x1xf32> to vector<512x40xf32>
    %sub3A_19 = arith.subf %add3A_17, %sub3A : vector<512x40xf32>
    %exp3A = math.exp %sub3A_19 : vector<512x40xf32>
    %reduce_sum3A = arith.constant dense<0.000000e+00> : vector<512xf32>
    %reduce_sum3A_20 = vector.multi_reduction <add>, %exp3A, %reduce_sum3A [1] : vector<512x40xf32> to vector<512xf32>
    %broadcast_in_dim3A_21 = vector.shape_cast %reduce_sum3A_20 : vector<512xf32> to vector<512x1xf32>
    %log3A = math.log %broadcast_in_dim3A_21 : vector<512x1xf32>
    %add3A_22 = arith.addf %log3A, %broadcast_in_dim3A : vector<512x1xf32>
    %sub3A_23 = vector.broadcast %add3A_22 : vector<512x1xf32> to vector<512x40xf32>
    %sub3A_24 = arith.subf %add3A_17, %sub3A_23 : vector<512x40xf32>
    %swap3A = arith.constant 0 : index
    %swap3A_25 = arith.constant 0 : index
    %swap3A_26 = vector.load %arg4[%swap3A, %swap3A_25] : memref<512x40xf32, #tpu.memory_space<vmem>>, vector<512x40xf32>
    tpu.vector_store %arg4[%swap3A, %swap3A_25], %sub3A_24 {strides = array<i32>} : memref<512x40xf32, #tpu.memory_space<vmem>>, vector<512x40xf32>,
    return
  }
  func.func @transform_0(%arg0: i32) -> (i32, i32, i32) {
    %c0_i32 = arith.constant 0 : i32
    %c0_i32_0 = arith.constant 0 : i32
    %c0_i32_1 = arith.constant 0 : i32
    return %c0_i32, %arg0, %c0_i32_0 : i32, i32, i32
  }
  func.func @transform_1(%arg0: i32) -> (i32, i32) {
    %c0_i32 = arith.constant 0 : i32
    %c0_i32_0 = arith.constant 0 : i32
    return %arg0, %c0_i32 : i32, i32
  }
  func.func @transform_2(%arg0: i32) -> (i32, i32) {
    %c0_i32 = arith.constant 0 : i32
    %c0_i32_0 = arith.constant 0 : i32
    %c0_i32_1 = arith.constant 0 : i32
    return %c0_i32, %c0_i32_0 : i32, i32
  }
  func.func @transform_3(%arg0: i32) -> (i32, i32) {
    %c0_i32 = arith.constant 0 : i32
    %c0_i32_0 = arith.constant 0 : i32
    return %arg0, %c0_i32 : i32, i32
  }
}

</mosaic_0001>

<sc_bundles>
// kernel: kernel.15.cloned.1.call-start
scs
__scs_entry_jumppad:
0x0: {  	(pc) =	sbr.rel $0x88, $3  }
0x1: {  	(tag) =	ssettag $0x0;
	lr =	simm.s32 $0x1  }
0x2: {  	[smem:$0x3F93] =	sst lr;
	_ =	strace $0xD0000000  }
0x3: {  	_ = 	snop  }
0x4: {  	_ = 	snop  }
0x5: {  	_ = 	snop  }
0x6: {  	_ = 	snop  }
0x7: {  	_ = 	snop  }
__scs_overlays_trampoline_lowered:
0x8: {  	[smem:$0x3FA2] =	sst s0  }
0x9: {  	[smem:$0x3FA3] =	sst s1  }
0xa: {  	[smem:$0x3FA4] =	sst s2  }
0xb: {  	[smem:$0x3FA5] =	sst s3  }
0xc: {  	[smem:$0x3FA6] =	sst s4  }
0xd: {  	[smem:$0x3FA7] =	sst s5  }
0xe: {  	[smem:$0x3FA8] =	sst s6  }
0xf: {  	[smem:$0x3FA9] =	sst s7  }
0x10: {  	[smem:$0x3FAA] =	sst s8  }
0x11: {  	[smem:$0x3FAB] =	sst s9;
	s0 =	simm.s32 @!p0 $0x0  }
0x12: {  	s1 =	sld [smem:$0x3F91];
	s0 =	simm.s32 @p0 $0x1  }
0x13: {  	[smem:$0x3FAC] =	sst s0;
	s0 =	simm.s32 @!p1 $0x0  }
0x14: {  	s2 =	sld [smem:$0x3F90];
	s0 =	simm.s32 @p1 $0x1  }
0x15: {  	[smem:$0x3FAD] =	sst s0;
	s0 =	simm.s32 @!p2 $0x0  }
0x16: {  	s3 =	sld [smem:$0x3FDB];
	s0 =	simm.s32 @p2 $0x1  }
0x17: {  	s4 =	simm.s32 $0x1BF5;
	[smem:$0x3FAF] =	sst s0  }
0x18: {  	s0 =	sld [smem:$0x3F92];
	_ =	swait.ge [sflag:s4], $0x0  }
0x19: {  	s7 =	sld [smem:$0x3F93]  }
0x1a: {  	s8 =	sadd.s32 $0xFFFFE003, lr  }
0x1b: {  	s9 =	sadd.s32 $0xFFFFFEF7, lr;
	s5 =	simm.s32 $0xFFFFFFFF;
	p2 =	slt.u32 s8, $0xFFFFF086  }
0x1c: {  	p1 =	slt.u32 s9, $0xF7A;
	s5 =	simm.s32 @!p2 $0x0  }
0x1d: {  	s5 =	simm.s32 @p1 $0x1;
	p0 =	seq.s32 s7, s2  }
0x1e: {  	s7 =	smul.u32 @!p0 $0xF7A, s2;
	p2 =	seq.s32 @!p0 s5, $0x0  }
0x1f: {  	s9 =	smul.u32 $0xF7A, s1;
	s8 =	simm.s32 @!p0 $0x1BF5;
	p2 =	por !p2, p0  }
0x20: {  	[sflag:s8] =	ssyncset.s32 @!p0 $0xFFFFF086;
	s6 =	sadd.s32 @!p0 s3, s7;
	s7 =	simm.s32 @!p0 $0x108  }
0x21: {  	s3 =	sadd.s32 s3, s9;
	s6 =	sadd.s32 @!p0 $0x88, s6;
	s7 =	simm.s32 @p2 $0x1082  }
0x22: {  	[simem:s7], [sflag:s8] =	dma.local @!p0 [hbm:s6], $0xF7A  }
0x23: {  	s9 =	sor.u32 $0xD0000000, s2;
	s6 =	simm.s32 $0x108;
	_ =	swait.ge @!p0 [sflag:s8], $0x0  }
0x24: {  	s3 =	sadd.s32 $0x88, s3;
	s6 =	simm.s32 @!p1 $0x1082;
	[sflag:s4] =	ssyncset.s32 $0xFFFFF086  }
0x25: {  	[simem:s6], [sflag:s4] =	dma.local [hbm:s3], $0xF7A  }
0x26: {  	[smem:$0x3F93] =	sst s1;
	(tag) =	ssettag s2;
	_ =	strace s9  }
0x27: {  	s1 =	sld [smem:$0x3FA3]  }
0x28: {  	s2 =	sld [smem:$0x3FA4]  }
0x29: {  	s4 =	sld [smem:$0x3FA6]  }
0x2a: {  	p0 =	seq.s32 s5, $0x0;
	s5 =	sld [smem:$0x3FA7]  }
0x2b: {  	s6 =	sld [smem:$0x3FA8]  }
0x2c: {  	s7 =	sld [smem:$0x3FA9]  }
0x2d: {  	s3 =	simm.s32 $0x108;
	s8 =	sld [smem:$0x3FAA]  }
0x2e: {  	s3 =	simm.s32 @!p0 $0x1082;
	s9 =	sld [smem:$0x3FAB]  }
0x2f: {  	lr =	sadd.s32 s0, s3;
	s0 =	sld [smem:$0x3FA2]  }
0x30: {  	s3 =	sld [smem:$0x3FA5]  }
0x31: {  	[smem:$0x3FAE] =	sst s10  }
0x32: {  	s10 =	sld [smem:$0x3FAC];
	_ =	sdelay $0x3  }
0x33: {  	p0 =	seq.s32 s10, $0x1;
	s10 =	sld [smem:$0x3FAE];
	_ =	sdelay $0x3  }
0x34: {  	[smem:$0x3FAE] =	sst s10  }
0x35: {  	s10 =	sld [smem:$0x3FAD];
	_ =	sdelay $0x3  }
0x36: {  	p1 =	seq.s32 s10, $0x1;
	s10 =	sld [smem:$0x3FAE];
	_ =	sdelay $0x3  }
0x37: {  	[smem:$0x3FAE] =	sst s10  }
0x38: {  	s10 =	sld [smem:$0x3FAF]  }
0x39: {  	_ = 	snop;
	(pc) =	sbr.ind lr, $3  }
0x3a: {  	_ = 	snop  }
0x3b: {  	_ = 	snop  }
0x3c: {  	p2 =	seq.s32 s10, $0x1;
	s10 =	sld [smem:$0x3FAE]  }
0x3d: {  	_ =	shalt  }
0x3e: {  	_ =	shalt  }
0x3f: {  	_ =	shalt  }
0x40: {  	_ =	shalt  }
0x41: {  	_ =	shalt  }
0x42: {  	_ =	shalt  }
0x43: {  	_ =	shalt  }
0x44: {  	_ =	shalt  }
0x45: {  	_ =	shalt  }
0x46: {  	_ =	shalt  }
0x47: {  	_ =	shalt  }
0x48: {  	_ =	shalt  }
0x49: {  	_ =	shalt  }
0x4a: {  	_ =	shalt  }
0x4b: {  	_ =	shalt  }
0x4c: {  	_ =	shalt  }
0x4d: {  	_ =	shalt  }
0x4e: {  	_ =	shalt  }
0x4f: {  	_ =	shalt  }
0x50: {  	_ =	shalt  }
0x51: {  	_ =	shalt  }
0x52: {  	_ =	shalt  }
0x53: {  	_ =	shalt  }
0x54: {  	_ =	shalt  }
0x55: {  	_ =	shalt  }
0x56: {  	_ =	shalt  }
0x57: {  	_ =	shalt  }
0x58: {  	_ =	shalt  }
0x59: {  	_ =	shalt  }
0x5a: {  	_ =	shalt  }
0x5b: {  	_ =	shalt  }
0x5c: {  	_ =	shalt  }
0x5d: {  	_ =	shalt  }
0x5e: {  	_ =	shalt  }
0x5f: {  	_ =	shalt  }
0x60: {  	_ =	shalt  }
0x61: {  	_ =	shalt  }
0x62: {  	_ =	shalt  }
0x63: {  	_ =	shalt  }
0x64: {  	_ =	shalt  }
0x65: {  	_ =	shalt  }
0x66: {  	_ =	shalt  }
0x67: {  	_ =	shalt  }
0x68: {  	_ =	shalt  }
0x69: {  	_ =	shalt  }
0x6a: {  	_ =	shalt  }
0x6b: {  	_ =	shalt  }
0x6c: {  	_ =	shalt  }
0x6d: {  	_ =	shalt  }
0x6e: {  	_ =	shalt  }
0x6f: {  	_ =	shalt  }
0x70: {  	_ =	shalt  }
0x71: {  	_ =	shalt  }
0x72: {  	_ =	shalt  }
0x73: {  	_ =	shalt  }
0x74: {  	_ =	shalt  }
0x75: {  	_ =	shalt  }
0x76: {  	_ =	shalt  }
0x77: {  	_ =	shalt  }
0x78: {  	_ =	shalt  }
0x79: {  	_ =	shalt  }
0x7a: {  	_ =	shalt  }
0x7b: {  	_ =	shalt  }
0x7c: {  	_ =	shalt  }
0x7d: {  	_ =	shalt  }
0x7e: {  	_ =	shalt  }
0x7f: {  	_ =	shalt  }
0x80: {  	_ =	shalt  }
0x81: {  	_ =	shalt  }
0x82: {  	_ =	shalt  }
0x83: {  	_ =	shalt  }
0x84: {  	_ =	shalt  }
0x85: {  	_ =	shalt  }
0x86: {  	_ =	shalt  }
0x87: {  	_ =	shalt  }
.Lfunc_end0:
.L_simem_size_0:
called_computation_lowered:
.L_overlay_start_0:
0x88: {  	s2 =	sld [smem:$0x3FD9]  }
0x89: {  	s3 =	sld [smem:$0x3FFE];
	_ =	sdelay $0x1  }
0x8a: {  	s1 =	srdreg.scid  }
0x8b: {  	s0 =	sand.u32 $0x1, s1  }
0x8c: {  	s17 =	sshll.u32 s0, $0xA;
	s2 =	sadd.s32 s3, s2  }
0x8d: {  	s2 =	sadd.s32 s2, s17  }
0x8e: {  	[smem:$0x3FBA] =	sst s2  }
0x8f: {  	_ = 	snop  }
0x90: {  	s2 =	sld [smem:$0x3FD0];
	(tm) =	ssettm $0x1  }
0x91: {  	s18 =	sld [smem:$0x3FFB];
	_ =	sdelay $0x3  }
0x92: {  	_ =	strace s18  }
0x93: {  	s3 =	sld [smem:$0x3FFC];
	_ =	sdelay $0x3  }
0x94: {  	_ =	strace s3  }
0x95: {  	s3 =	sld [smem:$0x3FFD];
	_ =	sdelay $0x3  }
0x96: {  	_ =	strace s3  }
0x97: {  	_ =	strace $0x8FFFFFFF  }
0x98: {  	s19 =	sld [smem:$0x3FDB];
	_ =	sdelay $0x1  }
0x99: {  	s4 =	simm.s32 $_scs_section_size  }
0x9a: {  	s5 =	simm.s32 $_size__tile_overlayer_lowered;
	s6 =	simm.s32 $_tile_overlayer_lowered  }
0x9b: {  	s22 =	simm.s32 $0x1BFF;
	s21 =	sshll.u32 s6, $0x1;
	s3 =	sadd.s32 s4, s19  }
0x9c: {  	s7 =	simm.s32 $0x0;
	s20 =	sshll.u32 s5, $0x1;
	s5 =	sadd.s32 s21, s3  }
0x9d: {  	[timem:s7], [sflag:s22] =	dma.local [hbm:s5], s20  }
0x9e: {  	_ =	swait.ge [sflag:s22], s20  }
0x9f: {  	s4 =	ssub.s32 $0x0, s20;
	[sflag:s22] =	ssyncset.done $0x0  }
0xa0: {  	[sflag:s22] =	ssyncadd.s32 s4;
	_ =	sdelay $0x1  }
0xa1: {  	s23 =	simm.s32 $0x1B8B  }
0xa2: {  	_ =	swait.ge [sflag:s23], $0x1  }
0xa3: {  	[sflag:s23] =	ssyncset.done $0x0  }
0xa4: {  	s25 =	simm.s32 $0x1B8E;
	s24 =	sld [smem:$0x3FFE];
	[sflag:s23] =	ssyncadd.s32 $0xFFFFFFFF  }
0xa5: {  	s26 =	simm.s32 $execute0_lowered;
	[smem:$0x3FD2] =	sst s25  }
0xa6: {  	s5 =	sshll.u32 s26, $0x1;
	_ =	strace $0x80000046;
	[dreg:$0x1] =	wrdreg $0xFFFFFFFF  }
0xa7: {  	s28 =	simm.s32 $_size_execute0_lowered;
	s3 =	sadd.s32 s3, s5;
	[dreg:$0x0] =	wrdreg $0x0  }
0xa8: {  	s5 =	sshll.u32 s28, $0x1;
	[dreg:$0x2] =	wrdreg s3  }
0xa9: {  	[dreg:$0x3] =	wrdreg s5  }
0xaa: {  	[dreg:$0x4] =	wrdreg $0xC0  }
0xab: {  	_ =	task [dreg:s7], $0x5FFFF  }
0xac: {  	[dreg:$0x1] =	wrdreg $0xFFFFFFFF  }
0xad: {  	[dreg:$0x0] =	wrdreg $0x60  }
0xae: {  	[dreg:$0x2] =	wrdreg s2  }
0xaf: {  	[dreg:$0x3] =	wrdreg s24  }
0xb0: {  	[dreg:$0x4] =	wrdreg $0x19000  }
0xb1: {  	[dreg:$0x5] =	wrdreg $0x9  }
0xb2: {  	_ =	task.clear_ibuf [dreg:s7], $0x6FFFF;
	_ =	strace $0x90000046  }
0xb3: {  	s29 =	simm.s32 $0x9;
	_ =	strace $0x80000048  }
0xb4: {  	_ =	swait.ge [sflag:s29], $0x1  }
0xb5: {  	[sflag:s29] =	ssyncadd.s32 $0xFFFFFFFF  }
0xb6: {  	_ =	strace $0x90000048  }
0xb7: {  	_ =	sfence  }
0xb8: {  	s30 =	sld [smem:$0x0];
	_ =	sdelay $0x2  }
0xb9: {  	s31 =	sshll.u32 s1, $0xD;
	s1 =	sshrl.u32 s1, $0x2  }
0xba: {  	s3 =	sand.u32 $0x4000, s31;
	s1 =	sadd.s32 s1, s30  }
0xbb: {  	s0 =	sor.u32 s3, s0;
	s1 =	sshll.u32 s1, $0x11  }
0xbc: {  	s0 =	sor.u32 s1, s0  }
0xbd: {  	s0 =	sadd.s32 $0x8F2B, s0  }
0xbe: {  	[sflag:s0] =	ssyncadd.remote.s32 $0x1  }
0xbf: {  	_ =	sfence.sel $0xFFFF  }
0xc0: {  	[dreg:$0x0] =	wrdreg $0xFFFFFFFF;
	(pc) =	sbr.abs _section_cstart, $3  }
0xc1: {  	[dreg:$0x1] =	wrdreg $0xFFFFFFFF  }
0xc2: {  	_ =	task.clear_ibuf [dreg:s7], $0x2FFFF;
	_ =	strace $0x9FFFFFFF  }
0xc3: {  	(tm) =	ssettm $0x7FFFFFFF  }
tec
execute0_lowered:
.L_overlay_start_1:
0x0: {  	(tag) =	ssettag $0x1  }
0x1: {  	s1 =	rddreg [dreg:$0x0]  }
0x2: {  	s9 =	rddreg [dreg:$0x1]  }
0x3: {  	s3 =	rddreg [dreg:$0x2]  }
0x4: {  	s0 =	rddreg [dreg:$0x3]  }
0x5: {  	s5 =	srdreg.scid;
	s2 =	stileid.u32;
	s4 =	simm.s32 $0x0  }
0x6: {  	s18 =	simm.s32 $0x900;
	s19 =	simm.s32 $0x1100;
	s20 =	simm.s32 $0x0  }
0x7: {  	s10 =	sand.u32 $0x1, s5;
	s11 =	smul.u32 $0x2800, s2;
	[smem:$0x7FF] =	sst s4  }
0x8: {  	s5 =	sadd.s32 $0x30400, s9;
	s6 =	sadd.s32 $0x2B400, s9;
	s17 =	smul.u32 $0x2880, s2  }
0x9: {  	s7 =	sadd.s32 $0x3A600, s9;
	s31 =	sshll.u32 s2, $0x6;
	s8 =	smul.u32 $0x28000, s10  }
0xa: {  	v1 =	vimm.s32 $0xFEDCBA98;
	_ =	strace $0x80000047;
	s13 =	ssub.s32 $0x2, s10;
	s14 =	sshll.u32 s10, $0x4  }
0xb: {  	v0 =	vimm.s32 $0x76543210;
	v1 =	vunpack.c.l.s4.s8 v1;
	s15 =	smul.u32 $0x28800, s10;
	s30 =	sshrl.u32 s13, $0x1;
	s14 =	sor.u32 s2, s14  }
0xc: {  	v0 =	vunpack.c.l.s4.s8 v0;
	s16 =	sadd.s32 s11, s3;
	s12 =	sadd.s32 s11, s8;
	s8 =	sadd.s32 $0x44C00, s9  }
0xd: {  	v1 =	vunpack.c.0.s8.s32 v1;
	s13 =	ssub.s32 s13, s30;
	s10 =	smul.u32 $0x2880, s14;
	s12 =	sshrl.u32 s12, $0x3  }
0xe: {  	v0 =	vunpack.c.0.s8.s32 v0;
	s14 =	sshrl.u32 s16, $0x3;
	s16 =	simm.s32 $0x80;
	s12 =	sadd.s32 s12, s9  }
0xf: {  	vm0 =	vcmask $0x1F00;
	vm1 =	vmmov $0xff;
	v1 =	vand.u32 $0xF, v1;
	s9 =	sor.u32 $0x1C01, s31;
	s11 =	sadd.s32 $0x3AC00, s12;
	s12 =	smax.u32 s13, $0x1  }
0x10: {  	v0 =	vnsel vm0, $0x7, v0;
	v1 =	vnsel vm0, $0xF, v1;
	vm0 =	vmxor vm0, vm0;
	s13 =	sadd.s32 s17, s15;
	s15 =	simm.s32 $0x1;
	s17 =	simm.s32 $0x100  }
.LBB2_1:
0x11: {  	[spmem:s14], [sflag:s9] =	dma.local [hbm:s7], $0x500  }
0x12: {  	_ =	swait.ge [sflag:s15], $0x500  }
0x13: {  	[sflag:s15] =	ssyncset.done $0x0  }
0x14: {  	[sflag:s15] =	ssyncadd.s32 $0xFFFFFB00  }
0x15: {  	s21 =	smov.u32 s13;
	s22 =	simm.s32 $0x0;
	[bflag:$0x0] =	sbarrier.arrive $0xFFFF  }
.LBB2_2:
0x16: {  	s23 =	sshll.u32 s22, $0x7  }
0x17: {  	s23 =	sadd.s32 s10, s23  }
0x18: {  	s24 =	sshrl.u32 s23, $0x3  }
0x19: {  	s26 =	simm.s32 $0x0;
	s25 =	sadd.s32 s1, s24  }
0x1a: {  	[tilespmem:s26], [sflag:$0x1] =	stream.linear.gather [hbm4b:s25+s26], $0x80, $0x38;
	[tilespmem:$0x4100] =	vst v63  }
0x1b: {  	_ =	swait.ge [sflag:s15], $0x80  }
0x1c: {  	[sflag:s15] =	ssyncset.done $0x0  }
0x1d: {  	s24 =	sadd.s32 s5, s24;
	[sflag:s15] =	ssyncadd.s32 $0xFFFFFF80  }
0x1e: {  	[tilespmem:s16], [sflag:$0x1] =	stream.linear.gather [hbm4b:s24+s26], $0x80, $0x38;
	[tilespmem:$0x4100] =	vst v63  }
0x1f: {  	_ =	swait.ge [sflag:s15], $0x80  }
0x20: {  	[sflag:s15] =	ssyncset.done $0x0  }
0x21: {  	[sflag:s15] =	ssyncadd.s32 $0xFFFFFF80  }
0x22: {  	[tilespmem:s17], [sflag:$0x1] =	stream.indirect.gather [hbm4b:s6+s16], $0x10, s26, s16, $0xb8;
	[tilespmem:$0x4100] =	vst v63  }
0x23: {  	_ =	swait.ge [sflag:s15], $0x800  }
0x24: {  	s31 =	simm.s32 $0x0;
	[sflag:s15] =	ssyncset.done $0x0  }
0x25: {  	v2 =	vor.u32 s31, v0;
	[sflag:s15] =	ssyncadd.s32 $0xFFFFF800  }
0x26: {  	v3 =	vor.u32 s31, v1;
	[tilespmem:s18], [sflag:$0x1] =	stream.indirect.gather [hbm4b:s6+s16], $0x10, s16, s16, $0xb8;
	[tilespmem:$0x4100] =	vst v63  }
0x27: {  	_ =	swait.ge [sflag:s15], $0x800  }
0x28: {  	[sflag:s15] =	ssyncset.done $0x0  }
0x29: {  	[sflag:s15] =	ssyncadd.s32 $0xFFFFF800  }
0x2a: {  	v2 =	vld.idx.msk [tilespmem:v2+s17+$0x0], $0xffff  }
0x2b: {  	v3 =	vld.idx.msk [tilespmem:v3+s18+$0x0], $0xffff;
	_ =	sdelay $0x4  }
0x2c: {  	v2 =	vadd.f32 v3, v2;
	_ =	sdelay $0x1  }
0x2d: {  	v3 =	vmul.f32 $2.000000030e-01, v2;
	_ =	sdelay $0x1  }
0x2e: {  	v2 =	vmax.f32 v2, v3  }
0x2f: {  	v2 =	vmul.f32 $1.442695020e+00, v2;
	_ =	sdelay $0x1  }
0x30: {  	(erf) = vpow2.f32 v2;
	_ =	sdelay $0x5  }
0x31: {  	s25 =	sadd.s32 $0x0, s21;
	s26 =	simm.s32 $0x10  }
0x32: {  	vm2 =	vmmov vm0;
	p0 =	slt.u32 s25, $0x50910;
	v2 =	vor.u32 s26, v0  }
0x33: {  	vm2 =	vmneg @p0 vm2;
	v3 =	vor.u32 s26, v1  }
0x34: {  	vm2 =	vmand vm2, vm1;
	v4 =	vpop (erf)  }
0x35: {  	s24 =	simm.s32 $0x1120;
	v4 =	vnsel vm2, $0x0, v4  }
0x36: {  	[tilespmem:s24+$0xFFFFFFE0] =	vst v4  }
0x37: {  	v2 =	vld.idx.msk [tilespmem:v2+s17+$0x0], $0xffff  }
0x38: {  	v3 =	vld.idx.msk [tilespmem:v3+s18+$0x0], $0xffff;
	_ =	sdelay $0x4  }
0x39: {  	v2 =	vadd.f32 v3, v2;
	_ =	sdelay $0x1  }
0x3a: {  	v3 =	vmul.f32 $2.000000030e-01, v2;
	_ =	sdelay $0x1  }
0x3b: {  	v2 =	vmax.f32 v2, v3  }
0x3c: {  	v2 =	vmul.f32 $1.442695020e+00, v2;
	_ =	sdelay $0x1  }
0x3d: {  	(erf) = vpow2.f32 v2;
	_ =	sdelay $0x5  }
0x3e: {  	s30 =	simm.s32 $0x20  }
0x3f: {  	v2 =	vor.u32 s30, v0  }
0x40: {  	v3 =	vor.u32 s30, v1  }
0x41: {  	v62 =	vpop (erf)  }
0x42: {  	v4 =	vnsel vm2, $0x0, v62  }
0x43: {  	[tilespmem:s24+$0xFFFFFFF0] =	vst v4  }
0x44: {  	v2 =	vld.idx.msk [tilespmem:v2+s17+$0x0], $0xffff  }
0x45: {  	v3 =	vld.idx.msk [tilespmem:v3+s18+$0x0], $0xffff;
	_ =	sdelay $0x4  }
0x46: {  	v2 =	vadd.f32 v3, v2;
	_ =	sdelay $0x1  }
0x47: {  	v3 =	vmul.f32 $2.000000030e-01, v2;
	_ =	sdelay $0x1  }
0x48: {  	v2 =	vmax.f32 v2, v3  }
0x49: {  	v2 =	vmul.f32 $1.442695020e+00, v2;
	_ =	sdelay $0x1  }
0x4a: {  	(erf) = vpow2.f32 v2;
	_ =	sdelay $0x5  }
0x4b: {  	s31 =	simm.s32 $0x30  }
0x4c: {  	v2 =	vor.u32 s31, v0  }
0x4d: {  	v3 =	vor.u32 s31, v1  }
0x4e: {  	v63 =	vpop (erf)  }
0x4f: {  	v4 =	vnsel vm2, $0x0, v63  }
0x50: {  	[tilespmem:s24+$0x0] =	vst v4  }
0x51: {  	v2 =	vld.idx.msk [tilespmem:v2+s17+$0x0], $0xffff  }
0x52: {  	v3 =	vld.idx.msk [tilespmem:v3+s18+$0x0], $0xffff;
	_ =	sdelay $0x4  }
0x53: {  	v2 =	vadd.f32 v3, v2;
	_ =	sdelay $0x1  }
0x54: {  	v3 =	vmul.f32 $2.000000030e-01, v2;
	_ =	sdelay $0x1  }
0x55: {  	v2 =	vmax.f32 v2, v3  }
0x56: {  	v2 =	vmul.f32 $1.442695020e+00, v2;
	_ =	sdelay $0x1  }
0x57: {  	(erf) = vpow2.f32 v2;
	_ =	sdelay $0x3  }
0x58: {  	s29 =	simm.s32 $0x8  }
0x59: {  	s28 =	simm.s32 $0x1120;
	s25 =	simm.s32 $0x4;
	s26 =	simm.s32 $0x40  }
.LBB2_3:
0x5a: {  	p0 =	slt.u32 s29, $0x7C  }
0x5b: {  	v2 =	vor.u32 s26, v0;
	v3 =	vor.u32 s26, v1;
	s24 =	sadd.s32 $0x40, s24;
	s30 =	smov.u32 s29;
	s29 =	sadd.s32 $0x4, s29  }
0x5c: {  	_ = 	snop  }
0x5d: {  	v4 =	vpop (erf)  }
0x5e: {  	v4 =	vnsel vm2, $0x0, v4  }
0x5f: {  	[tilespmem:s28+$0x10] =	vst v4;
	s28 =	smov.u32 s24  }
0x60: {  	v2 =	vld.idx.msk [tilespmem:v2+s17+$0x0], $0xffff  }
0x61: {  	v3 =	vld.idx.msk [tilespmem:v3+s18+$0x0], $0xffff;
	_ =	sdelay $0x5  }
0x62: {  	v2 =	vadd.f32 v3, v2;
	_ =	sdelay $0x1  }
0x63: {  	v3 =	vmul.f32 $2.000000030e-01, v2;
	_ =	sdelay $0x1  }
0x64: {  	v2 =	vmax.f32 v2, v3  }
0x65: {  	v2 =	vmul.f32 $1.442695020e+00, v2;
	_ =	sdelay $0x1  }
0x66: {  	(erf) = vpow2.f32 v2;
	_ =	sdelay $0x4  }
0x67: {  	s31 =	sadd.s32 s25, s21;
	s25 =	smov.u32 s30  }
0x68: {  	p1 =	slt.u32 s31, $0x50910;
	s30 =	sadd.s32 $0x10, s26;
	vm2 =	vmmov vm0  }
0x69: {  	vm2 =	vmneg @p1 vm2;
	v3 =	vor.u32 s30, v1;
	v2 =	vor.u32 s30, v0  }
0x6a: {  	vm2 =	vmand vm2, vm1  }
0x6b: {  	v4 =	vpop (erf)  }
0x6c: {  	v4 =	vnsel vm2, $0x0, v4  }
0x6d: {  	[tilespmem:s24+$0xFFFFFFE0] =	vst v4  }
0x6e: {  	v2 =	vld.idx.msk [tilespmem:v2+s17+$0x0], $0xffff  }
0x6f: {  	v3 =	vld.idx.msk [tilespmem:v3+s18+$0x0], $0xffff;
	_ =	sdelay $0x5  }
0x70: {  	v2 =	vadd.f32 v3, v2;
	_ =	sdelay $0x1  }
0x71: {  	v3 =	vmul.f32 $2.000000030e-01, v2;
	_ =	sdelay $0x1  }
0x72: {  	v2 =	vmax.f32 v2, v3  }
0x73: {  	v2 =	vmul.f32 $1.442695020e+00, v2;
	_ =	sdelay $0x1  }
0x74: {  	(erf) = vpow2.f32 v2;
	_ =	sdelay $0x5  }
0x75: {  	s30 =	sadd.s32 $0x20, s26  }
0x76: {  	v3 =	vor.u32 s30, v1;
	v2 =	vor.u32 s30, v0;
	_ =	sdelay $0x1  }
0x77: {  	v4 =	vpop (erf)  }
0x78: {  	v4 =	vnsel vm2, $0x0, v4  }
0x79: {  	[tilespmem:s24+$0xFFFFFFF0] =	vst v4  }
0x7a: {  	v2 =	vld.idx.msk [tilespmem:v2+s17+$0x0], $0xffff  }
0x7b: {  	v3 =	vld.idx.msk [tilespmem:v3+s18+$0x0], $0xffff;
	_ =	sdelay $0x5  }
0x7c: {  	v2 =	vadd.f32 v3, v2;
	_ =	sdelay $0x1  }
0x7d: {  	v3 =	vmul.f32 $2.000000030e-01, v2;
	_ =	sdelay $0x1  }
0x7e: {  	v2 =	vmax.f32 v2, v3  }
0x7f: {  	v2 =	vmul.f32 $1.442695020e+00, v2;
	_ =	sdelay $0x1  }
0x80: {  	(erf) = vpow2.f32 v2;
	_ =	sdelay $0x5  }
0x81: {  	s26 =	sadd.s32 $0x30, s26  }
0x82: {  	v3 =	vor.u32 s26, v1;
	v2 =	vor.u32 s26, v0;
	_ =	sdelay $0x1  }
0x83: {  	v4 =	vpop (erf)  }
0x84: {  	v4 =	vnsel vm2, $0x0, v4  }
0x85: {  	[tilespmem:s24+$0x0] =	vst v4  }
0x86: {  	v2 =	vld.idx.msk [tilespmem:v2+s17+$0x0], $0xffff  }
0x87: {  	v3 =	vld.idx.msk [tilespmem:v3+s18+$0x0], $0xffff;
	_ =	sdelay $0x5  }
0x88: {  	v2 =	vadd.f32 v3, v2;
	_ =	sdelay $0x1  }
0x89: {  	v3 =	vmul.f32 $2.000000030e-01, v2;
	_ =	sdelay $0x1  }
0x8a: {  	v2 =	vmax.f32 v2, v3  }
0x8b: {  	v2 =	vmul.f32 $1.442695020e+00, v2;
	_ =	sdelay $0x1  }
0x8c: {  	(erf) = vpow2.f32 v2;
	_ =	sdelay $0x1  }
.Ltmp0:
0x8d: {  	(pc) =	sbr.rel @p0 .LBB2_3-.Ltmp0, $2  }
0x8e: {  	_ =	sdelay $0x2  }
0x8f: {  	s26 =	sshll.u32 s25, $0x4  }
0x90: {  	v2 =	vor.u32 s26, v0  }
0x91: {  	v3 =	vor.u32 s26, v1  }
0x92: {  	v4 =	vpop (erf)  }
0x93: {  	v4 =	vnsel vm2, $0x0, v4  }
0x94: {  	[tilespmem:s28+$0x10] =	vst v4  }
0x95: {  	v2 =	vld.idx.msk [tilespmem:v2+s17+$0x0], $0xffff  }
0x96: {  	v3 =	vld.idx.msk [tilespmem:v3+s18+$0x0], $0xffff;
	_ =	sdelay $0x4  }
0x97: {  	v2 =	vadd.f32 v3, v2;
	_ =	sdelay $0x1  }
0x98: {  	v3 =	vmul.f32 $2.000000030e-01, v2;
	_ =	sdelay $0x1  }
0x99: {  	v2 =	vmax.f32 v2, v3  }
0x9a: {  	v2 =	vmul.f32 $1.442695020e+00, v2;
	_ =	sdelay $0x1  }
0x9b: {  	(erf) = vpow2.f32 v2;
	_ =	sdelay $0x5  }
0x9c: {  	s25 =	sadd.s32 s25, s21;
	s29 =	sadd.s32 $0x10, s26  }
0x9d: {  	p0 =	slt.u32 s25, $0x50910;
	vm2 =	vmmov vm0;
	v2 =	vor.u32 s29, v0  }
0x9e: {  	vm2 =	vmneg @p0 vm2;
	v3 =	vor.u32 s29, v1  }
0x9f: {  	vm2 =	vmand vm2, vm1;
	v61 =	vpop (erf)  }
0xa0: {  	s24 =	sadd.s32 $0x40, s24;
	v4 =	vnsel vm2, $0x0, v61  }
0xa1: {  	[tilespmem:s24+$0xFFFFFFE0] =	vst v4  }
0xa2: {  	v2 =	vld.idx.msk [tilespmem:v2+s17+$0x0], $0xffff  }
0xa3: {  	v3 =	vld.idx.msk [tilespmem:v3+s18+$0x0], $0xffff;
	_ =	sdelay $0x4  }
0xa4: {  	v2 =	vadd.f32 v3, v2;
	_ =	sdelay $0x1  }
0xa5: {  	v3 =	vmul.f32 $2.000000030e-01, v2;
	_ =	sdelay $0x1  }
0xa6: {  	v2 =	vmax.f32 v2, v3  }
0xa7: {  	v2 =	vmul.f32 $1.442695020e+00, v2;
	_ =	sdelay $0x1  }
0xa8: {  	(erf) = vpow2.f32 v2;
	_ =	sdelay $0x5  }
0xa9: {  	s30 =	sadd.s32 $0x20, s26  }
0xaa: {  	v2 =	vor.u32 s30, v0  }
0xab: {  	v3 =	vor.u32 s30, v1  }
0xac: {  	v62 =	vpop (erf)  }
0xad: {  	v4 =	vnsel vm2, $0x0, v62  }
0xae: {  	[tilespmem:s24+$0xFFFFFFF0] =	vst v4  }
0xaf: {  	v2 =	vld.idx.msk [tilespmem:v2+s17+$0x0], $0xffff  }
0xb0: {  	v3 =	vld.idx.msk [tilespmem:v3+s18+$0x0], $0xffff;
	_ =	sdelay $0x4  }
0xb1: {  	v2 =	vadd.f32 v3, v2;
	_ =	sdelay $0x1  }
0xb2: {  	v3 =	vmul.f32 $2.000000030e-01, v2;
	_ =	sdelay $0x1  }
0xb3: {  	v2 =	vmax.f32 v2, v3  }
0xb4: {  	v2 =	vmul.f32 $1.442695020e+00, v2;
	_ =	sdelay $0x1  }
0xb5: {  	(erf) = vpow2.f32 v2;
	_ =	sdelay $0x5  }
0xb6: {  	s31 =	sadd.s32 $0x30, s26  }
0xb7: {  	v2 =	vor.u32 s31, v0  }
0xb8: {  	v3 =	vor.u32 s31, v1  }
0xb9: {  	v63 =	vpop (erf)  }
0xba: {  	v4 =	vnsel vm2, $0x0, v63  }
0xbb: {  	[tilespmem:s24+$0x0] =	vst v4  }
0xbc: {  	v2 =	vld.idx.msk [tilespmem:v2+s17+$0x0], $0xffff  }
0xbd: {  	v3 =	vld.idx.msk [tilespmem:v3+s18+$0x0], $0xffff;
	_ =	sdelay $0x4  }
0xbe: {  	v2 =	vadd.f32 v3, v2;
	_ =	sdelay $0x1  }
0xbf: {  	v3 =	vmul.f32 $2.000000030e-01, v2;
	_ =	sdelay $0x1  }
0xc0: {  	v2 =	vmax.f32 v2, v3  }
0xc1: {  	v2 =	vmul.f32 $1.442695020e+00, v2;
	_ =	sdelay $0x1  }
0xc2: {  	(erf) = vpow2.f32 v2;
	_ =	sdelay $0x8  }
0xc3: {  	v2 =	vpop (erf)  }
0xc4: {  	s23 =	sshll.u32 s23, $0x1;
	v2 =	vnsel vm2, $0x0, v2  }
0xc5: {  	s23 =	sadd.s32 s8, s23;
	[tilespmem:s24+$0x10] =	vst v2  }
0xc6: {  	[hbm4b:s23+s4] =	stream.linear.scatter [tilespmem:s19], [sflag:$0x1], $0x800, $0x38;
	[tilespmem:$0x4100] =	vst v63  }
0xc7: {  	s22 =	sadd.s32 $0x1, s22;
	_ =	swait.ge [sflag:s15], $0x800  }
0xc8: {  	p0 =	sne.s32 s22, $0x51;
	[sflag:s15] =	ssyncset.done $0x0  }
.Ltmp1:
0xc9: {  	[sflag:s15] =	ssyncadd.s32 $0xFFFFF800;
	(pc) =	sbr.rel @p0 .LBB2_2-.Ltmp1, $4  }
0xca: {  	[spmem:s3] =	stream.indirect.scatter.add.f32 [tilespmem:s19], [sflag:$0x1], $0x10, s16, s16, $0xb8;
	[tilespmem:$0x4100] =	vst v63  }
0xcb: {  	_ =	swait.ge [sflag:s15], $0x800  }
0xcc: {  	[sflag:s15] =	ssyncset.done $0x0  }
0xcd: {  	s21 =	sadd.s32 $0x80, s21;
	[sflag:s15] =	ssyncadd.s32 $0xFFFFF800  }
0xce: {  	s20 =	sadd.s32 $0x1, s20  }
0xcf: {  	p0 =	sne.s32 s20, s12  }
.Ltmp2:
0xd0: {  	[bflag:$0x0] =	sbarrier.arrive $0xFFFF;
	(pc) =	sbr.rel @p0 .LBB2_1-.Ltmp2, $4  }
0xd1: {  	[hbm:s11], [sflag:s9] =	dma.local [spmem:s14], $0x500  }
0xd2: {  	_ =	swait.ge [sflag:s15], $0x500  }
0xd3: {  	[sflag:s15] =	ssyncset.done $0x0  }
0xd4: {  	[sflag:s15] =	ssyncadd.s32 $0xFFFFFB00  }
0xd5: {  	_ =	sfence.sel $0x180000  }
0xd6: {  	[bflag:$0x0] =	sbarrier.arrive $0xFFFF  }
0xd7: {  	p0 =	sne.s32 s2, $0x0;
	_ =	strace $0x90000047  }
0xd8: {  	s0 =	sadd.s32 @!p0 $0x100000, s0;
	[bflag:$0x2] =	sbarrier.arrive $0xFFFF  }
0xd9: {  	[sflag:s0] =	ssyncadd.tile.s32 @!p0 $0x1;
	_ =	shalt  }
.Lfunc_end2:
_tile_overlayer_lowered:
.L_overlay_start_2:
0xda: {  	(tag) =	ssettag $0x2  }
0xdb: {  	s0 =	rddreg [dreg:$0x0];
	s2 =	stileid.u32  }
0xdc: {  	s1 =	rddreg [dreg:$0x1];
	p0 =	sne.s32 s2, $0x0  }
0xdd: {  	s3 =	rddreg [dreg:$0x2];
	[bflag:$0x3] =	sbarrier.arrive $0xFFFF;
	s2 =	simm.s32 @!p0 $0x1C01  }
0xde: {  	[timem:s3], [sflag:s2] =	dma.local @!p0 [hbm:s0], s1  }
0xdf: {  	s0 =	simm.s32 @!p0 $0x1  }
0xe0: {  	_ =	swait.ge @!p0 [sflag:s0], s1  }
0xe1: {  	s1 =	ssub.s32 @!p0 $0x0, s1;
	[sflag:s0] =	ssyncset.done @!p0 $0x0  }
0xe2: {  	[sflag:s0] =	ssyncadd.s32 @!p0 s1  }
0xe3: {  	[bflag:$0x3] =	sbarrier.arrive $0xFFFF  }
0xe4: {  	_ =	shalt  }

// kernel: kernel.18.cloned.1.call-start
scs
__scs_entry_jumppad:
0x0: {  	(pc) =	sbr.rel $0x88, $3  }
0x1: {  	(tag) =	ssettag $0x0;
	lr =	simm.s32 $0x1  }
0x2: {  	[smem:$0x3F93] =	sst lr;
	_ =	strace $0xD0000000  }
0x3: {  	_ = 	snop  }
0x4: {  	_ = 	snop  }
0x5: {  	_ = 	snop  }
0x6: {  	_ = 	snop  }
0x7: {  	_ = 	snop  }
__scs_overlays_trampoline_lowered:
0x8: {  	[smem:$0x3FA2] =	sst s0  }
0x9: {  	[smem:$0x3FA3] =	sst s1  }
0xa: {  	[smem:$0x3FA4] =	sst s2  }
0xb: {  	[smem:$0x3FA5] =	sst s3  }
0xc: {  	[smem:$0x3FA6] =	sst s4  }
0xd: {  	[smem:$0x3FA7] =	sst s5  }
0xe: {  	[smem:$0x3FA8] =	sst s6  }
0xf: {  	[smem:$0x3FA9] =	sst s7  }
0x10: {  	[smem:$0x3FAA] =	sst s8  }
0x11: {  	[smem:$0x3FAB] =	sst s9;
	s0 =	simm.s32 @!p0 $0x0  }
0x12: {  	s1 =	sld [smem:$0x3F91];
	s0 =	simm.s32 @p0 $0x1  }
0x13: {  	[smem:$0x3FAC] =	sst s0;
	s0 =	simm.s32 @!p1 $0x0  }
0x14: {  	s2 =	sld [smem:$0x3F90];
	s0 =	simm.s32 @p1 $0x1  }
0x15: {  	[smem:$0x3FAD] =	sst s0;
	s0 =	simm.s32 @!p2 $0x0  }
0x16: {  	s3 =	sld [smem:$0x3FDB];
	s0 =	simm.s32 @p2 $0x1  }
0x17: {  	s4 =	simm.s32 $0x1BF5;
	[smem:$0x3FAF] =	sst s0  }
0x18: {  	s0 =	sld [smem:$0x3F92];
	_ =	swait.ge [sflag:s4], $0x0  }
0x19: {  	s7 =	sld [smem:$0x3F93]  }
0x1a: {  	s8 =	sadd.s32 $0xFFFFE003, lr  }
0x1b: {  	s9 =	sadd.s32 $0xFFFFFEF7, lr;
	s5 =	simm.s32 $0xFFFFFFFF;
	p2 =	slt.u32 s8, $0xFFFFF086  }
0x1c: {  	p1 =	slt.u32 s9, $0xF7A;
	s5 =	simm.s32 @!p2 $0x0  }
0x1d: {  	s5 =	simm.s32 @p1 $0x1;
	p0 =	seq.s32 s7, s2  }
0x1e: {  	s7 =	smul.u32 @!p0 $0xF7A, s2;
	p2 =	seq.s32 @!p0 s5, $0x0  }
0x1f: {  	s9 =	smul.u32 $0xF7A, s1;
	s8 =	simm.s32 @!p0 $0x1BF5;
	p2 =	por !p2, p0  }
0x20: {  	[sflag:s8] =	ssyncset.s32 @!p0 $0xFFFFF086;
	s6 =	sadd.s32 @!p0 s3, s7;
	s7 =	simm.s32 @!p0 $0x108  }
0x21: {  	s3 =	sadd.s32 s3, s9;
	s6 =	sadd.s32 @!p0 $0x88, s6;
	s7 =	simm.s32 @p2 $0x1082  }
0x22: {  	[simem:s7], [sflag:s8] =	dma.local @!p0 [hbm:s6], $0xF7A  }
0x23: {  	s9 =	sor.u32 $0xD0000000, s2;
	s6 =	simm.s32 $0x108;
	_ =	swait.ge @!p0 [sflag:s8], $0x0  }
0x24: {  	s3 =	sadd.s32 $0x88, s3;
	s6 =	simm.s32 @!p1 $0x1082;
	[sflag:s4] =	ssyncset.s32 $0xFFFFF086  }
0x25: {  	[simem:s6], [sflag:s4] =	dma.local [hbm:s3], $0xF7A  }
0x26: {  	[smem:$0x3F93] =	sst s1;
	(tag) =	ssettag s2;
	_ =	strace s9  }
0x27: {  	s1 =	sld [smem:$0x3FA3]  }
0x28: {  	s2 =	sld [smem:$0x3FA4]  }
0x29: {  	s4 =	sld [smem:$0x3FA6]  }
0x2a: {  	p0 =	seq.s32 s5, $0x0;
	s5 =	sld [smem:$0x3FA7]  }
0x2b: {  	s6 =	sld [smem:$0x3FA8]  }
0x2c: {  	s7 =	sld [smem:$0x3FA9]  }
0x2d: {  	s3 =	simm.s32 $0x108;
	s8 =	sld [smem:$0x3FAA]  }
0x2e: {  	s3 =	simm.s32 @!p0 $0x1082;
	s9 =	sld [smem:$0x3FAB]  }
0x2f: {  	lr =	sadd.s32 s0, s3;
	s0 =	sld [smem:$0x3FA2]  }
0x30: {  	s3 =	sld [smem:$0x3FA5]  }
0x31: {  	[smem:$0x3FAE] =	sst s10  }
0x32: {  	s10 =	sld [smem:$0x3FAC];
	_ =	sdelay $0x3  }
0x33: {  	p0 =	seq.s32 s10, $0x1;
	s10 =	sld [smem:$0x3FAE];
	_ =	sdelay $0x3  }
0x34: {  	[smem:$0x3FAE] =	sst s10  }
0x35: {  	s10 =	sld [smem:$0x3FAD];
	_ =	sdelay $0x3  }
0x36: {  	p1 =	seq.s32 s10, $0x1;
	s10 =	sld [smem:$0x3FAE];
	_ =	sdelay $0x3  }
0x37: {  	[smem:$0x3FAE] =	sst s10  }
0x38: {  	s10 =	sld [smem:$0x3FAF]  }
0x39: {  	_ = 	snop;
	(pc) =	sbr.ind lr, $3  }
0x3a: {  	_ = 	snop  }
0x3b: {  	_ = 	snop  }
0x3c: {  	p2 =	seq.s32 s10, $0x1;
	s10 =	sld [smem:$0x3FAE]  }
0x3d: {  	_ =	shalt  }
0x3e: {  	_ =	shalt  }
0x3f: {  	_ =	shalt  }
0x40: {  	_ =	shalt  }
0x41: {  	_ =	shalt  }
0x42: {  	_ =	shalt  }
0x43: {  	_ =	shalt  }
0x44: {  	_ =	shalt  }
0x45: {  	_ =	shalt  }
0x46: {  	_ =	shalt  }
0x47: {  	_ =	shalt  }
0x48: {  	_ =	shalt  }
0x49: {  	_ =	shalt  }
0x4a: {  	_ =	shalt  }
0x4b: {  	_ =	shalt  }
0x4c: {  	_ =	shalt  }
0x4d: {  	_ =	shalt  }
0x4e: {  	_ =	shalt  }
0x4f: {  	_ =	shalt  }
0x50: {  	_ =	shalt  }
0x51: {  	_ =	shalt  }
0x52: {  	_ =	shalt  }
0x53: {  	_ =	shalt  }
0x54: {  	_ =	shalt  }
0x55: {  	_ =	shalt  }
0x56: {  	_ =	shalt  }
0x57: {  	_ =	shalt  }
0x58: {  	_ =	shalt  }
0x59: {  	_ =	shalt  }
0x5a: {  	_ =	shalt  }
0x5b: {  	_ =	shalt  }
0x5c: {  	_ =	shalt  }
0x5d: {  	_ =	shalt  }
0x5e: {  	_ =	shalt  }
0x5f: {  	_ =	shalt  }
0x60: {  	_ =	shalt  }
0x61: {  	_ =	shalt  }
0x62: {  	_ =	shalt  }
0x63: {  	_ =	shalt  }
0x64: {  	_ =	shalt  }
0x65: {  	_ =	shalt  }
0x66: {  	_ =	shalt  }
0x67: {  	_ =	shalt  }
0x68: {  	_ =	shalt  }
0x69: {  	_ =	shalt  }
0x6a: {  	_ =	shalt  }
0x6b: {  	_ =	shalt  }
0x6c: {  	_ =	shalt  }
0x6d: {  	_ =	shalt  }
0x6e: {  	_ =	shalt  }
0x6f: {  	_ =	shalt  }
0x70: {  	_ =	shalt  }
0x71: {  	_ =	shalt  }
0x72: {  	_ =	shalt  }
0x73: {  	_ =	shalt  }
0x74: {  	_ =	shalt  }
0x75: {  	_ =	shalt  }
0x76: {  	_ =	shalt  }
0x77: {  	_ =	shalt  }
0x78: {  	_ =	shalt  }
0x79: {  	_ =	shalt  }
0x7a: {  	_ =	shalt  }
0x7b: {  	_ =	shalt  }
0x7c: {  	_ =	shalt  }
0x7d: {  	_ =	shalt  }
0x7e: {  	_ =	shalt  }
0x7f: {  	_ =	shalt  }
0x80: {  	_ =	shalt  }
0x81: {  	_ =	shalt  }
0x82: {  	_ =	shalt  }
0x83: {  	_ =	shalt  }
0x84: {  	_ =	shalt  }
0x85: {  	_ =	shalt  }
0x86: {  	_ =	shalt  }
0x87: {  	_ =	shalt  }
.Lfunc_end0:
.L_simem_size_0:
called_computation.1_lowered:
.L_overlay_start_0:
0x88: {  	s2 =	sld [smem:$0x3FD9]  }
0x89: {  	s3 =	sld [smem:$0x3FFE];
	_ =	sdelay $0x1  }
0x8a: {  	s1 =	srdreg.scid  }
0x8b: {  	s0 =	sand.u32 $0x1, s1  }
0x8c: {  	s17 =	sshll.u32 s0, $0xA;
	s2 =	sadd.s32 s3, s2  }
0x8d: {  	s2 =	sadd.s32 s2, s17  }
0x8e: {  	[smem:$0x3FBA] =	sst s2  }
0x8f: {  	_ = 	snop  }
0x90: {  	s2 =	sld [smem:$0x3FD0];
	(tm) =	ssettm $0x1  }
0x91: {  	s18 =	sld [smem:$0x3FFB];
	_ =	sdelay $0x3  }
0x92: {  	_ =	strace s18  }
0x93: {  	s3 =	sld [smem:$0x3FFC];
	_ =	sdelay $0x3  }
0x94: {  	_ =	strace s3  }
0x95: {  	s3 =	sld [smem:$0x3FFD];
	_ =	sdelay $0x3  }
0x96: {  	_ =	strace s3  }
0x97: {  	_ =	strace $0x8FFFFFFF  }
0x98: {  	s19 =	sld [smem:$0x3FDB];
	_ =	sdelay $0x1  }
0x99: {  	s4 =	simm.s32 $_scs_section_size  }
0x9a: {  	s5 =	simm.s32 $_size__tile_overlayer_lowered;
	s6 =	simm.s32 $_tile_overlayer_lowered  }
0x9b: {  	s22 =	simm.s32 $0x1BFF;
	s21 =	sshll.u32 s6, $0x1;
	s3 =	sadd.s32 s4, s19  }
0x9c: {  	s7 =	simm.s32 $0x0;
	s20 =	sshll.u32 s5, $0x1;
	s5 =	sadd.s32 s21, s3  }
0x9d: {  	[timem:s7], [sflag:s22] =	dma.local [hbm:s5], s20  }
0x9e: {  	_ =	swait.ge [sflag:s22], s20  }
0x9f: {  	s4 =	ssub.s32 $0x0, s20;
	[sflag:s22] =	ssyncset.done $0x0  }
0xa0: {  	[sflag:s22] =	ssyncadd.s32 s4;
	_ =	sdelay $0x1  }
0xa1: {  	s23 =	simm.s32 $0x1B8B  }
0xa2: {  	_ =	swait.ge [sflag:s23], $0x1  }
0xa3: {  	[sflag:s23] =	ssyncset.done $0x0  }
0xa4: {  	s25 =	simm.s32 $0x1B8E;
	s24 =	sld [smem:$0x3FFE];
	[sflag:s23] =	ssyncadd.s32 $0xFFFFFFFF  }
0xa5: {  	s26 =	simm.s32 $execute0_lowered;
	[smem:$0x3FD2] =	sst s25  }
0xa6: {  	s5 =	sshll.u32 s26, $0x1;
	_ =	strace $0x80000049;
	[dreg:$0x1] =	wrdreg $0xFFFFFFFF  }
0xa7: {  	s28 =	simm.s32 $_size_execute0_lowered;
	s3 =	sadd.s32 s3, s5;
	[dreg:$0x0] =	wrdreg $0x0  }
0xa8: {  	s5 =	sshll.u32 s28, $0x1;
	[dreg:$0x2] =	wrdreg s3  }
0xa9: {  	[dreg:$0x3] =	wrdreg s5  }
0xaa: {  	[dreg:$0x4] =	wrdreg $0xC0  }
0xab: {  	_ =	task [dreg:s7], $0x5FFFF  }
0xac: {  	[dreg:$0x1] =	wrdreg $0xFFFFFFFF  }
0xad: {  	[dreg:$0x0] =	wrdreg $0x60  }
0xae: {  	[dreg:$0x2] =	wrdreg s2  }
0xaf: {  	[dreg:$0x3] =	wrdreg s24  }
0xb0: {  	[dreg:$0x4] =	wrdreg $0x49000  }
0xb1: {  	[dreg:$0x5] =	wrdreg $0x9  }
0xb2: {  	_ =	task.clear_ibuf [dreg:s7], $0x6FFFF;
	_ =	strace $0x90000049  }
0xb3: {  	s29 =	simm.s32 $0x9;
	_ =	strace $0x8000004B  }
0xb4: {  	_ =	swait.ge [sflag:s29], $0x1  }
0xb5: {  	[sflag:s29] =	ssyncadd.s32 $0xFFFFFFFF  }
0xb6: {  	_ =	strace $0x9000004B  }
0xb7: {  	_ =	sfence  }
0xb8: {  	s30 =	sld [smem:$0x0];
	_ =	sdelay $0x2  }
0xb9: {  	s31 =	sshll.u32 s1, $0xD;
	s1 =	sshrl.u32 s1, $0x2  }
0xba: {  	s3 =	sand.u32 $0x4000, s31;
	s1 =	sadd.s32 s1, s30  }
0xbb: {  	s0 =	sor.u32 s3, s0;
	s1 =	sshll.u32 s1, $0x11  }
0xbc: {  	s0 =	sor.u32 s1, s0  }
0xbd: {  	s0 =	sadd.s32 $0x8F2B, s0  }
0xbe: {  	[sflag:s0] =	ssyncadd.remote.s32 $0x1  }
0xbf: {  	_ =	sfence.sel $0xFFFF  }
0xc0: {  	[dreg:$0x0] =	wrdreg $0xFFFFFFFF;
	(pc) =	sbr.abs _section_cstart, $3  }
0xc1: {  	[dreg:$0x1] =	wrdreg $0xFFFFFFFF  }
0xc2: {  	_ =	task.clear_ibuf [dreg:s7], $0x2FFFF;
	_ =	strace $0x9FFFFFFF  }
0xc3: {  	(tm) =	ssettm $0x7FFFFFFF  }
tec
execute0_lowered:
.L_overlay_start_1:
0x0: {  	(tag) =	ssettag $0x1  }
0x1: {  	s1 =	rddreg [dreg:$0x0]  }
0x2: {  	s9 =	rddreg [dreg:$0x1]  }
0x3: {  	s3 =	rddreg [dreg:$0x2]  }
0x4: {  	s0 =	rddreg [dreg:$0x3];
	s5 =	srdreg.scid  }
0x5: {  	s2 =	stileid.u32;
	s4 =	simm.s32 $0x0;
	s15 =	simm.s32 $0x80  }
0x6: {  	s16 =	simm.s32 $0x100;
	s17 =	simm.s32 $0x4100;
	s10 =	sand.u32 $0x1, s5  }
0x7: {  	s11 =	smul.u32 $0x14000, s2;
	[smem:$0x7FF] =	sst s4;
	s5 =	sadd.s32 $0x30400, s9  }
0x8: {  	s6 =	sadd.s32 $0x3400, s9;
	s7 =	sadd.s32 $0x44C00, s9;
	s31 =	sshll.u32 s2, $0x6  }
0x9: {  	s8 =	smul.u32 $0x140000, s10;
	s13 =	ssub.s32 $0x2, s10;
	s29 =	sshll.u32 s10, $0x4  }
0xa: {  	_ =	strace $0x8000004A;
	s14 =	sshrl.u32 s13, $0x1;
	s10 =	sor.u32 s2, s29  }
0xb: {  	s30 =	sadd.s32 s11, s3;
	s12 =	sadd.s32 s11, s8;
	s8 =	sadd.s32 $0x2B400, s9  }
0xc: {  	s13 =	ssub.s32 s13, s14;
	s10 =	smul.u32 $0x2880, s10;
	s12 =	sshrl.u32 s12, $0x3  }
0xd: {  	s14 =	simm.s32 $0x1;
	s12 =	sadd.s32 s12, s9;
	s9 =	sor.u32 $0x1C01, s31  }
0xe: {  	s11 =	sadd.s32 $0xE6C00, s12;
	s12 =	smax.u32 s13, $0x1;
	s13 =	sshrl.u32 s30, $0x3  }
.LBB2_1:
0xf: {  	[spmem:s13], [sflag:s9] =	dma.local [hbm:s8], $0x2800  }
0x10: {  	_ =	swait.ge [sflag:s14], $0x2800  }
0x11: {  	[sflag:s14] =	ssyncset.done $0x0  }
0x12: {  	[sflag:s14] =	ssyncadd.s32 $0xFFFFD800  }
0x13: {  	s18 =	simm.s32 $0x0;
	[bflag:$0x0] =	sbarrier.arrive $0xFFFF  }
.LBB2_2:
0x14: {  	s19 =	sshll.u32 s18, $0x7  }
0x15: {  	s19 =	sadd.s32 s10, s19  }
0x16: {  	s20 =	sshrl.u32 s19, $0x3  }
0x17: {  	s22 =	simm.s32 $0x0;
	s21 =	sadd.s32 s1, s20  }
0x18: {  	[tilespmem:s22], [sflag:$0x1] =	stream.linear.gather [hbm4b:s21+s22], $0x80, $0x38;
	[tilespmem:$0x18900] =	vst v63  }
0x19: {  	_ =	swait.ge [sflag:s14], $0x80  }
0x1a: {  	[sflag:s14] =	ssyncset.done $0x0  }
0x1b: {  	s20 =	sadd.s32 s5, s20;
	[sflag:s14] =	ssyncadd.s32 $0xFFFFFF80  }
0x1c: {  	[tilespmem:s15], [sflag:$0x1] =	stream.linear.gather [hbm4b:s20+s22], $0x80, $0x38;
	[tilespmem:$0x18900] =	vst v63  }
0x1d: {  	_ =	swait.ge [sflag:s14], $0x80  }
0x1e: {  	[sflag:s14] =	ssyncset.done $0x0  }
0x1f: {  	[sflag:s14] =	ssyncadd.s32 $0xFFFFFF80  }
0x20: {  	[tilespmem:s16], [sflag:$0x1] =	stream.indirect.gather [hbm4b:s6+s15], $0x80, s22, s15, $0xb8;
	[tilespmem:$0x18900] =	vst v63  }
0x21: {  	_ =	swait.ge [sflag:s14], $0x4000  }
0x22: {  	s28 =	simm.s32 $0x0;
	s19 =	sshll.u32 s19, $0x1;
	[sflag:s14] =	ssyncset.done $0x0  }
0x23: {  	v0 =	vmov s28;
	s19 =	sadd.s32 s7, s19;
	[sflag:s14] =	ssyncadd.s32 $0xFFFFC000  }
0x24: {  	[tilespmem:s17], [sflag:$0x1] =	stream.linear.gather [hbm4b:s19+s22], $0x800, $0x38;
	[tilespmem:$0x18900] =	vst v63  }
0x25: {  	_ =	swait.ge [sflag:s14], $0x800  }
0x26: {  	[sflag:s14] =	ssyncset.done $0x0  }
0x27: {  	[sflag:s14] =	ssyncadd.s32 $0xFFFFF800  }
0x28: {  	s19 =	simm.s32 $0x200;
	v1 =	vld.idx.msk [tilespmem:v0+s17+$0x0], $0xffff  }
0x29: {  	v2 =	vld [tilespmem:s19+$0xFFFFFF00];
	_ =	sdelay $0x2  }
0x2a: {  	v3 =	vor.u32 $0x1, v0;
	_ =	sdelay $0x1  }
0x2b: {  	v1 =	vmul.f32 v2, v1;
	_ =	sdelay $0x1  }
0x2c: {  	v2 =	vld [tilespmem:s19+$0xFFFFFF10];
	[tilespmem:s19+$0xFFFFFF00] =	vst v1  }
0x2d: {  	v1 =	vld.idx.msk [tilespmem:v3+s17+$0x0], $0xffff;
	_ =	sdelay $0x2  }
0x2e: {  	v3 =	vor.u32 $0x2, v0;
	_ =	sdelay $0x1  }
0x2f: {  	v1 =	vmul.f32 v2, v1;
	_ =	sdelay $0x1  }
0x30: {  	v2 =	vld [tilespmem:s19+$0xFFFFFF20];
	[tilespmem:s19+$0xFFFFFF10] =	vst v1  }
0x31: {  	v1 =	vld.idx.msk [tilespmem:v3+s17+$0x0], $0xffff;
	_ =	sdelay $0x2  }
0x32: {  	v3 =	vor.u32 $0x3, v0;
	_ =	sdelay $0x1  }
0x33: {  	v1 =	vmul.f32 v2, v1;
	_ =	sdelay $0x1  }
0x34: {  	v2 =	vld [tilespmem:s19+$0xFFFFFF30];
	[tilespmem:s19+$0xFFFFFF20] =	vst v1  }
0x35: {  	v1 =	vld.idx.msk [tilespmem:v3+s17+$0x0], $0xffff;
	_ =	sdelay $0x2  }
0x36: {  	v3 =	vor.u32 $0x4, v0;
	_ =	sdelay $0x1  }
0x37: {  	v1 =	vmul.f32 v2, v1;
	_ =	sdelay $0x1  }
0x38: {  	v2 =	vld [tilespmem:s19+$0xFFFFFF40];
	[tilespmem:s19+$0xFFFFFF30] =	vst v1  }
0x39: {  	v1 =	vld.idx.msk [tilespmem:v3+s17+$0x0], $0xffff;
	_ =	sdelay $0x2  }
0x3a: {  	v3 =	vor.u32 $0x5, v0;
	_ =	sdelay $0x1  }
0x3b: {  	v1 =	vmul.f32 v2, v1;
	_ =	sdelay $0x1  }
0x3c: {  	v2 =	vld [tilespmem:s19+$0xFFFFFF50];
	[tilespmem:s19+$0xFFFFFF40] =	vst v1  }
0x3d: {  	v1 =	vld.idx.msk [tilespmem:v3+s17+$0x0], $0xffff;
	_ =	sdelay $0x2  }
0x3e: {  	v3 =	vor.u32 $0x6, v0;
	_ =	sdelay $0x1  }
0x3f: {  	v1 =	vmul.f32 v2, v1;
	_ =	sdelay $0x1  }
0x40: {  	v2 =	vld [tilespmem:s19+$0xFFFFFF60];
	[tilespmem:s19+$0xFFFFFF50] =	vst v1  }
0x41: {  	v1 =	vld.idx.msk [tilespmem:v3+s17+$0x0], $0xffff;
	_ =	sdelay $0x2  }
0x42: {  	v0 =	vor.u32 $0x7, v0;
	_ =	sdelay $0x1  }
0x43: {  	v1 =	vmul.f32 v2, v1;
	_ =	sdelay $0x1  }
0x44: {  	[tilespmem:s19+$0xFFFFFF60] =	vst v1;
	v1 =	vld [tilespmem:s19+$0xFFFFFF70]  }
0x45: {  	v0 =	vld.idx.msk [tilespmem:v0+s17+$0x0], $0xffff;
	_ =	sdelay $0x1  }
0x46: {  	s29 =	simm.s32 $0x10  }
0x47: {  	v2 =	vmov s29;
	_ =	sdelay $0x1  }
0x48: {  	v0 =	vmul.f32 v1, v0;
	_ =	sdelay $0x1  }
0x49: {  	v1 =	vld [tilespmem:s19+$0xFFFFFF80];
	[tilespmem:s19+$0xFFFFFF70] =	vst v0  }
0x4a: {  	v0 =	vld.idx.msk [tilespmem:v2+s17+$0x0], $0xffff;
	_ =	sdelay $0x2  }
0x4b: {  	v3 =	vor.u32 $0x1, v2;
	_ =	sdelay $0x1  }
0x4c: {  	v0 =	vmul.f32 v1, v0;
	_ =	sdelay $0x1  }
0x4d: {  	v1 =	vld [tilespmem:s19+$0xFFFFFF90];
	[tilespmem:s19+$0xFFFFFF80] =	vst v0  }
0x4e: {  	v0 =	vld.idx.msk [tilespmem:v3+s17+$0x0], $0xffff;
	_ =	sdelay $0x2  }
0x4f: {  	v3 =	vor.u32 $0x2, v2;
	_ =	sdelay $0x1  }
0x50: {  	v0 =	vmul.f32 v1, v0;
	_ =	sdelay $0x1  }
0x51: {  	v1 =	vld [tilespmem:s19+$0xFFFFFFA0];
	[tilespmem:s19+$0xFFFFFF90] =	vst v0  }
0x52: {  	v0 =	vld.idx.msk [tilespmem:v3+s17+$0x0], $0xffff;
	_ =	sdelay $0x2  }
0x53: {  	v3 =	vor.u32 $0x3, v2;
	_ =	sdelay $0x1  }
0x54: {  	v0 =	vmul.f32 v1, v0;
	_ =	sdelay $0x1  }
0x55: {  	v1 =	vld [tilespmem:s19+$0xFFFFFFB0];
	[tilespmem:s19+$0xFFFFFFA0] =	vst v0  }
0x56: {  	v0 =	vld.idx.msk [tilespmem:v3+s17+$0x0], $0xffff;
	_ =	sdelay $0x2  }
0x57: {  	v3 =	vor.u32 $0x4, v2;
	_ =	sdelay $0x1  }
0x58: {  	v0 =	vmul.f32 v1, v0;
	_ =	sdelay $0x1  }
0x59: {  	v1 =	vld [tilespmem:s19+$0xFFFFFFC0];
	[tilespmem:s19+$0xFFFFFFB0] =	vst v0  }
0x5a: {  	v0 =	vld.idx.msk [tilespmem:v3+s17+$0x0], $0xffff;
	_ =	sdelay $0x2  }
0x5b: {  	v3 =	vor.u32 $0x5, v2;
	_ =	sdelay $0x1  }
0x5c: {  	v0 =	vmul.f32 v1, v0;
	_ =	sdelay $0x1  }
0x5d: {  	v1 =	vld [tilespmem:s19+$0xFFFFFFD0];
	[tilespmem:s19+$0xFFFFFFC0] =	vst v0  }
0x5e: {  	v0 =	vld.idx.msk [tilespmem:v3+s17+$0x0], $0xffff;
	_ =	sdelay $0x2  }
0x5f: {  	v3 =	vor.u32 $0x6, v2;
	_ =	sdelay $0x1  }
0x60: {  	v0 =	vmul.f32 v1, v0;
	_ =	sdelay $0x1  }
0x61: {  	v1 =	vld [tilespmem:s19+$0xFFFFFFE0];
	[tilespmem:s19+$0xFFFFFFD0] =	vst v0  }
0x62: {  	v0 =	vld.idx.msk [tilespmem:v3+s17+$0x0], $0xffff;
	_ =	sdelay $0x2  }
0x63: {  	v2 =	vor.u32 $0x7, v2;
	_ =	sdelay $0x1  }
0x64: {  	v0 =	vmul.f32 v1, v0;
	_ =	sdelay $0x1  }
0x65: {  	v1 =	vld [tilespmem:s19+$0xFFFFFFF0];
	[tilespmem:s19+$0xFFFFFFE0] =	vst v0  }
0x66: {  	v0 =	vld.idx.msk [tilespmem:v2+s17+$0x0], $0xffff;
	_ =	sdelay $0x1  }
0x67: {  	s30 =	simm.s32 $0x20  }
0x68: {  	v2 =	vmov s30;
	_ =	sdelay $0x1  }
0x69: {  	v0 =	vmul.f32 v1, v0;
	_ =	sdelay $0x1  }
0x6a: {  	v1 =	vld [tilespmem:s19+$0x0];
	[tilespmem:s19+$0xFFFFFFF0] =	vst v0  }
0x6b: {  	v0 =	vld.idx.msk [tilespmem:v2+s17+$0x0], $0xffff;
	_ =	sdelay $0x2  }
0x6c: {  	v3 =	vor.u32 $0x1, v2;
	_ =	sdelay $0x1  }
0x6d: {  	v0 =	vmul.f32 v1, v0;
	_ =	sdelay $0x1  }
0x6e: {  	v1 =	vld [tilespmem:s19+$0x10];
	[tilespmem:s19+$0x0] =	vst v0  }
0x6f: {  	v0 =	vld.idx.msk [tilespmem:v3+s17+$0x0], $0xffff;
	_ =	sdelay $0x2  }
0x70: {  	v3 =	vor.u32 $0x2, v2;
	_ =	sdelay $0x1  }
0x71: {  	v0 =	vmul.f32 v1, v0;
	_ =	sdelay $0x1  }
0x72: {  	v1 =	vld [tilespmem:s19+$0x20];
	[tilespmem:s19+$0x10] =	vst v0  }
0x73: {  	v0 =	vld.idx.msk [tilespmem:v3+s17+$0x0], $0xffff;
	_ =	sdelay $0x2  }
0x74: {  	v3 =	vor.u32 $0x3, v2;
	_ =	sdelay $0x1  }
0x75: {  	v0 =	vmul.f32 v1, v0;
	_ =	sdelay $0x1  }
0x76: {  	v1 =	vld [tilespmem:s19+$0x30];
	[tilespmem:s19+$0x20] =	vst v0  }
0x77: {  	v0 =	vld.idx.msk [tilespmem:v3+s17+$0x0], $0xffff;
	_ =	sdelay $0x2  }
0x78: {  	v3 =	vor.u32 $0x4, v2;
	_ =	sdelay $0x1  }
0x79: {  	v0 =	vmul.f32 v1, v0;
	_ =	sdelay $0x1  }
0x7a: {  	v1 =	vld [tilespmem:s19+$0x40];
	[tilespmem:s19+$0x30] =	vst v0  }
0x7b: {  	v0 =	vld.idx.msk [tilespmem:v3+s17+$0x0], $0xffff;
	_ =	sdelay $0x2  }
0x7c: {  	v3 =	vor.u32 $0x5, v2;
	_ =	sdelay $0x1  }
0x7d: {  	v0 =	vmul.f32 v1, v0;
	_ =	sdelay $0x1  }
0x7e: {  	v1 =	vld [tilespmem:s19+$0x50];
	[tilespmem:s19+$0x40] =	vst v0  }
0x7f: {  	v0 =	vld.idx.msk [tilespmem:v3+s17+$0x0], $0xffff;
	_ =	sdelay $0x2  }
0x80: {  	v3 =	vor.u32 $0x6, v2;
	_ =	sdelay $0x1  }
0x81: {  	v0 =	vmul.f32 v1, v0;
	_ =	sdelay $0x1  }
0x82: {  	v1 =	vld [tilespmem:s19+$0x60];
	[tilespmem:s19+$0x50] =	vst v0  }
0x83: {  	v0 =	vld.idx.msk [tilespmem:v3+s17+$0x0], $0xffff;
	_ =	sdelay $0x2  }
0x84: {  	v2 =	vor.u32 $0x7, v2;
	_ =	sdelay $0x1  }
0x85: {  	v0 =	vmul.f32 v1, v0;
	_ =	sdelay $0x1  }
0x86: {  	v1 =	vld [tilespmem:s19+$0x70];
	[tilespmem:s19+$0x60] =	vst v0  }
0x87: {  	v0 =	vld.idx.msk [tilespmem:v2+s17+$0x0], $0xffff;
	_ =	sdelay $0x1  }
0x88: {  	s31 =	simm.s32 $0x30  }
0x89: {  	v2 =	vmov s31;
	_ =	sdelay $0x1  }
0x8a: {  	v0 =	vmul.f32 v1, v0;
	_ =	sdelay $0x1  }
0x8b: {  	v1 =	vld [tilespmem:s19+$0x80];
	[tilespmem:s19+$0x70] =	vst v0  }
0x8c: {  	v0 =	vld.idx.msk [tilespmem:v2+s17+$0x0], $0xffff;
	_ =	sdelay $0x2  }
0x8d: {  	v3 =	vor.u32 $0x1, v2;
	_ =	sdelay $0x1  }
0x8e: {  	v0 =	vmul.f32 v1, v0;
	_ =	sdelay $0x1  }
0x8f: {  	v1 =	vld [tilespmem:s19+$0x90];
	[tilespmem:s19+$0x80] =	vst v0  }
0x90: {  	v0 =	vld.idx.msk [tilespmem:v3+s17+$0x0], $0xffff;
	_ =	sdelay $0x2  }
0x91: {  	v3 =	vor.u32 $0x2, v2;
	_ =	sdelay $0x1  }
0x92: {  	v0 =	vmul.f32 v1, v0;
	_ =	sdelay $0x1  }
0x93: {  	v1 =	vld [tilespmem:s19+$0xA0];
	[tilespmem:s19+$0x90] =	vst v0  }
0x94: {  	v0 =	vld.idx.msk [tilespmem:v3+s17+$0x0], $0xffff;
	_ =	sdelay $0x2  }
0x95: {  	v3 =	vor.u32 $0x3, v2;
	_ =	sdelay $0x1  }
0x96: {  	v0 =	vmul.f32 v1, v0;
	_ =	sdelay $0x1  }
0x97: {  	v1 =	vld [tilespmem:s19+$0xB0];
	[tilespmem:s19+$0xA0] =	vst v0  }
0x98: {  	v0 =	vld.idx.msk [tilespmem:v3+s17+$0x0], $0xffff;
	_ =	sdelay $0x2  }
0x99: {  	v3 =	vor.u32 $0x4, v2;
	_ =	sdelay $0x1  }
0x9a: {  	v0 =	vmul.f32 v1, v0;
	_ =	sdelay $0x1  }
0x9b: {  	v1 =	vld [tilespmem:s19+$0xC0];
	[tilespmem:s19+$0xB0] =	vst v0  }
0x9c: {  	v0 =	vld.idx.msk [tilespmem:v3+s17+$0x0], $0xffff;
	_ =	sdelay $0x2  }
0x9d: {  	v3 =	vor.u32 $0x5, v2;
	_ =	sdelay $0x1  }
0x9e: {  	v0 =	vmul.f32 v1, v0;
	_ =	sdelay $0x1  }
0x9f: {  	v1 =	vld [tilespmem:s19+$0xD0];
	[tilespmem:s19+$0xC0] =	vst v0  }
0xa0: {  	v0 =	vld.idx.msk [tilespmem:v3+s17+$0x0], $0xffff;
	_ =	sdelay $0x2  }
0xa1: {  	v3 =	vor.u32 $0x6, v2;
	_ =	sdelay $0x1  }
0xa2: {  	v0 =	vmul.f32 v1, v0;
	_ =	sdelay $0x1  }
0xa3: {  	v1 =	vld [tilespmem:s19+$0xE0];
	[tilespmem:s19+$0xD0] =	vst v0  }
0xa4: {  	v0 =	vld.idx.msk [tilespmem:v3+s17+$0x0], $0xffff;
	_ =	sdelay $0x2  }
0xa5: {  	v2 =	vor.u32 $0x7, v2;
	_ =	sdelay $0x1  }
0xa6: {  	v0 =	vmul.f32 v1, v0;
	_ =	sdelay $0x1  }
0xa7: {  	v1 =	vld [tilespmem:s19+$0xF0];
	[tilespmem:s19+$0xE0] =	vst v0  }
0xa8: {  	v0 =	vld.idx.msk [tilespmem:v2+s17+$0x0], $0xffff;
	_ =	sdelay $0x1  }
0xa9: {  	s21 =	simm.s32 $0x8;
	s20 =	simm.s32 $0x40  }
.LBB2_3:
0xaa: {  	p0 =	slt.u32 s21, $0x7C;
	v2 =	vmov s20;
	_ =	sdelay $0x1  }
0xab: {  	v0 =	vmul.f32 v1, v0;
	_ =	sdelay $0x1  }
0xac: {  	[tilespmem:s19+$0xF0] =	vst v0  }
0xad: {  	s19 =	sadd.s32 $0x200, s19;
	v0 =	vld.idx.msk [tilespmem:v2+s17+$0x0], $0xffff  }
0xae: {  	v1 =	vld [tilespmem:s19+$0xFFFFFF00];
	_ =	sdelay $0x2  }
0xaf: {  	v3 =	vor.u32 $0x1, v2;
	_ =	sdelay $0x1  }
0xb0: {  	v0 =	vmul.f32 v1, v0;
	_ =	sdelay $0x1  }
0xb1: {  	[tilespmem:s19+$0xFFFFFF00] =	vst v0  }
0xb2: {  	v0 =	vld.idx.msk [tilespmem:v3+s17+$0x0], $0xffff  }
0xb3: {  	v1 =	vld [tilespmem:s19+$0xFFFFFF10];
	_ =	sdelay $0x2  }
0xb4: {  	v3 =	vor.u32 $0x2, v2;
	_ =	sdelay $0x1  }
0xb5: {  	v0 =	vmul.f32 v1, v0;
	_ =	sdelay $0x1  }
0xb6: {  	[tilespmem:s19+$0xFFFFFF10] =	vst v0  }
0xb7: {  	v0 =	vld.idx.msk [tilespmem:v3+s17+$0x0], $0xffff  }
0xb8: {  	v1 =	vld [tilespmem:s19+$0xFFFFFF20];
	_ =	sdelay $0x2  }
0xb9: {  	v3 =	vor.u32 $0x3, v2;
	_ =	sdelay $0x1  }
0xba: {  	v0 =	vmul.f32 v1, v0;
	_ =	sdelay $0x1  }
0xbb: {  	[tilespmem:s19+$0xFFFFFF20] =	vst v0  }
0xbc: {  	v0 =	vld.idx.msk [tilespmem:v3+s17+$0x0], $0xffff  }
0xbd: {  	v1 =	vld [tilespmem:s19+$0xFFFFFF30];
	_ =	sdelay $0x2  }
0xbe: {  	v3 =	vor.u32 $0x4, v2;
	_ =	sdelay $0x1  }
0xbf: {  	v0 =	vmul.f32 v1, v0;
	_ =	sdelay $0x1  }
0xc0: {  	[tilespmem:s19+$0xFFFFFF30] =	vst v0  }
0xc1: {  	v0 =	vld.idx.msk [tilespmem:v3+s17+$0x0], $0xffff  }
0xc2: {  	v1 =	vld [tilespmem:s19+$0xFFFFFF40];
	_ =	sdelay $0x2  }
0xc3: {  	v3 =	vor.u32 $0x5, v2;
	_ =	sdelay $0x1  }
0xc4: {  	v0 =	vmul.f32 v1, v0;
	_ =	sdelay $0x1  }
0xc5: {  	[tilespmem:s19+$0xFFFFFF40] =	vst v0  }
0xc6: {  	v0 =	vld.idx.msk [tilespmem:v3+s17+$0x0], $0xffff  }
0xc7: {  	v1 =	vld [tilespmem:s19+$0xFFFFFF50];
	_ =	sdelay $0x2  }
0xc8: {  	v3 =	vor.u32 $0x6, v2;
	_ =	sdelay $0x1  }
0xc9: {  	v0 =	vmul.f32 v1, v0;
	_ =	sdelay $0x1  }
0xca: {  	[tilespmem:s19+$0xFFFFFF50] =	vst v0  }
0xcb: {  	v0 =	vld.idx.msk [tilespmem:v3+s17+$0x0], $0xffff  }
0xcc: {  	v1 =	vld [tilespmem:s19+$0xFFFFFF60];
	_ =	sdelay $0x2  }
0xcd: {  	v2 =	vor.u32 $0x7, v2;
	_ =	sdelay $0x1  }
0xce: {  	v0 =	vmul.f32 v1, v0;
	_ =	sdelay $0x1  }
0xcf: {  	[tilespmem:s19+$0xFFFFFF60] =	vst v0  }
0xd0: {  	v0 =	vld.idx.msk [tilespmem:v2+s17+$0x0], $0xffff  }
0xd1: {  	v1 =	vld [tilespmem:s19+$0xFFFFFF70];
	_ =	sdelay $0x1  }
0xd2: {  	s22 =	sadd.s32 $0x10, s20  }
0xd3: {  	v2 =	vmov s22;
	_ =	sdelay $0x1  }
0xd4: {  	v0 =	vmul.f32 v1, v0;
	_ =	sdelay $0x1  }
0xd5: {  	[tilespmem:s19+$0xFFFFFF70] =	vst v0  }
0xd6: {  	v0 =	vld.idx.msk [tilespmem:v2+s17+$0x0], $0xffff  }
0xd7: {  	v1 =	vld [tilespmem:s19+$0xFFFFFF80];
	_ =	sdelay $0x2  }
0xd8: {  	v3 =	vor.u32 $0x1, v2;
	_ =	sdelay $0x1  }
0xd9: {  	v0 =	vmul.f32 v1, v0;
	_ =	sdelay $0x1  }
0xda: {  	[tilespmem:s19+$0xFFFFFF80] =	vst v0  }
0xdb: {  	v0 =	vld.idx.msk [tilespmem:v3+s17+$0x0], $0xffff  }
0xdc: {  	v1 =	vld [tilespmem:s19+$0xFFFFFF90];
	_ =	sdelay $0x2  }
0xdd: {  	v3 =	vor.u32 $0x2, v2;
	_ =	sdelay $0x1  }
0xde: {  	v0 =	vmul.f32 v1, v0;
	_ =	sdelay $0x1  }
0xdf: {  	[tilespmem:s19+$0xFFFFFF90] =	vst v0  }
0xe0: {  	v0 =	vld.idx.msk [tilespmem:v3+s17+$0x0], $0xffff  }
0xe1: {  	v1 =	vld [tilespmem:s19+$0xFFFFFFA0];
	_ =	sdelay $0x2  }
0xe2: {  	v3 =	vor.u32 $0x3, v2;
	_ =	sdelay $0x1  }
0xe3: {  	v0 =	vmul.f32 v1, v0;
	_ =	sdelay $0x1  }
0xe4: {  	[tilespmem:s19+$0xFFFFFFA0] =	vst v0  }
0xe5: {  	v0 =	vld.idx.msk [tilespmem:v3+s17+$0x0], $0xffff  }
0xe6: {  	v1 =	vld [tilespmem:s19+$0xFFFFFFB0];
	_ =	sdelay $0x2  }
0xe7: {  	v3 =	vor.u32 $0x4, v2;
	_ =	sdelay $0x1  }
0xe8: {  	v0 =	vmul.f32 v1, v0;
	_ =	sdelay $0x1  }
0xe9: {  	[tilespmem:s19+$0xFFFFFFB0] =	vst v0  }
0xea: {  	v0 =	vld.idx.msk [tilespmem:v3+s17+$0x0], $0xffff  }
0xeb: {  	v1 =	vld [tilespmem:s19+$0xFFFFFFC0];
	_ =	sdelay $0x2  }
0xec: {  	v3 =	vor.u32 $0x5, v2;
	_ =	sdelay $0x1  }
0xed: {  	v0 =	vmul.f32 v1, v0;
	_ =	sdelay $0x1  }
0xee: {  	[tilespmem:s19+$0xFFFFFFC0] =	vst v0  }
0xef: {  	v0 =	vld.idx.msk [tilespmem:v3+s17+$0x0], $0xffff  }
0xf0: {  	v1 =	vld [tilespmem:s19+$0xFFFFFFD0];
	_ =	sdelay $0x2  }
0xf1: {  	v3 =	vor.u32 $0x6, v2;
	_ =	sdelay $0x1  }
0xf2: {  	v0 =	vmul.f32 v1, v0;
	_ =	sdelay $0x1  }
0xf3: {  	[tilespmem:s19+$0xFFFFFFD0] =	vst v0  }
0xf4: {  	v0 =	vld.idx.msk [tilespmem:v3+s17+$0x0], $0xffff  }
0xf5: {  	v1 =	vld [tilespmem:s19+$0xFFFFFFE0];
	_ =	sdelay $0x2  }
0xf6: {  	v2 =	vor.u32 $0x7, v2;
	_ =	sdelay $0x1  }
0xf7: {  	v0 =	vmul.f32 v1, v0;
	_ =	sdelay $0x1  }
0xf8: {  	[tilespmem:s19+$0xFFFFFFE0] =	vst v0  }
0xf9: {  	v0 =	vld.idx.msk [tilespmem:v2+s17+$0x0], $0xffff  }
0xfa: {  	v1 =	vld [tilespmem:s19+$0xFFFFFFF0];
	_ =	sdelay $0x1  }
0xfb: {  	s22 =	sadd.s32 $0x20, s20  }
0xfc: {  	v2 =	vmov s22;
	_ =	sdelay $0x1  }
0xfd: {  	v0 =	vmul.f32 v1, v0;
	_ =	sdelay $0x1  }
0xfe: {  	[tilespmem:s19+$0xFFFFFFF0] =	vst v0  }
0xff: {  	v0 =	vld.idx.msk [tilespmem:v2+s17+$0x0], $0xffff  }
0x100: {  	v1 =	vld [tilespmem:s19+$0x0];
	_ =	sdelay $0x2  }
0x101: {  	v3 =	vor.u32 $0x1, v2;
	_ =	sdelay $0x1  }
0x102: {  	v0 =	vmul.f32 v1, v0;
	_ =	sdelay $0x1  }
0x103: {  	[tilespmem:s19+$0x0] =	vst v0  }
0x104: {  	v0 =	vld.idx.msk [tilespmem:v3+s17+$0x0], $0xffff  }
0x105: {  	v1 =	vld [tilespmem:s19+$0x10];
	_ =	sdelay $0x2  }
0x106: {  	v3 =	vor.u32 $0x2, v2;
	_ =	sdelay $0x1  }
0x107: {  	v0 =	vmul.f32 v1, v0;
	_ =	sdelay $0x1  }
0x108: {  	[tilespmem:s19+$0x10] =	vst v0  }
0x109: {  	v0 =	vld.idx.msk [tilespmem:v3+s17+$0x0], $0xffff  }
0x10a: {  	v1 =	vld [tilespmem:s19+$0x20];
	_ =	sdelay $0x2  }
0x10b: {  	v3 =	vor.u32 $0x3, v2;
	_ =	sdelay $0x1  }
0x10c: {  	v0 =	vmul.f32 v1, v0;
	_ =	sdelay $0x1  }
0x10d: {  	[tilespmem:s19+$0x20] =	vst v0  }
0x10e: {  	v0 =	vld.idx.msk [tilespmem:v3+s17+$0x0], $0xffff  }
0x10f: {  	v1 =	vld [tilespmem:s19+$0x30];
	_ =	sdelay $0x2  }
0x110: {  	v3 =	vor.u32 $0x4, v2;
	_ =	sdelay $0x1  }
0x111: {  	v0 =	vmul.f32 v1, v0;
	_ =	sdelay $0x1  }
0x112: {  	[tilespmem:s19+$0x30] =	vst v0  }
0x113: {  	v0 =	vld.idx.msk [tilespmem:v3+s17+$0x0], $0xffff  }
0x114: {  	v1 =	vld [tilespmem:s19+$0x40];
	_ =	sdelay $0x2  }
0x115: {  	v3 =	vor.u32 $0x5, v2;
	_ =	sdelay $0x1  }
0x116: {  	v0 =	vmul.f32 v1, v0;
	_ =	sdelay $0x1  }
0x117: {  	[tilespmem:s19+$0x40] =	vst v0  }
0x118: {  	v0 =	vld.idx.msk [tilespmem:v3+s17+$0x0], $0xffff  }
0x119: {  	v1 =	vld [tilespmem:s19+$0x50];
	_ =	sdelay $0x2  }
0x11a: {  	v3 =	vor.u32 $0x6, v2;
	_ =	sdelay $0x1  }
0x11b: {  	v0 =	vmul.f32 v1, v0;
	_ =	sdelay $0x1  }
0x11c: {  	[tilespmem:s19+$0x50] =	vst v0  }
0x11d: {  	v0 =	vld.idx.msk [tilespmem:v3+s17+$0x0], $0xffff  }
0x11e: {  	v1 =	vld [tilespmem:s19+$0x60];
	_ =	sdelay $0x2  }
0x11f: {  	v2 =	vor.u32 $0x7, v2;
	_ =	sdelay $0x1  }
0x120: {  	v0 =	vmul.f32 v1, v0;
	_ =	sdelay $0x1  }
0x121: {  	[tilespmem:s19+$0x60] =	vst v0  }
0x122: {  	v0 =	vld.idx.msk [tilespmem:v2+s17+$0x0], $0xffff  }
0x123: {  	v1 =	vld [tilespmem:s19+$0x70];
	_ =	sdelay $0x1  }
0x124: {  	s20 =	sadd.s32 $0x30, s20  }
0x125: {  	v2 =	vmov s20;
	_ =	sdelay $0x1  }
0x126: {  	v0 =	vmul.f32 v1, v0;
	_ =	sdelay $0x1  }
0x127: {  	[tilespmem:s19+$0x70] =	vst v0  }
0x128: {  	v0 =	vld.idx.msk [tilespmem:v2+s17+$0x0], $0xffff  }
0x129: {  	v1 =	vld [tilespmem:s19+$0x80];
	_ =	sdelay $0x2  }
0x12a: {  	v3 =	vor.u32 $0x1, v2;
	_ =	sdelay $0x1  }
0x12b: {  	v0 =	vmul.f32 v1, v0;
	_ =	sdelay $0x1  }
0x12c: {  	[tilespmem:s19+$0x80] =	vst v0  }
0x12d: {  	v0 =	vld.idx.msk [tilespmem:v3+s17+$0x0], $0xffff  }
0x12e: {  	v1 =	vld [tilespmem:s19+$0x90];
	_ =	sdelay $0x2  }
0x12f: {  	v3 =	vor.u32 $0x2, v2;
	_ =	sdelay $0x1  }
0x130: {  	v0 =	vmul.f32 v1, v0;
	_ =	sdelay $0x1  }
0x131: {  	[tilespmem:s19+$0x90] =	vst v0  }
0x132: {  	v0 =	vld.idx.msk [tilespmem:v3+s17+$0x0], $0xffff  }
0x133: {  	v1 =	vld [tilespmem:s19+$0xA0];
	_ =	sdelay $0x2  }
0x134: {  	v3 =	vor.u32 $0x3, v2;
	_ =	sdelay $0x1  }
0x135: {  	v0 =	vmul.f32 v1, v0;
	_ =	sdelay $0x1  }
0x136: {  	[tilespmem:s19+$0xA0] =	vst v0  }
0x137: {  	v0 =	vld.idx.msk [tilespmem:v3+s17+$0x0], $0xffff  }
0x138: {  	v1 =	vld [tilespmem:s19+$0xB0];
	_ =	sdelay $0x2  }
0x139: {  	v3 =	vor.u32 $0x4, v2;
	_ =	sdelay $0x1  }
0x13a: {  	v0 =	vmul.f32 v1, v0;
	_ =	sdelay $0x1  }
0x13b: {  	[tilespmem:s19+$0xB0] =	vst v0  }
0x13c: {  	v0 =	vld.idx.msk [tilespmem:v3+s17+$0x0], $0xffff  }
0x13d: {  	v1 =	vld [tilespmem:s19+$0xC0];
	_ =	sdelay $0x2  }
0x13e: {  	v3 =	vor.u32 $0x5, v2;
	_ =	sdelay $0x1  }
0x13f: {  	v0 =	vmul.f32 v1, v0;
	_ =	sdelay $0x1  }
0x140: {  	[tilespmem:s19+$0xC0] =	vst v0  }
0x141: {  	v0 =	vld.idx.msk [tilespmem:v3+s17+$0x0], $0xffff  }
0x142: {  	v1 =	vld [tilespmem:s19+$0xD0];
	_ =	sdelay $0x2  }
0x143: {  	v3 =	vor.u32 $0x6, v2;
	_ =	sdelay $0x1  }
0x144: {  	v0 =	vmul.f32 v1, v0;
	_ =	sdelay $0x1  }
0x145: {  	[tilespmem:s19+$0xD0] =	vst v0  }
0x146: {  	v0 =	vld.idx.msk [tilespmem:v3+s17+$0x0], $0xffff  }
0x147: {  	v1 =	vld [tilespmem:s19+$0xE0];
	_ =	sdelay $0x2  }
0x148: {  	v2 =	vor.u32 $0x7, v2;
	_ =	sdelay $0x1  }
0x149: {  	v0 =	vmul.f32 v1, v0;
	_ =	sdelay $0x1  }
.Ltmp0:
0x14a: {  	[tilespmem:s19+$0xE0] =	vst v0;
	(pc) =	sbr.rel @p0 .LBB2_3-.Ltmp0, $3  }
0x14b: {  	v0 =	vld.idx.msk [tilespmem:v2+s17+$0x0], $0xffff  }
0x14c: {  	v1 =	vld [tilespmem:s19+$0xF0];
	_ =	sdelay $0x1  }
0x14d: {  	s20 =	sshll.u32 s21, $0x4;
	s21 =	sadd.s32 $0x4, s21  }
0x14e: {  	v2 =	vmov s20;
	_ =	sdelay $0x1  }
0x14f: {  	v0 =	vmul.f32 v1, v0  }
0x150: {  	s29 =	sadd.s32 $0x200, s19  }
0x151: {  	v6 =	vld [tilespmem:s29+$0xFFFFFF00];
	[tilespmem:s19+$0xF0] =	vst v0  }
0x152: {  	v0 =	vld.idx.msk [tilespmem:v2+s17+$0x0], $0xffff;
	_ =	sdelay $0x2  }
0x153: {  	v3 =	vor.u32 $0x1, v2;
	_ =	sdelay $0x1  }
0x154: {  	v0 =	vmul.f32 v6, v0;
	_ =	sdelay $0x1  }
0x155: {  	v7 =	vld [tilespmem:s29+$0xFFFFFF10];
	[tilespmem:s29+$0xFFFFFF00] =	vst v0  }
0x156: {  	v0 =	vld.idx.msk [tilespmem:v3+s17+$0x0], $0xffff;
	_ =	sdelay $0x2  }
0x157: {  	v8 =	vor.u32 $0x2, v2;
	_ =	sdelay $0x1  }
0x158: {  	v0 =	vmul.f32 v7, v0;
	_ =	sdelay $0x1  }
0x159: {  	v9 =	vld [tilespmem:s29+$0xFFFFFF20];
	[tilespmem:s29+$0xFFFFFF10] =	vst v0  }
0x15a: {  	v0 =	vld.idx.msk [tilespmem:v8+s17+$0x0], $0xffff;
	_ =	sdelay $0x2  }
0x15b: {  	v10 =	vor.u32 $0x3, v2;
	_ =	sdelay $0x1  }
0x15c: {  	v0 =	vmul.f32 v9, v0;
	_ =	sdelay $0x1  }
0x15d: {  	v11 =	vld [tilespmem:s29+$0xFFFFFF30];
	[tilespmem:s29+$0xFFFFFF20] =	vst v0  }
0x15e: {  	v0 =	vld.idx.msk [tilespmem:v10+s17+$0x0], $0xffff;
	_ =	sdelay $0x2  }
0x15f: {  	v12 =	vor.u32 $0x4, v2;
	_ =	sdelay $0x1  }
0x160: {  	v0 =	vmul.f32 v11, v0;
	_ =	sdelay $0x1  }
0x161: {  	v13 =	vld [tilespmem:s29+$0xFFFFFF40];
	[tilespmem:s29+$0xFFFFFF30] =	vst v0  }
0x162: {  	v0 =	vld.idx.msk [tilespmem:v12+s17+$0x0], $0xffff;
	_ =	sdelay $0x2  }
0x163: {  	v14 =	vor.u32 $0x5, v2;
	_ =	sdelay $0x1  }
0x164: {  	v0 =	vmul.f32 v13, v0;
	_ =	sdelay $0x1  }
0x165: {  	v15 =	vld [tilespmem:s29+$0xFFFFFF50];
	[tilespmem:s29+$0xFFFFFF40] =	vst v0  }
0x166: {  	v0 =	vld.idx.msk [tilespmem:v14+s17+$0x0], $0xffff;
	_ =	sdelay $0x2  }
0x167: {  	v16 =	vor.u32 $0x6, v2;
	_ =	sdelay $0x1  }
0x168: {  	v0 =	vmul.f32 v15, v0;
	_ =	sdelay $0x1  }
0x169: {  	v17 =	vld [tilespmem:s29+$0xFFFFFF60];
	[tilespmem:s29+$0xFFFFFF50] =	vst v0  }
0x16a: {  	v0 =	vld.idx.msk [tilespmem:v16+s17+$0x0], $0xffff;
	_ =	sdelay $0x2  }
0x16b: {  	v2 =	vor.u32 $0x7, v2;
	_ =	sdelay $0x1  }
0x16c: {  	v0 =	vmul.f32 v17, v0;
	_ =	sdelay $0x1  }
0x16d: {  	v18 =	vld [tilespmem:s29+$0xFFFFFF70];
	[tilespmem:s29+$0xFFFFFF60] =	vst v0  }
0x16e: {  	v0 =	vld.idx.msk [tilespmem:v2+s17+$0x0], $0xffff;
	_ =	sdelay $0x1  }
0x16f: {  	s21 =	sadd.s32 $0x10, s20  }
0x170: {  	v19 =	vmov s21;
	_ =	sdelay $0x1  }
0x171: {  	v0 =	vmul.f32 v18, v0;
	_ =	sdelay $0x1  }
0x172: {  	v20 =	vld [tilespmem:s29+$0xFFFFFF80];
	[tilespmem:s29+$0xFFFFFF70] =	vst v0  }
0x173: {  	v0 =	vld.idx.msk [tilespmem:v19+s17+$0x0], $0xffff;
	_ =	sdelay $0x2  }
0x174: {  	v21 =	vor.u32 $0x1, v19;
	_ =	sdelay $0x1  }
0x175: {  	v0 =	vmul.f32 v20, v0;
	_ =	sdelay $0x1  }
0x176: {  	v22 =	vld [tilespmem:s29+$0xFFFFFF90];
	[tilespmem:s29+$0xFFFFFF80] =	vst v0  }
0x177: {  	v0 =	vld.idx.msk [tilespmem:v21+s17+$0x0], $0xffff;
	_ =	sdelay $0x2  }
0x178: {  	v23 =	vor.u32 $0x2, v19;
	_ =	sdelay $0x1  }
0x179: {  	v0 =	vmul.f32 v22, v0;
	_ =	sdelay $0x1  }
0x17a: {  	v24 =	vld [tilespmem:s29+$0xFFFFFFA0];
	[tilespmem:s29+$0xFFFFFF90] =	vst v0  }
0x17b: {  	v0 =	vld.idx.msk [tilespmem:v23+s17+$0x0], $0xffff;
	_ =	sdelay $0x2  }
0x17c: {  	v25 =	vor.u32 $0x3, v19;
	_ =	sdelay $0x1  }
0x17d: {  	v0 =	vmul.f32 v24, v0;
	_ =	sdelay $0x1  }
0x17e: {  	v26 =	vld [tilespmem:s29+$0xFFFFFFB0];
	[tilespmem:s29+$0xFFFFFFA0] =	vst v0  }
0x17f: {  	v0 =	vld.idx.msk [tilespmem:v25+s17+$0x0], $0xffff;
	_ =	sdelay $0x2  }
0x180: {  	v27 =	vor.u32 $0x4, v19;
	_ =	sdelay $0x1  }
0x181: {  	v0 =	vmul.f32 v26, v0;
	_ =	sdelay $0x1  }
0x182: {  	v28 =	vld [tilespmem:s29+$0xFFFFFFC0];
	[tilespmem:s29+$0xFFFFFFB0] =	vst v0  }
0x183: {  	v0 =	vld.idx.msk [tilespmem:v27+s17+$0x0], $0xffff;
	_ =	sdelay $0x2  }
0x184: {  	v29 =	vor.u32 $0x5, v19;
	_ =	sdelay $0x1  }
0x185: {  	v0 =	vmul.f32 v28, v0;
	_ =	sdelay $0x1  }
0x186: {  	v30 =	vld [tilespmem:s29+$0xFFFFFFD0];
	[tilespmem:s29+$0xFFFFFFC0] =	vst v0  }
0x187: {  	v0 =	vld.idx.msk [tilespmem:v29+s17+$0x0], $0xffff;
	_ =	sdelay $0x2  }
0x188: {  	v31 =	vor.u32 $0x6, v19;
	_ =	sdelay $0x1  }
0x189: {  	v0 =	vmul.f32 v30, v0;
	_ =	sdelay $0x1  }
0x18a: {  	v32 =	vld [tilespmem:s29+$0xFFFFFFE0];
	[tilespmem:s29+$0xFFFFFFD0] =	vst v0  }
0x18b: {  	v0 =	vld.idx.msk [tilespmem:v31+s17+$0x0], $0xffff;
	_ =	sdelay $0x2  }
0x18c: {  	v2 =	vor.u32 $0x7, v19;
	_ =	sdelay $0x1  }
0x18d: {  	v0 =	vmul.f32 v32, v0;
	_ =	sdelay $0x1  }
0x18e: {  	v33 =	vld [tilespmem:s29+$0xFFFFFFF0];
	[tilespmem:s29+$0xFFFFFFE0] =	vst v0  }
0x18f: {  	v0 =	vld.idx.msk [tilespmem:v2+s17+$0x0], $0xffff;
	_ =	sdelay $0x1  }
0x190: {  	s30 =	sadd.s32 $0x20, s20  }
0x191: {  	v34 =	vmov s30;
	_ =	sdelay $0x1  }
0x192: {  	v0 =	vmul.f32 v33, v0;
	_ =	sdelay $0x1  }
0x193: {  	v35 =	vld [tilespmem:s29+$0x0];
	[tilespmem:s29+$0xFFFFFFF0] =	vst v0  }
0x194: {  	v0 =	vld.idx.msk [tilespmem:v34+s17+$0x0], $0xffff;
	_ =	sdelay $0x2  }
0x195: {  	v36 =	vor.u32 $0x1, v34;
	_ =	sdelay $0x1  }
0x196: {  	v0 =	vmul.f32 v35, v0;
	_ =	sdelay $0x1  }
0x197: {  	v37 =	vld [tilespmem:s29+$0x10];
	[tilespmem:s29+$0x0] =	vst v0  }
0x198: {  	v0 =	vld.idx.msk [tilespmem:v36+s17+$0x0], $0xffff;
	_ =	sdelay $0x2  }
0x199: {  	v38 =	vor.u32 $0x2, v34;
	_ =	sdelay $0x1  }
0x19a: {  	v0 =	vmul.f32 v37, v0;
	_ =	sdelay $0x1  }
0x19b: {  	v39 =	vld [tilespmem:s29+$0x20];
	[tilespmem:s29+$0x10] =	vst v0  }
0x19c: {  	v0 =	vld.idx.msk [tilespmem:v38+s17+$0x0], $0xffff;
	_ =	sdelay $0x2  }
0x19d: {  	v40 =	vor.u32 $0x3, v34;
	_ =	sdelay $0x1  }
0x19e: {  	v0 =	vmul.f32 v39, v0;
	_ =	sdelay $0x1  }
0x19f: {  	v41 =	vld [tilespmem:s29+$0x30];
	[tilespmem:s29+$0x20] =	vst v0  }
0x1a0: {  	v0 =	vld.idx.msk [tilespmem:v40+s17+$0x0], $0xffff;
	_ =	sdelay $0x2  }
0x1a1: {  	v42 =	vor.u32 $0x4, v34;
	_ =	sdelay $0x1  }
0x1a2: {  	v0 =	vmul.f32 v41, v0;
	_ =	sdelay $0x1  }
0x1a3: {  	v43 =	vld [tilespmem:s29+$0x40];
	[tilespmem:s29+$0x30] =	vst v0  }
0x1a4: {  	v0 =	vld.idx.msk [tilespmem:v42+s17+$0x0], $0xffff;
	_ =	sdelay $0x2  }
0x1a5: {  	v44 =	vor.u32 $0x5, v34;
	_ =	sdelay $0x1  }
0x1a6: {  	v0 =	vmul.f32 v43, v0;
	_ =	sdelay $0x1  }
0x1a7: {  	v45 =	vld [tilespmem:s29+$0x50];
	[tilespmem:s29+$0x40] =	vst v0  }
0x1a8: {  	v0 =	vld.idx.msk [tilespmem:v44+s17+$0x0], $0xffff;
	_ =	sdelay $0x2  }
0x1a9: {  	v46 =	vor.u32 $0x6, v34;
	_ =	sdelay $0x1  }
0x1aa: {  	v0 =	vmul.f32 v45, v0;
	_ =	sdelay $0x1  }
0x1ab: {  	v47 =	vld [tilespmem:s29+$0x60];
	[tilespmem:s29+$0x50] =	vst v0  }
0x1ac: {  	v0 =	vld.idx.msk [tilespmem:v46+s17+$0x0], $0xffff;
	_ =	sdelay $0x2  }
0x1ad: {  	v2 =	vor.u32 $0x7, v34;
	_ =	sdelay $0x1  }
0x1ae: {  	v0 =	vmul.f32 v47, v0;
	_ =	sdelay $0x1  }
0x1af: {  	v48 =	vld [tilespmem:s29+$0x70];
	[tilespmem:s29+$0x60] =	vst v0  }
0x1b0: {  	v0 =	vld.idx.msk [tilespmem:v2+s17+$0x0], $0xffff;
	_ =	sdelay $0x1  }
0x1b1: {  	s31 =	sadd.s32 $0x30, s20  }
0x1b2: {  	v49 =	vmov s31;
	_ =	sdelay $0x1  }
0x1b3: {  	v0 =	vmul.f32 v48, v0;
	_ =	sdelay $0x1  }
0x1b4: {  	v50 =	vld [tilespmem:s29+$0x80];
	[tilespmem:s29+$0x70] =	vst v0  }
0x1b5: {  	v0 =	vld.idx.msk [tilespmem:v49+s17+$0x0], $0xffff;
	_ =	sdelay $0x2  }
0x1b6: {  	v51 =	vor.u32 $0x1, v49;
	_ =	sdelay $0x1  }
0x1b7: {  	v0 =	vmul.f32 v50, v0;
	_ =	sdelay $0x1  }
0x1b8: {  	v52 =	vld [tilespmem:s29+$0x90];
	[tilespmem:s29+$0x80] =	vst v0  }
0x1b9: {  	v0 =	vld.idx.msk [tilespmem:v51+s17+$0x0], $0xffff;
	_ =	sdelay $0x2  }
0x1ba: {  	v53 =	vor.u32 $0x2, v49;
	_ =	sdelay $0x1  }
0x1bb: {  	v0 =	vmul.f32 v52, v0;
	_ =	sdelay $0x1  }
0x1bc: {  	v54 =	vld [tilespmem:s29+$0xA0];
	[tilespmem:s29+$0x90] =	vst v0  }
0x1bd: {  	v0 =	vld.idx.msk [tilespmem:v53+s17+$0x0], $0xffff;
	_ =	sdelay $0x2  }
0x1be: {  	v55 =	vor.u32 $0x3, v49;
	_ =	sdelay $0x1  }
0x1bf: {  	v0 =	vmul.f32 v54, v0;
	_ =	sdelay $0x1  }
0x1c0: {  	v56 =	vld [tilespmem:s29+$0xB0];
	[tilespmem:s29+$0xA0] =	vst v0  }
0x1c1: {  	v0 =	vld.idx.msk [tilespmem:v55+s17+$0x0], $0xffff;
	_ =	sdelay $0x2  }
0x1c2: {  	v57 =	vor.u32 $0x4, v49;
	_ =	sdelay $0x1  }
0x1c3: {  	v0 =	vmul.f32 v56, v0;
	_ =	sdelay $0x1  }
0x1c4: {  	v58 =	vld [tilespmem:s29+$0xC0];
	[tilespmem:s29+$0xB0] =	vst v0  }
0x1c5: {  	v0 =	vld.idx.msk [tilespmem:v57+s17+$0x0], $0xffff;
	_ =	sdelay $0x2  }
0x1c6: {  	v59 =	vor.u32 $0x5, v49;
	_ =	sdelay $0x1  }
0x1c7: {  	v0 =	vmul.f32 v58, v0;
	_ =	sdelay $0x1  }
0x1c8: {  	v60 =	vld [tilespmem:s29+$0xD0];
	[tilespmem:s29+$0xC0] =	vst v0  }
0x1c9: {  	v0 =	vld.idx.msk [tilespmem:v59+s17+$0x0], $0xffff;
	_ =	sdelay $0x2  }
0x1ca: {  	v61 =	vor.u32 $0x6, v49;
	_ =	sdelay $0x1  }
0x1cb: {  	v0 =	vmul.f32 v60, v0;
	_ =	sdelay $0x1  }
0x1cc: {  	v62 =	vld [tilespmem:s29+$0xE0];
	[tilespmem:s29+$0xD0] =	vst v0  }
0x1cd: {  	v0 =	vld.idx.msk [tilespmem:v61+s17+$0x0], $0xffff;
	_ =	sdelay $0x2  }
0x1ce: {  	v2 =	vor.u32 $0x7, v49;
	_ =	sdelay $0x1  }
0x1cf: {  	v0 =	vmul.f32 v62, v0;
	_ =	sdelay $0x1  }
0x1d0: {  	v63 =	vld [tilespmem:s29+$0xF0];
	[tilespmem:s29+$0xE0] =	vst v0  }
0x1d1: {  	v0 =	vld.idx.msk [tilespmem:v2+s17+$0x0], $0xffff;
	_ =	sdelay $0x4  }
0x1d2: {  	s18 =	sadd.s32 $0x1, s18;
	v0 =	vmul.f32 v63, v0  }
0x1d3: {  	p0 =	sne.s32 s18, $0x51  }
.Ltmp1:
0x1d4: {  	[tilespmem:s29+$0xF0] =	vst v0;
	(pc) =	sbr.rel @p0 .LBB2_2-.Ltmp1, $4  }
0x1d5: {  	[spmem:s3] =	stream.indirect.scatter.add.f32 [tilespmem:s16], [sflag:$0x1], $0x80, s15, s15, $0xb8;
	[tilespmem:$0x18900] =	vst v63  }
0x1d6: {  	_ =	swait.ge [sflag:s14], $0x4000  }
0x1d7: {  	[sflag:s14] =	ssyncset.done $0x0  }
0x1d8: {  	[sflag:s14] =	ssyncadd.s32 $0xFFFFC000  }
0x1d9: {  	s4 =	sadd.s32 $0x1, s4  }
0x1da: {  	p0 =	sne.s32 s4, s12  }
.Ltmp2:
0x1db: {  	[bflag:$0x0] =	sbarrier.arrive $0xFFFF;
	(pc) =	sbr.rel @p0 .LBB2_1-.Ltmp2, $4  }
0x1dc: {  	[hbm:s11], [sflag:s9] =	dma.local [spmem:s13], $0x2800  }
0x1dd: {  	_ =	swait.ge [sflag:s14], $0x2800  }
0x1de: {  	[sflag:s14] =	ssyncset.done $0x0  }
0x1df: {  	[sflag:s14] =	ssyncadd.s32 $0xFFFFD800  }
0x1e0: {  	_ =	sfence.sel $0x180000  }
0x1e1: {  	[bflag:$0x0] =	sbarrier.arrive $0xFFFF  }
0x1e2: {  	p0 =	sne.s32 s2, $0x0;
	_ =	strace $0x9000004A  }
0x1e3: {  	s0 =	sadd.s32 @!p0 $0x100000, s0;
	[bflag:$0x2] =	sbarrier.arrive $0xFFFF  }
0x1e4: {  	[sflag:s0] =	ssyncadd.tile.s32 @!p0 $0x1;
	_ =	shalt  }
.Lfunc_end2:
_tile_overlayer_lowered:
.L_overlay_start_2:
0x1e5: {  	(tag) =	ssettag $0x2  }
0x1e6: {  	s0 =	rddreg [dreg:$0x0];
	s2 =	stileid.u32  }
0x1e7: {  	s1 =	rddreg [dreg:$0x1];
	p0 =	sne.s32 s2, $0x0  }
0x1e8: {  	s3 =	rddreg [dreg:$0x2];
	[bflag:$0x3] =	sbarrier.arrive $0xFFFF;
	s2 =	simm.s32 @!p0 $0x1C01  }
0x1e9: {  	[timem:s3], [sflag:s2] =	dma.local @!p0 [hbm:s0], s1  }
0x1ea: {  	s0 =	simm.s32 @!p0 $0x1  }
0x1eb: {  	_ =	swait.ge @!p0 [sflag:s0], s1  }
0x1ec: {  	s1 =	ssub.s32 @!p0 $0x0, s1;
	[sflag:s0] =	ssyncset.done @!p0 $0x0  }
0x1ed: {  	[sflag:s0] =	ssyncadd.s32 @!p0 s1  }
0x1ee: {  	[bflag:$0x3] =	sbarrier.arrive $0xFFFF  }
0x1ef: {  	_ =	shalt  }

// kernel: kernel.21.cloned.1.call-start
scs
__scs_entry_jumppad:
0x0: {  	(pc) =	sbr.rel $0x88, $3  }
0x1: {  	(tag) =	ssettag $0x0;
	lr =	simm.s32 $0x1  }
0x2: {  	[smem:$0x3F93] =	sst lr;
	_ =	strace $0xD0000000  }
0x3: {  	_ = 	snop  }
0x4: {  	_ = 	snop  }
0x5: {  	_ = 	snop  }
0x6: {  	_ = 	snop  }
0x7: {  	_ = 	snop  }
__scs_overlays_trampoline_lowered:
0x8: {  	[smem:$0x3FA2] =	sst s0  }
0x9: {  	[smem:$0x3FA3] =	sst s1  }
0xa: {  	[smem:$0x3FA4] =	sst s2  }
0xb: {  	[smem:$0x3FA5] =	sst s3  }
0xc: {  	[smem:$0x3FA6] =	sst s4  }
0xd: {  	[smem:$0x3FA7] =	sst s5  }
0xe: {  	[smem:$0x3FA8] =	sst s6  }
0xf: {  	[smem:$0x3FA9] =	sst s7  }
0x10: {  	[smem:$0x3FAA] =	sst s8  }
0x11: {  	[smem:$0x3FAB] =	sst s9;
	s0 =	simm.s32 @!p0 $0x0  }
0x12: {  	s1 =	sld [smem:$0x3F91];
	s0 =	simm.s32 @p0 $0x1  }
0x13: {  	[smem:$0x3FAC] =	sst s0;
	s0 =	simm.s32 @!p1 $0x0  }
0x14: {  	s2 =	sld [smem:$0x3F90];
	s0 =	simm.s32 @p1 $0x1  }
0x15: {  	[smem:$0x3FAD] =	sst s0;
	s0 =	simm.s32 @!p2 $0x0  }
0x16: {  	s3 =	sld [smem:$0x3FDB];
	s0 =	simm.s32 @p2 $0x1  }
0x17: {  	s4 =	simm.s32 $0x1BF5;
	[smem:$0x3FAF] =	sst s0  }
0x18: {  	s0 =	sld [smem:$0x3F92];
	_ =	swait.ge [sflag:s4], $0x0  }
0x19: {  	s7 =	sld [smem:$0x3F93]  }
0x1a: {  	s8 =	sadd.s32 $0xFFFFE003, lr  }
0x1b: {  	s9 =	sadd.s32 $0xFFFFFEF7, lr;
	s5 =	simm.s32 $0xFFFFFFFF;
	p2 =	slt.u32 s8, $0xFFFFF086  }
0x1c: {  	p1 =	slt.u32 s9, $0xF7A;
	s5 =	simm.s32 @!p2 $0x0  }
0x1d: {  	s5 =	simm.s32 @p1 $0x1;
	p0 =	seq.s32 s7, s2  }
0x1e: {  	s7 =	smul.u32 @!p0 $0xF7A, s2;
	p2 =	seq.s32 @!p0 s5, $0x0  }
0x1f: {  	s9 =	smul.u32 $0xF7A, s1;
	s8 =	simm.s32 @!p0 $0x1BF5;
	p2 =	por !p2, p0  }
0x20: {  	[sflag:s8] =	ssyncset.s32 @!p0 $0xFFFFF086;
	s6 =	sadd.s32 @!p0 s3, s7;
	s7 =	simm.s32 @!p0 $0x108  }
0x21: {  	s3 =	sadd.s32 s3, s9;
	s6 =	sadd.s32 @!p0 $0x88, s6;
	s7 =	simm.s32 @p2 $0x1082  }
0x22: {  	[simem:s7], [sflag:s8] =	dma.local @!p0 [hbm:s6], $0xF7A  }
0x23: {  	s9 =	sor.u32 $0xD0000000, s2;
	s6 =	simm.s32 $0x108;
	_ =	swait.ge @!p0 [sflag:s8], $0x0  }
0x24: {  	s3 =	sadd.s32 $0x88, s3;
	s6 =	simm.s32 @!p1 $0x1082;
	[sflag:s4] =	ssyncset.s32 $0xFFFFF086  }
0x25: {  	[simem:s6], [sflag:s4] =	dma.local [hbm:s3], $0xF7A  }
0x26: {  	[smem:$0x3F93] =	sst s1;
	(tag) =	ssettag s2;
	_ =	strace s9  }
0x27: {  	s1 =	sld [smem:$0x3FA3]  }
0x28: {  	s2 =	sld [smem:$0x3FA4]  }
0x29: {  	s4 =	sld [smem:$0x3FA6]  }
0x2a: {  	p0 =	seq.s32 s5, $0x0;
	s5 =	sld [smem:$0x3FA7]  }
0x2b: {  	s6 =	sld [smem:$0x3FA8]  }
0x2c: {  	s7 =	sld [smem:$0x3FA9]  }
0x2d: {  	s3 =	simm.s32 $0x108;
	s8 =	sld [smem:$0x3FAA]  }
0x2e: {  	s3 =	simm.s32 @!p0 $0x1082;
	s9 =	sld [smem:$0x3FAB]  }
0x2f: {  	lr =	sadd.s32 s0, s3;
	s0 =	sld [smem:$0x3FA2]  }
0x30: {  	s3 =	sld [smem:$0x3FA5]  }
0x31: {  	[smem:$0x3FAE] =	sst s10  }
0x32: {  	s10 =	sld [smem:$0x3FAC];
	_ =	sdelay $0x3  }
0x33: {  	p0 =	seq.s32 s10, $0x1;
	s10 =	sld [smem:$0x3FAE];
	_ =	sdelay $0x3  }
0x34: {  	[smem:$0x3FAE] =	sst s10  }
0x35: {  	s10 =	sld [smem:$0x3FAD];
	_ =	sdelay $0x3  }
0x36: {  	p1 =	seq.s32 s10, $0x1;
	s10 =	sld [smem:$0x3FAE];
	_ =	sdelay $0x3  }
0x37: {  	[smem:$0x3FAE] =	sst s10  }
0x38: {  	s10 =	sld [smem:$0x3FAF]  }
0x39: {  	_ = 	snop;
	(pc) =	sbr.ind lr, $3  }
0x3a: {  	_ = 	snop  }
0x3b: {  	_ = 	snop  }
0x3c: {  	p2 =	seq.s32 s10, $0x1;
	s10 =	sld [smem:$0x3FAE]  }
0x3d: {  	_ =	shalt  }
0x3e: {  	_ =	shalt  }
0x3f: {  	_ =	shalt  }
0x40: {  	_ =	shalt  }
0x41: {  	_ =	shalt  }
0x42: {  	_ =	shalt  }
0x43: {  	_ =	shalt  }
0x44: {  	_ =	shalt  }
0x45: {  	_ =	shalt  }
0x46: {  	_ =	shalt  }
0x47: {  	_ =	shalt  }
0x48: {  	_ =	shalt  }
0x49: {  	_ =	shalt  }
0x4a: {  	_ =	shalt  }
0x4b: {  	_ =	shalt  }
0x4c: {  	_ =	shalt  }
0x4d: {  	_ =	shalt  }
0x4e: {  	_ =	shalt  }
0x4f: {  	_ =	shalt  }
0x50: {  	_ =	shalt  }
0x51: {  	_ =	shalt  }
0x52: {  	_ =	shalt  }
0x53: {  	_ =	shalt  }
0x54: {  	_ =	shalt  }
0x55: {  	_ =	shalt  }
0x56: {  	_ =	shalt  }
0x57: {  	_ =	shalt  }
0x58: {  	_ =	shalt  }
0x59: {  	_ =	shalt  }
0x5a: {  	_ =	shalt  }
0x5b: {  	_ =	shalt  }
0x5c: {  	_ =	shalt  }
0x5d: {  	_ =	shalt  }
0x5e: {  	_ =	shalt  }
0x5f: {  	_ =	shalt  }
0x60: {  	_ =	shalt  }
0x61: {  	_ =	shalt  }
0x62: {  	_ =	shalt  }
0x63: {  	_ =	shalt  }
0x64: {  	_ =	shalt  }
0x65: {  	_ =	shalt  }
0x66: {  	_ =	shalt  }
0x67: {  	_ =	shalt  }
0x68: {  	_ =	shalt  }
0x69: {  	_ =	shalt  }
0x6a: {  	_ =	shalt  }
0x6b: {  	_ =	shalt  }
0x6c: {  	_ =	shalt  }
0x6d: {  	_ =	shalt  }
0x6e: {  	_ =	shalt  }
0x6f: {  	_ =	shalt  }
0x70: {  	_ =	shalt  }
0x71: {  	_ =	shalt  }
0x72: {  	_ =	shalt  }
0x73: {  	_ =	shalt  }
0x74: {  	_ =	shalt  }
0x75: {  	_ =	shalt  }
0x76: {  	_ =	shalt  }
0x77: {  	_ =	shalt  }
0x78: {  	_ =	shalt  }
0x79: {  	_ =	shalt  }
0x7a: {  	_ =	shalt  }
0x7b: {  	_ =	shalt  }
0x7c: {  	_ =	shalt  }
0x7d: {  	_ =	shalt  }
0x7e: {  	_ =	shalt  }
0x7f: {  	_ =	shalt  }
0x80: {  	_ =	shalt  }
0x81: {  	_ =	shalt  }
0x82: {  	_ =	shalt  }
0x83: {  	_ =	shalt  }
0x84: {  	_ =	shalt  }
0x85: {  	_ =	shalt  }
0x86: {  	_ =	shalt  }
0x87: {  	_ =	shalt  }
.Lfunc_end0:
.L_simem_size_0:
called_computation.2_lowered:
.L_overlay_start_0:
0x88: {  	s2 =	sld [smem:$0x3FD9]  }
0x89: {  	s3 =	sld [smem:$0x3FFE];
	_ =	sdelay $0x1  }
0x8a: {  	s1 =	srdreg.scid  }
0x8b: {  	s0 =	sand.u32 $0x1, s1  }
0x8c: {  	s17 =	sshll.u32 s0, $0xA;
	s2 =	sadd.s32 s3, s2  }
0x8d: {  	s2 =	sadd.s32 s2, s17  }
0x8e: {  	[smem:$0x3FBA] =	sst s2  }
0x8f: {  	_ = 	snop  }
0x90: {  	s2 =	sld [smem:$0x3FD0];
	(tm) =	ssettm $0x1  }
0x91: {  	s18 =	sld [smem:$0x3FFB];
	_ =	sdelay $0x3  }
0x92: {  	_ =	strace s18  }
0x93: {  	s3 =	sld [smem:$0x3FFC];
	_ =	sdelay $0x3  }
0x94: {  	_ =	strace s3  }
0x95: {  	s3 =	sld [smem:$0x3FFD];
	_ =	sdelay $0x3  }
0x96: {  	_ =	strace s3  }
0x97: {  	_ =	strace $0x8FFFFFFF  }
0x98: {  	s19 =	sld [smem:$0x3FDB];
	_ =	sdelay $0x1  }
0x99: {  	s4 =	simm.s32 $_scs_section_size  }
0x9a: {  	s5 =	simm.s32 $_size__tile_overlayer_lowered;
	s6 =	simm.s32 $_tile_overlayer_lowered  }
0x9b: {  	s22 =	simm.s32 $0x1BFF;
	s21 =	sshll.u32 s6, $0x1;
	s3 =	sadd.s32 s4, s19  }
0x9c: {  	s7 =	simm.s32 $0x0;
	s20 =	sshll.u32 s5, $0x1;
	s5 =	sadd.s32 s21, s3  }
0x9d: {  	[timem:s7], [sflag:s22] =	dma.local [hbm:s5], s20  }
0x9e: {  	_ =	swait.ge [sflag:s22], s20  }
0x9f: {  	s4 =	ssub.s32 $0x0, s20;
	[sflag:s22] =	ssyncset.done $0x0  }
0xa0: {  	[sflag:s22] =	ssyncadd.s32 s4;
	_ =	sdelay $0x1  }
0xa1: {  	s23 =	simm.s32 $0x1B8B  }
0xa2: {  	_ =	swait.ge [sflag:s23], $0x1  }
0xa3: {  	[sflag:s23] =	ssyncset.done $0x0  }
0xa4: {  	s25 =	simm.s32 $0x1B8E;
	s24 =	sld [smem:$0x3FFE];
	[sflag:s23] =	ssyncadd.s32 $0xFFFFFFFF  }
0xa5: {  	s26 =	simm.s32 $execute0_lowered;
	[smem:$0x3FD2] =	sst s25  }
0xa6: {  	s5 =	sshll.u32 s26, $0x1;
	_ =	strace $0x8000004C;
	[dreg:$0x1] =	wrdreg $0xFFFFFFFF  }
0xa7: {  	s28 =	simm.s32 $_size_execute0_lowered;
	s3 =	sadd.s32 s3, s5;
	[dreg:$0x0] =	wrdreg $0x0  }
0xa8: {  	s5 =	sshll.u32 s28, $0x1;
	[dreg:$0x2] =	wrdreg s3  }
0xa9: {  	[dreg:$0x3] =	wrdreg s5  }
0xaa: {  	[dreg:$0x4] =	wrdreg $0xC0  }
0xab: {  	_ =	task [dreg:s7], $0x5FFFF  }
0xac: {  	[dreg:$0x1] =	wrdreg $0xFFFFFFFF  }
0xad: {  	[dreg:$0x0] =	wrdreg $0x60  }
0xae: {  	[dreg:$0x2] =	wrdreg s2  }
0xaf: {  	[dreg:$0x3] =	wrdreg s24  }
0xb0: {  	[dreg:$0x4] =	wrdreg $0x11800  }
0xb1: {  	[dreg:$0x5] =	wrdreg $0x9  }
0xb2: {  	_ =	task.clear_ibuf [dreg:s7], $0x6FFFF;
	_ =	strace $0x9000004C  }
0xb3: {  	s29 =	simm.s32 $0x9;
	_ =	strace $0x8000004E  }
0xb4: {  	_ =	swait.ge [sflag:s29], $0x1  }
0xb5: {  	[sflag:s29] =	ssyncadd.s32 $0xFFFFFFFF  }
0xb6: {  	_ =	strace $0x9000004E  }
0xb7: {  	_ =	sfence  }
0xb8: {  	s30 =	sld [smem:$0x0];
	_ =	sdelay $0x2  }
0xb9: {  	s31 =	sshll.u32 s1, $0xD;
	s1 =	sshrl.u32 s1, $0x2  }
0xba: {  	s3 =	sand.u32 $0x4000, s31;
	s1 =	sadd.s32 s1, s30  }
0xbb: {  	s0 =	sor.u32 s3, s0;
	s1 =	sshll.u32 s1, $0x11  }
0xbc: {  	s0 =	sor.u32 s1, s0  }
0xbd: {  	s0 =	sadd.s32 $0x8F2B, s0  }
0xbe: {  	[sflag:s0] =	ssyncadd.remote.s32 $0x1  }
0xbf: {  	_ =	sfence.sel $0xFFFF  }
0xc0: {  	[dreg:$0x0] =	wrdreg $0xFFFFFFFF;
	(pc) =	sbr.abs _section_cstart, $3  }
0xc1: {  	[dreg:$0x1] =	wrdreg $0xFFFFFFFF  }
0xc2: {  	_ =	task.clear_ibuf [dreg:s7], $0x2FFFF;
	_ =	strace $0x9FFFFFFF  }
0xc3: {  	(tm) =	ssettm $0x7FFFFFFF  }
tec
execute0_lowered:
.L_overlay_start_1:
0x0: {  	(tag) =	ssettag $0x1  }
0x1: {  	s12 =	rddreg [dreg:$0x0]  }
0x2: {  	s0 =	srdreg.scid;
	s7 =	rddreg [dreg:$0x1]  }
0x3: {  	s2 =	rddreg [dreg:$0x2];
	s8 =	sand.u32 $0x1, s0  }
0x4: {  	s0 =	stileid.u32;
	s4 =	smul.u32 $0x28800, s8  }
0x5: {  	s1 =	rddreg [dreg:$0x3];
	s3 =	simm.s32 $0x0;
	v1 =	vlaneseq.u32;
	s5 =	smul.u32 $0x2880, s0  }
0x6: {  	s17 =	simm.s32 $0x900;
	s18 =	simm.s32 $0x1100;
	v0 =	vmul.u32 $0x10, v1;
	s9 =	smul.u32 $0x280, s0  }
0x7: {  	s19 =	simm.s32 $0x0;
	[smem:$0x7FF] =	sst s3;
	v22 =	vmul.u32 $0xFFFFFFFF, v1;
	s6 =	smul.u32 $0x2800, s8  }
0x8: {  	_ =	strace $0x8000004D;
	s8 =	ssub.s32 $0x2, s8;
	s14 =	sshll.u32 s0, $0x6;
	v1 =	vor.u32 $0x8, v0  }
0x9: {  	v2 =	vor.u32 $0x100, v0;
	v3 =	vor.u32 $0x108, v0;
	v4 =	vadd.s32 $0x50900, v22;
	s31 =	sshrl.u32 s8, $0x1;
	s4 =	sadd.s32 s5, s4;
	s5 =	sadd.s32 $0x3A600, s7  }
0xa: {  	v5 =	vor.u32 $0x200, v0;
	v6 =	vor.u32 $0x208, v0;
	v7 =	vadd.s32 $0x508F0, v22;
	s10 =	sadd.s32 s9, s6;
	s6 =	sadd.s32 $0x2DC00, s7;
	s15 =	ssub.s32 s8, s31  }
0xb: {  	v8 =	vor.u32 $0x300, v0;
	v9 =	vor.u32 $0x308, v0;
	v10 =	vadd.s32 $0x508E0, v22;
	s16 =	sadd.s32 s9, s2;
	s13 =	sshrl.u32 s4, $0x3;
	s10 =	sshrl.u32 s10, $0x3  }
0xc: {  	v11 =	vor.u32 $0x400, v0;
	v12 =	vor.u32 $0x408, v0;
	v13 =	vadd.s32 $0x508D0, v22;
	s9 =	smax.u32 s15, $0x1;
	s15 =	simm.s32 $0x80;
	s11 =	sadd.s32 s13, s7  }
0xd: {  	v14 =	vor.u32 $0x500, v0;
	v15 =	vor.u32 $0x508, v0;
	v16 =	vadd.s32 $0x508C0, v22;
	s10 =	sadd.s32 s10, s7;
	s7 =	sor.u32 $0x1C01, s14;
	s12 =	sadd.s32 s13, s12  }
0xe: {  	v17 =	vor.u32 $0x600, v0;
	v18 =	vor.u32 $0x608, v0;
	v19 =	vadd.s32 $0x508B0, v22;
	s13 =	sshrl.u32 s16, $0x3;
	s14 =	simm.s32 $0x1;
	s16 =	simm.s32 $0x100  }
0xf: {  	v20 =	vor.u32 $0x700, v0;
	v21 =	vor.u32 $0x708, v0;
	v22 =	vadd.s32 $0x508A0, v22;
	s8 =	sadd.s32 $0x2DE00, s10;
	s10 =	sadd.s32 $0x3F600, s11;
	s11 =	sadd.s32 $0x30400, s11  }
.LBB2_1:
0x10: {  	[spmem:s13], [sflag:s7] =	dma.local [hbm:s6], $0x50  }
0x11: {  	_ =	swait.ge [sflag:s14], $0x50  }
0x12: {  	[sflag:s14] =	ssyncset.done $0x0  }
0x13: {  	[sflag:s14] =	ssyncadd.s32 $0xFFFFFFB0  }
0x14: {  	s20 =	sadd.s32 $0x0, s12;
	[bflag:$0x0] =	sbarrier.arrive $0xFFFF  }
0x15: {  	[tilespmem:s3], [sflag:$0x1] =	stream.linear.gather [hbm4b:s20+s3], $0x80, $0x38;
	[tilespmem:$0x1400] =	vst v63  }
0x16: {  	_ =	swait.ge [sflag:s14], $0x80  }
0x17: {  	[sflag:s14] =	ssyncset.done $0x0  }
0x18: {  	s31 =	sadd.s32 $0x0, s11;
	[sflag:s14] =	ssyncadd.s32 $0xFFFFFF80  }
0x19: {  	[tilespmem:s15], [sflag:$0x1] =	stream.linear.gather [hbm4b:s31+s3], $0x80, $0x38;
	[tilespmem:$0x1400] =	vst v63  }
0x1a: {  	_ =	swait.ge [sflag:s14], $0x80  }
0x1b: {  	[sflag:s14] =	ssyncset.done $0x0  }
0x1c: {  	[sflag:s14] =	ssyncadd.s32 $0xFFFFFF80  }
0x1d: {  	[tilespmem:s16], [sflag:$0x1] =	stream.indirect.gather [hbm4b:s5+s15], $0x10, s3, s15, $0xb8;
	[tilespmem:$0x1400] =	vst v63  }
0x1e: {  	_ =	swait.ge [sflag:s14], $0x800  }
0x1f: {  	[sflag:s14] =	ssyncset.done $0x0  }
0x20: {  	[sflag:s14] =	ssyncadd.s32 $0xFFFFF800  }
0x21: {  	[tilespmem:s17], [sflag:$0x1] =	stream.indirect.gather [hbm4b:s5+s15], $0x10, s15, s15, $0xb8;
	[tilespmem:$0x1400] =	vst v63  }
0x22: {  	_ =	swait.ge [sflag:s14], $0x800  }
0x23: {  	[sflag:s14] =	ssyncset.done $0x0  }
0x24: {  	[sflag:s14] =	ssyncadd.s32 $0xFFFFF800  }
0x25: {  	v23 =	vld.idx.msk [tilespmem:v0+s16+$0x0], $0xffff  }
0x26: {  	v24 =	vld.idx.msk [tilespmem:v1+s17+$0x0], $0xffff;
	_ =	sdelay $0x4  }
0x27: {  	v23 =	vadd.f32 v24, v23;
	_ =	sdelay $0x1  }
0x28: {  	v24 =	vmul.f32 $2.000000030e-01, v23;
	_ =	sdelay $0x1  }
0x29: {  	v23 =	vmax.f32 v23, v24  }
0x2a: {  	v23 =	vmul.f32 $1.442695020e+00, v23;
	_ =	sdelay $0x1  }
0x2b: {  	(erf) = vpow2.f32 v23;
	_ =	sdelay $0x7  }
0x2c: {  	v23 =	vmov s4  }
0x2d: {  	vm0 =	vlt.u32 v23, $0x50910;
	v57 =	vpop (erf)  }
0x2e: {  	v24 =	vnsel vm0, $0x0, v57  }
0x2f: {  	[tilespmem:$0x1100] =	vst v24  }
0x30: {  	v24 =	vld.idx.msk [tilespmem:v2+s16+$0x0], $0xffff  }
0x31: {  	v25 =	vld.idx.msk [tilespmem:v3+s17+$0x0], $0xffff;
	_ =	sdelay $0x4  }
0x32: {  	v24 =	vadd.f32 v25, v24;
	_ =	sdelay $0x1  }
0x33: {  	v25 =	vmul.f32 $2.000000030e-01, v24;
	_ =	sdelay $0x1  }
0x34: {  	v24 =	vmax.f32 v24, v25  }
0x35: {  	v24 =	vmul.f32 $1.442695020e+00, v24;
	_ =	sdelay $0x1  }
0x36: {  	(erf) = vpow2.f32 v24;
	_ =	sdelay $0x8  }
0x37: {  	vm9 =	vlt.u32 v23, v4;
	v24 =	vpop (erf)  }
0x38: {  	v24 =	vnsel vm9, $0x0, v24  }
0x39: {  	[tilespmem:$0x1110] =	vst v24  }
0x3a: {  	v24 =	vld.idx.msk [tilespmem:v5+s16+$0x0], $0xffff  }
0x3b: {  	v58 =	vld.idx.msk [tilespmem:v6+s17+$0x0], $0xffff;
	_ =	sdelay $0x4  }
0x3c: {  	v24 =	vadd.f32 v58, v24;
	_ =	sdelay $0x1  }
0x3d: {  	v25 =	vmul.f32 $2.000000030e-01, v24;
	_ =	sdelay $0x1  }
0x3e: {  	v24 =	vmax.f32 v24, v25  }
0x3f: {  	v24 =	vmul.f32 $1.442695020e+00, v24;
	_ =	sdelay $0x1  }
0x40: {  	(erf) = vpow2.f32 v24;
	_ =	sdelay $0x8  }
0x41: {  	vm10 =	vlt.u32 v23, v7;
	v24 =	vpop (erf)  }
0x42: {  	v24 =	vnsel vm10, $0x0, v24  }
0x43: {  	[tilespmem:$0x1120] =	vst v24  }
0x44: {  	v24 =	vld.idx.msk [tilespmem:v8+s16+$0x0], $0xffff  }
0x45: {  	v59 =	vld.idx.msk [tilespmem:v9+s17+$0x0], $0xffff;
	_ =	sdelay $0x4  }
0x46: {  	v24 =	vadd.f32 v59, v24;
	_ =	sdelay $0x1  }
0x47: {  	v25 =	vmul.f32 $2.000000030e-01, v24;
	_ =	sdelay $0x1  }
0x48: {  	v24 =	vmax.f32 v24, v25  }
0x49: {  	v24 =	vmul.f32 $1.442695020e+00, v24;
	_ =	sdelay $0x1  }
0x4a: {  	(erf) = vpow2.f32 v24;
	_ =	sdelay $0x8  }
0x4b: {  	vm11 =	vlt.u32 v23, v10;
	v24 =	vpop (erf)  }
0x4c: {  	v24 =	vnsel vm11, $0x0, v24  }
0x4d: {  	[tilespmem:$0x1130] =	vst v24  }
0x4e: {  	v24 =	vld.idx.msk [tilespmem:v11+s16+$0x0], $0xffff  }
0x4f: {  	v60 =	vld.idx.msk [tilespmem:v12+s17+$0x0], $0xffff;
	_ =	sdelay $0x4  }
0x50: {  	v24 =	vadd.f32 v60, v24;
	_ =	sdelay $0x1  }
0x51: {  	v25 =	vmul.f32 $2.000000030e-01, v24;
	_ =	sdelay $0x1  }
0x52: {  	v24 =	vmax.f32 v24, v25  }
0x53: {  	v24 =	vmul.f32 $1.442695020e+00, v24;
	_ =	sdelay $0x1  }
0x54: {  	(erf) = vpow2.f32 v24;
	_ =	sdelay $0x8  }
0x55: {  	vm12 =	vlt.u32 v23, v13;
	v24 =	vpop (erf)  }
0x56: {  	v24 =	vnsel vm12, $0x0, v24  }
0x57: {  	[tilespmem:$0x1140] =	vst v24  }
0x58: {  	v24 =	vld.idx.msk [tilespmem:v14+s16+$0x0], $0xffff  }
0x59: {  	v61 =	vld.idx.msk [tilespmem:v15+s17+$0x0], $0xffff;
	_ =	sdelay $0x4  }
0x5a: {  	v24 =	vadd.f32 v61, v24;
	_ =	sdelay $0x1  }
0x5b: {  	v25 =	vmul.f32 $2.000000030e-01, v24;
	_ =	sdelay $0x1  }
0x5c: {  	v24 =	vmax.f32 v24, v25  }
0x5d: {  	v24 =	vmul.f32 $1.442695020e+00, v24;
	_ =	sdelay $0x1  }
0x5e: {  	(erf) = vpow2.f32 v24;
	_ =	sdelay $0x8  }
0x5f: {  	vm13 =	vlt.u32 v23, v16;
	v24 =	vpop (erf)  }
0x60: {  	v24 =	vnsel vm13, $0x0, v24  }
0x61: {  	[tilespmem:$0x1150] =	vst v24  }
0x62: {  	v24 =	vld.idx.msk [tilespmem:v17+s16+$0x0], $0xffff  }
0x63: {  	v62 =	vld.idx.msk [tilespmem:v18+s17+$0x0], $0xffff;
	_ =	sdelay $0x4  }
0x64: {  	v24 =	vadd.f32 v62, v24;
	_ =	sdelay $0x1  }
0x65: {  	v25 =	vmul.f32 $2.000000030e-01, v24;
	_ =	sdelay $0x1  }
0x66: {  	v24 =	vmax.f32 v24, v25  }
0x67: {  	v24 =	vmul.f32 $1.442695020e+00, v24;
	_ =	sdelay $0x1  }
0x68: {  	(erf) = vpow2.f32 v24;
	_ =	sdelay $0x8  }
0x69: {  	vm14 =	vlt.u32 v23, v19;
	v24 =	vpop (erf)  }
0x6a: {  	v24 =	vnsel vm14, $0x0, v24  }
0x6b: {  	[tilespmem:$0x1160] =	vst v24  }
0x6c: {  	v24 =	vld.idx.msk [tilespmem:v20+s16+$0x0], $0xffff  }
0x6d: {  	v63 =	vld.idx.msk [tilespmem:v21+s17+$0x0], $0xffff;
	_ =	sdelay $0x4  }
0x6e: {  	v24 =	vadd.f32 v63, v24;
	_ =	sdelay $0x1  }
0x6f: {  	v25 =	vmul.f32 $2.000000030e-01, v24;
	_ =	sdelay $0x1  }
0x70: {  	v24 =	vmax.f32 v24, v25  }
0x71: {  	v24 =	vmul.f32 $1.442695020e+00, v24;
	_ =	sdelay $0x1  }
0x72: {  	(erf) = vpow2.f32 v24;
	_ =	sdelay $0x8  }
0x73: {  	vm15 =	vlt.u32 v23, v22;
	v23 =	vpop (erf)  }
0x74: {  	s23 =	sadd.s32 $0x0, s10;
	s21 =	smov.u32 s4;
	s20 =	simm.s32 $0x10;
	v23 =	vnsel vm15, $0x0, v23  }
.LBB2_2:
0x75: {  	p0 =	sne.s32 s20, $0x500  }
0x76: {  	[tilespmem:$0x1170] =	vst v23;
	s21 =	sadd.s32 $0x80, s21;
	s22 =	smov.u32 s20;
	s20 =	sadd.s32 $0x10, s20  }
0x77: {  	[hbm4b:s23+s3] =	stream.linear.scatter [tilespmem:s18], [sflag:$0x1], $0x80, $0x38;
	[tilespmem:$0x1400] =	vst v63  }
0x78: {  	_ =	swait.ge [sflag:s14], $0x80  }
0x79: {  	[sflag:s14] =	ssyncset.done $0x0  }
0x7a: {  	[sflag:s14] =	ssyncadd.s32 $0xFFFFFF80  }
0x7b: {  	[spmem:s2] =	stream.indirect.scatter.add.f32 [tilespmem:s18], [sflag:$0x1], $0x1, s15, s15, $0xb8;
	[tilespmem:$0x1400] =	vst v63  }
0x7c: {  	_ =	swait.ge [sflag:s14], $0x80  }
0x7d: {  	[sflag:s14] =	ssyncset.done $0x0  }
0x7e: {  	s23 =	sadd.s32 s22, s12;
	[sflag:s14] =	ssyncadd.s32 $0xFFFFFF80  }
0x7f: {  	[tilespmem:s3], [sflag:$0x1] =	stream.linear.gather [hbm4b:s23+s3], $0x80, $0x38;
	[tilespmem:$0x1400] =	vst v63  }
0x80: {  	_ =	swait.ge [sflag:s14], $0x80  }
0x81: {  	[sflag:s14] =	ssyncset.done $0x0  }
0x82: {  	s23 =	sadd.s32 s22, s11;
	[sflag:s14] =	ssyncadd.s32 $0xFFFFFF80  }
0x83: {  	[tilespmem:s15], [sflag:$0x1] =	stream.linear.gather [hbm4b:s23+s3], $0x80, $0x38;
	[tilespmem:$0x1400] =	vst v63  }
0x84: {  	_ =	swait.ge [sflag:s14], $0x80  }
0x85: {  	[sflag:s14] =	ssyncset.done $0x0  }
0x86: {  	[sflag:s14] =	ssyncadd.s32 $0xFFFFFF80  }
0x87: {  	[tilespmem:s16], [sflag:$0x1] =	stream.indirect.gather [hbm4b:s5+s15], $0x10, s3, s15, $0xb8;
	[tilespmem:$0x1400] =	vst v63  }
0x88: {  	_ =	swait.ge [sflag:s14], $0x800  }
0x89: {  	[sflag:s14] =	ssyncset.done $0x0  }
0x8a: {  	[sflag:s14] =	ssyncadd.s32 $0xFFFFF800  }
0x8b: {  	[tilespmem:s17], [sflag:$0x1] =	stream.indirect.gather [hbm4b:s5+s15], $0x10, s15, s15, $0xb8;
	[tilespmem:$0x1400] =	vst v63  }
0x8c: {  	_ =	swait.ge [sflag:s14], $0x800  }
0x8d: {  	[sflag:s14] =	ssyncset.done $0x0  }
0x8e: {  	[sflag:s14] =	ssyncadd.s32 $0xFFFFF800  }
0x8f: {  	v23 =	vld.idx.msk [tilespmem:v0+s16+$0x0], $0xffff  }
0x90: {  	v24 =	vld.idx.msk [tilespmem:v1+s17+$0x0], $0xffff;
	_ =	sdelay $0x5  }
0x91: {  	v23 =	vadd.f32 v24, v23;
	_ =	sdelay $0x1  }
0x92: {  	v24 =	vmul.f32 $2.000000030e-01, v23;
	_ =	sdelay $0x1  }
0x93: {  	v23 =	vmax.f32 v23, v24  }
0x94: {  	v23 =	vmul.f32 $1.442695020e+00, v23;
	_ =	sdelay $0x1  }
0x95: {  	(erf) = vpow2.f32 v23;
	_ =	sdelay $0x6  }
0x96: {  	v23 =	vmov s21  }
0x97: {  	vm0 =	vlt.u32 v23, $0x50910  }
0x98: {  	v24 =	vpop (erf)  }
0x99: {  	v24 =	vnsel vm0, $0x0, v24  }
0x9a: {  	[tilespmem:$0x1100] =	vst v24  }
0x9b: {  	v24 =	vld.idx.msk [tilespmem:v2+s16+$0x0], $0xffff  }
0x9c: {  	v25 =	vld.idx.msk [tilespmem:v3+s17+$0x0], $0xffff;
	_ =	sdelay $0x5  }
0x9d: {  	v24 =	vadd.f32 v25, v24;
	_ =	sdelay $0x1  }
0x9e: {  	v25 =	vmul.f32 $2.000000030e-01, v24;
	_ =	sdelay $0x1  }
0x9f: {  	v24 =	vmax.f32 v24, v25  }
0xa0: {  	v24 =	vmul.f32 $1.442695020e+00, v24;
	_ =	sdelay $0x1  }
0xa1: {  	(erf) = vpow2.f32 v24;
	_ =	sdelay $0x6  }
0xa2: {  	vm0 =	vlt.u32 v23, v4;
	_ =	sdelay $0x1  }
0xa3: {  	v24 =	vpop (erf)  }
0xa4: {  	v24 =	vnsel vm0, $0x0, v24  }
0xa5: {  	[tilespmem:$0x1110] =	vst v24  }
0xa6: {  	v24 =	vld.idx.msk [tilespmem:v5+s16+$0x0], $0xffff  }
0xa7: {  	v25 =	vld.idx.msk [tilespmem:v6+s17+$0x0], $0xffff;
	_ =	sdelay $0x5  }
0xa8: {  	v24 =	vadd.f32 v25, v24;
	_ =	sdelay $0x1  }
0xa9: {  	v25 =	vmul.f32 $2.000000030e-01, v24;
	_ =	sdelay $0x1  }
0xaa: {  	v24 =	vmax.f32 v24, v25  }
0xab: {  	v24 =	vmul.f32 $1.442695020e+00, v24;
	_ =	sdelay $0x1  }
0xac: {  	(erf) = vpow2.f32 v24;
	_ =	sdelay $0x5  }
0xad: {  	vm0 =	vlt.u32 v23, v7;
	_ =	sdelay $0x2  }
0xae: {  	v24 =	vpop (erf)  }
0xaf: {  	v24 =	vnsel vm0, $0x0, v24  }
0xb0: {  	[tilespmem:$0x1120] =	vst v24  }
0xb1: {  	v24 =	vld.idx.msk [tilespmem:v8+s16+$0x0], $0xffff  }
0xb2: {  	v25 =	vld.idx.msk [tilespmem:v9+s17+$0x0], $0xffff;
	_ =	sdelay $0x5  }
0xb3: {  	v24 =	vadd.f32 v25, v24;
	_ =	sdelay $0x1  }
0xb4: {  	v25 =	vmul.f32 $2.000000030e-01, v24;
	_ =	sdelay $0x1  }
0xb5: {  	v24 =	vmax.f32 v24, v25  }
0xb6: {  	v24 =	vmul.f32 $1.442695020e+00, v24;
	_ =	sdelay $0x1  }
0xb7: {  	(erf) = vpow2.f32 v24;
	_ =	sdelay $0x4  }
0xb8: {  	vm0 =	vlt.u32 v23, v10;
	_ =	sdelay $0x3  }
0xb9: {  	v24 =	vpop (erf)  }
0xba: {  	v24 =	vnsel vm0, $0x0, v24  }
0xbb: {  	[tilespmem:$0x1130] =	vst v24  }
0xbc: {  	v24 =	vld.idx.msk [tilespmem:v11+s16+$0x0], $0xffff  }
0xbd: {  	v25 =	vld.idx.msk [tilespmem:v12+s17+$0x0], $0xffff;
	_ =	sdelay $0x5  }
0xbe: {  	v24 =	vadd.f32 v25, v24;
	_ =	sdelay $0x1  }
0xbf: {  	v25 =	vmul.f32 $2.000000030e-01, v24;
	_ =	sdelay $0x1  }
0xc0: {  	v24 =	vmax.f32 v24, v25  }
0xc1: {  	v24 =	vmul.f32 $1.442695020e+00, v24;
	_ =	sdelay $0x1  }
0xc2: {  	(erf) = vpow2.f32 v24;
	_ =	sdelay $0x3  }
0xc3: {  	vm0 =	vlt.u32 v23, v13;
	_ =	sdelay $0x4  }
0xc4: {  	v24 =	vpop (erf)  }
0xc5: {  	v24 =	vnsel vm0, $0x0, v24  }
0xc6: {  	[tilespmem:$0x1140] =	vst v24  }
0xc7: {  	v24 =	vld.idx.msk [tilespmem:v14+s16+$0x0], $0xffff  }
0xc8: {  	v25 =	vld.idx.msk [tilespmem:v15+s17+$0x0], $0xffff;
	_ =	sdelay $0x5  }
0xc9: {  	v24 =	vadd.f32 v25, v24;
	_ =	sdelay $0x1  }
0xca: {  	v25 =	vmul.f32 $2.000000030e-01, v24;
	_ =	sdelay $0x1  }
0xcb: {  	v24 =	vmax.f32 v24, v25  }
0xcc: {  	v24 =	vmul.f32 $1.442695020e+00, v24;
	_ =	sdelay $0x1  }
0xcd: {  	(erf) = vpow2.f32 v24;
	_ =	sdelay $0x2  }
0xce: {  	vm0 =	vlt.u32 v23, v16;
	_ =	sdelay $0x5  }
0xcf: {  	v24 =	vpop (erf)  }
0xd0: {  	v24 =	vnsel vm0, $0x0, v24  }
0xd1: {  	[tilespmem:$0x1150] =	vst v24  }
0xd2: {  	v24 =	vld.idx.msk [tilespmem:v17+s16+$0x0], $0xffff  }
0xd3: {  	v25 =	vld.idx.msk [tilespmem:v18+s17+$0x0], $0xffff;
	_ =	sdelay $0x5  }
0xd4: {  	v24 =	vadd.f32 v25, v24;
	_ =	sdelay $0x1  }
0xd5: {  	v25 =	vmul.f32 $2.000000030e-01, v24;
	_ =	sdelay $0x1  }
0xd6: {  	v24 =	vmax.f32 v24, v25  }
0xd7: {  	v24 =	vmul.f32 $1.442695020e+00, v24;
	_ =	sdelay $0x1  }
0xd8: {  	(erf) = vpow2.f32 v24;
	_ =	sdelay $0x1  }
0xd9: {  	vm0 =	vlt.u32 v23, v19;
	_ =	sdelay $0x6  }
0xda: {  	v24 =	vpop (erf)  }
0xdb: {  	v24 =	vnsel vm0, $0x0, v24  }
0xdc: {  	[tilespmem:$0x1160] =	vst v24  }
0xdd: {  	v24 =	vld.idx.msk [tilespmem:v20+s16+$0x0], $0xffff  }
0xde: {  	v25 =	vld.idx.msk [tilespmem:v21+s17+$0x0], $0xffff;
	_ =	sdelay $0x5  }
0xdf: {  	v24 =	vadd.f32 v25, v24;
	_ =	sdelay $0x1  }
0xe0: {  	v25 =	vmul.f32 $2.000000030e-01, v24;
	_ =	sdelay $0x1  }
0xe1: {  	v24 =	vmax.f32 v24, v25  }
0xe2: {  	v24 =	vmul.f32 $1.442695020e+00, v24;
	_ =	sdelay $0x1  }
0xe3: {  	(erf) = vpow2.f32 v24  }
0xe4: {  	vm0 =	vlt.u32 v23, v22;
	_ =	sdelay $0x1  }
0xe5: {  	s23 =	sadd.s32 s22, s10;
	_ =	sdelay $0x2  }
.Ltmp0:
0xe6: {  	(pc) =	sbr.rel @p0 .LBB2_2-.Ltmp0, $3  }
0xe7: {  	_ =	sdelay $0x1  }
0xe8: {  	v23 =	vpop (erf)  }
0xe9: {  	v23 =	vnsel vm0, $0x0, v23  }
0xea: {  	[tilespmem:$0x1170] =	vst v23  }
0xeb: {  	[hbm4b:s23+s3] =	stream.linear.scatter [tilespmem:s18], [sflag:$0x1], $0x80, $0x38;
	[tilespmem:$0x1400] =	vst v63  }
0xec: {  	_ =	swait.ge [sflag:s14], $0x80  }
0xed: {  	[sflag:s14] =	ssyncset.done $0x0  }
0xee: {  	[sflag:s14] =	ssyncadd.s32 $0xFFFFFF80  }
0xef: {  	[spmem:s2] =	stream.indirect.scatter.add.f32 [tilespmem:s18], [sflag:$0x1], $0x1, s15, s15, $0xb8;
	[tilespmem:$0x1400] =	vst v63  }
0xf0: {  	_ =	swait.ge [sflag:s14], $0x80  }
0xf1: {  	s19 =	sadd.s32 $0x1, s19;
	[sflag:s14] =	ssyncset.done $0x0  }
0xf2: {  	p0 =	sne.s32 s19, s9;
	[sflag:s14] =	ssyncadd.s32 $0xFFFFFF80  }
.Ltmp1:
0xf3: {  	[bflag:$0x0] =	sbarrier.arrive $0xFFFF;
	(pc) =	sbr.rel @p0 .LBB2_1-.Ltmp1, $4  }
0xf4: {  	[hbm:s8], [sflag:s7] =	dma.local [spmem:s13], $0x50  }
0xf5: {  	_ =	swait.ge [sflag:s14], $0x50  }
0xf6: {  	[sflag:s14] =	ssyncset.done $0x0  }
0xf7: {  	[sflag:s14] =	ssyncadd.s32 $0xFFFFFFB0  }
0xf8: {  	_ =	sfence.sel $0x180000  }
0xf9: {  	[bflag:$0x0] =	sbarrier.arrive $0xFFFF  }
0xfa: {  	p0 =	sne.s32 s0, $0x0;
	_ =	strace $0x9000004D  }
0xfb: {  	s0 =	sadd.s32 @!p0 $0x100000, s1;
	[bflag:$0x2] =	sbarrier.arrive $0xFFFF  }
0xfc: {  	[sflag:s0] =	ssyncadd.tile.s32 @!p0 $0x1;
	_ =	shalt  }
.Lfunc_end2:
_tile_overlayer_lowered:
.L_overlay_start_2:
0xfd: {  	(tag) =	ssettag $0x2  }
0xfe: {  	s0 =	rddreg [dreg:$0x0];
	s2 =	stileid.u32  }
0xff: {  	s1 =	rddreg [dreg:$0x1];
	p0 =	sne.s32 s2, $0x0  }
0x100: {  	s3 =	rddreg [dreg:$0x2];
	[bflag:$0x3] =	sbarrier.arrive $0xFFFF;
	s2 =	simm.s32 @!p0 $0x1C01  }
0x101: {  	[timem:s3], [sflag:s2] =	dma.local @!p0 [hbm:s0], s1  }
0x102: {  	s0 =	simm.s32 @!p0 $0x1  }
0x103: {  	_ =	swait.ge @!p0 [sflag:s0], s1  }
0x104: {  	s1 =	ssub.s32 @!p0 $0x0, s1;
	[sflag:s0] =	ssyncset.done @!p0 $0x0  }
0x105: {  	[sflag:s0] =	ssyncadd.s32 @!p0 s1  }
0x106: {  	[bflag:$0x3] =	sbarrier.arrive $0xFFFF  }
0x107: {  	_ =	shalt  }

// kernel: kernel.24.cloned.1.call-start
scs
__scs_entry_jumppad:
0x0: {  	(pc) =	sbr.rel $0x88, $3  }
0x1: {  	(tag) =	ssettag $0x0;
	lr =	simm.s32 $0x1  }
0x2: {  	[smem:$0x3F93] =	sst lr;
	_ =	strace $0xD0000000  }
0x3: {  	_ = 	snop  }
0x4: {  	_ = 	snop  }
0x5: {  	_ = 	snop  }
0x6: {  	_ = 	snop  }
0x7: {  	_ = 	snop  }
__scs_overlays_trampoline_lowered:
0x8: {  	[smem:$0x3FA2] =	sst s0  }
0x9: {  	[smem:$0x3FA3] =	sst s1  }
0xa: {  	[smem:$0x3FA4] =	sst s2  }
0xb: {  	[smem:$0x3FA5] =	sst s3  }
0xc: {  	[smem:$0x3FA6] =	sst s4  }
0xd: {  	[smem:$0x3FA7] =	sst s5  }
0xe: {  	[smem:$0x3FA8] =	sst s6  }
0xf: {  	[smem:$0x3FA9] =	sst s7  }
0x10: {  	[smem:$0x3FAA] =	sst s8  }
0x11: {  	[smem:$0x3FAB] =	sst s9;
	s0 =	simm.s32 @!p0 $0x0  }
0x12: {  	s1 =	sld [smem:$0x3F91];
	s0 =	simm.s32 @p0 $0x1  }
0x13: {  	[smem:$0x3FAC] =	sst s0;
	s0 =	simm.s32 @!p1 $0x0  }
0x14: {  	s2 =	sld [smem:$0x3F90];
	s0 =	simm.s32 @p1 $0x1  }
0x15: {  	[smem:$0x3FAD] =	sst s0;
	s0 =	simm.s32 @!p2 $0x0  }
0x16: {  	s3 =	sld [smem:$0x3FDB];
	s0 =	simm.s32 @p2 $0x1  }
0x17: {  	s4 =	simm.s32 $0x1BF5;
	[smem:$0x3FAF] =	sst s0  }
0x18: {  	s0 =	sld [smem:$0x3F92];
	_ =	swait.ge [sflag:s4], $0x0  }
0x19: {  	s7 =	sld [smem:$0x3F93]  }
0x1a: {  	s8 =	sadd.s32 $0xFFFFE003, lr  }
0x1b: {  	s9 =	sadd.s32 $0xFFFFFEF7, lr;
	s5 =	simm.s32 $0xFFFFFFFF;
	p2 =	slt.u32 s8, $0xFFFFF086  }
0x1c: {  	p1 =	slt.u32 s9, $0xF7A;
	s5 =	simm.s32 @!p2 $0x0  }
0x1d: {  	s5 =	simm.s32 @p1 $0x1;
	p0 =	seq.s32 s7, s2  }
0x1e: {  	s7 =	smul.u32 @!p0 $0xF7A, s2;
	p2 =	seq.s32 @!p0 s5, $0x0  }
0x1f: {  	s9 =	smul.u32 $0xF7A, s1;
	s8 =	simm.s32 @!p0 $0x1BF5;
	p2 =	por !p2, p0  }
0x20: {  	[sflag:s8] =	ssyncset.s32 @!p0 $0xFFFFF086;
	s6 =	sadd.s32 @!p0 s3, s7;
	s7 =	simm.s32 @!p0 $0x108  }
0x21: {  	s3 =	sadd.s32 s3, s9;
	s6 =	sadd.s32 @!p0 $0x88, s6;
	s7 =	simm.s32 @p2 $0x1082  }
0x22: {  	[simem:s7], [sflag:s8] =	dma.local @!p0 [hbm:s6], $0xF7A  }
0x23: {  	s9 =	sor.u32 $0xD0000000, s2;
	s6 =	simm.s32 $0x108;
	_ =	swait.ge @!p0 [sflag:s8], $0x0  }
0x24: {  	s3 =	sadd.s32 $0x88, s3;
	s6 =	simm.s32 @!p1 $0x1082;
	[sflag:s4] =	ssyncset.s32 $0xFFFFF086  }
0x25: {  	[simem:s6], [sflag:s4] =	dma.local [hbm:s3], $0xF7A  }
0x26: {  	[smem:$0x3F93] =	sst s1;
	(tag) =	ssettag s2;
	_ =	strace s9  }
0x27: {  	s1 =	sld [smem:$0x3FA3]  }
0x28: {  	s2 =	sld [smem:$0x3FA4]  }
0x29: {  	s4 =	sld [smem:$0x3FA6]  }
0x2a: {  	p0 =	seq.s32 s5, $0x0;
	s5 =	sld [smem:$0x3FA7]  }
0x2b: {  	s6 =	sld [smem:$0x3FA8]  }
0x2c: {  	s7 =	sld [smem:$0x3FA9]  }
0x2d: {  	s3 =	simm.s32 $0x108;
	s8 =	sld [smem:$0x3FAA]  }
0x2e: {  	s3 =	simm.s32 @!p0 $0x1082;
	s9 =	sld [smem:$0x3FAB]  }
0x2f: {  	lr =	sadd.s32 s0, s3;
	s0 =	sld [smem:$0x3FA2]  }
0x30: {  	s3 =	sld [smem:$0x3FA5]  }
0x31: {  	[smem:$0x3FAE] =	sst s10  }
0x32: {  	s10 =	sld [smem:$0x3FAC];
	_ =	sdelay $0x3  }
0x33: {  	p0 =	seq.s32 s10, $0x1;
	s10 =	sld [smem:$0x3FAE];
	_ =	sdelay $0x3  }
0x34: {  	[smem:$0x3FAE] =	sst s10  }
0x35: {  	s10 =	sld [smem:$0x3FAD];
	_ =	sdelay $0x3  }
0x36: {  	p1 =	seq.s32 s10, $0x1;
	s10 =	sld [smem:$0x3FAE];
	_ =	sdelay $0x3  }
0x37: {  	[smem:$0x3FAE] =	sst s10  }
0x38: {  	s10 =	sld [smem:$0x3FAF]  }
0x39: {  	_ = 	snop;
	(pc) =	sbr.ind lr, $3  }
0x3a: {  	_ = 	snop  }
0x3b: {  	_ = 	snop  }
0x3c: {  	p2 =	seq.s32 s10, $0x1;
	s10 =	sld [smem:$0x3FAE]  }
0x3d: {  	_ =	shalt  }
0x3e: {  	_ =	shalt  }
0x3f: {  	_ =	shalt  }
0x40: {  	_ =	shalt  }
0x41: {  	_ =	shalt  }
0x42: {  	_ =	shalt  }
0x43: {  	_ =	shalt  }
0x44: {  	_ =	shalt  }
0x45: {  	_ =	shalt  }
0x46: {  	_ =	shalt  }
0x47: {  	_ =	shalt  }
0x48: {  	_ =	shalt  }
0x49: {  	_ =	shalt  }
0x4a: {  	_ =	shalt  }
0x4b: {  	_ =	shalt  }
0x4c: {  	_ =	shalt  }
0x4d: {  	_ =	shalt  }
0x4e: {  	_ =	shalt  }
0x4f: {  	_ =	shalt  }
0x50: {  	_ =	shalt  }
0x51: {  	_ =	shalt  }
0x52: {  	_ =	shalt  }
0x53: {  	_ =	shalt  }
0x54: {  	_ =	shalt  }
0x55: {  	_ =	shalt  }
0x56: {  	_ =	shalt  }
0x57: {  	_ =	shalt  }
0x58: {  	_ =	shalt  }
0x59: {  	_ =	shalt  }
0x5a: {  	_ =	shalt  }
0x5b: {  	_ =	shalt  }
0x5c: {  	_ =	shalt  }
0x5d: {  	_ =	shalt  }
0x5e: {  	_ =	shalt  }
0x5f: {  	_ =	shalt  }
0x60: {  	_ =	shalt  }
0x61: {  	_ =	shalt  }
0x62: {  	_ =	shalt  }
0x63: {  	_ =	shalt  }
0x64: {  	_ =	shalt  }
0x65: {  	_ =	shalt  }
0x66: {  	_ =	shalt  }
0x67: {  	_ =	shalt  }
0x68: {  	_ =	shalt  }
0x69: {  	_ =	shalt  }
0x6a: {  	_ =	shalt  }
0x6b: {  	_ =	shalt  }
0x6c: {  	_ =	shalt  }
0x6d: {  	_ =	shalt  }
0x6e: {  	_ =	shalt  }
0x6f: {  	_ =	shalt  }
0x70: {  	_ =	shalt  }
0x71: {  	_ =	shalt  }
0x72: {  	_ =	shalt  }
0x73: {  	_ =	shalt  }
0x74: {  	_ =	shalt  }
0x75: {  	_ =	shalt  }
0x76: {  	_ =	shalt  }
0x77: {  	_ =	shalt  }
0x78: {  	_ =	shalt  }
0x79: {  	_ =	shalt  }
0x7a: {  	_ =	shalt  }
0x7b: {  	_ =	shalt  }
0x7c: {  	_ =	shalt  }
0x7d: {  	_ =	shalt  }
0x7e: {  	_ =	shalt  }
0x7f: {  	_ =	shalt  }
0x80: {  	_ =	shalt  }
0x81: {  	_ =	shalt  }
0x82: {  	_ =	shalt  }
0x83: {  	_ =	shalt  }
0x84: {  	_ =	shalt  }
0x85: {  	_ =	shalt  }
0x86: {  	_ =	shalt  }
0x87: {  	_ =	shalt  }
.Lfunc_end0:
.L_simem_size_0:
called_computation.3_lowered:
.L_overlay_start_0:
0x88: {  	s2 =	sld [smem:$0x3FD9]  }
0x89: {  	s3 =	sld [smem:$0x3FFE];
	_ =	sdelay $0x1  }
0x8a: {  	s1 =	srdreg.scid  }
0x8b: {  	s0 =	sand.u32 $0x1, s1  }
0x8c: {  	s17 =	sshll.u32 s0, $0xA;
	s2 =	sadd.s32 s3, s2  }
0x8d: {  	s2 =	sadd.s32 s2, s17  }
0x8e: {  	[smem:$0x3FBA] =	sst s2  }
0x8f: {  	_ = 	snop  }
0x90: {  	s2 =	sld [smem:$0x3FD0];
	(tm) =	ssettm $0x1  }
0x91: {  	s18 =	sld [smem:$0x3FFB];
	_ =	sdelay $0x3  }
0x92: {  	_ =	strace s18  }
0x93: {  	s3 =	sld [smem:$0x3FFC];
	_ =	sdelay $0x3  }
0x94: {  	_ =	strace s3  }
0x95: {  	s3 =	sld [smem:$0x3FFD];
	_ =	sdelay $0x3  }
0x96: {  	_ =	strace s3  }
0x97: {  	_ =	strace $0x8FFFFFFF  }
0x98: {  	s19 =	sld [smem:$0x3FDB];
	_ =	sdelay $0x1  }
0x99: {  	s4 =	simm.s32 $_scs_section_size  }
0x9a: {  	s5 =	simm.s32 $_size__tile_overlayer_lowered;
	s6 =	simm.s32 $_tile_overlayer_lowered  }
0x9b: {  	s22 =	simm.s32 $0x1BFF;
	s21 =	sshll.u32 s6, $0x1;
	s3 =	sadd.s32 s4, s19  }
0x9c: {  	s7 =	simm.s32 $0x0;
	s20 =	sshll.u32 s5, $0x1;
	s5 =	sadd.s32 s21, s3  }
0x9d: {  	[timem:s7], [sflag:s22] =	dma.local [hbm:s5], s20  }
0x9e: {  	_ =	swait.ge [sflag:s22], s20  }
0x9f: {  	s4 =	ssub.s32 $0x0, s20;
	[sflag:s22] =	ssyncset.done $0x0  }
0xa0: {  	[sflag:s22] =	ssyncadd.s32 s4;
	_ =	sdelay $0x1  }
0xa1: {  	s23 =	simm.s32 $0x1B8B  }
0xa2: {  	_ =	swait.ge [sflag:s23], $0x1  }
0xa3: {  	[sflag:s23] =	ssyncset.done $0x0  }
0xa4: {  	s25 =	simm.s32 $0x1B8E;
	s24 =	sld [smem:$0x3FFE];
	[sflag:s23] =	ssyncadd.s32 $0xFFFFFFFF  }
0xa5: {  	s26 =	simm.s32 $execute0_lowered;
	[smem:$0x3FD2] =	sst s25  }
0xa6: {  	s5 =	sshll.u32 s26, $0x1;
	_ =	strace $0x8000004F;
	[dreg:$0x1] =	wrdreg $0xFFFFFFFF  }
0xa7: {  	s28 =	simm.s32 $_size_execute0_lowered;
	s3 =	sadd.s32 s3, s5;
	[dreg:$0x0] =	wrdreg $0x0  }
0xa8: {  	s5 =	sshll.u32 s28, $0x1;
	[dreg:$0x2] =	wrdreg s3  }
0xa9: {  	[dreg:$0x3] =	wrdreg s5  }
0xaa: {  	[dreg:$0x4] =	wrdreg $0xC0  }
0xab: {  	_ =	task [dreg:s7], $0x5FFFF  }
0xac: {  	[dreg:$0x1] =	wrdreg $0xFFFFFFFF  }
0xad: {  	[dreg:$0x0] =	wrdreg $0x60  }
0xae: {  	[dreg:$0x2] =	wrdreg s2  }
0xaf: {  	[dreg:$0x3] =	wrdreg s24  }
0xb0: {  	[dreg:$0x4] =	wrdreg $0x41800  }
0xb1: {  	[dreg:$0x5] =	wrdreg $0x9  }
0xb2: {  	_ =	task.clear_ibuf [dreg:s7], $0x6FFFF;
	_ =	strace $0x9000004F  }
0xb3: {  	s29 =	simm.s32 $0x9;
	_ =	strace $0x80000051  }
0xb4: {  	_ =	swait.ge [sflag:s29], $0x1  }
0xb5: {  	[sflag:s29] =	ssyncadd.s32 $0xFFFFFFFF  }
0xb6: {  	_ =	strace $0x90000051  }
0xb7: {  	_ =	sfence  }
0xb8: {  	s30 =	sld [smem:$0x0];
	_ =	sdelay $0x2  }
0xb9: {  	s31 =	sshll.u32 s1, $0xD;
	s1 =	sshrl.u32 s1, $0x2  }
0xba: {  	s3 =	sand.u32 $0x4000, s31;
	s1 =	sadd.s32 s1, s30  }
0xbb: {  	s0 =	sor.u32 s3, s0;
	s1 =	sshll.u32 s1, $0x11  }
0xbc: {  	s0 =	sor.u32 s1, s0  }
0xbd: {  	s0 =	sadd.s32 $0x8F2B, s0  }
0xbe: {  	[sflag:s0] =	ssyncadd.remote.s32 $0x1  }
0xbf: {  	_ =	sfence.sel $0xFFFF  }
0xc0: {  	[dreg:$0x0] =	wrdreg $0xFFFFFFFF;
	(pc) =	sbr.abs _section_cstart, $3  }
0xc1: {  	[dreg:$0x1] =	wrdreg $0xFFFFFFFF  }
0xc2: {  	_ =	task.clear_ibuf [dreg:s7], $0x2FFFF;
	_ =	strace $0x9FFFFFFF  }
0xc3: {  	(tm) =	ssettm $0x7FFFFFFF  }
tec
execute0_lowered:
.L_overlay_start_1:
0x0: {  	(tag) =	ssettag $0x1  }
0x1: {  	s1 =	rddreg [dreg:$0x0]  }
0x2: {  	s9 =	rddreg [dreg:$0x1]  }
0x3: {  	s3 =	rddreg [dreg:$0x2]  }
0x4: {  	s0 =	rddreg [dreg:$0x3];
	s5 =	srdreg.scid  }
0x5: {  	s2 =	stileid.u32;
	s4 =	simm.s32 $0x0;
	s15 =	simm.s32 $0x80  }
0x6: {  	s16 =	simm.s32 $0x100;
	s17 =	simm.s32 $0x4100;
	s10 =	sand.u32 $0x1, s5  }
0x7: {  	s11 =	smul.u32 $0x14000, s2;
	[smem:$0x7FF] =	sst s4;
	s5 =	sadd.s32 $0x30400, s9  }
0x8: {  	s6 =	sadd.s32 $0x3400, s9;
	s7 =	sadd.s32 $0x3F600, s9;
	s31 =	sshll.u32 s2, $0x6  }
0x9: {  	s8 =	smul.u32 $0x140000, s10;
	s13 =	ssub.s32 $0x2, s10;
	s29 =	sshll.u32 s10, $0x4  }
0xa: {  	_ =	strace $0x80000050;
	s14 =	sshrl.u32 s13, $0x1;
	s10 =	sor.u32 s2, s29  }
0xb: {  	s30 =	sadd.s32 s11, s3;
	s12 =	sadd.s32 s11, s8;
	s8 =	sadd.s32 $0x2B400, s9  }
0xc: {  	s13 =	ssub.s32 s13, s14;
	s10 =	smul.u32 $0x2880, s10;
	s12 =	sshrl.u32 s12, $0x3  }
0xd: {  	s14 =	simm.s32 $0x1;
	s12 =	sadd.s32 s12, s9;
	s9 =	sor.u32 $0x1C01, s31  }
0xe: {  	s11 =	sadd.s32 $0x49800, s12;
	s12 =	smax.u32 s13, $0x1;
	s13 =	sshrl.u32 s30, $0x3  }
.LBB2_1:
0xf: {  	[spmem:s13], [sflag:s9] =	dma.local [hbm:s8], $0x2800  }
0x10: {  	_ =	swait.ge [sflag:s14], $0x2800  }
0x11: {  	[sflag:s14] =	ssyncset.done $0x0  }
0x12: {  	[sflag:s14] =	ssyncadd.s32 $0xFFFFD800  }
0x13: {  	s18 =	simm.s32 $0x0;
	[bflag:$0x0] =	sbarrier.arrive $0xFFFF  }
.LBB2_2:
0x14: {  	s19 =	sshll.u32 s18, $0x7  }
0x15: {  	s19 =	sadd.s32 s10, s19  }
0x16: {  	s19 =	sshrl.u32 s19, $0x3  }
0x17: {  	s20 =	simm.s32 $0x0;
	s21 =	sadd.s32 s1, s19  }
0x18: {  	[tilespmem:s20], [sflag:$0x1] =	stream.linear.gather [hbm4b:s21+s20], $0x80, $0x38;
	[tilespmem:$0x18180] =	vst v63  }
0x19: {  	_ =	swait.ge [sflag:s14], $0x80  }
0x1a: {  	[sflag:s14] =	ssyncset.done $0x0  }
0x1b: {  	s29 =	sadd.s32 s5, s19;
	[sflag:s14] =	ssyncadd.s32 $0xFFFFFF80  }
0x1c: {  	[tilespmem:s15], [sflag:$0x1] =	stream.linear.gather [hbm4b:s29+s20], $0x80, $0x38;
	[tilespmem:$0x18180] =	vst v63  }
0x1d: {  	_ =	swait.ge [sflag:s14], $0x80  }
0x1e: {  	[sflag:s14] =	ssyncset.done $0x0  }
0x1f: {  	[sflag:s14] =	ssyncadd.s32 $0xFFFFFF80  }
0x20: {  	[tilespmem:s16], [sflag:$0x1] =	stream.indirect.gather [hbm4b:s6+s15], $0x80, s20, s15, $0xb8;
	[tilespmem:$0x18180] =	vst v63  }
0x21: {  	v0 =	vmov s20;
	_ =	swait.ge [sflag:s14], $0x4000  }
0x22: {  	v0 =	vand.u32 $0xFFFFFFFC, v0;
	[sflag:s14] =	ssyncset.done $0x0  }
0x23: {  	s19 =	sadd.s32 s7, s19;
	v0 =	vbroadcast v0, $0x0;
	[sflag:s14] =	ssyncadd.s32 $0xFFFFC000  }
0x24: {  	[tilespmem:s17], [sflag:$0x1] =	stream.linear.gather [hbm4b:s19+s20], $0x80, $0x38;
	[tilespmem:$0x18180] =	vst v63  }
0x25: {  	_ =	swait.ge [sflag:s14], $0x80  }
0x26: {  	[sflag:s14] =	ssyncset.done $0x0  }
0x27: {  	s19 =	simm.s32 $0x200;
	[sflag:s14] =	ssyncadd.s32 $0xFFFFFF80  }
0x28: {  	v1 =	vld [tilespmem:s19+$0xFFFFFF70]  }
0x29: {  	v0 =	vld.idx.msk [tilespmem:v0+s17+$0x0], $0xffff  }
0x2a: {  	v2 =	vld [tilespmem:s19+$0xFFFFFF00]  }
0x2b: {  	v3 =	vld [tilespmem:s19+$0xFFFFFF20]  }
0x2c: {  	v4 =	vld [tilespmem:s19+$0xFFFFFF50]  }
0x2d: {  	v5 =	vld [tilespmem:s19+$0xFFFFFF40]  }
0x2e: {  	v6 =	vld [tilespmem:s19+$0xFFFFFF60];
	v1 =	vmul.f32 v1, v0  }
0x2f: {  	s30 =	simm.s32 $0x1;
	v7 =	vld [tilespmem:s19+$0xFFFFFF30];
	v2 =	vmul.f32 v2, v0  }
0x30: {  	v8 =	vld [tilespmem:s19+$0xFFFFFF10];
	v3 =	vmul.f32 v3, v0;
	[tilespmem:s19+$0xFFFFFF70] =	vst v1;
	v1 =	vmov s30  }
0x31: {  	v4 =	vmul.f32 v4, v0;
	[tilespmem:s19+$0xFFFFFF00] =	vst v2;
	v1 =	vand.u32 $0xFFFFFFFD, v1  }
0x32: {  	v2 =	vmul.f32 v5, v0;
	[tilespmem:s19+$0xFFFFFF20] =	vst v3;
	v1 =	vbroadcast v1, $0x0  }
0x33: {  	v3 =	vmul.f32 v6, v0;
	[tilespmem:s19+$0xFFFFFF50] =	vst v4  }
0x34: {  	v4 =	vmul.f32 v7, v0;
	[tilespmem:s19+$0xFFFFFF40] =	vst v2  }
0x35: {  	v0 =	vmul.f32 v8, v0;
	[tilespmem:s19+$0xFFFFFF60] =	vst v3  }
0x36: {  	[tilespmem:s19+$0xFFFFFF30] =	vst v4  }
0x37: {  	[tilespmem:s19+$0xFFFFFF10] =	vst v0;
	v0 =	vld [tilespmem:s19+$0xFFFFFF90]  }
0x38: {  	v2 =	vld.idx.msk [tilespmem:v1+s17+$0x0], $0xffff  }
0x39: {  	v1 =	vld [tilespmem:s19+$0xFFFFFFA0]  }
0x3a: {  	v3 =	vld [tilespmem:s19+$0xFFFFFF80]  }
0x3b: {  	v4 =	vld [tilespmem:s19+$0xFFFFFFB0]  }
0x3c: {  	v5 =	vld [tilespmem:s19+$0xFFFFFFC0]  }
0x3d: {  	v6 =	vld [tilespmem:s19+$0xFFFFFFD0];
	v0 =	vmul.f32 v0, v2  }
0x3e: {  	s31 =	simm.s32 $0x2;
	v7 =	vld [tilespmem:s19+$0xFFFFFFF0];
	v1 =	vmul.f32 v1, v2  }
0x3f: {  	v8 =	vld [tilespmem:s19+$0xFFFFFFE0];
	v3 =	vmul.f32 v3, v2;
	[tilespmem:s19+$0xFFFFFF90] =	vst v0;
	v0 =	vmov s31  }
0x40: {  	v4 =	vmul.f32 v4, v2;
	[tilespmem:s19+$0xFFFFFFA0] =	vst v1;
	v0 =	vand.u32 $0xFFFFFFFE, v0  }
0x41: {  	v1 =	vmul.f32 v5, v2;
	[tilespmem:s19+$0xFFFFFF80] =	vst v3;
	v5 =	vld [tilespmem:s19+$0x60];
	v9 =	vbroadcast v0, $0x0  }
0x42: {  	v3 =	vmul.f32 v6, v2;
	[tilespmem:s19+$0xFFFFFFB0] =	vst v4;
	v6 =	vld [tilespmem:s19+$0x0]  }
0x43: {  	v4 =	vmul.f32 v7, v2;
	v0 =	vld [tilespmem:s19+$0x20];
	[tilespmem:s19+$0xFFFFFFC0] =	vst v1  }
0x44: {  	v2 =	vmul.f32 v8, v2;
	v1 =	vld [tilespmem:s19+$0x30];
	[tilespmem:s19+$0xFFFFFFD0] =	vst v3  }
0x45: {  	[tilespmem:s19+$0xFFFFFFF0] =	vst v4;
	v3 =	vld [tilespmem:s19+$0x40]  }
0x46: {  	[tilespmem:s19+$0xFFFFFFE0] =	vst v2;
	v4 =	vld [tilespmem:s19+$0x10]  }
0x47: {  	s22 =	simm.s32 $0x200;
	s21 =	simm.s32 $0x4;
	v2 =	vld.idx.msk [tilespmem:v9+s17+$0x0], $0xffff  }
.LBB2_3:
0x48: {  	p0 =	slt.u32 s21, $0x7C  }
0x49: {  	v7 =	vld [tilespmem:s19+$0x50];
	s22 =	sadd.s32 $0x200, s22;
	s23 =	smov.u32 s21;
	s21 =	sadd.s32 $0x4, s21  }
0x4a: {  	v8 =	vld [tilespmem:s19+$0x70];
	_ =	sdelay $0x1  }
0x4b: {  	v5 =	vmul.f32 v5, v2;
	v6 =	vmul.f32 v6, v2  }
0x4c: {  	v3 =	vmul.f32 v3, v2;
	v4 =	vmul.f32 v4, v2  }
0x4d: {  	v0 =	vmul.f32 v0, v2;
	v1 =	vmul.f32 v1, v2;
	[tilespmem:s19+$0x60] =	vst v5  }
0x4e: {  	[tilespmem:s19+$0x40] =	vst v3;
	v3 =	vmul.f32 v7, v2;
	v2 =	vmul.f32 v8, v2  }
0x4f: {  	s24 =	sadd.s32 $0x3, s20;
	s20 =	smov.u32 s23;
	[tilespmem:s19+$0x20] =	vst v0;
	v5 =	vld [tilespmem:s19+$0x80]  }
0x50: {  	v0 =	vld [tilespmem:s22+$0x20];
	[tilespmem:s19+$0x0] =	vst v6;
	v6 =	vmov s24  }
0x51: {  	[tilespmem:s19+$0x50] =	vst v3;
	v3 =	vld [tilespmem:s19+$0xE0]  }
0x52: {  	[tilespmem:s19+$0x30] =	vst v1;
	v7 =	vld [tilespmem:s19+$0xC0]  }
0x53: {  	v1 =	vld [tilespmem:s22+$0x30];
	[tilespmem:s19+$0x10] =	vst v4  }
0x54: {  	[tilespmem:s19+$0x70] =	vst v2;
	v2 =	vld [tilespmem:s19+$0xA0]  }
0x55: {  	v4 =	vld.idx.msk [tilespmem:v6+s17+$0x0], $0xffff  }
0x56: {  	v6 =	vld [tilespmem:s19+$0x90]  }
0x57: {  	v8 =	vld [tilespmem:s19+$0xB0]  }
0x58: {  	v9 =	vld [tilespmem:s19+$0xD0]  }
0x59: {  	v10 =	vld [tilespmem:s19+$0xF0];
	_ =	sdelay $0x1  }
0x5a: {  	v5 =	vmul.f32 v5, v4;
	v6 =	vmul.f32 v6, v4  }
0x5b: {  	v2 =	vmul.f32 v2, v4;
	v8 =	vmul.f32 v8, v4  }
0x5c: {  	v11 =	vmov s20;
	[tilespmem:s19+$0x80] =	vst v5;
	v5 =	vmul.f32 v7, v4;
	v7 =	vmul.f32 v9, v4  }
0x5d: {  	v9 =	vand.u32 $0xFFFFFFFC, v11;
	[tilespmem:s19+$0xA0] =	vst v2;
	v2 =	vmul.f32 v3, v4;
	v3 =	vmul.f32 v10, v4  }
0x5e: {  	v4 =	vbroadcast v9, $0x0;
	[tilespmem:s19+$0xC0] =	vst v5  }
0x5f: {  	[tilespmem:s19+$0xF0] =	vst v3  }
0x60: {  	v3 =	vld [tilespmem:s22+$0xFFFFFF40];
	[tilespmem:s19+$0xE0] =	vst v2  }
0x61: {  	v2 =	vld [tilespmem:s22+$0xFFFFFF50];
	[tilespmem:s19+$0x90] =	vst v6  }
0x62: {  	v5 =	vld [tilespmem:s22+$0xFFFFFF60];
	[tilespmem:s19+$0xB0] =	vst v8  }
0x63: {  	v6 =	vld [tilespmem:s22+$0xFFFFFF70];
	[tilespmem:s19+$0xD0] =	vst v7;
	s19 =	smov.u32 s22  }
0x64: {  	v4 =	vld.idx.msk [tilespmem:v4+s17+$0x0], $0xffff  }
0x65: {  	v7 =	vld [tilespmem:s22+$0xFFFFFF00]  }
0x66: {  	v8 =	vld [tilespmem:s22+$0xFFFFFF20]  }
0x67: {  	v9 =	vld [tilespmem:s22+$0xFFFFFF10]  }
0x68: {  	v10 =	vld [tilespmem:s22+$0xFFFFFF30];
	_ =	sdelay $0x1  }
0x69: {  	v6 =	vmul.f32 v6, v4;
	v7 =	vmul.f32 v7, v4  }
0x6a: {  	s23 =	sadd.s32 $0x1, s20;
	v5 =	vmul.f32 v5, v4;
	v8 =	vmul.f32 v8, v4  }
0x6b: {  	v2 =	vmul.f32 v2, v4;
	v9 =	vmul.f32 v9, v4;
	[tilespmem:s22+$0xFFFFFF70] =	vst v6;
	v6 =	vmov s23  }
0x6c: {  	v3 =	vmul.f32 v3, v4;
	[tilespmem:s22+$0xFFFFFF00] =	vst v7;
	v7 =	vmul.f32 v10, v4;
	v4 =	vand.u32 $0xFFFFFFFD, v6  }
0x6d: {  	[tilespmem:s22+$0xFFFFFF20] =	vst v8;
	v4 =	vbroadcast v4, $0x0  }
0x6e: {  	[tilespmem:s22+$0xFFFFFF50] =	vst v2  }
0x6f: {  	[tilespmem:s22+$0xFFFFFF40] =	vst v3;
	v2 =	vld [tilespmem:s22+$0xFFFFFFF0]  }
0x70: {  	[tilespmem:s22+$0xFFFFFF60] =	vst v5;
	v3 =	vld [tilespmem:s22+$0xFFFFFFC0]  }
0x71: {  	[tilespmem:s22+$0xFFFFFF30] =	vst v7;
	v5 =	vld [tilespmem:s22+$0xFFFFFFD0]  }
0x72: {  	[tilespmem:s22+$0xFFFFFF10] =	vst v9;
	v6 =	vld [tilespmem:s22+$0xFFFFFF90]  }
0x73: {  	v4 =	vld.idx.msk [tilespmem:v4+s17+$0x0], $0xffff  }
0x74: {  	v7 =	vld [tilespmem:s22+$0xFFFFFF80]  }
0x75: {  	v8 =	vld [tilespmem:s22+$0xFFFFFFA0]  }
0x76: {  	v9 =	vld [tilespmem:s22+$0xFFFFFFB0]  }
0x77: {  	v10 =	vld [tilespmem:s22+$0xFFFFFFE0];
	_ =	sdelay $0x1  }
0x78: {  	v6 =	vmul.f32 v6, v4;
	v7 =	vmul.f32 v7, v4  }
0x79: {  	s23 =	sadd.s32 $0x2, s20;
	v5 =	vmul.f32 v5, v4;
	v8 =	vmul.f32 v8, v4  }
0x7a: {  	v3 =	vmul.f32 v3, v4;
	[tilespmem:s22+$0xFFFFFF90] =	vst v6;
	v6 =	vmul.f32 v9, v4;
	v9 =	vmov s23  }
0x7b: {  	v2 =	vmul.f32 v2, v4;
	[tilespmem:s22+$0xFFFFFFA0] =	vst v8;
	v8 =	vmul.f32 v10, v4;
	v4 =	vand.u32 $0xFFFFFFFE, v9  }
0x7c: {  	[tilespmem:s22+$0xFFFFFF80] =	vst v7;
	v4 =	vbroadcast v4, $0x0  }
0x7d: {  	[tilespmem:s22+$0xFFFFFFB0] =	vst v6  }
0x7e: {  	[tilespmem:s22+$0xFFFFFFC0] =	vst v3  }
0x7f: {  	[tilespmem:s22+$0xFFFFFFD0] =	vst v5  }
.Ltmp0:
0x80: {  	[tilespmem:s22+$0xFFFFFFF0] =	vst v2;
	v3 =	vld [tilespmem:s22+$0x40];
	(pc) =	sbr.rel @p0 .LBB2_3-.Ltmp0, $4  }
0x81: {  	[tilespmem:s22+$0xFFFFFFE0] =	vst v8;
	v5 =	vld [tilespmem:s22+$0x60]  }
0x82: {  	v2 =	vld.idx.msk [tilespmem:v4+s17+$0x0], $0xffff  }
0x83: {  	v6 =	vld [tilespmem:s22+$0x0]  }
0x84: {  	v4 =	vld [tilespmem:s22+$0x10]  }
0x85: {  	_ =	sdelay $0x1  }
0x86: {  	v5 =	vmul.f32 v5, v2  }
0x87: {  	v7 =	vld [tilespmem:s19+$0x50];
	v3 =	vmul.f32 v3, v2  }
0x88: {  	v8 =	vld [tilespmem:s19+$0x70];
	v0 =	vmul.f32 v0, v2;
	[tilespmem:s19+$0x60] =	vst v5  }
0x89: {  	v48 =	vmul.f32 v1, v2;
	[tilespmem:s19+$0x40] =	vst v3  }
0x8a: {  	s20 =	sadd.s32 $0x3, s20;
	v46 =	vmul.f32 v6, v2;
	[tilespmem:s19+$0x20] =	vst v0  }
0x8b: {  	v50 =	vmov s20;
	v4 =	vmul.f32 v4, v2;
	[tilespmem:s19+$0x30] =	vst v48  }
0x8c: {  	v47 =	vmul.f32 v7, v2;
	[tilespmem:s19+$0x0] =	vst v46  }
0x8d: {  	v51 =	vmul.f32 v8, v2;
	[tilespmem:s19+$0x10] =	vst v4  }
0x8e: {  	[tilespmem:s19+$0x50] =	vst v47  }
0x8f: {  	v49 =	vld [tilespmem:s19+$0x80];
	[tilespmem:s19+$0x70] =	vst v51  }
0x90: {  	v0 =	vld.idx.msk [tilespmem:v50+s17+$0x0], $0xffff  }
0x91: {  	v52 =	vld [tilespmem:s19+$0xA0]  }
0x92: {  	v53 =	vld [tilespmem:s19+$0xC0]  }
0x93: {  	v54 =	vld [tilespmem:s19+$0xF0]  }
0x94: {  	v55 =	vld [tilespmem:s19+$0xE0]  }
0x95: {  	v56 =	vld [tilespmem:s19+$0x90];
	v1 =	vmul.f32 v49, v0  }
0x96: {  	v57 =	vld [tilespmem:s19+$0xB0];
	v2 =	vmul.f32 v52, v0  }
0x97: {  	v58 =	vld [tilespmem:s19+$0xD0];
	v59 =	vmul.f32 v53, v0;
	[tilespmem:s19+$0x80] =	vst v1  }
0x98: {  	v60 =	vmul.f32 v54, v0;
	[tilespmem:s19+$0xA0] =	vst v2  }
0x99: {  	v61 =	vmul.f32 v55, v0;
	[tilespmem:s19+$0xC0] =	vst v59  }
0x9a: {  	v62 =	vmul.f32 v56, v0;
	[tilespmem:s19+$0xF0] =	vst v60  }
0x9b: {  	v63 =	vmul.f32 v57, v0;
	[tilespmem:s19+$0xE0] =	vst v61  }
0x9c: {  	s18 =	sadd.s32 $0x1, s18;
	v0 =	vmul.f32 v58, v0;
	[tilespmem:s19+$0x90] =	vst v62  }
0x9d: {  	p0 =	sne.s32 s18, $0x51;
	[tilespmem:s19+$0xB0] =	vst v63  }
.Ltmp1:
0x9e: {  	[tilespmem:s19+$0xD0] =	vst v0;
	(pc) =	sbr.rel @p0 .LBB2_2-.Ltmp1, $4  }
0x9f: {  	[spmem:s3] =	stream.indirect.scatter.add.f32 [tilespmem:s16], [sflag:$0x1], $0x80, s15, s15, $0xb8;
	[tilespmem:$0x18180] =	vst v63  }
0xa0: {  	_ =	swait.ge [sflag:s14], $0x4000  }
0xa1: {  	[sflag:s14] =	ssyncset.done $0x0  }
0xa2: {  	[sflag:s14] =	ssyncadd.s32 $0xFFFFC000  }
0xa3: {  	s4 =	sadd.s32 $0x1, s4  }
0xa4: {  	p0 =	sne.s32 s4, s12  }
.Ltmp2:
0xa5: {  	[bflag:$0x0] =	sbarrier.arrive $0xFFFF;
	(pc) =	sbr.rel @p0 .LBB2_1-.Ltmp2, $4  }
0xa6: {  	[hbm:s11], [sflag:s9] =	dma.local [spmem:s13], $0x2800  }
0xa7: {  	_ =	swait.ge [sflag:s14], $0x2800  }
0xa8: {  	[sflag:s14] =	ssyncset.done $0x0  }
0xa9: {  	[sflag:s14] =	ssyncadd.s32 $0xFFFFD800  }
0xaa: {  	_ =	sfence.sel $0x180000  }
0xab: {  	[bflag:$0x0] =	sbarrier.arrive $0xFFFF  }
0xac: {  	p0 =	sne.s32 s2, $0x0;
	_ =	strace $0x90000050  }
0xad: {  	s0 =	sadd.s32 @!p0 $0x100000, s0;
	[bflag:$0x2] =	sbarrier.arrive $0xFFFF  }
0xae: {  	[sflag:s0] =	ssyncadd.tile.s32 @!p0 $0x1;
	_ =	shalt  }
.Lfunc_end2:
_tile_overlayer_lowered:
.L_overlay_start_2:
0xaf: {  	(tag) =	ssettag $0x2  }
0xb0: {  	s0 =	rddreg [dreg:$0x0];
	s2 =	stileid.u32  }
0xb1: {  	s1 =	rddreg [dreg:$0x1];
	p0 =	sne.s32 s2, $0x0  }
0xb2: {  	s3 =	rddreg [dreg:$0x2];
	[bflag:$0x3] =	sbarrier.arrive $0xFFFF;
	s2 =	simm.s32 @!p0 $0x1C01  }
0xb3: {  	[timem:s3], [sflag:s2] =	dma.local @!p0 [hbm:s0], s1  }
0xb4: {  	s0 =	simm.s32 @!p0 $0x1  }
0xb5: {  	_ =	swait.ge @!p0 [sflag:s0], s1  }
0xb6: {  	s1 =	ssub.s32 @!p0 $0x0, s1;
	[sflag:s0] =	ssyncset.done @!p0 $0x0  }
0xb7: {  	[sflag:s0] =	ssyncadd.s32 @!p0 s1  }
0xb8: {  	[bflag:$0x3] =	sbarrier.arrive $0xFFFF  }
0xb9: {  	_ =	shalt  }

// kernel: kernel.27.cloned.1.call-start
scs
__scs_entry_jumppad:
0x0: {  	(pc) =	sbr.rel $0x88, $3  }
0x1: {  	(tag) =	ssettag $0x0;
	lr =	simm.s32 $0x1  }
0x2: {  	[smem:$0x3F93] =	sst lr;
	_ =	strace $0xD0000000  }
0x3: {  	_ = 	snop  }
0x4: {  	_ = 	snop  }
0x5: {  	_ = 	snop  }
0x6: {  	_ = 	snop  }
0x7: {  	_ = 	snop  }
__scs_overlays_trampoline_lowered:
0x8: {  	[smem:$0x3FA2] =	sst s0  }
0x9: {  	[smem:$0x3FA3] =	sst s1  }
0xa: {  	[smem:$0x3FA4] =	sst s2  }
0xb: {  	[smem:$0x3FA5] =	sst s3  }
0xc: {  	[smem:$0x3FA6] =	sst s4  }
0xd: {  	[smem:$0x3FA7] =	sst s5  }
0xe: {  	[smem:$0x3FA8] =	sst s6  }
0xf: {  	[smem:$0x3FA9] =	sst s7  }
0x10: {  	[smem:$0x3FAA] =	sst s8  }
0x11: {  	[smem:$0x3FAB] =	sst s9;
	s0 =	simm.s32 @!p0 $0x0  }
0x12: {  	s1 =	sld [smem:$0x3F91];
	s0 =	simm.s32 @p0 $0x1  }
0x13: {  	[smem:$0x3FAC] =	sst s0;
	s0 =	simm.s32 @!p1 $0x0  }
0x14: {  	s2 =	sld [smem:$0x3F90];
	s0 =	simm.s32 @p1 $0x1  }
0x15: {  	[smem:$0x3FAD] =	sst s0;
	s0 =	simm.s32 @!p2 $0x0  }
0x16: {  	s3 =	sld [smem:$0x3FDB];
	s0 =	simm.s32 @p2 $0x1  }
0x17: {  	s4 =	simm.s32 $0x1BF5;
	[smem:$0x3FAF] =	sst s0  }
0x18: {  	s0 =	sld [smem:$0x3F92];
	_ =	swait.ge [sflag:s4], $0x0  }
0x19: {  	s7 =	sld [smem:$0x3F93]  }
0x1a: {  	s8 =	sadd.s32 $0xFFFFE003, lr  }
0x1b: {  	s9 =	sadd.s32 $0xFFFFFEF7, lr;
	s5 =	simm.s32 $0xFFFFFFFF;
	p2 =	slt.u32 s8, $0xFFFFF086  }
0x1c: {  	p1 =	slt.u32 s9, $0xF7A;
	s5 =	simm.s32 @!p2 $0x0  }
0x1d: {  	s5 =	simm.s32 @p1 $0x1;
	p0 =	seq.s32 s7, s2  }
0x1e: {  	s7 =	smul.u32 @!p0 $0xF7A, s2;
	p2 =	seq.s32 @!p0 s5, $0x0  }
0x1f: {  	s9 =	smul.u32 $0xF7A, s1;
	s8 =	simm.s32 @!p0 $0x1BF5;
	p2 =	por !p2, p0  }
0x20: {  	[sflag:s8] =	ssyncset.s32 @!p0 $0xFFFFF086;
	s6 =	sadd.s32 @!p0 s3, s7;
	s7 =	simm.s32 @!p0 $0x108  }
0x21: {  	s3 =	sadd.s32 s3, s9;
	s6 =	sadd.s32 @!p0 $0x88, s6;
	s7 =	simm.s32 @p2 $0x1082  }
0x22: {  	[simem:s7], [sflag:s8] =	dma.local @!p0 [hbm:s6], $0xF7A  }
0x23: {  	s9 =	sor.u32 $0xD0000000, s2;
	s6 =	simm.s32 $0x108;
	_ =	swait.ge @!p0 [sflag:s8], $0x0  }
0x24: {  	s3 =	sadd.s32 $0x88, s3;
	s6 =	simm.s32 @!p1 $0x1082;
	[sflag:s4] =	ssyncset.s32 $0xFFFFF086  }
0x25: {  	[simem:s6], [sflag:s4] =	dma.local [hbm:s3], $0xF7A  }
0x26: {  	[smem:$0x3F93] =	sst s1;
	(tag) =	ssettag s2;
	_ =	strace s9  }
0x27: {  	s1 =	sld [smem:$0x3FA3]  }
0x28: {  	s2 =	sld [smem:$0x3FA4]  }
0x29: {  	s4 =	sld [smem:$0x3FA6]  }
0x2a: {  	p0 =	seq.s32 s5, $0x0;
	s5 =	sld [smem:$0x3FA7]  }
0x2b: {  	s6 =	sld [smem:$0x3FA8]  }
0x2c: {  	s7 =	sld [smem:$0x3FA9]  }
0x2d: {  	s3 =	simm.s32 $0x108;
	s8 =	sld [smem:$0x3FAA]  }
0x2e: {  	s3 =	simm.s32 @!p0 $0x1082;
	s9 =	sld [smem:$0x3FAB]  }
0x2f: {  	lr =	sadd.s32 s0, s3;
	s0 =	sld [smem:$0x3FA2]  }
0x30: {  	s3 =	sld [smem:$0x3FA5]  }
0x31: {  	[smem:$0x3FAE] =	sst s10  }
0x32: {  	s10 =	sld [smem:$0x3FAC];
	_ =	sdelay $0x3  }
0x33: {  	p0 =	seq.s32 s10, $0x1;
	s10 =	sld [smem:$0x3FAE];
	_ =	sdelay $0x3  }
0x34: {  	[smem:$0x3FAE] =	sst s10  }
0x35: {  	s10 =	sld [smem:$0x3FAD];
	_ =	sdelay $0x3  }
0x36: {  	p1 =	seq.s32 s10, $0x1;
	s10 =	sld [smem:$0x3FAE];
	_ =	sdelay $0x3  }
0x37: {  	[smem:$0x3FAE] =	sst s10  }
0x38: {  	s10 =	sld [smem:$0x3FAF]  }
0x39: {  	_ = 	snop;
	(pc) =	sbr.ind lr, $3  }
0x3a: {  	_ = 	snop  }
0x3b: {  	_ = 	snop  }
0x3c: {  	p2 =	seq.s32 s10, $0x1;
	s10 =	sld [smem:$0x3FAE]  }
0x3d: {  	_ =	shalt  }
0x3e: {  	_ =	shalt  }
0x3f: {  	_ =	shalt  }
0x40: {  	_ =	shalt  }
0x41: {  	_ =	shalt  }
0x42: {  	_ =	shalt  }
0x43: {  	_ =	shalt  }
0x44: {  	_ =	shalt  }
0x45: {  	_ =	shalt  }
0x46: {  	_ =	shalt  }
0x47: {  	_ =	shalt  }
0x48: {  	_ =	shalt  }
0x49: {  	_ =	shalt  }
0x4a: {  	_ =	shalt  }
0x4b: {  	_ =	shalt  }
0x4c: {  	_ =	shalt  }
0x4d: {  	_ =	shalt  }
0x4e: {  	_ =	shalt  }
0x4f: {  	_ =	shalt  }
0x50: {  	_ =	shalt  }
0x51: {  	_ =	shalt  }
0x52: {  	_ =	shalt  }
0x53: {  	_ =	shalt  }
0x54: {  	_ =	shalt  }
0x55: {  	_ =	shalt  }
0x56: {  	_ =	shalt  }
0x57: {  	_ =	shalt  }
0x58: {  	_ =	shalt  }
0x59: {  	_ =	shalt  }
0x5a: {  	_ =	shalt  }
0x5b: {  	_ =	shalt  }
0x5c: {  	_ =	shalt  }
0x5d: {  	_ =	shalt  }
0x5e: {  	_ =	shalt  }
0x5f: {  	_ =	shalt  }
0x60: {  	_ =	shalt  }
0x61: {  	_ =	shalt  }
0x62: {  	_ =	shalt  }
0x63: {  	_ =	shalt  }
0x64: {  	_ =	shalt  }
0x65: {  	_ =	shalt  }
0x66: {  	_ =	shalt  }
0x67: {  	_ =	shalt  }
0x68: {  	_ =	shalt  }
0x69: {  	_ =	shalt  }
0x6a: {  	_ =	shalt  }
0x6b: {  	_ =	shalt  }
0x6c: {  	_ =	shalt  }
0x6d: {  	_ =	shalt  }
0x6e: {  	_ =	shalt  }
0x6f: {  	_ =	shalt  }
0x70: {  	_ =	shalt  }
0x71: {  	_ =	shalt  }
0x72: {  	_ =	shalt  }
0x73: {  	_ =	shalt  }
0x74: {  	_ =	shalt  }
0x75: {  	_ =	shalt  }
0x76: {  	_ =	shalt  }
0x77: {  	_ =	shalt  }
0x78: {  	_ =	shalt  }
0x79: {  	_ =	shalt  }
0x7a: {  	_ =	shalt  }
0x7b: {  	_ =	shalt  }
0x7c: {  	_ =	shalt  }
0x7d: {  	_ =	shalt  }
0x7e: {  	_ =	shalt  }
0x7f: {  	_ =	shalt  }
0x80: {  	_ =	shalt  }
0x81: {  	_ =	shalt  }
0x82: {  	_ =	shalt  }
0x83: {  	_ =	shalt  }
0x84: {  	_ =	shalt  }
0x85: {  	_ =	shalt  }
0x86: {  	_ =	shalt  }
0x87: {  	_ =	shalt  }
.Lfunc_end0:
.L_simem_size_0:
called_computation.4_lowered:
.L_overlay_start_0:
0x88: {  	s2 =	sld [smem:$0x3FD9]  }
0x89: {  	s3 =	sld [smem:$0x3FFE];
	_ =	sdelay $0x1  }
0x8a: {  	s1 =	srdreg.scid  }
0x8b: {  	s0 =	sand.u32 $0x1, s1  }
0x8c: {  	s17 =	sshll.u32 s0, $0xA;
	s2 =	sadd.s32 s3, s2  }
0x8d: {  	s2 =	sadd.s32 s2, s17  }
0x8e: {  	[smem:$0x3FBA] =	sst s2  }
0x8f: {  	_ = 	snop  }
0x90: {  	s2 =	sld [smem:$0x3FD0];
	(tm) =	ssettm $0x1  }
0x91: {  	s18 =	sld [smem:$0x3FFB];
	_ =	sdelay $0x3  }
0x92: {  	_ =	strace s18  }
0x93: {  	s3 =	sld [smem:$0x3FFC];
	_ =	sdelay $0x3  }
0x94: {  	_ =	strace s3  }
0x95: {  	s3 =	sld [smem:$0x3FFD];
	_ =	sdelay $0x3  }
0x96: {  	_ =	strace s3  }
0x97: {  	_ =	strace $0x8FFFFFFF  }
0x98: {  	s19 =	sld [smem:$0x3FDB];
	_ =	sdelay $0x1  }
0x99: {  	s4 =	simm.s32 $_scs_section_size  }
0x9a: {  	s5 =	simm.s32 $_size__tile_overlayer_lowered;
	s6 =	simm.s32 $_tile_overlayer_lowered  }
0x9b: {  	s22 =	simm.s32 $0x1BFF;
	s21 =	sshll.u32 s6, $0x1;
	s3 =	sadd.s32 s4, s19  }
0x9c: {  	s7 =	simm.s32 $0x0;
	s20 =	sshll.u32 s5, $0x1;
	s5 =	sadd.s32 s21, s3  }
0x9d: {  	[timem:s7], [sflag:s22] =	dma.local [hbm:s5], s20  }
0x9e: {  	_ =	swait.ge [sflag:s22], s20  }
0x9f: {  	s4 =	ssub.s32 $0x0, s20;
	[sflag:s22] =	ssyncset.done $0x0  }
0xa0: {  	[sflag:s22] =	ssyncadd.s32 s4;
	_ =	sdelay $0x1  }
0xa1: {  	s23 =	simm.s32 $0x1B8B  }
0xa2: {  	_ =	swait.ge [sflag:s23], $0x1  }
0xa3: {  	[sflag:s23] =	ssyncset.done $0x0  }
0xa4: {  	s25 =	simm.s32 $0x1B8E;
	s24 =	sld [smem:$0x3FFE];
	[sflag:s23] =	ssyncadd.s32 $0xFFFFFFFF  }
0xa5: {  	s26 =	simm.s32 $execute0_lowered;
	[smem:$0x3FD2] =	sst s25  }
0xa6: {  	s5 =	sshll.u32 s26, $0x1;
	_ =	strace $0x80000052;
	[dreg:$0x1] =	wrdreg $0xFFFFFFFF  }
0xa7: {  	s28 =	simm.s32 $_size_execute0_lowered;
	s3 =	sadd.s32 s3, s5;
	[dreg:$0x0] =	wrdreg $0x0  }
0xa8: {  	s5 =	sshll.u32 s28, $0x1;
	[dreg:$0x2] =	wrdreg s3  }
0xa9: {  	[dreg:$0x3] =	wrdreg s5  }
0xaa: {  	[dreg:$0x4] =	wrdreg $0xC0  }
0xab: {  	_ =	task [dreg:s7], $0x5FFFF  }
0xac: {  	[dreg:$0x1] =	wrdreg $0xFFFFFFFF  }
0xad: {  	[dreg:$0x0] =	wrdreg $0x60  }
0xae: {  	[dreg:$0x2] =	wrdreg s2  }
0xaf: {  	[dreg:$0x3] =	wrdreg s24  }
0xb0: {  	[dreg:$0x4] =	wrdreg $0x11800  }
0xb1: {  	[dreg:$0x5] =	wrdreg $0x9  }
0xb2: {  	_ =	task.clear_ibuf [dreg:s7], $0x6FFFF;
	_ =	strace $0x90000052  }
0xb3: {  	s29 =	simm.s32 $0x9;
	_ =	strace $0x80000054  }
0xb4: {  	_ =	swait.ge [sflag:s29], $0x1  }
0xb5: {  	[sflag:s29] =	ssyncadd.s32 $0xFFFFFFFF  }
0xb6: {  	_ =	strace $0x90000054  }
0xb7: {  	_ =	sfence  }
0xb8: {  	s30 =	sld [smem:$0x0];
	_ =	sdelay $0x2  }
0xb9: {  	s31 =	sshll.u32 s1, $0xD;
	s1 =	sshrl.u32 s1, $0x2  }
0xba: {  	s3 =	sand.u32 $0x4000, s31;
	s1 =	sadd.s32 s1, s30  }
0xbb: {  	s0 =	sor.u32 s3, s0;
	s1 =	sshll.u32 s1, $0x11  }
0xbc: {  	s0 =	sor.u32 s1, s0  }
0xbd: {  	s0 =	sadd.s32 $0x8F2B, s0  }
0xbe: {  	[sflag:s0] =	ssyncadd.remote.s32 $0x1  }
0xbf: {  	_ =	sfence.sel $0xFFFF  }
0xc0: {  	[dreg:$0x0] =	wrdreg $0xFFFFFFFF;
	(pc) =	sbr.abs _section_cstart, $3  }
0xc1: {  	[dreg:$0x1] =	wrdreg $0xFFFFFFFF  }
0xc2: {  	_ =	task.clear_ibuf [dreg:s7], $0x2FFFF;
	_ =	strace $0x9FFFFFFF  }
0xc3: {  	(tm) =	ssettm $0x7FFFFFFF  }
tec
execute0_lowered:
.L_overlay_start_1:
0x0: {  	(tag) =	ssettag $0x1  }
0x1: {  	s12 =	rddreg [dreg:$0x0]  }
0x2: {  	s0 =	srdreg.scid;
	s7 =	rddreg [dreg:$0x1]  }
0x3: {  	s2 =	rddreg [dreg:$0x2];
	s8 =	sand.u32 $0x1, s0  }
0x4: {  	s0 =	stileid.u32;
	s4 =	smul.u32 $0x28800, s8  }
0x5: {  	s1 =	rddreg [dreg:$0x3];
	s3 =	simm.s32 $0x0;
	v1 =	vlaneseq.u32;
	s5 =	smul.u32 $0x2880, s0  }
0x6: {  	s17 =	simm.s32 $0x900;
	s18 =	simm.s32 $0x1100;
	v0 =	vmul.u32 $0x10, v1;
	s9 =	smul.u32 $0x280, s0  }
0x7: {  	s19 =	simm.s32 $0x0;
	[smem:$0x7FF] =	sst s3;
	v22 =	vmul.u32 $0xFFFFFFFF, v1;
	s6 =	smul.u32 $0x2800, s8  }
0x8: {  	_ =	strace $0x80000053;
	s8 =	ssub.s32 $0x2, s8;
	s14 =	sshll.u32 s0, $0x6;
	v1 =	vor.u32 $0x8, v0  }
0x9: {  	v2 =	vor.u32 $0x100, v0;
	v3 =	vor.u32 $0x108, v0;
	v4 =	vadd.s32 $0x50900, v22;
	s31 =	sshrl.u32 s8, $0x1;
	s4 =	sadd.s32 s5, s4;
	s5 =	sadd.s32 $0x3400, s7  }
0xa: {  	v5 =	vor.u32 $0x200, v0;
	v6 =	vor.u32 $0x208, v0;
	v7 =	vadd.s32 $0x508F0, v22;
	s10 =	sadd.s32 s9, s6;
	s6 =	sadd.s32 $0x2DC00, s7;
	s15 =	ssub.s32 s8, s31  }
0xb: {  	v8 =	vor.u32 $0x300, v0;
	v9 =	vor.u32 $0x308, v0;
	v10 =	vadd.s32 $0x508E0, v22;
	s16 =	sadd.s32 s9, s2;
	s13 =	sshrl.u32 s4, $0x3;
	s10 =	sshrl.u32 s10, $0x3  }
0xc: {  	v11 =	vor.u32 $0x400, v0;
	v12 =	vor.u32 $0x408, v0;
	v13 =	vadd.s32 $0x508D0, v22;
	s9 =	smax.u32 s15, $0x1;
	s15 =	simm.s32 $0x80;
	s11 =	sadd.s32 s13, s7  }
0xd: {  	v14 =	vor.u32 $0x500, v0;
	v15 =	vor.u32 $0x508, v0;
	v16 =	vadd.s32 $0x508C0, v22;
	s10 =	sadd.s32 s10, s7;
	s7 =	sor.u32 $0x1C01, s14;
	s12 =	sadd.s32 s13, s12  }
0xe: {  	v17 =	vor.u32 $0x600, v0;
	v18 =	vor.u32 $0x608, v0;
	v19 =	vadd.s32 $0x508B0, v22;
	s13 =	sshrl.u32 s16, $0x3;
	s14 =	simm.s32 $0x1;
	s16 =	simm.s32 $0x100  }
0xf: {  	v20 =	vor.u32 $0x700, v0;
	v21 =	vor.u32 $0x708, v0;
	v22 =	vadd.s32 $0x508A0, v22;
	s8 =	sadd.s32 $0x2DE00, s10;
	s10 =	sadd.s32 $0x8400, s11;
	s11 =	sadd.s32 $0x30400, s11  }
.LBB2_1:
0x10: {  	[spmem:s13], [sflag:s7] =	dma.local [hbm:s6], $0x50  }
0x11: {  	_ =	swait.ge [sflag:s14], $0x50  }
0x12: {  	[sflag:s14] =	ssyncset.done $0x0  }
0x13: {  	[sflag:s14] =	ssyncadd.s32 $0xFFFFFFB0  }
0x14: {  	s20 =	sadd.s32 $0x0, s12;
	[bflag:$0x0] =	sbarrier.arrive $0xFFFF  }
0x15: {  	[tilespmem:s3], [sflag:$0x1] =	stream.linear.gather [hbm4b:s20+s3], $0x80, $0x38;
	[tilespmem:$0x1400] =	vst v63  }
0x16: {  	_ =	swait.ge [sflag:s14], $0x80  }
0x17: {  	[sflag:s14] =	ssyncset.done $0x0  }
0x18: {  	s31 =	sadd.s32 $0x0, s11;
	[sflag:s14] =	ssyncadd.s32 $0xFFFFFF80  }
0x19: {  	[tilespmem:s15], [sflag:$0x1] =	stream.linear.gather [hbm4b:s31+s3], $0x80, $0x38;
	[tilespmem:$0x1400] =	vst v63  }
0x1a: {  	_ =	swait.ge [sflag:s14], $0x80  }
0x1b: {  	[sflag:s14] =	ssyncset.done $0x0  }
0x1c: {  	[sflag:s14] =	ssyncadd.s32 $0xFFFFFF80  }
0x1d: {  	[tilespmem:s16], [sflag:$0x1] =	stream.indirect.gather [hbm4b:s5+s15], $0x10, s3, s15, $0xb8;
	[tilespmem:$0x1400] =	vst v63  }
0x1e: {  	_ =	swait.ge [sflag:s14], $0x800  }
0x1f: {  	[sflag:s14] =	ssyncset.done $0x0  }
0x20: {  	[sflag:s14] =	ssyncadd.s32 $0xFFFFF800  }
0x21: {  	[tilespmem:s17], [sflag:$0x1] =	stream.indirect.gather [hbm4b:s5+s15], $0x10, s15, s15, $0xb8;
	[tilespmem:$0x1400] =	vst v63  }
0x22: {  	_ =	swait.ge [sflag:s14], $0x800  }
0x23: {  	[sflag:s14] =	ssyncset.done $0x0  }
0x24: {  	[sflag:s14] =	ssyncadd.s32 $0xFFFFF800  }
0x25: {  	v23 =	vld.idx.msk [tilespmem:v0+s16+$0x0], $0xffff  }
0x26: {  	v24 =	vld.idx.msk [tilespmem:v1+s17+$0x0], $0xffff;
	_ =	sdelay $0x4  }
0x27: {  	v23 =	vadd.f32 v24, v23;
	_ =	sdelay $0x1  }
0x28: {  	v24 =	vmul.f32 $2.000000030e-01, v23;
	_ =	sdelay $0x1  }
0x29: {  	v23 =	vmax.f32 v23, v24  }
0x2a: {  	v23 =	vmul.f32 $1.442695020e+00, v23;
	_ =	sdelay $0x1  }
0x2b: {  	(erf) = vpow2.f32 v23;
	_ =	sdelay $0x7  }
0x2c: {  	v23 =	vmov s4  }
0x2d: {  	vm0 =	vlt.u32 v23, $0x50910;
	v57 =	vpop (erf)  }
0x2e: {  	v24 =	vnsel vm0, $0x0, v57  }
0x2f: {  	[tilespmem:$0x1100] =	vst v24  }
0x30: {  	v24 =	vld.idx.msk [tilespmem:v2+s16+$0x0], $0xffff  }
0x31: {  	v25 =	vld.idx.msk [tilespmem:v3+s17+$0x0], $0xffff;
	_ =	sdelay $0x4  }
0x32: {  	v24 =	vadd.f32 v25, v24;
	_ =	sdelay $0x1  }
0x33: {  	v25 =	vmul.f32 $2.000000030e-01, v24;
	_ =	sdelay $0x1  }
0x34: {  	v24 =	vmax.f32 v24, v25  }
0x35: {  	v24 =	vmul.f32 $1.442695020e+00, v24;
	_ =	sdelay $0x1  }
0x36: {  	(erf) = vpow2.f32 v24;
	_ =	sdelay $0x8  }
0x37: {  	vm9 =	vlt.u32 v23, v4;
	v24 =	vpop (erf)  }
0x38: {  	v24 =	vnsel vm9, $0x0, v24  }
0x39: {  	[tilespmem:$0x1110] =	vst v24  }
0x3a: {  	v24 =	vld.idx.msk [tilespmem:v5+s16+$0x0], $0xffff  }
0x3b: {  	v58 =	vld.idx.msk [tilespmem:v6+s17+$0x0], $0xffff;
	_ =	sdelay $0x4  }
0x3c: {  	v24 =	vadd.f32 v58, v24;
	_ =	sdelay $0x1  }
0x3d: {  	v25 =	vmul.f32 $2.000000030e-01, v24;
	_ =	sdelay $0x1  }
0x3e: {  	v24 =	vmax.f32 v24, v25  }
0x3f: {  	v24 =	vmul.f32 $1.442695020e+00, v24;
	_ =	sdelay $0x1  }
0x40: {  	(erf) = vpow2.f32 v24;
	_ =	sdelay $0x8  }
0x41: {  	vm10 =	vlt.u32 v23, v7;
	v24 =	vpop (erf)  }
0x42: {  	v24 =	vnsel vm10, $0x0, v24  }
0x43: {  	[tilespmem:$0x1120] =	vst v24  }
0x44: {  	v24 =	vld.idx.msk [tilespmem:v8+s16+$0x0], $0xffff  }
0x45: {  	v59 =	vld.idx.msk [tilespmem:v9+s17+$0x0], $0xffff;
	_ =	sdelay $0x4  }
0x46: {  	v24 =	vadd.f32 v59, v24;
	_ =	sdelay $0x1  }
0x47: {  	v25 =	vmul.f32 $2.000000030e-01, v24;
	_ =	sdelay $0x1  }
0x48: {  	v24 =	vmax.f32 v24, v25  }
0x49: {  	v24 =	vmul.f32 $1.442695020e+00, v24;
	_ =	sdelay $0x1  }
0x4a: {  	(erf) = vpow2.f32 v24;
	_ =	sdelay $0x8  }
0x4b: {  	vm11 =	vlt.u32 v23, v10;
	v24 =	vpop (erf)  }
0x4c: {  	v24 =	vnsel vm11, $0x0, v24  }
0x4d: {  	[tilespmem:$0x1130] =	vst v24  }
0x4e: {  	v24 =	vld.idx.msk [tilespmem:v11+s16+$0x0], $0xffff  }
0x4f: {  	v60 =	vld.idx.msk [tilespmem:v12+s17+$0x0], $0xffff;
	_ =	sdelay $0x4  }
0x50: {  	v24 =	vadd.f32 v60, v24;
	_ =	sdelay $0x1  }
0x51: {  	v25 =	vmul.f32 $2.000000030e-01, v24;
	_ =	sdelay $0x1  }
0x52: {  	v24 =	vmax.f32 v24, v25  }
0x53: {  	v24 =	vmul.f32 $1.442695020e+00, v24;
	_ =	sdelay $0x1  }
0x54: {  	(erf) = vpow2.f32 v24;
	_ =	sdelay $0x8  }
0x55: {  	vm12 =	vlt.u32 v23, v13;
	v24 =	vpop (erf)  }
0x56: {  	v24 =	vnsel vm12, $0x0, v24  }
0x57: {  	[tilespmem:$0x1140] =	vst v24  }
0x58: {  	v24 =	vld.idx.msk [tilespmem:v14+s16+$0x0], $0xffff  }
0x59: {  	v61 =	vld.idx.msk [tilespmem:v15+s17+$0x0], $0xffff;
	_ =	sdelay $0x4  }
0x5a: {  	v24 =	vadd.f32 v61, v24;
	_ =	sdelay $0x1  }
0x5b: {  	v25 =	vmul.f32 $2.000000030e-01, v24;
	_ =	sdelay $0x1  }
0x5c: {  	v24 =	vmax.f32 v24, v25  }
0x5d: {  	v24 =	vmul.f32 $1.442695020e+00, v24;
	_ =	sdelay $0x1  }
0x5e: {  	(erf) = vpow2.f32 v24;
	_ =	sdelay $0x8  }
0x5f: {  	vm13 =	vlt.u32 v23, v16;
	v24 =	vpop (erf)  }
0x60: {  	v24 =	vnsel vm13, $0x0, v24  }
0x61: {  	[tilespmem:$0x1150] =	vst v24  }
0x62: {  	v24 =	vld.idx.msk [tilespmem:v17+s16+$0x0], $0xffff  }
0x63: {  	v62 =	vld.idx.msk [tilespmem:v18+s17+$0x0], $0xffff;
	_ =	sdelay $0x4  }
0x64: {  	v24 =	vadd.f32 v62, v24;
	_ =	sdelay $0x1  }
0x65: {  	v25 =	vmul.f32 $2.000000030e-01, v24;
	_ =	sdelay $0x1  }
0x66: {  	v24 =	vmax.f32 v24, v25  }
0x67: {  	v24 =	vmul.f32 $1.442695020e+00, v24;
	_ =	sdelay $0x1  }
0x68: {  	(erf) = vpow2.f32 v24;
	_ =	sdelay $0x8  }
0x69: {  	vm14 =	vlt.u32 v23, v19;
	v24 =	vpop (erf)  }
0x6a: {  	v24 =	vnsel vm14, $0x0, v24  }
0x6b: {  	[tilespmem:$0x1160] =	vst v24  }
0x6c: {  	v24 =	vld.idx.msk [tilespmem:v20+s16+$0x0], $0xffff  }
0x6d: {  	v63 =	vld.idx.msk [tilespmem:v21+s17+$0x0], $0xffff;
	_ =	sdelay $0x4  }
0x6e: {  	v24 =	vadd.f32 v63, v24;
	_ =	sdelay $0x1  }
0x6f: {  	v25 =	vmul.f32 $2.000000030e-01, v24;
	_ =	sdelay $0x1  }
0x70: {  	v24 =	vmax.f32 v24, v25  }
0x71: {  	v24 =	vmul.f32 $1.442695020e+00, v24;
	_ =	sdelay $0x1  }
0x72: {  	(erf) = vpow2.f32 v24;
	_ =	sdelay $0x8  }
0x73: {  	vm15 =	vlt.u32 v23, v22;
	v23 =	vpop (erf)  }
0x74: {  	s23 =	sadd.s32 $0x0, s10;
	s21 =	smov.u32 s4;
	s20 =	simm.s32 $0x10;
	v23 =	vnsel vm15, $0x0, v23  }
.LBB2_2:
0x75: {  	p0 =	sne.s32 s20, $0x500  }
0x76: {  	[tilespmem:$0x1170] =	vst v23;
	s21 =	sadd.s32 $0x80, s21;
	s22 =	smov.u32 s20;
	s20 =	sadd.s32 $0x10, s20  }
0x77: {  	[hbm4b:s23+s3] =	stream.linear.scatter [tilespmem:s18], [sflag:$0x1], $0x80, $0x38;
	[tilespmem:$0x1400] =	vst v63  }
0x78: {  	_ =	swait.ge [sflag:s14], $0x80  }
0x79: {  	[sflag:s14] =	ssyncset.done $0x0  }
0x7a: {  	[sflag:s14] =	ssyncadd.s32 $0xFFFFFF80  }
0x7b: {  	[spmem:s2] =	stream.indirect.scatter.add.f32 [tilespmem:s18], [sflag:$0x1], $0x1, s15, s15, $0xb8;
	[tilespmem:$0x1400] =	vst v63  }
0x7c: {  	_ =	swait.ge [sflag:s14], $0x80  }
0x7d: {  	[sflag:s14] =	ssyncset.done $0x0  }
0x7e: {  	s23 =	sadd.s32 s22, s12;
	[sflag:s14] =	ssyncadd.s32 $0xFFFFFF80  }
0x7f: {  	[tilespmem:s3], [sflag:$0x1] =	stream.linear.gather [hbm4b:s23+s3], $0x80, $0x38;
	[tilespmem:$0x1400] =	vst v63  }
0x80: {  	_ =	swait.ge [sflag:s14], $0x80  }
0x81: {  	[sflag:s14] =	ssyncset.done $0x0  }
0x82: {  	s23 =	sadd.s32 s22, s11;
	[sflag:s14] =	ssyncadd.s32 $0xFFFFFF80  }
0x83: {  	[tilespmem:s15], [sflag:$0x1] =	stream.linear.gather [hbm4b:s23+s3], $0x80, $0x38;
	[tilespmem:$0x1400] =	vst v63  }
0x84: {  	_ =	swait.ge [sflag:s14], $0x80  }
0x85: {  	[sflag:s14] =	ssyncset.done $0x0  }
0x86: {  	[sflag:s14] =	ssyncadd.s32 $0xFFFFFF80  }
0x87: {  	[tilespmem:s16], [sflag:$0x1] =	stream.indirect.gather [hbm4b:s5+s15], $0x10, s3, s15, $0xb8;
	[tilespmem:$0x1400] =	vst v63  }
0x88: {  	_ =	swait.ge [sflag:s14], $0x800  }
0x89: {  	[sflag:s14] =	ssyncset.done $0x0  }
0x8a: {  	[sflag:s14] =	ssyncadd.s32 $0xFFFFF800  }
0x8b: {  	[tilespmem:s17], [sflag:$0x1] =	stream.indirect.gather [hbm4b:s5+s15], $0x10, s15, s15, $0xb8;
	[tilespmem:$0x1400] =	vst v63  }
0x8c: {  	_ =	swait.ge [sflag:s14], $0x800  }
0x8d: {  	[sflag:s14] =	ssyncset.done $0x0  }
0x8e: {  	[sflag:s14] =	ssyncadd.s32 $0xFFFFF800  }
0x8f: {  	v23 =	vld.idx.msk [tilespmem:v0+s16+$0x0], $0xffff  }
0x90: {  	v24 =	vld.idx.msk [tilespmem:v1+s17+$0x0], $0xffff;
	_ =	sdelay $0x5  }
0x91: {  	v23 =	vadd.f32 v24, v23;
	_ =	sdelay $0x1  }
0x92: {  	v24 =	vmul.f32 $2.000000030e-01, v23;
	_ =	sdelay $0x1  }
0x93: {  	v23 =	vmax.f32 v23, v24  }
0x94: {  	v23 =	vmul.f32 $1.442695020e+00, v23;
	_ =	sdelay $0x1  }
0x95: {  	(erf) = vpow2.f32 v23;
	_ =	sdelay $0x6  }
0x96: {  	v23 =	vmov s21  }
0x97: {  	vm0 =	vlt.u32 v23, $0x50910  }
0x98: {  	v24 =	vpop (erf)  }
0x99: {  	v24 =	vnsel vm0, $0x0, v24  }
0x9a: {  	[tilespmem:$0x1100] =	vst v24  }
0x9b: {  	v24 =	vld.idx.msk [tilespmem:v2+s16+$0x0], $0xffff  }
0x9c: {  	v25 =	vld.idx.msk [tilespmem:v3+s17+$0x0], $0xffff;
	_ =	sdelay $0x5  }
0x9d: {  	v24 =	vadd.f32 v25, v24;
	_ =	sdelay $0x1  }
0x9e: {  	v25 =	vmul.f32 $2.000000030e-01, v24;
	_ =	sdelay $0x1  }
0x9f: {  	v24 =	vmax.f32 v24, v25  }
0xa0: {  	v24 =	vmul.f32 $1.442695020e+00, v24;
	_ =	sdelay $0x1  }
0xa1: {  	(erf) = vpow2.f32 v24;
	_ =	sdelay $0x6  }
0xa2: {  	vm0 =	vlt.u32 v23, v4;
	_ =	sdelay $0x1  }
0xa3: {  	v24 =	vpop (erf)  }
0xa4: {  	v24 =	vnsel vm0, $0x0, v24  }
0xa5: {  	[tilespmem:$0x1110] =	vst v24  }
0xa6: {  	v24 =	vld.idx.msk [tilespmem:v5+s16+$0x0], $0xffff  }
0xa7: {  	v25 =	vld.idx.msk [tilespmem:v6+s17+$0x0], $0xffff;
	_ =	sdelay $0x5  }
0xa8: {  	v24 =	vadd.f32 v25, v24;
	_ =	sdelay $0x1  }
0xa9: {  	v25 =	vmul.f32 $2.000000030e-01, v24;
	_ =	sdelay $0x1  }
0xaa: {  	v24 =	vmax.f32 v24, v25  }
0xab: {  	v24 =	vmul.f32 $1.442695020e+00, v24;
	_ =	sdelay $0x1  }
0xac: {  	(erf) = vpow2.f32 v24;
	_ =	sdelay $0x5  }
0xad: {  	vm0 =	vlt.u32 v23, v7;
	_ =	sdelay $0x2  }
0xae: {  	v24 =	vpop (erf)  }
0xaf: {  	v24 =	vnsel vm0, $0x0, v24  }
0xb0: {  	[tilespmem:$0x1120] =	vst v24  }
0xb1: {  	v24 =	vld.idx.msk [tilespmem:v8+s16+$0x0], $0xffff  }
0xb2: {  	v25 =	vld.idx.msk [tilespmem:v9+s17+$0x0], $0xffff;
	_ =	sdelay $0x5  }
0xb3: {  	v24 =	vadd.f32 v25, v24;
	_ =	sdelay $0x1  }
0xb4: {  	v25 =	vmul.f32 $2.000000030e-01, v24;
	_ =	sdelay $0x1  }
0xb5: {  	v24 =	vmax.f32 v24, v25  }
0xb6: {  	v24 =	vmul.f32 $1.442695020e+00, v24;
	_ =	sdelay $0x1  }
0xb7: {  	(erf) = vpow2.f32 v24;
	_ =	sdelay $0x4  }
0xb8: {  	vm0 =	vlt.u32 v23, v10;
	_ =	sdelay $0x3  }
0xb9: {  	v24 =	vpop (erf)  }
0xba: {  	v24 =	vnsel vm0, $0x0, v24  }
0xbb: {  	[tilespmem:$0x1130] =	vst v24  }
0xbc: {  	v24 =	vld.idx.msk [tilespmem:v11+s16+$0x0], $0xffff  }
0xbd: {  	v25 =	vld.idx.msk [tilespmem:v12+s17+$0x0], $0xffff;
	_ =	sdelay $0x5  }
0xbe: {  	v24 =	vadd.f32 v25, v24;
	_ =	sdelay $0x1  }
0xbf: {  	v25 =	vmul.f32 $2.000000030e-01, v24;
	_ =	sdelay $0x1  }
0xc0: {  	v24 =	vmax.f32 v24, v25  }
0xc1: {  	v24 =	vmul.f32 $1.442695020e+00, v24;
	_ =	sdelay $0x1  }
0xc2: {  	(erf) = vpow2.f32 v24;
	_ =	sdelay $0x3  }
0xc3: {  	vm0 =	vlt.u32 v23, v13;
	_ =	sdelay $0x4  }
0xc4: {  	v24 =	vpop (erf)  }
0xc5: {  	v24 =	vnsel vm0, $0x0, v24  }
0xc6: {  	[tilespmem:$0x1140] =	vst v24  }
0xc7: {  	v24 =	vld.idx.msk [tilespmem:v14+s16+$0x0], $0xffff  }
0xc8: {  	v25 =	vld.idx.msk [tilespmem:v15+s17+$0x0], $0xffff;
	_ =	sdelay $0x5  }
0xc9: {  	v24 =	vadd.f32 v25, v24;
	_ =	sdelay $0x1  }
0xca: {  	v25 =	vmul.f32 $2.000000030e-01, v24;
	_ =	sdelay $0x1  }
0xcb: {  	v24 =	vmax.f32 v24, v25  }
0xcc: {  	v24 =	vmul.f32 $1.442695020e+00, v24;
	_ =	sdelay $0x1  }
0xcd: {  	(erf) = vpow2.f32 v24;
	_ =	sdelay $0x2  }
0xce: {  	vm0 =	vlt.u32 v23, v16;
	_ =	sdelay $0x5  }
0xcf: {  	v24 =	vpop (erf)  }
0xd0: {  	v24 =	vnsel vm0, $0x0, v24  }
0xd1: {  	[tilespmem:$0x1150] =	vst v24  }
0xd2: {  	v24 =	vld.idx.msk [tilespmem:v17+s16+$0x0], $0xffff  }
0xd3: {  	v25 =	vld.idx.msk [tilespmem:v18+s17+$0x0], $0xffff;
	_ =	sdelay $0x5  }
0xd4: {  	v24 =	vadd.f32 v25, v24;
	_ =	sdelay $0x1  }
0xd5: {  	v25 =	vmul.f32 $2.000000030e-01, v24;
	_ =	sdelay $0x1  }
0xd6: {  	v24 =	vmax.f32 v24, v25  }
0xd7: {  	v24 =	vmul.f32 $1.442695020e+00, v24;
	_ =	sdelay $0x1  }
0xd8: {  	(erf) = vpow2.f32 v24;
	_ =	sdelay $0x1  }
0xd9: {  	vm0 =	vlt.u32 v23, v19;
	_ =	sdelay $0x6  }
0xda: {  	v24 =	vpop (erf)  }
0xdb: {  	v24 =	vnsel vm0, $0x0, v24  }
0xdc: {  	[tilespmem:$0x1160] =	vst v24  }
0xdd: {  	v24 =	vld.idx.msk [tilespmem:v20+s16+$0x0], $0xffff  }
0xde: {  	v25 =	vld.idx.msk [tilespmem:v21+s17+$0x0], $0xffff;
	_ =	sdelay $0x5  }
0xdf: {  	v24 =	vadd.f32 v25, v24;
	_ =	sdelay $0x1  }
0xe0: {  	v25 =	vmul.f32 $2.000000030e-01, v24;
	_ =	sdelay $0x1  }
0xe1: {  	v24 =	vmax.f32 v24, v25  }
0xe2: {  	v24 =	vmul.f32 $1.442695020e+00, v24;
	_ =	sdelay $0x1  }
0xe3: {  	(erf) = vpow2.f32 v24  }
0xe4: {  	vm0 =	vlt.u32 v23, v22;
	_ =	sdelay $0x1  }
0xe5: {  	s23 =	sadd.s32 s22, s10;
	_ =	sdelay $0x2  }
.Ltmp0:
0xe6: {  	(pc) =	sbr.rel @p0 .LBB2_2-.Ltmp0, $3  }
0xe7: {  	_ =	sdelay $0x1  }
0xe8: {  	v23 =	vpop (erf)  }
0xe9: {  	v23 =	vnsel vm0, $0x0, v23  }
0xea: {  	[tilespmem:$0x1170] =	vst v23  }
0xeb: {  	[hbm4b:s23+s3] =	stream.linear.scatter [tilespmem:s18], [sflag:$0x1], $0x80, $0x38;
	[tilespmem:$0x1400] =	vst v63  }
0xec: {  	_ =	swait.ge [sflag:s14], $0x80  }
0xed: {  	[sflag:s14] =	ssyncset.done $0x0  }
0xee: {  	[sflag:s14] =	ssyncadd.s32 $0xFFFFFF80  }
0xef: {  	[spmem:s2] =	stream.indirect.scatter.add.f32 [tilespmem:s18], [sflag:$0x1], $0x1, s15, s15, $0xb8;
	[tilespmem:$0x1400] =	vst v63  }
0xf0: {  	_ =	swait.ge [sflag:s14], $0x80  }
0xf1: {  	s19 =	sadd.s32 $0x1, s19;
	[sflag:s14] =	ssyncset.done $0x0  }
0xf2: {  	p0 =	sne.s32 s19, s9;
	[sflag:s14] =	ssyncadd.s32 $0xFFFFFF80  }
.Ltmp1:
0xf3: {  	[bflag:$0x0] =	sbarrier.arrive $0xFFFF;
	(pc) =	sbr.rel @p0 .LBB2_1-.Ltmp1, $4  }
0xf4: {  	[hbm:s8], [sflag:s7] =	dma.local [spmem:s13], $0x50  }
0xf5: {  	_ =	swait.ge [sflag:s14], $0x50  }
0xf6: {  	[sflag:s14] =	ssyncset.done $0x0  }
0xf7: {  	[sflag:s14] =	ssyncadd.s32 $0xFFFFFFB0  }
0xf8: {  	_ =	sfence.sel $0x180000  }
0xf9: {  	[bflag:$0x0] =	sbarrier.arrive $0xFFFF  }
0xfa: {  	p0 =	sne.s32 s0, $0x0;
	_ =	strace $0x90000053  }
0xfb: {  	s0 =	sadd.s32 @!p0 $0x100000, s1;
	[bflag:$0x2] =	sbarrier.arrive $0xFFFF  }
0xfc: {  	[sflag:s0] =	ssyncadd.tile.s32 @!p0 $0x1;
	_ =	shalt  }
.Lfunc_end2:
_tile_overlayer_lowered:
.L_overlay_start_2:
0xfd: {  	(tag) =	ssettag $0x2  }
0xfe: {  	s0 =	rddreg [dreg:$0x0];
	s2 =	stileid.u32  }
0xff: {  	s1 =	rddreg [dreg:$0x1];
	p0 =	sne.s32 s2, $0x0  }
0x100: {  	s3 =	rddreg [dreg:$0x2];
	[bflag:$0x3] =	sbarrier.arrive $0xFFFF;
	s2 =	simm.s32 @!p0 $0x1C01  }
0x101: {  	[timem:s3], [sflag:s2] =	dma.local @!p0 [hbm:s0], s1  }
0x102: {  	s0 =	simm.s32 @!p0 $0x1  }
0x103: {  	_ =	swait.ge @!p0 [sflag:s0], s1  }
0x104: {  	s1 =	ssub.s32 @!p0 $0x0, s1;
	[sflag:s0] =	ssyncset.done @!p0 $0x0  }
0x105: {  	[sflag:s0] =	ssyncadd.s32 @!p0 s1  }
0x106: {  	[bflag:$0x3] =	sbarrier.arrive $0xFFFF  }
0x107: {  	_ =	shalt  }

// kernel: kernel.30.cloned.1.call-start
scs
__scs_entry_jumppad:
0x0: {  	(pc) =	sbr.rel $0x88, $3  }
0x1: {  	(tag) =	ssettag $0x0;
	lr =	simm.s32 $0x1  }
0x2: {  	[smem:$0x3F93] =	sst lr;
	_ =	strace $0xD0000000  }
0x3: {  	_ = 	snop  }
0x4: {  	_ = 	snop  }
0x5: {  	_ = 	snop  }
0x6: {  	_ = 	snop  }
0x7: {  	_ = 	snop  }
__scs_overlays_trampoline_lowered:
0x8: {  	[smem:$0x3FA2] =	sst s0  }
0x9: {  	[smem:$0x3FA3] =	sst s1  }
0xa: {  	[smem:$0x3FA4] =	sst s2  }
0xb: {  	[smem:$0x3FA5] =	sst s3  }
0xc: {  	[smem:$0x3FA6] =	sst s4  }
0xd: {  	[smem:$0x3FA7] =	sst s5  }
0xe: {  	[smem:$0x3FA8] =	sst s6  }
0xf: {  	[smem:$0x3FA9] =	sst s7  }
0x10: {  	[smem:$0x3FAA] =	sst s8  }
0x11: {  	[smem:$0x3FAB] =	sst s9;
	s0 =	simm.s32 @!p0 $0x0  }
0x12: {  	s1 =	sld [smem:$0x3F91];
	s0 =	simm.s32 @p0 $0x1  }
0x13: {  	[smem:$0x3FAC] =	sst s0;
	s0 =	simm.s32 @!p1 $0x0  }
0x14: {  	s2 =	sld [smem:$0x3F90];
	s0 =	simm.s32 @p1 $0x1  }
0x15: {  	[smem:$0x3FAD] =	sst s0;
	s0 =	simm.s32 @!p2 $0x0  }
0x16: {  	s3 =	sld [smem:$0x3FDB];
	s0 =	simm.s32 @p2 $0x1  }
0x17: {  	s4 =	simm.s32 $0x1BF5;
	[smem:$0x3FAF] =	sst s0  }
0x18: {  	s0 =	sld [smem:$0x3F92];
	_ =	swait.ge [sflag:s4], $0x0  }
0x19: {  	s7 =	sld [smem:$0x3F93]  }
0x1a: {  	s8 =	sadd.s32 $0xFFFFE003, lr  }
0x1b: {  	s9 =	sadd.s32 $0xFFFFFEF7, lr;
	s5 =	simm.s32 $0xFFFFFFFF;
	p2 =	slt.u32 s8, $0xFFFFF086  }
0x1c: {  	p1 =	slt.u32 s9, $0xF7A;
	s5 =	simm.s32 @!p2 $0x0  }
0x1d: {  	s5 =	simm.s32 @p1 $0x1;
	p0 =	seq.s32 s7, s2  }
0x1e: {  	s7 =	smul.u32 @!p0 $0xF7A, s2;
	p2 =	seq.s32 @!p0 s5, $0x0  }
0x1f: {  	s9 =	smul.u32 $0xF7A, s1;
	s8 =	simm.s32 @!p0 $0x1BF5;
	p2 =	por !p2, p0  }
0x20: {  	[sflag:s8] =	ssyncset.s32 @!p0 $0xFFFFF086;
	s6 =	sadd.s32 @!p0 s3, s7;
	s7 =	simm.s32 @!p0 $0x108  }
0x21: {  	s3 =	sadd.s32 s3, s9;
	s6 =	sadd.s32 @!p0 $0x88, s6;
	s7 =	simm.s32 @p2 $0x1082  }
0x22: {  	[simem:s7], [sflag:s8] =	dma.local @!p0 [hbm:s6], $0xF7A  }
0x23: {  	s9 =	sor.u32 $0xD0000000, s2;
	s6 =	simm.s32 $0x108;
	_ =	swait.ge @!p0 [sflag:s8], $0x0  }
0x24: {  	s3 =	sadd.s32 $0x88, s3;
	s6 =	simm.s32 @!p1 $0x1082;
	[sflag:s4] =	ssyncset.s32 $0xFFFFF086  }
0x25: {  	[simem:s6], [sflag:s4] =	dma.local [hbm:s3], $0xF7A  }
0x26: {  	[smem:$0x3F93] =	sst s1;
	(tag) =	ssettag s2;
	_ =	strace s9  }
0x27: {  	s1 =	sld [smem:$0x3FA3]  }
0x28: {  	s2 =	sld [smem:$0x3FA4]  }
0x29: {  	s4 =	sld [smem:$0x3FA6]  }
0x2a: {  	p0 =	seq.s32 s5, $0x0;
	s5 =	sld [smem:$0x3FA7]  }
0x2b: {  	s6 =	sld [smem:$0x3FA8]  }
0x2c: {  	s7 =	sld [smem:$0x3FA9]  }
0x2d: {  	s3 =	simm.s32 $0x108;
	s8 =	sld [smem:$0x3FAA]  }
0x2e: {  	s3 =	simm.s32 @!p0 $0x1082;
	s9 =	sld [smem:$0x3FAB]  }
0x2f: {  	lr =	sadd.s32 s0, s3;
	s0 =	sld [smem:$0x3FA2]  }
0x30: {  	s3 =	sld [smem:$0x3FA5]  }
0x31: {  	[smem:$0x3FAE] =	sst s10  }
0x32: {  	s10 =	sld [smem:$0x3FAC];
	_ =	sdelay $0x3  }
0x33: {  	p0 =	seq.s32 s10, $0x1;
	s10 =	sld [smem:$0x3FAE];
	_ =	sdelay $0x3  }
0x34: {  	[smem:$0x3FAE] =	sst s10  }
0x35: {  	s10 =	sld [smem:$0x3FAD];
	_ =	sdelay $0x3  }
0x36: {  	p1 =	seq.s32 s10, $0x1;
	s10 =	sld [smem:$0x3FAE];
	_ =	sdelay $0x3  }
0x37: {  	[smem:$0x3FAE] =	sst s10  }
0x38: {  	s10 =	sld [smem:$0x3FAF]  }
0x39: {  	_ = 	snop;
	(pc) =	sbr.ind lr, $3  }
0x3a: {  	_ = 	snop  }
0x3b: {  	_ = 	snop  }
0x3c: {  	p2 =	seq.s32 s10, $0x1;
	s10 =	sld [smem:$0x3FAE]  }
0x3d: {  	_ =	shalt  }
0x3e: {  	_ =	shalt  }
0x3f: {  	_ =	shalt  }
0x40: {  	_ =	shalt  }
0x41: {  	_ =	shalt  }
0x42: {  	_ =	shalt  }
0x43: {  	_ =	shalt  }
0x44: {  	_ =	shalt  }
0x45: {  	_ =	shalt  }
0x46: {  	_ =	shalt  }
0x47: {  	_ =	shalt  }
0x48: {  	_ =	shalt  }
0x49: {  	_ =	shalt  }
0x4a: {  	_ =	shalt  }
0x4b: {  	_ =	shalt  }
0x4c: {  	_ =	shalt  }
0x4d: {  	_ =	shalt  }
0x4e: {  	_ =	shalt  }
0x4f: {  	_ =	shalt  }
0x50: {  	_ =	shalt  }
0x51: {  	_ =	shalt  }
0x52: {  	_ =	shalt  }
0x53: {  	_ =	shalt  }
0x54: {  	_ =	shalt  }
0x55: {  	_ =	shalt  }
0x56: {  	_ =	shalt  }
0x57: {  	_ =	shalt  }
0x58: {  	_ =	shalt  }
0x59: {  	_ =	shalt  }
0x5a: {  	_ =	shalt  }
0x5b: {  	_ =	shalt  }
0x5c: {  	_ =	shalt  }
0x5d: {  	_ =	shalt  }
0x5e: {  	_ =	shalt  }
0x5f: {  	_ =	shalt  }
0x60: {  	_ =	shalt  }
0x61: {  	_ =	shalt  }
0x62: {  	_ =	shalt  }
0x63: {  	_ =	shalt  }
0x64: {  	_ =	shalt  }
0x65: {  	_ =	shalt  }
0x66: {  	_ =	shalt  }
0x67: {  	_ =	shalt  }
0x68: {  	_ =	shalt  }
0x69: {  	_ =	shalt  }
0x6a: {  	_ =	shalt  }
0x6b: {  	_ =	shalt  }
0x6c: {  	_ =	shalt  }
0x6d: {  	_ =	shalt  }
0x6e: {  	_ =	shalt  }
0x6f: {  	_ =	shalt  }
0x70: {  	_ =	shalt  }
0x71: {  	_ =	shalt  }
0x72: {  	_ =	shalt  }
0x73: {  	_ =	shalt  }
0x74: {  	_ =	shalt  }
0x75: {  	_ =	shalt  }
0x76: {  	_ =	shalt  }
0x77: {  	_ =	shalt  }
0x78: {  	_ =	shalt  }
0x79: {  	_ =	shalt  }
0x7a: {  	_ =	shalt  }
0x7b: {  	_ =	shalt  }
0x7c: {  	_ =	shalt  }
0x7d: {  	_ =	shalt  }
0x7e: {  	_ =	shalt  }
0x7f: {  	_ =	shalt  }
0x80: {  	_ =	shalt  }
0x81: {  	_ =	shalt  }
0x82: {  	_ =	shalt  }
0x83: {  	_ =	shalt  }
0x84: {  	_ =	shalt  }
0x85: {  	_ =	shalt  }
0x86: {  	_ =	shalt  }
0x87: {  	_ =	shalt  }
.Lfunc_end0:
.L_simem_size_0:
called_computation.5_lowered:
.L_overlay_start_0:
0x88: {  	s2 =	sld [smem:$0x3FD9]  }
0x89: {  	s3 =	sld [smem:$0x3FFE];
	_ =	sdelay $0x1  }
0x8a: {  	s1 =	srdreg.scid  }
0x8b: {  	s0 =	sand.u32 $0x1, s1  }
0x8c: {  	s17 =	sshll.u32 s0, $0xA;
	s2 =	sadd.s32 s3, s2  }
0x8d: {  	s2 =	sadd.s32 s2, s17  }
0x8e: {  	[smem:$0x3FBA] =	sst s2  }
0x8f: {  	_ = 	snop  }
0x90: {  	s2 =	sld [smem:$0x3FD0];
	(tm) =	ssettm $0x1  }
0x91: {  	s18 =	sld [smem:$0x3FFB];
	_ =	sdelay $0x3  }
0x92: {  	_ =	strace s18  }
0x93: {  	s3 =	sld [smem:$0x3FFC];
	_ =	sdelay $0x3  }
0x94: {  	_ =	strace s3  }
0x95: {  	s3 =	sld [smem:$0x3FFD];
	_ =	sdelay $0x3  }
0x96: {  	_ =	strace s3  }
0x97: {  	_ =	strace $0x8FFFFFFF  }
0x98: {  	s19 =	sld [smem:$0x3FDB];
	_ =	sdelay $0x1  }
0x99: {  	s4 =	simm.s32 $_scs_section_size  }
0x9a: {  	s5 =	simm.s32 $_size__tile_overlayer_lowered;
	s6 =	simm.s32 $_tile_overlayer_lowered  }
0x9b: {  	s22 =	simm.s32 $0x1BFF;
	s21 =	sshll.u32 s6, $0x1;
	s3 =	sadd.s32 s4, s19  }
0x9c: {  	s7 =	simm.s32 $0x0;
	s20 =	sshll.u32 s5, $0x1;
	s5 =	sadd.s32 s21, s3  }
0x9d: {  	[timem:s7], [sflag:s22] =	dma.local [hbm:s5], s20  }
0x9e: {  	_ =	swait.ge [sflag:s22], s20  }
0x9f: {  	s4 =	ssub.s32 $0x0, s20;
	[sflag:s22] =	ssyncset.done $0x0  }
0xa0: {  	[sflag:s22] =	ssyncadd.s32 s4;
	_ =	sdelay $0x1  }
0xa1: {  	s23 =	simm.s32 $0x1B8B  }
0xa2: {  	_ =	swait.ge [sflag:s23], $0x1  }
0xa3: {  	[sflag:s23] =	ssyncset.done $0x0  }
0xa4: {  	s25 =	simm.s32 $0x1B8E;
	s24 =	sld [smem:$0x3FFE];
	[sflag:s23] =	ssyncadd.s32 $0xFFFFFFFF  }
0xa5: {  	s26 =	simm.s32 $execute0_lowered;
	[smem:$0x3FD2] =	sst s25  }
0xa6: {  	s5 =	sshll.u32 s26, $0x1;
	_ =	strace $0x80000055;
	[dreg:$0x1] =	wrdreg $0xFFFFFFFF  }
0xa7: {  	s28 =	simm.s32 $_size_execute0_lowered;
	s3 =	sadd.s32 s3, s5;
	[dreg:$0x0] =	wrdreg $0x0  }
0xa8: {  	s5 =	sshll.u32 s28, $0x1;
	[dreg:$0x2] =	wrdreg s3  }
0xa9: {  	[dreg:$0x3] =	wrdreg s5  }
0xaa: {  	[dreg:$0x4] =	wrdreg $0xC0  }
0xab: {  	_ =	task [dreg:s7], $0x5FFFF  }
0xac: {  	[dreg:$0x1] =	wrdreg $0xFFFFFFFF  }
0xad: {  	[dreg:$0x0] =	wrdreg $0x60  }
0xae: {  	[dreg:$0x2] =	wrdreg s2  }
0xaf: {  	[dreg:$0x3] =	wrdreg s24  }
0xb0: {  	[dreg:$0x4] =	wrdreg $0x19800  }
0xb1: {  	[dreg:$0x5] =	wrdreg $0x9  }
0xb2: {  	_ =	task.clear_ibuf [dreg:s7], $0x6FFFF;
	_ =	strace $0x90000055  }
0xb3: {  	s29 =	simm.s32 $0x9;
	_ =	strace $0x80000057  }
0xb4: {  	_ =	swait.ge [sflag:s29], $0x1  }
0xb5: {  	[sflag:s29] =	ssyncadd.s32 $0xFFFFFFFF  }
0xb6: {  	_ =	strace $0x90000057  }
0xb7: {  	_ =	sfence  }
0xb8: {  	s30 =	sld [smem:$0x0];
	_ =	sdelay $0x2  }
0xb9: {  	s31 =	sshll.u32 s1, $0xD;
	s1 =	sshrl.u32 s1, $0x2  }
0xba: {  	s3 =	sand.u32 $0x4000, s31;
	s1 =	sadd.s32 s1, s30  }
0xbb: {  	s0 =	sor.u32 s3, s0;
	s1 =	sshll.u32 s1, $0x11  }
0xbc: {  	s0 =	sor.u32 s1, s0  }
0xbd: {  	s0 =	sadd.s32 $0x8F2B, s0  }
0xbe: {  	[sflag:s0] =	ssyncadd.remote.s32 $0x1  }
0xbf: {  	_ =	sfence.sel $0xFFFF  }
0xc0: {  	[dreg:$0x0] =	wrdreg $0xFFFFFFFF;
	(pc) =	sbr.abs _section_cstart, $3  }
0xc1: {  	[dreg:$0x1] =	wrdreg $0xFFFFFFFF  }
0xc2: {  	_ =	task.clear_ibuf [dreg:s7], $0x2FFFF;
	_ =	strace $0x9FFFFFFF  }
0xc3: {  	(tm) =	ssettm $0x7FFFFFFF  }
tec
execute0_lowered:
.L_overlay_start_1:
0x0: {  	(tag) =	ssettag $0x1  }
0x1: {  	s1 =	rddreg [dreg:$0x0]  }
0x2: {  	s9 =	rddreg [dreg:$0x1]  }
0x3: {  	s3 =	rddreg [dreg:$0x2]  }
0x4: {  	s0 =	rddreg [dreg:$0x3];
	s5 =	srdreg.scid  }
0x5: {  	s2 =	stileid.u32;
	s4 =	simm.s32 $0x0;
	s15 =	simm.s32 $0x80  }
0x6: {  	s16 =	simm.s32 $0x100;
	s17 =	simm.s32 $0x1900;
	s10 =	sand.u32 $0x1, s5  }
0x7: {  	s11 =	smul.u32 $0x7800, s2;
	[smem:$0x7FF] =	sst s4;
	s5 =	sadd.s32 $0x30400, s9  }
0x8: {  	s6 =	sadd.s32 $0x12600, s9;
	s7 =	sadd.s32 $0x8400, s9;
	s31 =	sshll.u32 s2, $0x6  }
0x9: {  	s8 =	smul.u32 $0x78000, s10;
	s13 =	ssub.s32 $0x2, s10;
	s29 =	sshll.u32 s10, $0x4  }
0xa: {  	_ =	strace $0x80000056;
	s14 =	sshrl.u32 s13, $0x1;
	s10 =	sor.u32 s2, s29  }
0xb: {  	s30 =	sadd.s32 s11, s3;
	s12 =	sadd.s32 s11, s8;
	s8 =	sadd.s32 $0x2E800, s9  }
0xc: {  	s13 =	ssub.s32 s13, s14;
	s10 =	smul.u32 $0x2880, s10;
	s12 =	sshrl.u32 s12, $0x3  }
0xd: {  	s14 =	simm.s32 $0x1;
	s12 =	sadd.s32 s12, s9;
	s9 =	sor.u32 $0x1C01, s31  }
0xe: {  	s11 =	sadd.s32 $0x3A600, s12;
	s12 =	smax.u32 s13, $0x1;
	s13 =	sshrl.u32 s30, $0x3  }
.LBB2_1:
0xf: {  	[spmem:s13], [sflag:s9] =	dma.local [hbm:s8], $0xF00  }
0x10: {  	_ =	swait.ge [sflag:s14], $0xF00  }
0x11: {  	[sflag:s14] =	ssyncset.done $0x0  }
0x12: {  	[sflag:s14] =	ssyncadd.s32 $0xFFFFF100  }
0x13: {  	s18 =	simm.s32 $0x0;
	[bflag:$0x0] =	sbarrier.arrive $0xFFFF  }
.LBB2_2:
0x14: {  	s19 =	sshll.u32 s18, $0x7  }
0x15: {  	s19 =	sadd.s32 s10, s19  }
0x16: {  	s19 =	sshrl.u32 s19, $0x3  }
0x17: {  	s21 =	simm.s32 $0x0;
	s20 =	sadd.s32 s1, s19  }
0x18: {  	[tilespmem:s21], [sflag:$0x1] =	stream.linear.gather [hbm4b:s20+s21], $0x80, $0x38;
	[tilespmem:$0x9180] =	vst v63  }
0x19: {  	_ =	swait.ge [sflag:s14], $0x80  }
0x1a: {  	[sflag:s14] =	ssyncset.done $0x0  }
0x1b: {  	s28 =	sadd.s32 s5, s19;
	[sflag:s14] =	ssyncadd.s32 $0xFFFFFF80  }
0x1c: {  	[tilespmem:s15], [sflag:$0x1] =	stream.linear.gather [hbm4b:s28+s21], $0x80, $0x38;
	[tilespmem:$0x9180] =	vst v63  }
0x1d: {  	_ =	swait.ge [sflag:s14], $0x80  }
0x1e: {  	[sflag:s14] =	ssyncset.done $0x0  }
0x1f: {  	[sflag:s14] =	ssyncadd.s32 $0xFFFFFF80  }
0x20: {  	v0 =	vmov s21;
	[tilespmem:s16], [sflag:$0x1] =	stream.indirect.gather [hbm4b:s6+s15], $0x30, s21, s15, $0xb8;
	[tilespmem:$0x9180] =	vst v63  }
0x21: {  	v0 =	vand.u32 $0xFFFFFFFC, v0;
	_ =	swait.ge [sflag:s14], $0x1800  }
0x22: {  	v0 =	vbroadcast v0, $0x0;
	[sflag:s14] =	ssyncset.done $0x0  }
0x23: {  	s19 =	sadd.s32 s7, s19;
	[sflag:s14] =	ssyncadd.s32 $0xFFFFE800  }
0x24: {  	[tilespmem:s17], [sflag:$0x1] =	stream.linear.gather [hbm4b:s19+s21], $0x80, $0x38;
	[tilespmem:$0x9180] =	vst v63  }
0x25: {  	_ =	swait.ge [sflag:s14], $0x80  }
0x26: {  	[sflag:s14] =	ssyncset.done $0x0  }
0x27: {  	[sflag:s14] =	ssyncadd.s32 $0xFFFFFF80  }
0x28: {  	s19 =	simm.s32 $0x160;
	v0 =	vld.idx.msk [tilespmem:v0+s17+$0x0], $0xffff  }
0x29: {  	v1 =	vld [tilespmem:s19+$0xFFFFFFA0]  }
0x2a: {  	s29 =	simm.s32 $0x1;
	v2 =	vld [tilespmem:s19+$0xFFFFFFB0]  }
0x2b: {  	v4 =	vmov s29;
	v3 =	vld [tilespmem:s19+$0xFFFFFFC0]  }
0x2c: {  	v4 =	vand.u32 $0xFFFFFFFD, v4  }
0x2d: {  	v4 =	vbroadcast v4, $0x0  }
0x2e: {  	v1 =	vmul.f32 v1, v0  }
0x2f: {  	v2 =	vmul.f32 v2, v0  }
0x30: {  	v0 =	vmul.f32 v3, v0;
	[tilespmem:s19+$0xFFFFFFA0] =	vst v1  }
0x31: {  	[tilespmem:s19+$0xFFFFFFB0] =	vst v2  }
0x32: {  	[tilespmem:s19+$0xFFFFFFC0] =	vst v0;
	v1 =	vld [tilespmem:s19+$0xFFFFFFD0]  }
0x33: {  	v0 =	vld.idx.msk [tilespmem:v4+s17+$0x0], $0xffff  }
0x34: {  	s30 =	simm.s32 $0x2;
	v2 =	vld [tilespmem:s19+$0xFFFFFFE0]  }
0x35: {  	v3 =	vld [tilespmem:s19+$0xFFFFFFF0];
	v4 =	vmov s30  }
0x36: {  	v4 =	vand.u32 $0xFFFFFFFE, v4  }
0x37: {  	v4 =	vbroadcast v4, $0x0  }
0x38: {  	v1 =	vmul.f32 v1, v0  }
0x39: {  	v2 =	vmul.f32 v2, v0  }
0x3a: {  	v0 =	vmul.f32 v3, v0;
	[tilespmem:s19+$0xFFFFFFD0] =	vst v1  }
0x3b: {  	[tilespmem:s19+$0xFFFFFFE0] =	vst v2  }
0x3c: {  	[tilespmem:s19+$0xFFFFFFF0] =	vst v0;
	v1 =	vld [tilespmem:s19+$0x20]  }
0x3d: {  	v0 =	vld.idx.msk [tilespmem:v4+s17+$0x0], $0xffff  }
0x3e: {  	v2 =	vld [tilespmem:s19+$0x10]  }
0x3f: {  	v3 =	vld [tilespmem:s19+$0x0];
	_ =	sdelay $0x1  }
0x40: {  	s31 =	simm.s32 $0x3  }
0x41: {  	v4 =	vmov s31;
	v1 =	vmul.f32 v1, v0  }
0x42: {  	v2 =	vmul.f32 v2, v0  }
0x43: {  	v0 =	vmul.f32 v3, v0;
	[tilespmem:s19+$0x20] =	vst v1  }
0x44: {  	[tilespmem:s19+$0x10] =	vst v2;
	v1 =	vld [tilespmem:s19+$0x40]  }
0x45: {  	[tilespmem:s19+$0x0] =	vst v0;
	v2 =	vld [tilespmem:s19+$0x30]  }
0x46: {  	v3 =	vld.idx.msk [tilespmem:v4+s17+$0x0], $0xffff  }
0x47: {  	s20 =	simm.s32 $0x4;
	v4 =	vld [tilespmem:s19+$0x50]  }
0x48: {  	v0 =	vmov s20  }
0x49: {  	v0 =	vand.u32 $0xFFFFFFFC, v0  }
0x4a: {  	v0 =	vbroadcast v0, $0x0  }
0x4b: {  	v2 =	vmul.f32 v2, v3  }
0x4c: {  	s21 =	simm.s32 $0x8;
	v1 =	vmul.f32 v1, v3;
	v3 =	vmul.f32 v4, v3  }
.LBB2_3:
0x4d: {  	p0 =	slt.u32 s21, $0x7C;
	[tilespmem:s19+$0x30] =	vst v2  }
0x4e: {  	[tilespmem:s19+$0x40] =	vst v1  }
0x4f: {  	[tilespmem:s19+$0x50] =	vst v3  }
0x50: {  	s19 =	sadd.s32 $0xC0, s19;
	v0 =	vld.idx.msk [tilespmem:v0+s17+$0x0], $0xffff  }
0x51: {  	v1 =	vld [tilespmem:s19+$0xFFFFFFA0]  }
0x52: {  	s22 =	sadd.s32 $0x1, s20;
	v2 =	vld [tilespmem:s19+$0xFFFFFFB0]  }
0x53: {  	v4 =	vmov s22;
	v3 =	vld [tilespmem:s19+$0xFFFFFFC0]  }
0x54: {  	v4 =	vand.u32 $0xFFFFFFFD, v4  }
0x55: {  	v4 =	vbroadcast v4, $0x0  }
0x56: {  	v1 =	vmul.f32 v1, v0  }
0x57: {  	v2 =	vmul.f32 v2, v0  }
0x58: {  	[tilespmem:s19+$0xFFFFFFA0] =	vst v1;
	v0 =	vmul.f32 v3, v0  }
0x59: {  	[tilespmem:s19+$0xFFFFFFB0] =	vst v2  }
0x5a: {  	[tilespmem:s19+$0xFFFFFFC0] =	vst v0  }
0x5b: {  	v0 =	vld.idx.msk [tilespmem:v4+s17+$0x0], $0xffff  }
0x5c: {  	v1 =	vld [tilespmem:s19+$0xFFFFFFD0]  }
0x5d: {  	s22 =	sadd.s32 $0x2, s20;
	v2 =	vld [tilespmem:s19+$0xFFFFFFE0]  }
0x5e: {  	v4 =	vmov s22;
	v3 =	vld [tilespmem:s19+$0xFFFFFFF0]  }
0x5f: {  	v4 =	vand.u32 $0xFFFFFFFE, v4  }
0x60: {  	v4 =	vbroadcast v4, $0x0  }
0x61: {  	v1 =	vmul.f32 v1, v0  }
0x62: {  	v2 =	vmul.f32 v2, v0  }
0x63: {  	[tilespmem:s19+$0xFFFFFFD0] =	vst v1;
	v0 =	vmul.f32 v3, v0  }
0x64: {  	[tilespmem:s19+$0xFFFFFFE0] =	vst v2  }
0x65: {  	[tilespmem:s19+$0xFFFFFFF0] =	vst v0;
	v0 =	vld [tilespmem:s19+$0x10]  }
0x66: {  	v1 =	vld.idx.msk [tilespmem:v4+s17+$0x0], $0xffff  }
0x67: {  	v2 =	vld [tilespmem:s19+$0x20]  }
0x68: {  	v3 =	vld [tilespmem:s19+$0x0];
	_ =	sdelay $0x2  }
0x69: {  	s22 =	sadd.s32 $0x3, s20;
	s20 =	smov.u32 s21  }
0x6a: {  	v4 =	vmov s22;
	v0 =	vmul.f32 v0, v1;
	v2 =	vmul.f32 v2, v1  }
0x6b: {  	v1 =	vmul.f32 v3, v1  }
0x6c: {  	[tilespmem:s19+$0x20] =	vst v2  }
0x6d: {  	[tilespmem:s19+$0x10] =	vst v0  }
0x6e: {  	[tilespmem:s19+$0x0] =	vst v1;
	v1 =	vld [tilespmem:s19+$0x40]  }
0x6f: {  	v3 =	vld.idx.msk [tilespmem:v4+s17+$0x0], $0xffff  }
0x70: {  	v2 =	vld [tilespmem:s19+$0x30]  }
0x71: {  	v4 =	vld [tilespmem:s19+$0x50]  }
.Ltmp0:
0x72: {  	v0 =	vmov s21;
	(pc) =	sbr.rel @p0 .LBB2_3-.Ltmp0, $4  }
0x73: {  	v0 =	vand.u32 $0xFFFFFFFC, v0  }
0x74: {  	v0 =	vbroadcast v0, $0x0  }
0x75: {  	v1 =	vmul.f32 v1, v3;
	v2 =	vmul.f32 v2, v3  }
0x76: {  	s21 =	sadd.s32 $0x4, s21;
	v3 =	vmul.f32 v4, v3  }
0x77: {  	_ = 	snop  }
0x78: {  	[tilespmem:s19+$0x30] =	vst v2  }
0x79: {  	[tilespmem:s19+$0x40] =	vst v1;
	s29 =	sadd.s32 $0xC0, s19  }
0x7a: {  	[tilespmem:s19+$0x50] =	vst v3;
	v50 =	vld [tilespmem:s29+$0xFFFFFFA0]  }
0x7b: {  	v0 =	vld.idx.msk [tilespmem:v0+s17+$0x0], $0xffff  }
0x7c: {  	s21 =	sadd.s32 $0x1, s20;
	v51 =	vld [tilespmem:s29+$0xFFFFFFB0]  }
0x7d: {  	v52 =	vld [tilespmem:s29+$0xFFFFFFC0];
	v4 =	vmov s21  }
0x7e: {  	v4 =	vand.u32 $0xFFFFFFFD, v4  }
0x7f: {  	v4 =	vbroadcast v4, $0x0  }
0x80: {  	v1 =	vmul.f32 v50, v0  }
0x81: {  	v2 =	vmul.f32 v51, v0  }
0x82: {  	v0 =	vmul.f32 v52, v0;
	[tilespmem:s29+$0xFFFFFFA0] =	vst v1  }
0x83: {  	[tilespmem:s29+$0xFFFFFFB0] =	vst v2  }
0x84: {  	v53 =	vld [tilespmem:s29+$0xFFFFFFD0];
	[tilespmem:s29+$0xFFFFFFC0] =	vst v0  }
0x85: {  	v0 =	vld.idx.msk [tilespmem:v4+s17+$0x0], $0xffff  }
0x86: {  	s30 =	sadd.s32 $0x2, s20;
	v54 =	vld [tilespmem:s29+$0xFFFFFFE0]  }
0x87: {  	v55 =	vld [tilespmem:s29+$0xFFFFFFF0];
	v56 =	vmov s30  }
0x88: {  	v4 =	vand.u32 $0xFFFFFFFE, v56  }
0x89: {  	v4 =	vbroadcast v4, $0x0  }
0x8a: {  	v1 =	vmul.f32 v53, v0  }
0x8b: {  	v2 =	vmul.f32 v54, v0  }
0x8c: {  	v0 =	vmul.f32 v55, v0;
	[tilespmem:s29+$0xFFFFFFD0] =	vst v1  }
0x8d: {  	[tilespmem:s29+$0xFFFFFFE0] =	vst v2  }
0x8e: {  	v57 =	vld [tilespmem:s29+$0x20];
	[tilespmem:s29+$0xFFFFFFF0] =	vst v0  }
0x8f: {  	v0 =	vld.idx.msk [tilespmem:v4+s17+$0x0], $0xffff  }
0x90: {  	v58 =	vld [tilespmem:s29+$0x10]  }
0x91: {  	v59 =	vld [tilespmem:s29+$0x0];
	_ =	sdelay $0x1  }
0x92: {  	s31 =	sadd.s32 $0x3, s20  }
0x93: {  	v60 =	vmov s31;
	v1 =	vmul.f32 v57, v0  }
0x94: {  	v2 =	vmul.f32 v58, v0  }
0x95: {  	v0 =	vmul.f32 v59, v0;
	[tilespmem:s29+$0x20] =	vst v1  }
0x96: {  	[tilespmem:s29+$0x10] =	vst v2  }
0x97: {  	v61 =	vld [tilespmem:s29+$0x30];
	[tilespmem:s29+$0x0] =	vst v0  }
0x98: {  	v0 =	vld.idx.msk [tilespmem:v60+s17+$0x0], $0xffff  }
0x99: {  	v62 =	vld [tilespmem:s29+$0x40]  }
0x9a: {  	v63 =	vld [tilespmem:s29+$0x50];
	_ =	sdelay $0x2  }
0x9b: {  	v1 =	vmul.f32 v61, v0  }
0x9c: {  	v2 =	vmul.f32 v62, v0  }
0x9d: {  	s18 =	sadd.s32 $0x1, s18;
	v0 =	vmul.f32 v63, v0;
	[tilespmem:s29+$0x30] =	vst v1  }
0x9e: {  	p0 =	sne.s32 s18, $0x51;
	[tilespmem:s29+$0x40] =	vst v2  }
.Ltmp1:
0x9f: {  	[tilespmem:s29+$0x50] =	vst v0;
	(pc) =	sbr.rel @p0 .LBB2_2-.Ltmp1, $4  }
0xa0: {  	[spmem:s3] =	stream.indirect.scatter.add.f32 [tilespmem:s16], [sflag:$0x1], $0x30, s15, s15, $0xb8;
	[tilespmem:$0x9180] =	vst v63  }
0xa1: {  	_ =	swait.ge [sflag:s14], $0x1800  }
0xa2: {  	[sflag:s14] =	ssyncset.done $0x0  }
0xa3: {  	[sflag:s14] =	ssyncadd.s32 $0xFFFFE800  }
0xa4: {  	s4 =	sadd.s32 $0x1, s4  }
0xa5: {  	p0 =	sne.s32 s4, s12  }
.Ltmp2:
0xa6: {  	[bflag:$0x0] =	sbarrier.arrive $0xFFFF;
	(pc) =	sbr.rel @p0 .LBB2_1-.Ltmp2, $4  }
0xa7: {  	[hbm:s11], [sflag:s9] =	dma.local [spmem:s13], $0xF00  }
0xa8: {  	_ =	swait.ge [sflag:s14], $0xF00  }
0xa9: {  	[sflag:s14] =	ssyncset.done $0x0  }
0xaa: {  	[sflag:s14] =	ssyncadd.s32 $0xFFFFF100  }
0xab: {  	_ =	sfence.sel $0x180000  }
0xac: {  	[bflag:$0x0] =	sbarrier.arrive $0xFFFF  }
0xad: {  	p0 =	sne.s32 s2, $0x0;
	_ =	strace $0x90000056  }
0xae: {  	s0 =	sadd.s32 @!p0 $0x100000, s0;
	[bflag:$0x2] =	sbarrier.arrive $0xFFFF  }
0xaf: {  	[sflag:s0] =	ssyncadd.tile.s32 @!p0 $0x1;
	_ =	shalt  }
.Lfunc_end2:
_tile_overlayer_lowered:
.L_overlay_start_2:
0xb0: {  	(tag) =	ssettag $0x2  }
0xb1: {  	s0 =	rddreg [dreg:$0x0];
	s2 =	stileid.u32  }
0xb2: {  	s1 =	rddreg [dreg:$0x1];
	p0 =	sne.s32 s2, $0x0  }
0xb3: {  	s3 =	rddreg [dreg:$0x2];
	[bflag:$0x3] =	sbarrier.arrive $0xFFFF;
	s2 =	simm.s32 @!p0 $0x1C01  }
0xb4: {  	[timem:s3], [sflag:s2] =	dma.local @!p0 [hbm:s0], s1  }
0xb5: {  	s0 =	simm.s32 @!p0 $0x1  }
0xb6: {  	_ =	swait.ge @!p0 [sflag:s0], s1  }
0xb7: {  	s1 =	ssub.s32 @!p0 $0x0, s1;
	[sflag:s0] =	ssyncset.done @!p0 $0x0  }
0xb8: {  	[sflag:s0] =	ssyncadd.s32 @!p0 s1  }
0xb9: {  	[bflag:$0x3] =	sbarrier.arrive $0xFFFF  }
0xba: {  	_ =	shalt  }

</sc_bundles>
